<compile_context>
chip_gen: v7x
topology: tpu7x:2x2x1
jax: 0.10.2.dev20260603
libtpu: 0.0.44.dev20260713+nightly
codegen_flags: <defaults>
</compile_context>

<pallas_src>
import functools

import jax
import jax.numpy as jnp
from jax import lax
from jax.experimental import pallas as pl
from jax.experimental.pallas import tpu as pltpu
from jax.experimental.pallas import tpu_sc as plsc

_N = 50000
_E = 800000
_NC, _NS = 2, 16
_NW = _NC * _NS
_ECH = _E // _NW
_NVEC = (_ECH + 15) // 16
_EBUF = _NVEC * 16
_NR = 4
_RR = 12504
_STR = 784
_ACCR = _NS * _STR
_DUMP = 12520
_CH = 128
_NCH = 200
_CAP = _NCH * _CH

_mesh = plsc.VectorSubcoreMesh(core_axis_name="c", subcore_axis_name="s")


def _wid():
    return lax.axis_index("s") * _NC + lax.axis_index("c")



@functools.partial(
    pl.kernel,
    out_type=jax.ShapeDtypeStruct((_NW, 1, _N), jnp.float32),
    mesh=_mesh,
    scratch_types=[
        pltpu.VMEM((_EBUF,), jnp.int32),
        pltpu.VMEM((_N,), jnp.float32),
    ],
    compiler_params=pltpu.CompilerParams(needs_layout_passes=False),
)
def _hist_kernel(d_hbm, hist_hbm, dst_v, hist_v):
    w = _wid()
    base = w * _ECH
    pltpu.sync_copy(d_hbm.at[pl.ds(base, _ECH)], dst_v.at[pl.ds(0, _ECH)])

    def zero(i, carry):
        hist_v[pl.ds(i * 16, 16)] = jnp.zeros((16,), jnp.float32)
        return carry

    lax.fori_loop(0, _N // 16, zero, 0)

    iota = lax.iota(jnp.int32, 16)
    ones = jnp.ones((16,), jnp.float32)

    def body(i, carry):
        d16 = dst_v[pl.ds(i * 16, 16)]
        m = (i * 16 + iota) < _ECH
        plsc.addupdate_scatter(hist_v, [d16], ones, mask=m)
        return carry

    lax.fori_loop(0, _NVEC, body, 0)
    pltpu.sync_copy(hist_v, hist_hbm.at[w, 0])



@functools.partial(
    pl.kernel,
    out_type=(
        jax.ShapeDtypeStruct((_NR, _NW, 1, 2 * _CAP), jnp.int32),
        jax.ShapeDtypeStruct((_NR, _NW, 1, 128), jnp.int32),
    ),
    mesh=_mesh,
    scratch_types=[
        pltpu.VMEM((_EBUF,), jnp.int32),
        pltpu.VMEM((_EBUF,), jnp.int32),
        pltpu.VMEM((2 * _CAP,), jnp.int32),
        pltpu.VMEM((128,), jnp.int32),
    ],
    compiler_params=pltpu.CompilerParams(needs_layout_passes=False),
)
def _lists_kernel(s_hbm, d_hbm, lst_hbm, cnt_hbm,
                  src_v, dst_v, lst_v, ncb_v):
    w = _wid()
    base = w * _ECH
    pltpu.sync_copy(s_hbm.at[pl.ds(base, _ECH)], src_v.at[pl.ds(0, _ECH)])
    pltpu.sync_copy(d_hbm.at[pl.ds(base, _ECH)], dst_v.at[pl.ds(0, _ECH)])
    iota = lax.iota(jnp.int32, 16)
    zs16 = jnp.zeros((16,), jnp.int32)
    dump16 = jnp.full((16,), _DUMP, jnp.int32)

    for r in range(_NR):
        lo = r * _RR

        def body(i, off):
            s16 = src_v[pl.ds(i * 16, 16)]
            d16 = dst_v[pl.ds(i * 16, 16)]
            m = ((i * 16 + iota) < _ECH) & (d16 >= lo) & (d16 < lo + _RR)
            inc = jnp.cumsum(m.astype(jnp.int32))
            pos = off + inc - 1
            pc = ((pos >> 7) << 8) + (pos & 127)
            plsc.store_scatter(lst_v, [pc], s16, mask=m)
            plsc.store_scatter(lst_v, [pc + 128], d16 - lo, mask=m)
            return off + jnp.max(inc)

        off = lax.fori_loop(0, _NVEC, body, jnp.int32(0))

        def fill(t, c):
            p = off + t * 16 + iota
            pc = ((p >> 7) << 8) + (p & 127)
            full = jnp.ones((16,), jnp.bool_)
            plsc.store_scatter(lst_v, [pc], zs16, mask=full)
            plsc.store_scatter(lst_v, [pc + 128], dump16, mask=full)
            return c

        lax.fori_loop(0, _CH // 16, fill, 0)
        nch = (off + _CH - 1) // _CH

        def setnc(i, c):
            ncb_v[pl.ds(i * 16, 16)] = jnp.broadcast_to(nch, (16,)).astype(
                jnp.int32)
            return c

        lax.fori_loop(0, 8, setnc, 0)
        pltpu.sync_copy(lst_v, lst_hbm.at[r, w, 0])
        pltpu.sync_copy(ncb_v, cnt_hbm.at[r, w, 0])



@functools.partial(
    pl.kernel,
    out_type=jax.ShapeDtypeStruct((_N, 128), jnp.float32),
    mesh=_mesh,
    scratch_types=[
        pltpu.VMEM_SHARED((_ACCR, 128), jnp.float32),
        pltpu.VMEM((2, _CH), jnp.int32),
        pltpu.VMEM((128,), jnp.int32),
        pltpu.VMEM((_CH, 128), jnp.float32),
    ],
    compiler_params=pltpu.CompilerParams(needs_layout_passes=False),
)
def _agg_kernel(u_hbm, lst_hbm, cnt_hbm, zr_hbm, agg_hbm,
                acc_sh, cidx, cnt_v, rb):
    c = lax.axis_index("c")
    s = lax.axis_index("s")

    for rk in range(_NR // _NC):
        r = c * (_NR // _NC) + rk
        pltpu.sync_copy(zr_hbm, acc_sh.at[pl.ds(s * _STR, _STR)])
        plsc.subcore_barrier()

        for k in range(2):
            f = s * 2 + k
            pltpu.sync_copy(cnt_hbm.at[r, f, 0], cnt_v)
            nch = jnp.max(cnt_v[pl.ds(0, 16)])

            def chunk(j, carry):
                pltpu.sync_copy(lst_hbm.at[r, f, j], cidx)
                pltpu.sync_copy(u_hbm.at[cidx.at[0]], rb)
                pltpu.sync_copy(rb, acc_sh.at[cidx.at[1]], add=True)
                return carry

            lax.fori_loop(0, nch, chunk, 0)
        plsc.subcore_barrier()

        out_base = r * _RR + s * _STR

        @pl.when(s < _NS - 1)
        def _():
            pltpu.sync_copy(acc_sh.at[pl.ds(s * _STR, _STR)],
                            agg_hbm.at[pl.ds(out_base, _STR)])

        @pl.when((s == _NS - 1) & (r < _NR - 1))
        def _():
            rows = _RR - (_NS - 1) * _STR
            pltpu.sync_copy(acc_sh.at[pl.ds((_NS - 1) * _STR, rows)],
                            agg_hbm.at[pl.ds(out_base, rows)])

        @pl.when((s == _NS - 1) & (r == _NR - 1))
        def _():
            rows = _N - (_NR - 1) * _RR - (_NS - 1) * _STR
            pltpu.sync_copy(acc_sh.at[pl.ds((_NS - 1) * _STR, rows)],
                            agg_hbm.at[pl.ds(out_base, rows)])

        plsc.subcore_barrier()



_BLK = 1000


def _m1_body(x_ref, hist_ref, w1_ref, u1_ref, dis_ref):
    deg = jnp.sum(hist_ref[...], axis=1) + 1.0
    dis = lax.rsqrt(deg)[:, None]
    z = jnp.dot(x_ref[...], w1_ref[...], preferred_element_type=jnp.float32)
    u1_ref[...] = z * dis
    dis_ref[...] = dis


_m1_call = pl.pallas_call(
    _m1_body,
    grid=(_N // _BLK,),
    in_specs=[
        pl.BlockSpec((_BLK, 1024), lambda i: (i, 0)),
        pl.BlockSpec((_BLK, _NW), lambda i: (i, 0)),
        pl.BlockSpec((1024, 128), lambda i: (0, 0)),
    ],
    out_specs=[
        pl.BlockSpec((_BLK, 128), lambda i: (i, 0)),
        pl.BlockSpec((_BLK, 1), lambda i: (i, 0)),
    ],
    out_shape=[
        jax.ShapeDtypeStruct((_N, 128), jnp.float32),
        jax.ShapeDtypeStruct((_N, 1), jnp.float32),
    ],
)


def _m2_body(agg_ref, u_ref, dis_ref, w_ref, b_ref, out_ref):
    dis = dis_ref[...]
    h = jnp.maximum(dis * (agg_ref[...] + u_ref[...]) + b_ref[...], 0.0)
    out_ref[...] = dis * jnp.dot(h, w_ref[...],
                                 preferred_element_type=jnp.float32)


_m2_call = pl.pallas_call(
    _m2_body,
    grid=(_N // _BLK,),
    in_specs=[
        pl.BlockSpec((_BLK, 128), lambda i: (i, 0)),
        pl.BlockSpec((_BLK, 128), lambda i: (i, 0)),
        pl.BlockSpec((_BLK, 1), lambda i: (i, 0)),
        pl.BlockSpec((128, 128), lambda i: (0, 0)),
        pl.BlockSpec((1, 128), lambda i: (0, 0)),
    ],
    out_specs=pl.BlockSpec((_BLK, 128), lambda i: (i, 0)),
    out_shape=jax.ShapeDtypeStruct((_N, 128), jnp.float32),
)


def _m3_body(agg_ref, u_ref, dis_ref, b_ref, out_ref):
    dis = dis_ref[...]
    h = jnp.maximum(dis * (agg_ref[...] + u_ref[...]) + b_ref[...], 0.0)
    out_ref[...] = dis * h


_m3_call = pl.pallas_call(
    _m3_body,
    grid=(_N // _BLK,),
    in_specs=[
        pl.BlockSpec((_BLK, 128), lambda i: (i, 0)),
        pl.BlockSpec((_BLK, 128), lambda i: (i, 0)),
        pl.BlockSpec((_BLK, 1), lambda i: (i, 0)),
        pl.BlockSpec((1, 128), lambda i: (0, 0)),
    ],
    out_specs=pl.BlockSpec((_BLK, 128), lambda i: (i, 0)),
    out_shape=jax.ShapeDtypeStruct((_N, 128), jnp.float32),
)


def _m4_body(agg_ref, u_ref, dis_ref, w3_ref, b3_ref, out_ref):
    dis = dis_ref[...]
    t = dis * (agg_ref[...] + u_ref[...])
    y = jnp.dot(t, w3_ref[...], preferred_element_type=jnp.float32) + b3_ref[...]
    col = lax.broadcasted_iota(jnp.int32, (_BLK, 16), 1)
    y = jnp.where(col < 9, y, -jnp.inf)
    m = jnp.max(y, axis=1, keepdims=True)
    zc = y - m
    ez = jnp.where(col < 9, jnp.exp(zc), 0.0)
    lse = jnp.log(jnp.sum(ez, axis=1, keepdims=True))
    out_ref[...] = (zc - lse)[:, :9]


_m4_call = pl.pallas_call(
    _m4_body,
    grid=(_N // _BLK,),
    in_specs=[
        pl.BlockSpec((_BLK, 128), lambda i: (i, 0)),
        pl.BlockSpec((_BLK, 128), lambda i: (i, 0)),
        pl.BlockSpec((_BLK, 1), lambda i: (i, 0)),
        pl.BlockSpec((128, 16), lambda i: (0, 0)),
        pl.BlockSpec((1, 16), lambda i: (0, 0)),
    ],
    out_specs=pl.BlockSpec((_BLK, 9), lambda i: (i, 0)),
    out_shape=jax.ShapeDtypeStruct((_N, 9), jnp.float32),
)



def kernel(x, edge_index, W1, b1, W2, b2, W3, b3):
    zr = jnp.zeros((_STR, 128), jnp.float32)
    src = edge_index[0]
    dst = edge_index[1]
    hist = _hist_kernel(dst)
    lsts, cnts = _lists_kernel(src, dst)
    lsts = lsts.reshape(_NR, _NW, _NCH, 2, _CH)

    u1, dis = _m1_call(x, hist.reshape(_NW, _N).T, W1)
    agg1 = _agg_kernel(u1, lsts, cnts, zr)
    u2 = _m2_call(agg1, u1, dis, W2, b1.reshape(1, 128))
    agg2 = _agg_kernel(u2, lsts, cnts, zr)
    u3 = _m3_call(agg2, u2, dis, b2.reshape(1, 128))
    agg3 = _agg_kernel(u3, lsts, cnts, zr)

    W3p = jnp.pad(W3, ((0, 0), (0, 7)))
    b3p = jnp.pad(b3, (0, 7)).reshape(1, 16)
    return _m4_call(agg3, u3, dis, W3p, b3p)

# --- scband reference (transcript-rebuilt; emitter-appended) ---
"""Pipeline reference for scband-gcn-52450140619484 (READ-ONLY COPY).

The authoritative reference and input builder live on the scoring server;
editing this copy changes nothing except your own understanding.
"""

import jax, jax.numpy as jnp
import numpy as np

N = 50000
E = 800000


def _gcn_conv(x, src, dst, W, b, n):
    # PyG GCNConv: add self-loops, symmetric normalization D^-1/2 (A+I) D^-1/2, then X W + bias
    loop = jnp.arange(n, dtype=src.dtype)
    s = jnp.concatenate([src, loop])
    d = jnp.concatenate([dst, loop])
    deg = jax.ops.segment_sum(jnp.ones(s.shape[0], dtype=x.dtype), d, num_segments=n)
    dis = jnp.where(deg > 0, jax.lax.rsqrt(deg), 0.0)
    norm = dis[s] * dis[d]
    xw = x @ W
    msg = xw[s] * norm[:, None]
    out = jax.ops.segment_sum(msg, d, num_segments=n)
    return out + b


def setup_inputs(seed: int = 0):
    key = jax.random.key(seed)
    ks = jax.random.split(key, 8)
    x = jax.random.normal(ks[0], (N, 1024), dtype=jnp.float32)
    edge_index = jax.random.randint(ks[1], (2, E), 0, N, dtype=jnp.int32)
    W1 = jax.random.normal(ks[2], (1024, 128), dtype=jnp.float32) * (1.0 / np.sqrt(1024))
    b1 = jnp.zeros((128,), dtype=jnp.float32)
    W2 = jax.random.normal(ks[3], (128, 128), dtype=jnp.float32) * (1.0 / np.sqrt(128))
    b2 = jnp.zeros((128,), dtype=jnp.float32)
    W3 = jax.random.normal(ks[4], (128, 9), dtype=jnp.float32) * (1.0 / np.sqrt(128))
    b3 = jnp.zeros((9,), dtype=jnp.float32)
    return {"x": x, "edge_index": edge_index, "W1": W1, "b1": b1, "W2": W2, "b2": b2, "W3": W3, "b3": b3}


def reference(x, edge_index, W1, b1, W2, b2, W3, b3):
    src = edge_index[0]
    dst = edge_index[1]
    h = _gcn_conv(x, src, dst, W1, b1, N)
    h = jax.nn.relu(h)
    h = _gcn_conv(h, src, dst, W2, b2, N)
    h = jax.nn.relu(h)
    h = _gcn_conv(h, src, dst, W3, b3, N)
    return jax.nn.log_softmax(h, axis=1)

if __name__ == "__main__":
    import jax
    _d = setup_inputs()
    print(jax.jit(kernel)(*tuple(_d.values())))

</pallas_src>

<mosaic_0001>
#map = affine_map<(d0, d1) -> (0)>
#map1 = affine_map<(d0, d1) -> (0, 0, 0)>
module attributes {stable_mosaic.version = 14 : i64} {
  func.func @_hist_kernel(%arg0: i32, %arg1: i32, %arg2: memref<800000xi32, #tpu.memory_space<hbm>>, %arg3: memref<32x1x50000xf32, #tpu.memory_space<hbm>>, %arg4: memref<25008xi32, #tpu.memory_space<vmem>>, %arg5: memref<50000xf32, #tpu.memory_space<vmem>>) attributes {dimension_semantics = [#tpu.dimension_semantics<core_parallel>, #tpu.dimension_semantics<subcore_parallel>], iteration_bounds = array<i64: 2, 16>, scalar_prefetch = 0 : i64, scratch_operands = 2 : i64, tpu.core_type = #tpu.core_type<sc_vector_subcore>, window_params = [{transform_indices = #map}, {transform_indices = #map1}]} {
    %mul3A = arith.constant 2 : i32
    %mul3A_0 = arith.muli %arg1, %mul3A : i32
    %add3A = arith.addi %mul3A_0, %arg0 : i32
    %mul3A_1 = arith.constant 25000 : i32
    %mul3A_2 = arith.muli %add3A, %mul3A_1 : i32
    "tpu.region"() ({
      %run_scoped3A_15 = tpu.sem_alloc : memref<!tpu.dma_semaphore, #tpu.memory_space<semaphore_mem>>
      %dma_start3A = arith.constant 0 : i32
      %dma_start3A_16 = tpu.memref_slice %arg4[%dma_start3A] : memref<25008xi32, #tpu.memory_space<vmem>> -> memref<25000xi32, #tpu.memory_space<vmem>>
      %dma_start3A_17 = tpu.memref_slice %arg2[%mul3A_2] : memref<800000xi32, #tpu.memory_space<hbm>> -> memref<25000xi32, #tpu.memory_space<hbm>>
      %dma_start3A_18 = arith.constant 0 : i32
      %dma_start3A_19 = tpu.memref_slice %arg4[%dma_start3A_18] : memref<25008xi32, #tpu.memory_space<vmem>> -> memref<25000xi32, #tpu.memory_space<vmem>>
      %dma_start3A_20 = tpu.memref_slice %arg2[%mul3A_2] : memref<800000xi32, #tpu.memory_space<hbm>> -> memref<25000xi32, #tpu.memory_space<hbm>>
      tpu.enqueue_dma source(%dma_start3A_20 : memref<25000xi32, #tpu.memory_space<hbm>>) target(%dma_start3A_19 : memref<25000xi32, #tpu.memory_space<vmem>>) target_semaphore(%run_scoped3A_15 : memref<!tpu.dma_semaphore, #tpu.memory_space<semaphore_mem>>)
      %dma_wait3A = arith.constant 0 : i32
      %dma_wait3A_21 = tpu.memref_slice %arg4[%dma_wait3A] : memref<25008xi32, #tpu.memory_space<vmem>> -> memref<25000xi32, #tpu.memory_space<vmem>>
      %dma_wait3A_22 = tpu.memref_slice %arg2[%mul3A_2] : memref<800000xi32, #tpu.memory_space<hbm>> -> memref<25000xi32, #tpu.memory_space<hbm>>
      %dma_wait3A_23 = arith.constant 0 : i32
      %dma_wait3A_24 = tpu.memref_slice %arg4[%dma_wait3A_23] : memref<25008xi32, #tpu.memory_space<vmem>> -> memref<25000xi32, #tpu.memory_space<vmem>>
      %dma_wait3A_25 = tpu.memref_slice %arg2[%mul3A_2] : memref<800000xi32, #tpu.memory_space<hbm>> -> memref<25000xi32, #tpu.memory_space<hbm>>
      tpu.wait_dma2 semaphore(%run_scoped3A_15 : memref<!tpu.dma_semaphore, #tpu.memory_space<semaphore_mem>>) src(%dma_wait3A_25 : memref<25000xi32, #tpu.memory_space<hbm>>) dst(%dma_wait3A_24 : memref<25000xi32, #tpu.memory_space<vmem>>)
      tpu.yield
    }) : () -> ()
    %scan3A = arith.constant 0 : i32
    %scan3A_3 = arith.constant 0 : i32
    %scan3A_4 = arith.constant 3125 : i32
    %scan3A_5 = arith.addi %scan3A_3, %scan3A_4 : i32
    %scan3A_6 = arith.constant 1 : i32
    scf.for %scan3A_15 = %scan3A_3 to %scan3A_5 step %scan3A_6  : i32 {
      %broadcast_in_dim3A_16 = arith.constant 0.000000e+00 : f32
      %broadcast_in_dim3A_17 = vector.broadcast %broadcast_in_dim3A_16 : f32 to vector<16xf32>
      %mul3A_18 = arith.constant 16 : i32
      %mul3A_19 = arith.muli %scan3A_15, %mul3A_18 : i32
      %swap3A = arith.index_cast %mul3A_19 : i32 to index
      %swap3A_20 = tpu.vector_load %arg5[%swap3A] {strides = array<i32>} : memref<50000xf32, #tpu.memory_space<vmem>>, vector<16xf32>,
      tpu.vector_store %arg5[%swap3A], %broadcast_in_dim3A_17 {strides = array<i32>} : memref<50000xf32, #tpu.memory_space<vmem>>, vector<16xf32>,
    }
    %scan3A_7 = arith.constant 3125 : i32
    %iota3A = tpu.iota {dimensions = array<i32: 0>} : vector<16xi32>
    %broadcast_in_dim3A = arith.constant 1.000000e+00 : f32
    %broadcast_in_dim3A_8 = vector.broadcast %broadcast_in_dim3A : f32 to vector<16xf32>
    %scan3A_9 = arith.constant 0 : i32
    %scan3A_10 = arith.constant 0 : i32
    %scan3A_11 = arith.constant 1563 : i32
    %scan3A_12 = arith.addi %scan3A_10, %scan3A_11 : i32
    %scan3A_13 = arith.constant 1 : i32
    scf.for %scan3A_15 = %scan3A_10 to %scan3A_12 step %scan3A_13  : i32 {
      %mul3A_16 = arith.constant 16 : i32
      %mul3A_17 = arith.muli %scan3A_15, %mul3A_16 : i32
      %get3A = arith.index_cast %mul3A_17 : i32 to index
      %get3A_18 = tpu.vector_load %arg4[%get3A] {strides = array<i32>} : memref<25008xi32, #tpu.memory_space<vmem>>, vector<16xi32>,
      %mul3A_19 = arith.constant 16 : i32
      %mul3A_20 = arith.muli %scan3A_15, %mul3A_19 : i32
      %add3A_21 = vector.broadcast %mul3A_20 : i32 to vector<16xi32>
      %add3A_22 = arith.addi %add3A_21, %iota3A : vector<16xi32>
      %lt3A = arith.constant 25000 : i32
      %lt3A_23 = vector.broadcast %lt3A : i32 to vector<16xi32>
      %lt3A_24 = arith.cmpi slt, %add3A_22, %lt3A_23 : vector<16xi32>
      tpu.vector_store_idx %arg5[%get3A_18], %broadcast_in_dim3A_8 masked %lt3A_24 {add = true} : memref<50000xf32, #tpu.memory_space<vmem>>[vector<16xi32>], vector<16xf32>, vector<16xi1>
    }
    %scan3A_14 = arith.constant 1563 : i32
    %run_scoped3A = arith.constant 0 : i32
    "tpu.region"() ({
      %run_scoped3A_15 = tpu.sem_alloc : memref<!tpu.dma_semaphore, #tpu.memory_space<semaphore_mem>>
      %dma_start3A = arith.constant 0 : i32
      %dma_start3A_16 = tpu.memref_slice %arg3[%add3A, %run_scoped3A, %dma_start3A] : memref<32x1x50000xf32, #tpu.memory_space<hbm>> -> memref<1x1x50000xf32, #tpu.memory_space<hbm>>
      %dma_start3A_17 = tpu.memref_squeeze %dma_start3A_16 : memref<1x1x50000xf32, #tpu.memory_space<hbm>> -> memref<50000xf32, #tpu.memory_space<hbm>>
      %dma_start3A_18 = arith.constant 0 : i32
      %dma_start3A_19 = tpu.memref_slice %arg3[%add3A, %run_scoped3A, %dma_start3A_18] : memref<32x1x50000xf32, #tpu.memory_space<hbm>> -> memref<1x1x50000xf32, #tpu.memory_space<hbm>>
      %dma_start3A_20 = tpu.memref_squeeze %dma_start3A_19 : memref<1x1x50000xf32, #tpu.memory_space<hbm>> -> memref<50000xf32, #tpu.memory_space<hbm>>
      tpu.enqueue_dma source(%arg5 : memref<50000xf32, #tpu.memory_space<vmem>>) target(%dma_start3A_20 : memref<50000xf32, #tpu.memory_space<hbm>>) target_semaphore(%run_scoped3A_15 : memref<!tpu.dma_semaphore, #tpu.memory_space<semaphore_mem>>)
      %dma_wait3A = arith.constant 0 : i32
      %dma_wait3A_21 = tpu.memref_slice %arg3[%add3A, %run_scoped3A, %dma_wait3A] : memref<32x1x50000xf32, #tpu.memory_space<hbm>> -> memref<1x1x50000xf32, #tpu.memory_space<hbm>>
      %dma_wait3A_22 = tpu.memref_squeeze %dma_wait3A_21 : memref<1x1x50000xf32, #tpu.memory_space<hbm>> -> memref<50000xf32, #tpu.memory_space<hbm>>
      %dma_wait3A_23 = arith.constant 0 : i32
      %dma_wait3A_24 = tpu.memref_slice %arg3[%add3A, %run_scoped3A, %dma_wait3A_23] : memref<32x1x50000xf32, #tpu.memory_space<hbm>> -> memref<1x1x50000xf32, #tpu.memory_space<hbm>>
      %dma_wait3A_25 = tpu.memref_squeeze %dma_wait3A_24 : memref<1x1x50000xf32, #tpu.memory_space<hbm>> -> memref<50000xf32, #tpu.memory_space<hbm>>
      tpu.wait_dma2 semaphore(%run_scoped3A_15 : memref<!tpu.dma_semaphore, #tpu.memory_space<semaphore_mem>>) src(%arg5 : memref<50000xf32, #tpu.memory_space<vmem>>) dst(%dma_wait3A_25 : memref<50000xf32, #tpu.memory_space<hbm>>)
      tpu.yield
    }) : () -> ()
    return
  }
}

#map = affine_map<(d0, d1) -> (0, 0)>
#map1 = affine_map<(d0, d1) -> (0, 0, 0, 0, 0)>
#map2 = affine_map<(d0, d1) -> (0, 0, 0, 0)>
module attributes {stable_mosaic.version = 14 : i64} {
  func.func @_agg_kernel(%arg0: i32, %arg1: i32, %arg2: memref<50000x128xf32, #tpu.memory_space<hbm>>, %arg3: memref<4x32x200x2x128xi32, #tpu.memory_space<hbm>>, %arg4: memref<4x32x1x128xi32, #tpu.memory_space<hbm>>, %arg5: memref<784x128xf32, #tpu.memory_space<hbm>>, %arg6: memref<50000x128xf32, #tpu.memory_space<hbm>>, %arg7: memref<12544x128xf32, #tpu.memory_space<vmem_shared>>, %arg8: memref<2x128xi32, #tpu.memory_space<vmem>>, %arg9: memref<128xi32, #tpu.memory_space<vmem>>, %arg10: memref<128x128xf32, #tpu.memory_space<vmem>>) attributes {dimension_semantics = [#tpu.dimension_semantics<core_parallel>, #tpu.dimension_semantics<subcore_parallel>], iteration_bounds = array<i64: 2, 16>, scalar_prefetch = 0 : i64, scratch_operands = 4 : i64, tpu.core_type = #tpu.core_type<sc_vector_subcore>, window_params = [{transform_indices = #map}, {transform_indices = #map1}, {transform_indices = #map2}, {transform_indices = #map}, {transform_indices = #map}]} {
    %mul3A = arith.constant 2 : i32
    %mul3A_0 = arith.muli %arg0, %mul3A : i32
    %add3A = arith.constant 0 : i32
    %add3A_1 = arith.addi %mul3A_0, %add3A : i32
    %mul3A_2 = arith.constant 784 : i32
    %mul3A_3 = arith.muli %arg1, %mul3A_2 : i32
    "tpu.region"() ({
      %run_scoped3A_158 = tpu.sem_alloc : memref<!tpu.dma_semaphore, #tpu.memory_space<semaphore_mem>>
      %dma_start3A = arith.constant 0 : i32
      %dma_start3A_159 = tpu.memref_slice %arg7[%mul3A_3, %dma_start3A] : memref<12544x128xf32, #tpu.memory_space<vmem_shared>> -> memref<784x128xf32, #tpu.memory_space<vmem_shared>>
      tpu.enqueue_dma source(%arg5 : memref<784x128xf32, #tpu.memory_space<hbm>>) target(%dma_start3A_159 : memref<784x128xf32, #tpu.memory_space<vmem_shared>>) target_semaphore(%run_scoped3A_158 : memref<!tpu.dma_semaphore, #tpu.memory_space<semaphore_mem>>)
      %dma_wait3A = arith.constant 0 : i32
      %dma_wait3A_160 = tpu.memref_slice %arg7[%mul3A_3, %dma_wait3A] : memref<12544x128xf32, #tpu.memory_space<vmem_shared>> -> memref<784x128xf32, #tpu.memory_space<vmem_shared>>
      tpu.wait_dma2 semaphore(%run_scoped3A_158 : memref<!tpu.dma_semaphore, #tpu.memory_space<semaphore_mem>>) src(%arg5 : memref<784x128xf32, #tpu.memory_space<hbm>>) dst(%dma_wait3A_160 : memref<784x128xf32, #tpu.memory_space<vmem_shared>>)
      tpu.yield
    }) : () -> ()
    %barrier3A = arith.constant 0 : index
    tpu.barrier barrier_id(%barrier3A)
    %mul3A_4 = arith.constant 2 : i32
    %mul3A_5 = arith.muli %arg1, %mul3A_4 : i32
    %add3A_6 = arith.constant 0 : i32
    %add3A_7 = arith.addi %mul3A_5, %add3A_6 : i32
    %run_scoped3A = arith.constant 0 : i32
    "tpu.region"() ({
      %run_scoped3A_158 = tpu.sem_alloc : memref<!tpu.dma_semaphore, #tpu.memory_space<semaphore_mem>>
      %dma_start3A = arith.constant 0 : i32
      %dma_start3A_159 = tpu.memref_slice %arg4[%add3A_1, %add3A_7, %run_scoped3A, %dma_start3A] : memref<4x32x1x128xi32, #tpu.memory_space<hbm>> -> memref<1x1x1x128xi32, #tpu.memory_space<hbm>>
      %dma_start3A_160 = tpu.memref_squeeze %dma_start3A_159 : memref<1x1x1x128xi32, #tpu.memory_space<hbm>> -> memref<128xi32, #tpu.memory_space<hbm>>
      %dma_start3A_161 = arith.constant 0 : i32
      %dma_start3A_162 = tpu.memref_slice %arg4[%add3A_1, %add3A_7, %run_scoped3A, %dma_start3A_161] : memref<4x32x1x128xi32, #tpu.memory_space<hbm>> -> memref<1x1x1x128xi32, #tpu.memory_space<hbm>>
      %dma_start3A_163 = tpu.memref_squeeze %dma_start3A_162 : memref<1x1x1x128xi32, #tpu.memory_space<hbm>> -> memref<128xi32, #tpu.memory_space<hbm>>
      tpu.enqueue_dma source(%dma_start3A_163 : memref<128xi32, #tpu.memory_space<hbm>>) target(%arg9 : memref<128xi32, #tpu.memory_space<vmem>>) target_semaphore(%run_scoped3A_158 : memref<!tpu.dma_semaphore, #tpu.memory_space<semaphore_mem>>)
      %dma_wait3A = arith.constant 0 : i32
      %dma_wait3A_164 = tpu.memref_slice %arg4[%add3A_1, %add3A_7, %run_scoped3A, %dma_wait3A] : memref<4x32x1x128xi32, #tpu.memory_space<hbm>> -> memref<1x1x1x128xi32, #tpu.memory_space<hbm>>
      %dma_wait3A_165 = tpu.memref_squeeze %dma_wait3A_164 : memref<1x1x1x128xi32, #tpu.memory_space<hbm>> -> memref<128xi32, #tpu.memory_space<hbm>>
      %dma_wait3A_166 = arith.constant 0 : i32
      %dma_wait3A_167 = tpu.memref_slice %arg4[%add3A_1, %add3A_7, %run_scoped3A, %dma_wait3A_166] : memref<4x32x1x128xi32, #tpu.memory_space<hbm>> -> memref<1x1x1x128xi32, #tpu.memory_space<hbm>>
      %dma_wait3A_168 = tpu.memref_squeeze %dma_wait3A_167 : memref<1x1x1x128xi32, #tpu.memory_space<hbm>> -> memref<128xi32, #tpu.memory_space<hbm>>
      tpu.wait_dma2 semaphore(%run_scoped3A_158 : memref<!tpu.dma_semaphore, #tpu.memory_space<semaphore_mem>>) src(%dma_wait3A_168 : memref<128xi32, #tpu.memory_space<hbm>>) dst(%arg9 : memref<128xi32, #tpu.memory_space<vmem>>)
      tpu.yield
    }) : () -> ()
    %get3A = arith.constant 0 : index
    %get3A_8 = tpu.vector_load %arg9[%get3A] {strides = array<i32>} : memref<128xi32, #tpu.memory_space<vmem>>, vector<16xi32>,
    %reduce_max3A = arith.constant true
    %reduce_max3A_9 = vector.broadcast %reduce_max3A : i1 to vector<16xi1>
    %reduce_max3A_10 = arith.constant -2147483648 : i32
    %reduce_max3A_11 = vector.broadcast %reduce_max3A_10 : i32 to vector<16xi32>
    %reduce_max3A_12 = arith.xori %get3A_8, %reduce_max3A_11 : vector<16xi32>
    %reduce_max3A_13 = tpu.scan <max>, %reduce_max3A_12 masked %reduce_max3A_9 : vector<16xi32>, vector<16xi1> -> vector<16xi32>
    %reduce_max3A_14 = arith.xori %reduce_max3A_13, %reduce_max3A_11 : vector<16xi32>
    %reduce_max3A_15 = vector.extract %reduce_max3A_14[15] : i32 from vector<16xi32>
    %while3A = arith.constant 0 : i32
    %while3A_16 = arith.constant 0 : i32
    %while3A_17 = arith.subi %reduce_max3A_15, %while3A_16 : i32
    %while3A_18 = arith.addi %while3A_16, %while3A_17 : i32
    %while3A_19 = arith.constant 1 : i32
    %while3A_20 = arith.divsi %while3A_17, %while3A_19 : i32
    %while3A_21 = arith.muli %while3A_20, %while3A_19 : i32
    %while3A_22 = arith.addi %while3A_16, %while3A_21 : i32
    %while3A_23 = arith.constant 1 : i32
    scf.for %while3A_158 = %while3A_16 to %while3A_22 step %while3A_23  : i32 {
      "tpu.region"() ({
        %run_scoped3A_161 = tpu.sem_alloc : memref<!tpu.dma_semaphore, #tpu.memory_space<semaphore_mem>>
        %dma_start3A = arith.constant 0 : i32
        %dma_start3A_162 = arith.constant 0 : i32
        %dma_start3A_163 = tpu.memref_slice %arg3[%add3A_1, %add3A_7, %while3A_158, %dma_start3A, %dma_start3A_162] : memref<4x32x200x2x128xi32, #tpu.memory_space<hbm>> -> memref<1x1x1x2x128xi32, #tpu.memory_space<hbm>>
        %dma_start3A_164 = tpu.memref_squeeze %dma_start3A_163 : memref<1x1x1x2x128xi32, #tpu.memory_space<hbm>> -> memref<2x128xi32, #tpu.memory_space<hbm>>
        %dma_start3A_165 = arith.constant 0 : i32
        %dma_start3A_166 = arith.constant 0 : i32
        %dma_start3A_167 = tpu.memref_slice %arg3[%add3A_1, %add3A_7, %while3A_158, %dma_start3A_165, %dma_start3A_166] : memref<4x32x200x2x128xi32, #tpu.memory_space<hbm>> -> memref<1x1x1x2x128xi32, #tpu.memory_space<hbm>>
        %dma_start3A_168 = tpu.memref_squeeze %dma_start3A_167 : memref<1x1x1x2x128xi32, #tpu.memory_space<hbm>> -> memref<2x128xi32, #tpu.memory_space<hbm>>
        tpu.enqueue_dma source(%dma_start3A_168 : memref<2x128xi32, #tpu.memory_space<hbm>>) target(%arg8 : memref<2x128xi32, #tpu.memory_space<vmem>>) target_semaphore(%run_scoped3A_161 : memref<!tpu.dma_semaphore, #tpu.memory_space<semaphore_mem>>)
        %dma_wait3A = arith.constant 0 : i32
        %dma_wait3A_169 = arith.constant 0 : i32
        %dma_wait3A_170 = tpu.memref_slice %arg3[%add3A_1, %add3A_7, %while3A_158, %dma_wait3A, %dma_wait3A_169] : memref<4x32x200x2x128xi32, #tpu.memory_space<hbm>> -> memref<1x1x1x2x128xi32, #tpu.memory_space<hbm>>
        %dma_wait3A_171 = tpu.memref_squeeze %dma_wait3A_170 : memref<1x1x1x2x128xi32, #tpu.memory_space<hbm>> -> memref<2x128xi32, #tpu.memory_space<hbm>>
        %dma_wait3A_172 = arith.constant 0 : i32
        %dma_wait3A_173 = arith.constant 0 : i32
        %dma_wait3A_174 = tpu.memref_slice %arg3[%add3A_1, %add3A_7, %while3A_158, %dma_wait3A_172, %dma_wait3A_173] : memref<4x32x200x2x128xi32, #tpu.memory_space<hbm>> -> memref<1x1x1x2x128xi32, #tpu.memory_space<hbm>>
        %dma_wait3A_175 = tpu.memref_squeeze %dma_wait3A_174 : memref<1x1x1x2x128xi32, #tpu.memory_space<hbm>> -> memref<2x128xi32, #tpu.memory_space<hbm>>
        tpu.wait_dma2 semaphore(%run_scoped3A_161 : memref<!tpu.dma_semaphore, #tpu.memory_space<semaphore_mem>>) src(%dma_wait3A_175 : memref<2x128xi32, #tpu.memory_space<hbm>>) dst(%arg8 : memref<2x128xi32, #tpu.memory_space<vmem>>)
        tpu.yield
      }) : () -> ()
      %run_scoped3A_159 = arith.constant 0 : i32
      "tpu.region"() ({
        %run_scoped3A_161 = tpu.sem_alloc : memref<!tpu.dma_semaphore, #tpu.memory_space<semaphore_mem>>
        %dma_start3A = arith.constant 0 : i32
        %dma_start3A_162 = tpu.memref_slice %arg8[%run_scoped3A_159, %dma_start3A] : memref<2x128xi32, #tpu.memory_space<vmem>> -> memref<1x128xi32, #tpu.memory_space<vmem>>
        %dma_start3A_163 = tpu.memref_squeeze %dma_start3A_162 : memref<1x128xi32, #tpu.memory_space<vmem>> -> memref<128xi32, #tpu.memory_space<vmem>>
        %dma_start3A_164 = arith.constant 0 : i32
        %dma_start3A_165 = arith.constant 0 : i32
        %dma_start3A_166 = tpu.memref_slice %arg2[%dma_start3A_164, %dma_start3A_165] : memref<50000x128xf32, #tpu.memory_space<hbm>> -> memref<50000x128xf32, #tpu.memory_space<hbm>>
        tpu.enqueue_indirect_dma source(%dma_start3A_166 : memref<50000x128xf32, #tpu.memory_space<hbm>>) target(%arg10 : memref<128x128xf32, #tpu.memory_space<vmem>>) offsets(%dma_start3A_163 : memref<128xi32, #tpu.memory_space<vmem>>) semaphore(%run_scoped3A_161 : memref<!tpu.dma_semaphore, #tpu.memory_space<semaphore_mem>>)
        %dma_wait3A = arith.constant 0 : i32
        %dma_wait3A_167 = tpu.memref_slice %arg8[%run_scoped3A_159, %dma_wait3A] : memref<2x128xi32, #tpu.memory_space<vmem>> -> memref<1x128xi32, #tpu.memory_space<vmem>>
        %dma_wait3A_168 = tpu.memref_squeeze %dma_wait3A_167 : memref<1x128xi32, #tpu.memory_space<vmem>> -> memref<128xi32, #tpu.memory_space<vmem>>
        %dma_wait3A_169 = arith.constant 0 : i32
        %dma_wait3A_170 = arith.constant 0 : i32
        %dma_wait3A_171 = tpu.memref_slice %arg2[%dma_wait3A_169, %dma_wait3A_170] : memref<50000x128xf32, #tpu.memory_space<hbm>> -> memref<50000x128xf32, #tpu.memory_space<hbm>>
        tpu.wait_indirect_dma semaphore(%run_scoped3A_161 : memref<!tpu.dma_semaphore, #tpu.memory_space<semaphore_mem>>) src(%dma_wait3A_171 : memref<50000x128xf32, #tpu.memory_space<hbm>>) dst(%arg10 : memref<128x128xf32, #tpu.memory_space<vmem>>)
        tpu.yield
      }) : () -> ()
      %run_scoped3A_160 = arith.constant 1 : i32
      "tpu.region"() ({
        %run_scoped3A_161 = tpu.sem_alloc : memref<!tpu.dma_semaphore, #tpu.memory_space<semaphore_mem>>
        %dma_start3A = arith.constant 0 : i32
        %dma_start3A_162 = tpu.memref_slice %arg8[%run_scoped3A_160, %dma_start3A] : memref<2x128xi32, #tpu.memory_space<vmem>> -> memref<1x128xi32, #tpu.memory_space<vmem>>
        %dma_start3A_163 = tpu.memref_squeeze %dma_start3A_162 : memref<1x128xi32, #tpu.memory_space<vmem>> -> memref<128xi32, #tpu.memory_space<vmem>>
        %dma_start3A_164 = arith.constant 0 : i32
        %dma_start3A_165 = arith.constant 0 : i32
        %dma_start3A_166 = tpu.memref_slice %arg7[%dma_start3A_164, %dma_start3A_165] : memref<12544x128xf32, #tpu.memory_space<vmem_shared>> -> memref<12544x128xf32, #tpu.memory_space<vmem_shared>>
        tpu.enqueue_indirect_dma source(%arg10 : memref<128x128xf32, #tpu.memory_space<vmem>>) target(%dma_start3A_166 : memref<12544x128xf32, #tpu.memory_space<vmem_shared>>) offsets(%dma_start3A_163 : memref<128xi32, #tpu.memory_space<vmem>>) semaphore(%run_scoped3A_161 : memref<!tpu.dma_semaphore, #tpu.memory_space<semaphore_mem>>) {add = true}
        %dma_wait3A = arith.constant 0 : i32
        %dma_wait3A_167 = tpu.memref_slice %arg8[%run_scoped3A_160, %dma_wait3A] : memref<2x128xi32, #tpu.memory_space<vmem>> -> memref<1x128xi32, #tpu.memory_space<vmem>>
        %dma_wait3A_168 = tpu.memref_squeeze %dma_wait3A_167 : memref<1x128xi32, #tpu.memory_space<vmem>> -> memref<128xi32, #tpu.memory_space<vmem>>
        %dma_wait3A_169 = arith.constant 0 : i32
        %dma_wait3A_170 = arith.constant 0 : i32
        %dma_wait3A_171 = tpu.memref_slice %arg7[%dma_wait3A_169, %dma_wait3A_170] : memref<12544x128xf32, #tpu.memory_space<vmem_shared>> -> memref<12544x128xf32, #tpu.memory_space<vmem_shared>>
        tpu.wait_indirect_dma semaphore(%run_scoped3A_161 : memref<!tpu.dma_semaphore, #tpu.memory_space<semaphore_mem>>) src(%arg10 : memref<128x128xf32, #tpu.memory_space<vmem>>) dst(%dma_wait3A_171 : memref<12544x128xf32, #tpu.memory_space<vmem_shared>>)
        tpu.yield
      }) : () -> ()
    }
    %while3A_24 = arith.constant 1 : i32
    scf.for %while3A_158 = %while3A_22 to %while3A_18 step %while3A_24  : i32 {
      "tpu.region"() ({
        %run_scoped3A_161 = tpu.sem_alloc : memref<!tpu.dma_semaphore, #tpu.memory_space<semaphore_mem>>
        %dma_start3A = arith.constant 0 : i32
        %dma_start3A_162 = arith.constant 0 : i32
        %dma_start3A_163 = tpu.memref_slice %arg3[%add3A_1, %add3A_7, %while3A_158, %dma_start3A, %dma_start3A_162] : memref<4x32x200x2x128xi32, #tpu.memory_space<hbm>> -> memref<1x1x1x2x128xi32, #tpu.memory_space<hbm>>
        %dma_start3A_164 = tpu.memref_squeeze %dma_start3A_163 : memref<1x1x1x2x128xi32, #tpu.memory_space<hbm>> -> memref<2x128xi32, #tpu.memory_space<hbm>>
        %dma_start3A_165 = arith.constant 0 : i32
        %dma_start3A_166 = arith.constant 0 : i32
        %dma_start3A_167 = tpu.memref_slice %arg3[%add3A_1, %add3A_7, %while3A_158, %dma_start3A_165, %dma_start3A_166] : memref<4x32x200x2x128xi32, #tpu.memory_space<hbm>> -> memref<1x1x1x2x128xi32, #tpu.memory_space<hbm>>
        %dma_start3A_168 = tpu.memref_squeeze %dma_start3A_167 : memref<1x1x1x2x128xi32, #tpu.memory_space<hbm>> -> memref<2x128xi32, #tpu.memory_space<hbm>>
        tpu.enqueue_dma source(%dma_start3A_168 : memref<2x128xi32, #tpu.memory_space<hbm>>) target(%arg8 : memref<2x128xi32, #tpu.memory_space<vmem>>) target_semaphore(%run_scoped3A_161 : memref<!tpu.dma_semaphore, #tpu.memory_space<semaphore_mem>>)
        %dma_wait3A = arith.constant 0 : i32
        %dma_wait3A_169 = arith.constant 0 : i32
        %dma_wait3A_170 = tpu.memref_slice %arg3[%add3A_1, %add3A_7, %while3A_158, %dma_wait3A, %dma_wait3A_169] : memref<4x32x200x2x128xi32, #tpu.memory_space<hbm>> -> memref<1x1x1x2x128xi32, #tpu.memory_space<hbm>>
        %dma_wait3A_171 = tpu.memref_squeeze %dma_wait3A_170 : memref<1x1x1x2x128xi32, #tpu.memory_space<hbm>> -> memref<2x128xi32, #tpu.memory_space<hbm>>
        %dma_wait3A_172 = arith.constant 0 : i32
        %dma_wait3A_173 = arith.constant 0 : i32
        %dma_wait3A_174 = tpu.memref_slice %arg3[%add3A_1, %add3A_7, %while3A_158, %dma_wait3A_172, %dma_wait3A_173] : memref<4x32x200x2x128xi32, #tpu.memory_space<hbm>> -> memref<1x1x1x2x128xi32, #tpu.memory_space<hbm>>
        %dma_wait3A_175 = tpu.memref_squeeze %dma_wait3A_174 : memref<1x1x1x2x128xi32, #tpu.memory_space<hbm>> -> memref<2x128xi32, #tpu.memory_space<hbm>>
        tpu.wait_dma2 semaphore(%run_scoped3A_161 : memref<!tpu.dma_semaphore, #tpu.memory_space<semaphore_mem>>) src(%dma_wait3A_175 : memref<2x128xi32, #tpu.memory_space<hbm>>) dst(%arg8 : memref<2x128xi32, #tpu.memory_space<vmem>>)
        tpu.yield
      }) : () -> ()
      %run_scoped3A_159 = arith.constant 0 : i32
      "tpu.region"() ({
        %run_scoped3A_161 = tpu.sem_alloc : memref<!tpu.dma_semaphore, #tpu.memory_space<semaphore_mem>>
        %dma_start3A = arith.constant 0 : i32
        %dma_start3A_162 = tpu.memref_slice %arg8[%run_scoped3A_159, %dma_start3A] : memref<2x128xi32, #tpu.memory_space<vmem>> -> memref<1x128xi32, #tpu.memory_space<vmem>>
        %dma_start3A_163 = tpu.memref_squeeze %dma_start3A_162 : memref<1x128xi32, #tpu.memory_space<vmem>> -> memref<128xi32, #tpu.memory_space<vmem>>
        %dma_start3A_164 = arith.constant 0 : i32
        %dma_start3A_165 = arith.constant 0 : i32
        %dma_start3A_166 = tpu.memref_slice %arg2[%dma_start3A_164, %dma_start3A_165] : memref<50000x128xf32, #tpu.memory_space<hbm>> -> memref<50000x128xf32, #tpu.memory_space<hbm>>
        tpu.enqueue_indirect_dma source(%dma_start3A_166 : memref<50000x128xf32, #tpu.memory_space<hbm>>) target(%arg10 : memref<128x128xf32, #tpu.memory_space<vmem>>) offsets(%dma_start3A_163 : memref<128xi32, #tpu.memory_space<vmem>>) semaphore(%run_scoped3A_161 : memref<!tpu.dma_semaphore, #tpu.memory_space<semaphore_mem>>)
        %dma_wait3A = arith.constant 0 : i32
        %dma_wait3A_167 = tpu.memref_slice %arg8[%run_scoped3A_159, %dma_wait3A] : memref<2x128xi32, #tpu.memory_space<vmem>> -> memref<1x128xi32, #tpu.memory_space<vmem>>
        %dma_wait3A_168 = tpu.memref_squeeze %dma_wait3A_167 : memref<1x128xi32, #tpu.memory_space<vmem>> -> memref<128xi32, #tpu.memory_space<vmem>>
        %dma_wait3A_169 = arith.constant 0 : i32
        %dma_wait3A_170 = arith.constant 0 : i32
        %dma_wait3A_171 = tpu.memref_slice %arg2[%dma_wait3A_169, %dma_wait3A_170] : memref<50000x128xf32, #tpu.memory_space<hbm>> -> memref<50000x128xf32, #tpu.memory_space<hbm>>
        tpu.wait_indirect_dma semaphore(%run_scoped3A_161 : memref<!tpu.dma_semaphore, #tpu.memory_space<semaphore_mem>>) src(%dma_wait3A_171 : memref<50000x128xf32, #tpu.memory_space<hbm>>) dst(%arg10 : memref<128x128xf32, #tpu.memory_space<vmem>>)
        tpu.yield
      }) : () -> ()
      %run_scoped3A_160 = arith.constant 1 : i32
      "tpu.region"() ({
        %run_scoped3A_161 = tpu.sem_alloc : memref<!tpu.dma_semaphore, #tpu.memory_space<semaphore_mem>>
        %dma_start3A = arith.constant 0 : i32
        %dma_start3A_162 = tpu.memref_slice %arg8[%run_scoped3A_160, %dma_start3A] : memref<2x128xi32, #tpu.memory_space<vmem>> -> memref<1x128xi32, #tpu.memory_space<vmem>>
        %dma_start3A_163 = tpu.memref_squeeze %dma_start3A_162 : memref<1x128xi32, #tpu.memory_space<vmem>> -> memref<128xi32, #tpu.memory_space<vmem>>
        %dma_start3A_164 = arith.constant 0 : i32
        %dma_start3A_165 = arith.constant 0 : i32
        %dma_start3A_166 = tpu.memref_slice %arg7[%dma_start3A_164, %dma_start3A_165] : memref<12544x128xf32, #tpu.memory_space<vmem_shared>> -> memref<12544x128xf32, #tpu.memory_space<vmem_shared>>
        tpu.enqueue_indirect_dma source(%arg10 : memref<128x128xf32, #tpu.memory_space<vmem>>) target(%dma_start3A_166 : memref<12544x128xf32, #tpu.memory_space<vmem_shared>>) offsets(%dma_start3A_163 : memref<128xi32, #tpu.memory_space<vmem>>) semaphore(%run_scoped3A_161 : memref<!tpu.dma_semaphore, #tpu.memory_space<semaphore_mem>>) {add = true}
        %dma_wait3A = arith.constant 0 : i32
        %dma_wait3A_167 = tpu.memref_slice %arg8[%run_scoped3A_160, %dma_wait3A] : memref<2x128xi32, #tpu.memory_space<vmem>> -> memref<1x128xi32, #tpu.memory_space<vmem>>
        %dma_wait3A_168 = tpu.memref_squeeze %dma_wait3A_167 : memref<1x128xi32, #tpu.memory_space<vmem>> -> memref<128xi32, #tpu.memory_space<vmem>>
        %dma_wait3A_169 = arith.constant 0 : i32
        %dma_wait3A_170 = arith.constant 0 : i32
        %dma_wait3A_171 = tpu.memref_slice %arg7[%dma_wait3A_169, %dma_wait3A_170] : memref<12544x128xf32, #tpu.memory_space<vmem_shared>> -> memref<12544x128xf32, #tpu.memory_space<vmem_shared>>
        tpu.wait_indirect_dma semaphore(%run_scoped3A_161 : memref<!tpu.dma_semaphore, #tpu.memory_space<semaphore_mem>>) src(%arg10 : memref<128x128xf32, #tpu.memory_space<vmem>>) dst(%dma_wait3A_171 : memref<12544x128xf32, #tpu.memory_space<vmem_shared>>)
        tpu.yield
      }) : () -> ()
    }
    %mul3A_25 = arith.constant 2 : i32
    %mul3A_26 = arith.muli %arg1, %mul3A_25 : i32
    %add3A_27 = arith.constant 1 : i32
    %add3A_28 = arith.addi %mul3A_26, %add3A_27 : i32
    %run_scoped3A_29 = arith.constant 0 : i32
    "tpu.region"() ({
      %run_scoped3A_158 = tpu.sem_alloc : memref<!tpu.dma_semaphore, #tpu.memory_space<semaphore_mem>>
      %dma_start3A = arith.constant 0 : i32
      %dma_start3A_159 = tpu.memref_slice %arg4[%add3A_1, %add3A_28, %run_scoped3A_29, %dma_start3A] : memref<4x32x1x128xi32, #tpu.memory_space<hbm>> -> memref<1x1x1x128xi32, #tpu.memory_space<hbm>>
      %dma_start3A_160 = tpu.memref_squeeze %dma_start3A_159 : memref<1x1x1x128xi32, #tpu.memory_space<hbm>> -> memref<128xi32, #tpu.memory_space<hbm>>
      %dma_start3A_161 = arith.constant 0 : i32
      %dma_start3A_162 = tpu.memref_slice %arg4[%add3A_1, %add3A_28, %run_scoped3A_29, %dma_start3A_161] : memref<4x32x1x128xi32, #tpu.memory_space<hbm>> -> memref<1x1x1x128xi32, #tpu.memory_space<hbm>>
      %dma_start3A_163 = tpu.memref_squeeze %dma_start3A_162 : memref<1x1x1x128xi32, #tpu.memory_space<hbm>> -> memref<128xi32, #tpu.memory_space<hbm>>
      tpu.enqueue_dma source(%dma_start3A_163 : memref<128xi32, #tpu.memory_space<hbm>>) target(%arg9 : memref<128xi32, #tpu.memory_space<vmem>>) target_semaphore(%run_scoped3A_158 : memref<!tpu.dma_semaphore, #tpu.memory_space<semaphore_mem>>)
      %dma_wait3A = arith.constant 0 : i32
      %dma_wait3A_164 = tpu.memref_slice %arg4[%add3A_1, %add3A_28, %run_scoped3A_29, %dma_wait3A] : memref<4x32x1x128xi32, #tpu.memory_space<hbm>> -> memref<1x1x1x128xi32, #tpu.memory_space<hbm>>
      %dma_wait3A_165 = tpu.memref_squeeze %dma_wait3A_164 : memref<1x1x1x128xi32, #tpu.memory_space<hbm>> -> memref<128xi32, #tpu.memory_space<hbm>>
      %dma_wait3A_166 = arith.constant 0 : i32
      %dma_wait3A_167 = tpu.memref_slice %arg4[%add3A_1, %add3A_28, %run_scoped3A_29, %dma_wait3A_166] : memref<4x32x1x128xi32, #tpu.memory_space<hbm>> -> memref<1x1x1x128xi32, #tpu.memory_space<hbm>>
      %dma_wait3A_168 = tpu.memref_squeeze %dma_wait3A_167 : memref<1x1x1x128xi32, #tpu.memory_space<hbm>> -> memref<128xi32, #tpu.memory_space<hbm>>
      tpu.wait_dma2 semaphore(%run_scoped3A_158 : memref<!tpu.dma_semaphore, #tpu.memory_space<semaphore_mem>>) src(%dma_wait3A_168 : memref<128xi32, #tpu.memory_space<hbm>>) dst(%arg9 : memref<128xi32, #tpu.memory_space<vmem>>)
      tpu.yield
    }) : () -> ()
    %get3A_30 = arith.constant 0 : index
    %get3A_31 = tpu.vector_load %arg9[%get3A_30] {strides = array<i32>} : memref<128xi32, #tpu.memory_space<vmem>>, vector<16xi32>,
    %reduce_max3A_32 = arith.constant true
    %reduce_max3A_33 = vector.broadcast %reduce_max3A_32 : i1 to vector<16xi1>
    %reduce_max3A_34 = arith.constant -2147483648 : i32
    %reduce_max3A_35 = vector.broadcast %reduce_max3A_34 : i32 to vector<16xi32>
    %reduce_max3A_36 = arith.xori %get3A_31, %reduce_max3A_35 : vector<16xi32>
    %reduce_max3A_37 = tpu.scan <max>, %reduce_max3A_36 masked %reduce_max3A_33 : vector<16xi32>, vector<16xi1> -> vector<16xi32>
    %reduce_max3A_38 = arith.xori %reduce_max3A_37, %reduce_max3A_35 : vector<16xi32>
    %reduce_max3A_39 = vector.extract %reduce_max3A_38[15] : i32 from vector<16xi32>
    %while3A_40 = arith.constant 0 : i32
    %while3A_41 = arith.constant 0 : i32
    %while3A_42 = arith.subi %reduce_max3A_39, %while3A_41 : i32
    %while3A_43 = arith.addi %while3A_41, %while3A_42 : i32
    %while3A_44 = arith.constant 1 : i32
    %while3A_45 = arith.divsi %while3A_42, %while3A_44 : i32
    %while3A_46 = arith.muli %while3A_45, %while3A_44 : i32
    %while3A_47 = arith.addi %while3A_41, %while3A_46 : i32
    %while3A_48 = arith.constant 1 : i32
    scf.for %while3A_158 = %while3A_41 to %while3A_47 step %while3A_48  : i32 {
      "tpu.region"() ({
        %run_scoped3A_161 = tpu.sem_alloc : memref<!tpu.dma_semaphore, #tpu.memory_space<semaphore_mem>>
        %dma_start3A = arith.constant 0 : i32
        %dma_start3A_162 = arith.constant 0 : i32
        %dma_start3A_163 = tpu.memref_slice %arg3[%add3A_1, %add3A_28, %while3A_158, %dma_start3A, %dma_start3A_162] : memref<4x32x200x2x128xi32, #tpu.memory_space<hbm>> -> memref<1x1x1x2x128xi32, #tpu.memory_space<hbm>>
        %dma_start3A_164 = tpu.memref_squeeze %dma_start3A_163 : memref<1x1x1x2x128xi32, #tpu.memory_space<hbm>> -> memref<2x128xi32, #tpu.memory_space<hbm>>
        %dma_start3A_165 = arith.constant 0 : i32
        %dma_start3A_166 = arith.constant 0 : i32
        %dma_start3A_167 = tpu.memref_slice %arg3[%add3A_1, %add3A_28, %while3A_158, %dma_start3A_165, %dma_start3A_166] : memref<4x32x200x2x128xi32, #tpu.memory_space<hbm>> -> memref<1x1x1x2x128xi32, #tpu.memory_space<hbm>>
        %dma_start3A_168 = tpu.memref_squeeze %dma_start3A_167 : memref<1x1x1x2x128xi32, #tpu.memory_space<hbm>> -> memref<2x128xi32, #tpu.memory_space<hbm>>
        tpu.enqueue_dma source(%dma_start3A_168 : memref<2x128xi32, #tpu.memory_space<hbm>>) target(%arg8 : memref<2x128xi32, #tpu.memory_space<vmem>>) target_semaphore(%run_scoped3A_161 : memref<!tpu.dma_semaphore, #tpu.memory_space<semaphore_mem>>)
        %dma_wait3A = arith.constant 0 : i32
        %dma_wait3A_169 = arith.constant 0 : i32
        %dma_wait3A_170 = tpu.memref_slice %arg3[%add3A_1, %add3A_28, %while3A_158, %dma_wait3A, %dma_wait3A_169] : memref<4x32x200x2x128xi32, #tpu.memory_space<hbm>> -> memref<1x1x1x2x128xi32, #tpu.memory_space<hbm>>
        %dma_wait3A_171 = tpu.memref_squeeze %dma_wait3A_170 : memref<1x1x1x2x128xi32, #tpu.memory_space<hbm>> -> memref<2x128xi32, #tpu.memory_space<hbm>>
        %dma_wait3A_172 = arith.constant 0 : i32
        %dma_wait3A_173 = arith.constant 0 : i32
        %dma_wait3A_174 = tpu.memref_slice %arg3[%add3A_1, %add3A_28, %while3A_158, %dma_wait3A_172, %dma_wait3A_173] : memref<4x32x200x2x128xi32, #tpu.memory_space<hbm>> -> memref<1x1x1x2x128xi32, #tpu.memory_space<hbm>>
        %dma_wait3A_175 = tpu.memref_squeeze %dma_wait3A_174 : memref<1x1x1x2x128xi32, #tpu.memory_space<hbm>> -> memref<2x128xi32, #tpu.memory_space<hbm>>
        tpu.wait_dma2 semaphore(%run_scoped3A_161 : memref<!tpu.dma_semaphore, #tpu.memory_space<semaphore_mem>>) src(%dma_wait3A_175 : memref<2x128xi32, #tpu.memory_space<hbm>>) dst(%arg8 : memref<2x128xi32, #tpu.memory_space<vmem>>)
        tpu.yield
      }) : () -> ()
      %run_scoped3A_159 = arith.constant 0 : i32
      "tpu.region"() ({
        %run_scoped3A_161 = tpu.sem_alloc : memref<!tpu.dma_semaphore, #tpu.memory_space<semaphore_mem>>
        %dma_start3A = arith.constant 0 : i32
        %dma_start3A_162 = tpu.memref_slice %arg8[%run_scoped3A_159, %dma_start3A] : memref<2x128xi32, #tpu.memory_space<vmem>> -> memref<1x128xi32, #tpu.memory_space<vmem>>
        %dma_start3A_163 = tpu.memref_squeeze %dma_start3A_162 : memref<1x128xi32, #tpu.memory_space<vmem>> -> memref<128xi32, #tpu.memory_space<vmem>>
        %dma_start3A_164 = arith.constant 0 : i32
        %dma_start3A_165 = arith.constant 0 : i32
        %dma_start3A_166 = tpu.memref_slice %arg2[%dma_start3A_164, %dma_start3A_165] : memref<50000x128xf32, #tpu.memory_space<hbm>> -> memref<50000x128xf32, #tpu.memory_space<hbm>>
        tpu.enqueue_indirect_dma source(%dma_start3A_166 : memref<50000x128xf32, #tpu.memory_space<hbm>>) target(%arg10 : memref<128x128xf32, #tpu.memory_space<vmem>>) offsets(%dma_start3A_163 : memref<128xi32, #tpu.memory_space<vmem>>) semaphore(%run_scoped3A_161 : memref<!tpu.dma_semaphore, #tpu.memory_space<semaphore_mem>>)
        %dma_wait3A = arith.constant 0 : i32
        %dma_wait3A_167 = tpu.memref_slice %arg8[%run_scoped3A_159, %dma_wait3A] : memref<2x128xi32, #tpu.memory_space<vmem>> -> memref<1x128xi32, #tpu.memory_space<vmem>>
        %dma_wait3A_168 = tpu.memref_squeeze %dma_wait3A_167 : memref<1x128xi32, #tpu.memory_space<vmem>> -> memref<128xi32, #tpu.memory_space<vmem>>
        %dma_wait3A_169 = arith.constant 0 : i32
        %dma_wait3A_170 = arith.constant 0 : i32
        %dma_wait3A_171 = tpu.memref_slice %arg2[%dma_wait3A_169, %dma_wait3A_170] : memref<50000x128xf32, #tpu.memory_space<hbm>> -> memref<50000x128xf32, #tpu.memory_space<hbm>>
        tpu.wait_indirect_dma semaphore(%run_scoped3A_161 : memref<!tpu.dma_semaphore, #tpu.memory_space<semaphore_mem>>) src(%dma_wait3A_171 : memref<50000x128xf32, #tpu.memory_space<hbm>>) dst(%arg10 : memref<128x128xf32, #tpu.memory_space<vmem>>)
        tpu.yield
      }) : () -> ()
      %run_scoped3A_160 = arith.constant 1 : i32
      "tpu.region"() ({
        %run_scoped3A_161 = tpu.sem_alloc : memref<!tpu.dma_semaphore, #tpu.memory_space<semaphore_mem>>
        %dma_start3A = arith.constant 0 : i32
        %dma_start3A_162 = tpu.memref_slice %arg8[%run_scoped3A_160, %dma_start3A] : memref<2x128xi32, #tpu.memory_space<vmem>> -> memref<1x128xi32, #tpu.memory_space<vmem>>
        %dma_start3A_163 = tpu.memref_squeeze %dma_start3A_162 : memref<1x128xi32, #tpu.memory_space<vmem>> -> memref<128xi32, #tpu.memory_space<vmem>>
        %dma_start3A_164 = arith.constant 0 : i32
        %dma_start3A_165 = arith.constant 0 : i32
        %dma_start3A_166 = tpu.memref_slice %arg7[%dma_start3A_164, %dma_start3A_165] : memref<12544x128xf32, #tpu.memory_space<vmem_shared>> -> memref<12544x128xf32, #tpu.memory_space<vmem_shared>>
        tpu.enqueue_indirect_dma source(%arg10 : memref<128x128xf32, #tpu.memory_space<vmem>>) target(%dma_start3A_166 : memref<12544x128xf32, #tpu.memory_space<vmem_shared>>) offsets(%dma_start3A_163 : memref<128xi32, #tpu.memory_space<vmem>>) semaphore(%run_scoped3A_161 : memref<!tpu.dma_semaphore, #tpu.memory_space<semaphore_mem>>) {add = true}
        %dma_wait3A = arith.constant 0 : i32
        %dma_wait3A_167 = tpu.memref_slice %arg8[%run_scoped3A_160, %dma_wait3A] : memref<2x128xi32, #tpu.memory_space<vmem>> -> memref<1x128xi32, #tpu.memory_space<vmem>>
        %dma_wait3A_168 = tpu.memref_squeeze %dma_wait3A_167 : memref<1x128xi32, #tpu.memory_space<vmem>> -> memref<128xi32, #tpu.memory_space<vmem>>
        %dma_wait3A_169 = arith.constant 0 : i32
        %dma_wait3A_170 = arith.constant 0 : i32
        %dma_wait3A_171 = tpu.memref_slice %arg7[%dma_wait3A_169, %dma_wait3A_170] : memref<12544x128xf32, #tpu.memory_space<vmem_shared>> -> memref<12544x128xf32, #tpu.memory_space<vmem_shared>>
        tpu.wait_indirect_dma semaphore(%run_scoped3A_161 : memref<!tpu.dma_semaphore, #tpu.memory_space<semaphore_mem>>) src(%arg10 : memref<128x128xf32, #tpu.memory_space<vmem>>) dst(%dma_wait3A_171 : memref<12544x128xf32, #tpu.memory_space<vmem_shared>>)
        tpu.yield
      }) : () -> ()
    }
    %while3A_49 = arith.constant 1 : i32
    scf.for %while3A_158 = %while3A_47 to %while3A_43 step %while3A_49  : i32 {
      "tpu.region"() ({
        %run_scoped3A_161 = tpu.sem_alloc : memref<!tpu.dma_semaphore, #tpu.memory_space<semaphore_mem>>
        %dma_start3A = arith.constant 0 : i32
        %dma_start3A_162 = arith.constant 0 : i32
        %dma_start3A_163 = tpu.memref_slice %arg3[%add3A_1, %add3A_28, %while3A_158, %dma_start3A, %dma_start3A_162] : memref<4x32x200x2x128xi32, #tpu.memory_space<hbm>> -> memref<1x1x1x2x128xi32, #tpu.memory_space<hbm>>
        %dma_start3A_164 = tpu.memref_squeeze %dma_start3A_163 : memref<1x1x1x2x128xi32, #tpu.memory_space<hbm>> -> memref<2x128xi32, #tpu.memory_space<hbm>>
        %dma_start3A_165 = arith.constant 0 : i32
        %dma_start3A_166 = arith.constant 0 : i32
        %dma_start3A_167 = tpu.memref_slice %arg3[%add3A_1, %add3A_28, %while3A_158, %dma_start3A_165, %dma_start3A_166] : memref<4x32x200x2x128xi32, #tpu.memory_space<hbm>> -> memref<1x1x1x2x128xi32, #tpu.memory_space<hbm>>
        %dma_start3A_168 = tpu.memref_squeeze %dma_start3A_167 : memref<1x1x1x2x128xi32, #tpu.memory_space<hbm>> -> memref<2x128xi32, #tpu.memory_space<hbm>>
        tpu.enqueue_dma source(%dma_start3A_168 : memref<2x128xi32, #tpu.memory_space<hbm>>) target(%arg8 : memref<2x128xi32, #tpu.memory_space<vmem>>) target_semaphore(%run_scoped3A_161 : memref<!tpu.dma_semaphore, #tpu.memory_space<semaphore_mem>>)
        %dma_wait3A = arith.constant 0 : i32
        %dma_wait3A_169 = arith.constant 0 : i32
        %dma_wait3A_170 = tpu.memref_slice %arg3[%add3A_1, %add3A_28, %while3A_158, %dma_wait3A, %dma_wait3A_169] : memref<4x32x200x2x128xi32, #tpu.memory_space<hbm>> -> memref<1x1x1x2x128xi32, #tpu.memory_space<hbm>>
        %dma_wait3A_171 = tpu.memref_squeeze %dma_wait3A_170 : memref<1x1x1x2x128xi32, #tpu.memory_space<hbm>> -> memref<2x128xi32, #tpu.memory_space<hbm>>
        %dma_wait3A_172 = arith.constant 0 : i32
        %dma_wait3A_173 = arith.constant 0 : i32
        %dma_wait3A_174 = tpu.memref_slice %arg3[%add3A_1, %add3A_28, %while3A_158, %dma_wait3A_172, %dma_wait3A_173] : memref<4x32x200x2x128xi32, #tpu.memory_space<hbm>> -> memref<1x1x1x2x128xi32, #tpu.memory_space<hbm>>
        %dma_wait3A_175 = tpu.memref_squeeze %dma_wait3A_174 : memref<1x1x1x2x128xi32, #tpu.memory_space<hbm>> -> memref<2x128xi32, #tpu.memory_space<hbm>>
        tpu.wait_dma2 semaphore(%run_scoped3A_161 : memref<!tpu.dma_semaphore, #tpu.memory_space<semaphore_mem>>) src(%dma_wait3A_175 : memref<2x128xi32, #tpu.memory_space<hbm>>) dst(%arg8 : memref<2x128xi32, #tpu.memory_space<vmem>>)
        tpu.yield
      }) : () -> ()
      %run_scoped3A_159 = arith.constant 0 : i32
      "tpu.region"() ({
        %run_scoped3A_161 = tpu.sem_alloc : memref<!tpu.dma_semaphore, #tpu.memory_space<semaphore_mem>>
        %dma_start3A = arith.constant 0 : i32
        %dma_start3A_162 = tpu.memref_slice %arg8[%run_scoped3A_159, %dma_start3A] : memref<2x128xi32, #tpu.memory_space<vmem>> -> memref<1x128xi32, #tpu.memory_space<vmem>>
        %dma_start3A_163 = tpu.memref_squeeze %dma_start3A_162 : memref<1x128xi32, #tpu.memory_space<vmem>> -> memref<128xi32, #tpu.memory_space<vmem>>
        %dma_start3A_164 = arith.constant 0 : i32
        %dma_start3A_165 = arith.constant 0 : i32
        %dma_start3A_166 = tpu.memref_slice %arg2[%dma_start3A_164, %dma_start3A_165] : memref<50000x128xf32, #tpu.memory_space<hbm>> -> memref<50000x128xf32, #tpu.memory_space<hbm>>
        tpu.enqueue_indirect_dma source(%dma_start3A_166 : memref<50000x128xf32, #tpu.memory_space<hbm>>) target(%arg10 : memref<128x128xf32, #tpu.memory_space<vmem>>) offsets(%dma_start3A_163 : memref<128xi32, #tpu.memory_space<vmem>>) semaphore(%run_scoped3A_161 : memref<!tpu.dma_semaphore, #tpu.memory_space<semaphore_mem>>)
        %dma_wait3A = arith.constant 0 : i32
        %dma_wait3A_167 = tpu.memref_slice %arg8[%run_scoped3A_159, %dma_wait3A] : memref<2x128xi32, #tpu.memory_space<vmem>> -> memref<1x128xi32, #tpu.memory_space<vmem>>
        %dma_wait3A_168 = tpu.memref_squeeze %dma_wait3A_167 : memref<1x128xi32, #tpu.memory_space<vmem>> -> memref<128xi32, #tpu.memory_space<vmem>>
        %dma_wait3A_169 = arith.constant 0 : i32
        %dma_wait3A_170 = arith.constant 0 : i32
        %dma_wait3A_171 = tpu.memref_slice %arg2[%dma_wait3A_169, %dma_wait3A_170] : memref<50000x128xf32, #tpu.memory_space<hbm>> -> memref<50000x128xf32, #tpu.memory_space<hbm>>
        tpu.wait_indirect_dma semaphore(%run_scoped3A_161 : memref<!tpu.dma_semaphore, #tpu.memory_space<semaphore_mem>>) src(%dma_wait3A_171 : memref<50000x128xf32, #tpu.memory_space<hbm>>) dst(%arg10 : memref<128x128xf32, #tpu.memory_space<vmem>>)
        tpu.yield
      }) : () -> ()
      %run_scoped3A_160 = arith.constant 1 : i32
      "tpu.region"() ({
        %run_scoped3A_161 = tpu.sem_alloc : memref<!tpu.dma_semaphore, #tpu.memory_space<semaphore_mem>>
        %dma_start3A = arith.constant 0 : i32
        %dma_start3A_162 = tpu.memref_slice %arg8[%run_scoped3A_160, %dma_start3A] : memref<2x128xi32, #tpu.memory_space<vmem>> -> memref<1x128xi32, #tpu.memory_space<vmem>>
        %dma_start3A_163 = tpu.memref_squeeze %dma_start3A_162 : memref<1x128xi32, #tpu.memory_space<vmem>> -> memref<128xi32, #tpu.memory_space<vmem>>
        %dma_start3A_164 = arith.constant 0 : i32
        %dma_start3A_165 = arith.constant 0 : i32
        %dma_start3A_166 = tpu.memref_slice %arg7[%dma_start3A_164, %dma_start3A_165] : memref<12544x128xf32, #tpu.memory_space<vmem_shared>> -> memref<12544x128xf32, #tpu.memory_space<vmem_shared>>
        tpu.enqueue_indirect_dma source(%arg10 : memref<128x128xf32, #tpu.memory_space<vmem>>) target(%dma_start3A_166 : memref<12544x128xf32, #tpu.memory_space<vmem_shared>>) offsets(%dma_start3A_163 : memref<128xi32, #tpu.memory_space<vmem>>) semaphore(%run_scoped3A_161 : memref<!tpu.dma_semaphore, #tpu.memory_space<semaphore_mem>>) {add = true}
        %dma_wait3A = arith.constant 0 : i32
        %dma_wait3A_167 = tpu.memref_slice %arg8[%run_scoped3A_160, %dma_wait3A] : memref<2x128xi32, #tpu.memory_space<vmem>> -> memref<1x128xi32, #tpu.memory_space<vmem>>
        %dma_wait3A_168 = tpu.memref_squeeze %dma_wait3A_167 : memref<1x128xi32, #tpu.memory_space<vmem>> -> memref<128xi32, #tpu.memory_space<vmem>>
        %dma_wait3A_169 = arith.constant 0 : i32
        %dma_wait3A_170 = arith.constant 0 : i32
        %dma_wait3A_171 = tpu.memref_slice %arg7[%dma_wait3A_169, %dma_wait3A_170] : memref<12544x128xf32, #tpu.memory_space<vmem_shared>> -> memref<12544x128xf32, #tpu.memory_space<vmem_shared>>
        tpu.wait_indirect_dma semaphore(%run_scoped3A_161 : memref<!tpu.dma_semaphore, #tpu.memory_space<semaphore_mem>>) src(%arg10 : memref<128x128xf32, #tpu.memory_space<vmem>>) dst(%dma_wait3A_171 : memref<12544x128xf32, #tpu.memory_space<vmem_shared>>)
        tpu.yield
      }) : () -> ()
    }
    %barrier3A_50 = arith.constant 0 : index
    tpu.barrier barrier_id(%barrier3A_50)
    %mul3A_51 = arith.constant 12504 : i32
    %mul3A_52 = arith.muli %add3A_1, %mul3A_51 : i32
    %mul3A_53 = arith.constant 784 : i32
    %mul3A_54 = arith.muli %arg1, %mul3A_53 : i32
    %add3A_55 = arith.addi %mul3A_52, %mul3A_54 : i32
    %lt3A = arith.constant 15 : i32
    %lt3A_56 = arith.cmpi slt, %arg1, %lt3A : i32
    %convert_element_type3A = arith.extui %lt3A_56 : i1 to i32
    %cond3A = arith.constant 0 : i32
    %cond3A_57 = arith.cmpi ne, %convert_element_type3A, %cond3A : i32
    scf.if %cond3A_57 {
      %mul3A_158 = arith.constant 784 : i32
      %mul3A_159 = arith.muli %arg1, %mul3A_158 : i32
      "tpu.region"() ({
        %run_scoped3A_160 = tpu.sem_alloc : memref<!tpu.dma_semaphore, #tpu.memory_space<semaphore_mem>>
        %dma_start3A = arith.constant 0 : i32
        %dma_start3A_161 = tpu.memref_slice %arg6[%add3A_55, %dma_start3A] : memref<50000x128xf32, #tpu.memory_space<hbm>> -> memref<784x128xf32, #tpu.memory_space<hbm>>
        %dma_start3A_162 = arith.constant 0 : i32
        %dma_start3A_163 = tpu.memref_slice %arg7[%mul3A_159, %dma_start3A_162] : memref<12544x128xf32, #tpu.memory_space<vmem_shared>> -> memref<784x128xf32, #tpu.memory_space<vmem_shared>>
        tpu.enqueue_dma source(%dma_start3A_163 : memref<784x128xf32, #tpu.memory_space<vmem_shared>>) target(%dma_start3A_161 : memref<784x128xf32, #tpu.memory_space<hbm>>) target_semaphore(%run_scoped3A_160 : memref<!tpu.dma_semaphore, #tpu.memory_space<semaphore_mem>>)
        %dma_wait3A = arith.constant 0 : i32
        %dma_wait3A_164 = tpu.memref_slice %arg6[%add3A_55, %dma_wait3A] : memref<50000x128xf32, #tpu.memory_space<hbm>> -> memref<784x128xf32, #tpu.memory_space<hbm>>
        %dma_wait3A_165 = arith.constant 0 : i32
        %dma_wait3A_166 = tpu.memref_slice %arg7[%mul3A_159, %dma_wait3A_165] : memref<12544x128xf32, #tpu.memory_space<vmem_shared>> -> memref<784x128xf32, #tpu.memory_space<vmem_shared>>
        tpu.wait_dma2 semaphore(%run_scoped3A_160 : memref<!tpu.dma_semaphore, #tpu.memory_space<semaphore_mem>>) src(%dma_wait3A_166 : memref<784x128xf32, #tpu.memory_space<vmem_shared>>) dst(%dma_wait3A_164 : memref<784x128xf32, #tpu.memory_space<hbm>>)
        tpu.yield
      }) : () -> ()
    } else {
    }
    %eq3A = arith.constant 15 : i32
    %eq3A_58 = arith.cmpi eq, %arg1, %eq3A : i32
    %lt3A_59 = arith.constant 3 : i32
    %lt3A_60 = arith.cmpi slt, %add3A_1, %lt3A_59 : i32
    %and3A = arith.andi %eq3A_58, %lt3A_60 : i1
    %convert_element_type3A_61 = arith.extui %and3A : i1 to i32
    %cond3A_62 = arith.constant 0 : i32
    %cond3A_63 = arith.cmpi ne, %convert_element_type3A_61, %cond3A_62 : i32
    scf.if %cond3A_63 {
      "tpu.region"() ({
        %run_scoped3A_158 = tpu.sem_alloc : memref<!tpu.dma_semaphore, #tpu.memory_space<semaphore_mem>>
        %dma_start3A = arith.constant 0 : i32
        %dma_start3A_159 = tpu.memref_slice %arg6[%add3A_55, %dma_start3A] : memref<50000x128xf32, #tpu.memory_space<hbm>> -> memref<744x128xf32, #tpu.memory_space<hbm>>
        %dma_start3A_160 = arith.constant 11760 : i32
        %dma_start3A_161 = arith.constant 0 : i32
        %dma_start3A_162 = tpu.memref_slice %arg7[%dma_start3A_160, %dma_start3A_161] : memref<12544x128xf32, #tpu.memory_space<vmem_shared>> -> memref<744x128xf32, #tpu.memory_space<vmem_shared>>
        tpu.enqueue_dma source(%dma_start3A_162 : memref<744x128xf32, #tpu.memory_space<vmem_shared>>) target(%dma_start3A_159 : memref<744x128xf32, #tpu.memory_space<hbm>>) target_semaphore(%run_scoped3A_158 : memref<!tpu.dma_semaphore, #tpu.memory_space<semaphore_mem>>)
        %dma_wait3A = arith.constant 0 : i32
        %dma_wait3A_163 = tpu.memref_slice %arg6[%add3A_55, %dma_wait3A] : memref<50000x128xf32, #tpu.memory_space<hbm>> -> memref<744x128xf32, #tpu.memory_space<hbm>>
        %dma_wait3A_164 = arith.constant 11760 : i32
        %dma_wait3A_165 = arith.constant 0 : i32
        %dma_wait3A_166 = tpu.memref_slice %arg7[%dma_wait3A_164, %dma_wait3A_165] : memref<12544x128xf32, #tpu.memory_space<vmem_shared>> -> memref<744x128xf32, #tpu.memory_space<vmem_shared>>
        tpu.wait_dma2 semaphore(%run_scoped3A_158 : memref<!tpu.dma_semaphore, #tpu.memory_space<semaphore_mem>>) src(%dma_wait3A_166 : memref<744x128xf32, #tpu.memory_space<vmem_shared>>) dst(%dma_wait3A_163 : memref<744x128xf32, #tpu.memory_space<hbm>>)
        tpu.yield
      }) : () -> ()
    } else {
    }
    %eq3A_64 = arith.constant 15 : i32
    %eq3A_65 = arith.cmpi eq, %arg1, %eq3A_64 : i32
    %eq3A_66 = arith.constant 3 : i32
    %eq3A_67 = arith.cmpi eq, %add3A_1, %eq3A_66 : i32
    %and3A_68 = arith.andi %eq3A_65, %eq3A_67 : i1
    %convert_element_type3A_69 = arith.extui %and3A_68 : i1 to i32
    %cond3A_70 = arith.constant 0 : i32
    %cond3A_71 = arith.cmpi ne, %convert_element_type3A_69, %cond3A_70 : i32
    scf.if %cond3A_71 {
      "tpu.region"() ({
        %run_scoped3A_158 = tpu.sem_alloc : memref<!tpu.dma_semaphore, #tpu.memory_space<semaphore_mem>>
        %dma_start3A = arith.constant 0 : i32
        %dma_start3A_159 = tpu.memref_slice %arg6[%add3A_55, %dma_start3A] : memref<50000x128xf32, #tpu.memory_space<hbm>> -> memref<728x128xf32, #tpu.memory_space<hbm>>
        %dma_start3A_160 = arith.constant 11760 : i32
        %dma_start3A_161 = arith.constant 0 : i32
        %dma_start3A_162 = tpu.memref_slice %arg7[%dma_start3A_160, %dma_start3A_161] : memref<12544x128xf32, #tpu.memory_space<vmem_shared>> -> memref<728x128xf32, #tpu.memory_space<vmem_shared>>
        tpu.enqueue_dma source(%dma_start3A_162 : memref<728x128xf32, #tpu.memory_space<vmem_shared>>) target(%dma_start3A_159 : memref<728x128xf32, #tpu.memory_space<hbm>>) target_semaphore(%run_scoped3A_158 : memref<!tpu.dma_semaphore, #tpu.memory_space<semaphore_mem>>)
        %dma_wait3A = arith.constant 0 : i32
        %dma_wait3A_163 = tpu.memref_slice %arg6[%add3A_55, %dma_wait3A] : memref<50000x128xf32, #tpu.memory_space<hbm>> -> memref<728x128xf32, #tpu.memory_space<hbm>>
        %dma_wait3A_164 = arith.constant 11760 : i32
        %dma_wait3A_165 = arith.constant 0 : i32
        %dma_wait3A_166 = tpu.memref_slice %arg7[%dma_wait3A_164, %dma_wait3A_165] : memref<12544x128xf32, #tpu.memory_space<vmem_shared>> -> memref<728x128xf32, #tpu.memory_space<vmem_shared>>
        tpu.wait_dma2 semaphore(%run_scoped3A_158 : memref<!tpu.dma_semaphore, #tpu.memory_space<semaphore_mem>>) src(%dma_wait3A_166 : memref<728x128xf32, #tpu.memory_space<vmem_shared>>) dst(%dma_wait3A_163 : memref<728x128xf32, #tpu.memory_space<hbm>>)
        tpu.yield
      }) : () -> ()
    } else {
    }
    %barrier3A_72 = arith.constant 0 : index
    tpu.barrier barrier_id(%barrier3A_72)
    %mul3A_73 = arith.constant 2 : i32
    %mul3A_74 = arith.muli %arg0, %mul3A_73 : i32
    %add3A_75 = arith.constant 1 : i32
    %add3A_76 = arith.addi %mul3A_74, %add3A_75 : i32
    %mul3A_77 = arith.constant 784 : i32
    %mul3A_78 = arith.muli %arg1, %mul3A_77 : i32
    "tpu.region"() ({
      %run_scoped3A_158 = tpu.sem_alloc : memref<!tpu.dma_semaphore, #tpu.memory_space<semaphore_mem>>
      %dma_start3A = arith.constant 0 : i32
      %dma_start3A_159 = tpu.memref_slice %arg7[%mul3A_78, %dma_start3A] : memref<12544x128xf32, #tpu.memory_space<vmem_shared>> -> memref<784x128xf32, #tpu.memory_space<vmem_shared>>
      tpu.enqueue_dma source(%arg5 : memref<784x128xf32, #tpu.memory_space<hbm>>) target(%dma_start3A_159 : memref<784x128xf32, #tpu.memory_space<vmem_shared>>) target_semaphore(%run_scoped3A_158 : memref<!tpu.dma_semaphore, #tpu.memory_space<semaphore_mem>>)
      %dma_wait3A = arith.constant 0 : i32
      %dma_wait3A_160 = tpu.memref_slice %arg7[%mul3A_78, %dma_wait3A] : memref<12544x128xf32, #tpu.memory_space<vmem_shared>> -> memref<784x128xf32, #tpu.memory_space<vmem_shared>>
      tpu.wait_dma2 semaphore(%run_scoped3A_158 : memref<!tpu.dma_semaphore, #tpu.memory_space<semaphore_mem>>) src(%arg5 : memref<784x128xf32, #tpu.memory_space<hbm>>) dst(%dma_wait3A_160 : memref<784x128xf32, #tpu.memory_space<vmem_shared>>)
      tpu.yield
    }) : () -> ()
    %barrier3A_79 = arith.constant 0 : index
    tpu.barrier barrier_id(%barrier3A_79)
    %mul3A_80 = arith.constant 2 : i32
    %mul3A_81 = arith.muli %arg1, %mul3A_80 : i32
    %add3A_82 = arith.constant 0 : i32
    %add3A_83 = arith.addi %mul3A_81, %add3A_82 : i32
    %run_scoped3A_84 = arith.constant 0 : i32
    "tpu.region"() ({
      %run_scoped3A_158 = tpu.sem_alloc : memref<!tpu.dma_semaphore, #tpu.memory_space<semaphore_mem>>
      %dma_start3A = arith.constant 0 : i32
      %dma_start3A_159 = tpu.memref_slice %arg4[%add3A_76, %add3A_83, %run_scoped3A_84, %dma_start3A] : memref<4x32x1x128xi32, #tpu.memory_space<hbm>> -> memref<1x1x1x128xi32, #tpu.memory_space<hbm>>
      %dma_start3A_160 = tpu.memref_squeeze %dma_start3A_159 : memref<1x1x1x128xi32, #tpu.memory_space<hbm>> -> memref<128xi32, #tpu.memory_space<hbm>>
      %dma_start3A_161 = arith.constant 0 : i32
      %dma_start3A_162 = tpu.memref_slice %arg4[%add3A_76, %add3A_83, %run_scoped3A_84, %dma_start3A_161] : memref<4x32x1x128xi32, #tpu.memory_space<hbm>> -> memref<1x1x1x128xi32, #tpu.memory_space<hbm>>
      %dma_start3A_163 = tpu.memref_squeeze %dma_start3A_162 : memref<1x1x1x128xi32, #tpu.memory_space<hbm>> -> memref<128xi32, #tpu.memory_space<hbm>>
      tpu.enqueue_dma source(%dma_start3A_163 : memref<128xi32, #tpu.memory_space<hbm>>) target(%arg9 : memref<128xi32, #tpu.memory_space<vmem>>) target_semaphore(%run_scoped3A_158 : memref<!tpu.dma_semaphore, #tpu.memory_space<semaphore_mem>>)
      %dma_wait3A = arith.constant 0 : i32
      %dma_wait3A_164 = tpu.memref_slice %arg4[%add3A_76, %add3A_83, %run_scoped3A_84, %dma_wait3A] : memref<4x32x1x128xi32, #tpu.memory_space<hbm>> -> memref<1x1x1x128xi32, #tpu.memory_space<hbm>>
      %dma_wait3A_165 = tpu.memref_squeeze %dma_wait3A_164 : memref<1x1x1x128xi32, #tpu.memory_space<hbm>> -> memref<128xi32, #tpu.memory_space<hbm>>
      %dma_wait3A_166 = arith.constant 0 : i32
      %dma_wait3A_167 = tpu.memref_slice %arg4[%add3A_76, %add3A_83, %run_scoped3A_84, %dma_wait3A_166] : memref<4x32x1x128xi32, #tpu.memory_space<hbm>> -> memref<1x1x1x128xi32, #tpu.memory_space<hbm>>
      %dma_wait3A_168 = tpu.memref_squeeze %dma_wait3A_167 : memref<1x1x1x128xi32, #tpu.memory_space<hbm>> -> memref<128xi32, #tpu.memory_space<hbm>>
      tpu.wait_dma2 semaphore(%run_scoped3A_158 : memref<!tpu.dma_semaphore, #tpu.memory_space<semaphore_mem>>) src(%dma_wait3A_168 : memref<128xi32, #tpu.memory_space<hbm>>) dst(%arg9 : memref<128xi32, #tpu.memory_space<vmem>>)
      tpu.yield
    }) : () -> ()
    %get3A_85 = arith.constant 0 : index
    %get3A_86 = tpu.vector_load %arg9[%get3A_85] {strides = array<i32>} : memref<128xi32, #tpu.memory_space<vmem>>, vector<16xi32>,
    %reduce_max3A_87 = arith.constant true
    %reduce_max3A_88 = vector.broadcast %reduce_max3A_87 : i1 to vector<16xi1>
    %reduce_max3A_89 = arith.constant -2147483648 : i32
    %reduce_max3A_90 = vector.broadcast %reduce_max3A_89 : i32 to vector<16xi32>
    %reduce_max3A_91 = arith.xori %get3A_86, %reduce_max3A_90 : vector<16xi32>
    %reduce_max3A_92 = tpu.scan <max>, %reduce_max3A_91 masked %reduce_max3A_88 : vector<16xi32>, vector<16xi1> -> vector<16xi32>
    %reduce_max3A_93 = arith.xori %reduce_max3A_92, %reduce_max3A_90 : vector<16xi32>
    %reduce_max3A_94 = vector.extract %reduce_max3A_93[15] : i32 from vector<16xi32>
    %while3A_95 = arith.constant 0 : i32
    %while3A_96 = arith.constant 0 : i32
    %while3A_97 = arith.subi %reduce_max3A_94, %while3A_96 : i32
    %while3A_98 = arith.addi %while3A_96, %while3A_97 : i32
    %while3A_99 = arith.constant 1 : i32
    %while3A_100 = arith.divsi %while3A_97, %while3A_99 : i32
    %while3A_101 = arith.muli %while3A_100, %while3A_99 : i32
    %while3A_102 = arith.addi %while3A_96, %while3A_101 : i32
    %while3A_103 = arith.constant 1 : i32
    scf.for %while3A_158 = %while3A_96 to %while3A_102 step %while3A_103  : i32 {
      "tpu.region"() ({
        %run_scoped3A_161 = tpu.sem_alloc : memref<!tpu.dma_semaphore, #tpu.memory_space<semaphore_mem>>
        %dma_start3A = arith.constant 0 : i32
        %dma_start3A_162 = arith.constant 0 : i32
        %dma_start3A_163 = tpu.memref_slice %arg3[%add3A_76, %add3A_83, %while3A_158, %dma_start3A, %dma_start3A_162] : memref<4x32x200x2x128xi32, #tpu.memory_space<hbm>> -> memref<1x1x1x2x128xi32, #tpu.memory_space<hbm>>
        %dma_start3A_164 = tpu.memref_squeeze %dma_start3A_163 : memref<1x1x1x2x128xi32, #tpu.memory_space<hbm>> -> memref<2x128xi32, #tpu.memory_space<hbm>>
        %dma_start3A_165 = arith.constant 0 : i32
        %dma_start3A_166 = arith.constant 0 : i32
        %dma_start3A_167 = tpu.memref_slice %arg3[%add3A_76, %add3A_83, %while3A_158, %dma_start3A_165, %dma_start3A_166] : memref<4x32x200x2x128xi32, #tpu.memory_space<hbm>> -> memref<1x1x1x2x128xi32, #tpu.memory_space<hbm>>
        %dma_start3A_168 = tpu.memref_squeeze %dma_start3A_167 : memref<1x1x1x2x128xi32, #tpu.memory_space<hbm>> -> memref<2x128xi32, #tpu.memory_space<hbm>>
        tpu.enqueue_dma source(%dma_start3A_168 : memref<2x128xi32, #tpu.memory_space<hbm>>) target(%arg8 : memref<2x128xi32, #tpu.memory_space<vmem>>) target_semaphore(%run_scoped3A_161 : memref<!tpu.dma_semaphore, #tpu.memory_space<semaphore_mem>>)
        %dma_wait3A = arith.constant 0 : i32
        %dma_wait3A_169 = arith.constant 0 : i32
        %dma_wait3A_170 = tpu.memref_slice %arg3[%add3A_76, %add3A_83, %while3A_158, %dma_wait3A, %dma_wait3A_169] : memref<4x32x200x2x128xi32, #tpu.memory_space<hbm>> -> memref<1x1x1x2x128xi32, #tpu.memory_space<hbm>>
        %dma_wait3A_171 = tpu.memref_squeeze %dma_wait3A_170 : memref<1x1x1x2x128xi32, #tpu.memory_space<hbm>> -> memref<2x128xi32, #tpu.memory_space<hbm>>
        %dma_wait3A_172 = arith.constant 0 : i32
        %dma_wait3A_173 = arith.constant 0 : i32
        %dma_wait3A_174 = tpu.memref_slice %arg3[%add3A_76, %add3A_83, %while3A_158, %dma_wait3A_172, %dma_wait3A_173] : memref<4x32x200x2x128xi32, #tpu.memory_space<hbm>> -> memref<1x1x1x2x128xi32, #tpu.memory_space<hbm>>
        %dma_wait3A_175 = tpu.memref_squeeze %dma_wait3A_174 : memref<1x1x1x2x128xi32, #tpu.memory_space<hbm>> -> memref<2x128xi32, #tpu.memory_space<hbm>>
        tpu.wait_dma2 semaphore(%run_scoped3A_161 : memref<!tpu.dma_semaphore, #tpu.memory_space<semaphore_mem>>) src(%dma_wait3A_175 : memref<2x128xi32, #tpu.memory_space<hbm>>) dst(%arg8 : memref<2x128xi32, #tpu.memory_space<vmem>>)
        tpu.yield
      }) : () -> ()
      %run_scoped3A_159 = arith.constant 0 : i32
      "tpu.region"() ({
        %run_scoped3A_161 = tpu.sem_alloc : memref<!tpu.dma_semaphore, #tpu.memory_space<semaphore_mem>>
        %dma_start3A = arith.constant 0 : i32
        %dma_start3A_162 = tpu.memref_slice %arg8[%run_scoped3A_159, %dma_start3A] : memref<2x128xi32, #tpu.memory_space<vmem>> -> memref<1x128xi32, #tpu.memory_space<vmem>>
        %dma_start3A_163 = tpu.memref_squeeze %dma_start3A_162 : memref<1x128xi32, #tpu.memory_space<vmem>> -> memref<128xi32, #tpu.memory_space<vmem>>
        %dma_start3A_164 = arith.constant 0 : i32
        %dma_start3A_165 = arith.constant 0 : i32
        %dma_start3A_166 = tpu.memref_slice %arg2[%dma_start3A_164, %dma_start3A_165] : memref<50000x128xf32, #tpu.memory_space<hbm>> -> memref<50000x128xf32, #tpu.memory_space<hbm>>
        tpu.enqueue_indirect_dma source(%dma_start3A_166 : memref<50000x128xf32, #tpu.memory_space<hbm>>) target(%arg10 : memref<128x128xf32, #tpu.memory_space<vmem>>) offsets(%dma_start3A_163 : memref<128xi32, #tpu.memory_space<vmem>>) semaphore(%run_scoped3A_161 : memref<!tpu.dma_semaphore, #tpu.memory_space<semaphore_mem>>)
        %dma_wait3A = arith.constant 0 : i32
        %dma_wait3A_167 = tpu.memref_slice %arg8[%run_scoped3A_159, %dma_wait3A] : memref<2x128xi32, #tpu.memory_space<vmem>> -> memref<1x128xi32, #tpu.memory_space<vmem>>
        %dma_wait3A_168 = tpu.memref_squeeze %dma_wait3A_167 : memref<1x128xi32, #tpu.memory_space<vmem>> -> memref<128xi32, #tpu.memory_space<vmem>>
        %dma_wait3A_169 = arith.constant 0 : i32
        %dma_wait3A_170 = arith.constant 0 : i32
        %dma_wait3A_171 = tpu.memref_slice %arg2[%dma_wait3A_169, %dma_wait3A_170] : memref<50000x128xf32, #tpu.memory_space<hbm>> -> memref<50000x128xf32, #tpu.memory_space<hbm>>
        tpu.wait_indirect_dma semaphore(%run_scoped3A_161 : memref<!tpu.dma_semaphore, #tpu.memory_space<semaphore_mem>>) src(%dma_wait3A_171 : memref<50000x128xf32, #tpu.memory_space<hbm>>) dst(%arg10 : memref<128x128xf32, #tpu.memory_space<vmem>>)
        tpu.yield
      }) : () -> ()
      %run_scoped3A_160 = arith.constant 1 : i32
      "tpu.region"() ({
        %run_scoped3A_161 = tpu.sem_alloc : memref<!tpu.dma_semaphore, #tpu.memory_space<semaphore_mem>>
        %dma_start3A = arith.constant 0 : i32
        %dma_start3A_162 = tpu.memref_slice %arg8[%run_scoped3A_160, %dma_start3A] : memref<2x128xi32, #tpu.memory_space<vmem>> -> memref<1x128xi32, #tpu.memory_space<vmem>>
        %dma_start3A_163 = tpu.memref_squeeze %dma_start3A_162 : memref<1x128xi32, #tpu.memory_space<vmem>> -> memref<128xi32, #tpu.memory_space<vmem>>
        %dma_start3A_164 = arith.constant 0 : i32
        %dma_start3A_165 = arith.constant 0 : i32
        %dma_start3A_166 = tpu.memref_slice %arg7[%dma_start3A_164, %dma_start3A_165] : memref<12544x128xf32, #tpu.memory_space<vmem_shared>> -> memref<12544x128xf32, #tpu.memory_space<vmem_shared>>
        tpu.enqueue_indirect_dma source(%arg10 : memref<128x128xf32, #tpu.memory_space<vmem>>) target(%dma_start3A_166 : memref<12544x128xf32, #tpu.memory_space<vmem_shared>>) offsets(%dma_start3A_163 : memref<128xi32, #tpu.memory_space<vmem>>) semaphore(%run_scoped3A_161 : memref<!tpu.dma_semaphore, #tpu.memory_space<semaphore_mem>>) {add = true}
        %dma_wait3A = arith.constant 0 : i32
        %dma_wait3A_167 = tpu.memref_slice %arg8[%run_scoped3A_160, %dma_wait3A] : memref<2x128xi32, #tpu.memory_space<vmem>> -> memref<1x128xi32, #tpu.memory_space<vmem>>
        %dma_wait3A_168 = tpu.memref_squeeze %dma_wait3A_167 : memref<1x128xi32, #tpu.memory_space<vmem>> -> memref<128xi32, #tpu.memory_space<vmem>>
        %dma_wait3A_169 = arith.constant 0 : i32
        %dma_wait3A_170 = arith.constant 0 : i32
        %dma_wait3A_171 = tpu.memref_slice %arg7[%dma_wait3A_169, %dma_wait3A_170] : memref<12544x128xf32, #tpu.memory_space<vmem_shared>> -> memref<12544x128xf32, #tpu.memory_space<vmem_shared>>
        tpu.wait_indirect_dma semaphore(%run_scoped3A_161 : memref<!tpu.dma_semaphore, #tpu.memory_space<semaphore_mem>>) src(%arg10 : memref<128x128xf32, #tpu.memory_space<vmem>>) dst(%dma_wait3A_171 : memref<12544x128xf32, #tpu.memory_space<vmem_shared>>)
        tpu.yield
      }) : () -> ()
    }
    %while3A_104 = arith.constant 1 : i32
    scf.for %while3A_158 = %while3A_102 to %while3A_98 step %while3A_104  : i32 {
      "tpu.region"() ({
        %run_scoped3A_161 = tpu.sem_alloc : memref<!tpu.dma_semaphore, #tpu.memory_space<semaphore_mem>>
        %dma_start3A = arith.constant 0 : i32
        %dma_start3A_162 = arith.constant 0 : i32
        %dma_start3A_163 = tpu.memref_slice %arg3[%add3A_76, %add3A_83, %while3A_158, %dma_start3A, %dma_start3A_162] : memref<4x32x200x2x128xi32, #tpu.memory_space<hbm>> -> memref<1x1x1x2x128xi32, #tpu.memory_space<hbm>>
        %dma_start3A_164 = tpu.memref_squeeze %dma_start3A_163 : memref<1x1x1x2x128xi32, #tpu.memory_space<hbm>> -> memref<2x128xi32, #tpu.memory_space<hbm>>
        %dma_start3A_165 = arith.constant 0 : i32
        %dma_start3A_166 = arith.constant 0 : i32
        %dma_start3A_167 = tpu.memref_slice %arg3[%add3A_76, %add3A_83, %while3A_158, %dma_start3A_165, %dma_start3A_166] : memref<4x32x200x2x128xi32, #tpu.memory_space<hbm>> -> memref<1x1x1x2x128xi32, #tpu.memory_space<hbm>>
        %dma_start3A_168 = tpu.memref_squeeze %dma_start3A_167 : memref<1x1x1x2x128xi32, #tpu.memory_space<hbm>> -> memref<2x128xi32, #tpu.memory_space<hbm>>
        tpu.enqueue_dma source(%dma_start3A_168 : memref<2x128xi32, #tpu.memory_space<hbm>>) target(%arg8 : memref<2x128xi32, #tpu.memory_space<vmem>>) target_semaphore(%run_scoped3A_161 : memref<!tpu.dma_semaphore, #tpu.memory_space<semaphore_mem>>)
        %dma_wait3A = arith.constant 0 : i32
        %dma_wait3A_169 = arith.constant 0 : i32
        %dma_wait3A_170 = tpu.memref_slice %arg3[%add3A_76, %add3A_83, %while3A_158, %dma_wait3A, %dma_wait3A_169] : memref<4x32x200x2x128xi32, #tpu.memory_space<hbm>> -> memref<1x1x1x2x128xi32, #tpu.memory_space<hbm>>
        %dma_wait3A_171 = tpu.memref_squeeze %dma_wait3A_170 : memref<1x1x1x2x128xi32, #tpu.memory_space<hbm>> -> memref<2x128xi32, #tpu.memory_space<hbm>>
        %dma_wait3A_172 = arith.constant 0 : i32
        %dma_wait3A_173 = arith.constant 0 : i32
        %dma_wait3A_174 = tpu.memref_slice %arg3[%add3A_76, %add3A_83, %while3A_158, %dma_wait3A_172, %dma_wait3A_173] : memref<4x32x200x2x128xi32, #tpu.memory_space<hbm>> -> memref<1x1x1x2x128xi32, #tpu.memory_space<hbm>>
        %dma_wait3A_175 = tpu.memref_squeeze %dma_wait3A_174 : memref<1x1x1x2x128xi32, #tpu.memory_space<hbm>> -> memref<2x128xi32, #tpu.memory_space<hbm>>
        tpu.wait_dma2 semaphore(%run_scoped3A_161 : memref<!tpu.dma_semaphore, #tpu.memory_space<semaphore_mem>>) src(%dma_wait3A_175 : memref<2x128xi32, #tpu.memory_space<hbm>>) dst(%arg8 : memref<2x128xi32, #tpu.memory_space<vmem>>)
        tpu.yield
      }) : () -> ()
      %run_scoped3A_159 = arith.constant 0 : i32
      "tpu.region"() ({
        %run_scoped3A_161 = tpu.sem_alloc : memref<!tpu.dma_semaphore, #tpu.memory_space<semaphore_mem>>
        %dma_start3A = arith.constant 0 : i32
        %dma_start3A_162 = tpu.memref_slice %arg8[%run_scoped3A_159, %dma_start3A] : memref<2x128xi32, #tpu.memory_space<vmem>> -> memref<1x128xi32, #tpu.memory_space<vmem>>
        %dma_start3A_163 = tpu.memref_squeeze %dma_start3A_162 : memref<1x128xi32, #tpu.memory_space<vmem>> -> memref<128xi32, #tpu.memory_space<vmem>>
        %dma_start3A_164 = arith.constant 0 : i32
        %dma_start3A_165 = arith.constant 0 : i32
        %dma_start3A_166 = tpu.memref_slice %arg2[%dma_start3A_164, %dma_start3A_165] : memref<50000x128xf32, #tpu.memory_space<hbm>> -> memref<50000x128xf32, #tpu.memory_space<hbm>>
        tpu.enqueue_indirect_dma source(%dma_start3A_166 : memref<50000x128xf32, #tpu.memory_space<hbm>>) target(%arg10 : memref<128x128xf32, #tpu.memory_space<vmem>>) offsets(%dma_start3A_163 : memref<128xi32, #tpu.memory_space<vmem>>) semaphore(%run_scoped3A_161 : memref<!tpu.dma_semaphore, #tpu.memory_space<semaphore_mem>>)
        %dma_wait3A = arith.constant 0 : i32
        %dma_wait3A_167 = tpu.memref_slice %arg8[%run_scoped3A_159, %dma_wait3A] : memref<2x128xi32, #tpu.memory_space<vmem>> -> memref<1x128xi32, #tpu.memory_space<vmem>>
        %dma_wait3A_168 = tpu.memref_squeeze %dma_wait3A_167 : memref<1x128xi32, #tpu.memory_space<vmem>> -> memref<128xi32, #tpu.memory_space<vmem>>
        %dma_wait3A_169 = arith.constant 0 : i32
        %dma_wait3A_170 = arith.constant 0 : i32
        %dma_wait3A_171 = tpu.memref_slice %arg2[%dma_wait3A_169, %dma_wait3A_170] : memref<50000x128xf32, #tpu.memory_space<hbm>> -> memref<50000x128xf32, #tpu.memory_space<hbm>>
        tpu.wait_indirect_dma semaphore(%run_scoped3A_161 : memref<!tpu.dma_semaphore, #tpu.memory_space<semaphore_mem>>) src(%dma_wait3A_171 : memref<50000x128xf32, #tpu.memory_space<hbm>>) dst(%arg10 : memref<128x128xf32, #tpu.memory_space<vmem>>)
        tpu.yield
      }) : () -> ()
      %run_scoped3A_160 = arith.constant 1 : i32
      "tpu.region"() ({
        %run_scoped3A_161 = tpu.sem_alloc : memref<!tpu.dma_semaphore, #tpu.memory_space<semaphore_mem>>
        %dma_start3A = arith.constant 0 : i32
        %dma_start3A_162 = tpu.memref_slice %arg8[%run_scoped3A_160, %dma_start3A] : memref<2x128xi32, #tpu.memory_space<vmem>> -> memref<1x128xi32, #tpu.memory_space<vmem>>
        %dma_start3A_163 = tpu.memref_squeeze %dma_start3A_162 : memref<1x128xi32, #tpu.memory_space<vmem>> -> memref<128xi32, #tpu.memory_space<vmem>>
        %dma_start3A_164 = arith.constant 0 : i32
        %dma_start3A_165 = arith.constant 0 : i32
        %dma_start3A_166 = tpu.memref_slice %arg7[%dma_start3A_164, %dma_start3A_165] : memref<12544x128xf32, #tpu.memory_space<vmem_shared>> -> memref<12544x128xf32, #tpu.memory_space<vmem_shared>>
        tpu.enqueue_indirect_dma source(%arg10 : memref<128x128xf32, #tpu.memory_space<vmem>>) target(%dma_start3A_166 : memref<12544x128xf32, #tpu.memory_space<vmem_shared>>) offsets(%dma_start3A_163 : memref<128xi32, #tpu.memory_space<vmem>>) semaphore(%run_scoped3A_161 : memref<!tpu.dma_semaphore, #tpu.memory_space<semaphore_mem>>) {add = true}
        %dma_wait3A = arith.constant 0 : i32
        %dma_wait3A_167 = tpu.memref_slice %arg8[%run_scoped3A_160, %dma_wait3A] : memref<2x128xi32, #tpu.memory_space<vmem>> -> memref<1x128xi32, #tpu.memory_space<vmem>>
        %dma_wait3A_168 = tpu.memref_squeeze %dma_wait3A_167 : memref<1x128xi32, #tpu.memory_space<vmem>> -> memref<128xi32, #tpu.memory_space<vmem>>
        %dma_wait3A_169 = arith.constant 0 : i32
        %dma_wait3A_170 = arith.constant 0 : i32
        %dma_wait3A_171 = tpu.memref_slice %arg7[%dma_wait3A_169, %dma_wait3A_170] : memref<12544x128xf32, #tpu.memory_space<vmem_shared>> -> memref<12544x128xf32, #tpu.memory_space<vmem_shared>>
        tpu.wait_indirect_dma semaphore(%run_scoped3A_161 : memref<!tpu.dma_semaphore, #tpu.memory_space<semaphore_mem>>) src(%arg10 : memref<128x128xf32, #tpu.memory_space<vmem>>) dst(%dma_wait3A_171 : memref<12544x128xf32, #tpu.memory_space<vmem_shared>>)
        tpu.yield
      }) : () -> ()
    }
    %mul3A_105 = arith.constant 2 : i32
    %mul3A_106 = arith.muli %arg1, %mul3A_105 : i32
    %add3A_107 = arith.constant 1 : i32
    %add3A_108 = arith.addi %mul3A_106, %add3A_107 : i32
    %run_scoped3A_109 = arith.constant 0 : i32
    "tpu.region"() ({
      %run_scoped3A_158 = tpu.sem_alloc : memref<!tpu.dma_semaphore, #tpu.memory_space<semaphore_mem>>
      %dma_start3A = arith.constant 0 : i32
      %dma_start3A_159 = tpu.memref_slice %arg4[%add3A_76, %add3A_108, %run_scoped3A_109, %dma_start3A] : memref<4x32x1x128xi32, #tpu.memory_space<hbm>> -> memref<1x1x1x128xi32, #tpu.memory_space<hbm>>
      %dma_start3A_160 = tpu.memref_squeeze %dma_start3A_159 : memref<1x1x1x128xi32, #tpu.memory_space<hbm>> -> memref<128xi32, #tpu.memory_space<hbm>>
      %dma_start3A_161 = arith.constant 0 : i32
      %dma_start3A_162 = tpu.memref_slice %arg4[%add3A_76, %add3A_108, %run_scoped3A_109, %dma_start3A_161] : memref<4x32x1x128xi32, #tpu.memory_space<hbm>> -> memref<1x1x1x128xi32, #tpu.memory_space<hbm>>
      %dma_start3A_163 = tpu.memref_squeeze %dma_start3A_162 : memref<1x1x1x128xi32, #tpu.memory_space<hbm>> -> memref<128xi32, #tpu.memory_space<hbm>>
      tpu.enqueue_dma source(%dma_start3A_163 : memref<128xi32, #tpu.memory_space<hbm>>) target(%arg9 : memref<128xi32, #tpu.memory_space<vmem>>) target_semaphore(%run_scoped3A_158 : memref<!tpu.dma_semaphore, #tpu.memory_space<semaphore_mem>>)
      %dma_wait3A = arith.constant 0 : i32
      %dma_wait3A_164 = tpu.memref_slice %arg4[%add3A_76, %add3A_108, %run_scoped3A_109, %dma_wait3A] : memref<4x32x1x128xi32, #tpu.memory_space<hbm>> -> memref<1x1x1x128xi32, #tpu.memory_space<hbm>>
      %dma_wait3A_165 = tpu.memref_squeeze %dma_wait3A_164 : memref<1x1x1x128xi32, #tpu.memory_space<hbm>> -> memref<128xi32, #tpu.memory_space<hbm>>
      %dma_wait3A_166 = arith.constant 0 : i32
      %dma_wait3A_167 = tpu.memref_slice %arg4[%add3A_76, %add3A_108, %run_scoped3A_109, %dma_wait3A_166] : memref<4x32x1x128xi32, #tpu.memory_space<hbm>> -> memref<1x1x1x128xi32, #tpu.memory_space<hbm>>
      %dma_wait3A_168 = tpu.memref_squeeze %dma_wait3A_167 : memref<1x1x1x128xi32, #tpu.memory_space<hbm>> -> memref<128xi32, #tpu.memory_space<hbm>>
      tpu.wait_dma2 semaphore(%run_scoped3A_158 : memref<!tpu.dma_semaphore, #tpu.memory_space<semaphore_mem>>) src(%dma_wait3A_168 : memref<128xi32, #tpu.memory_space<hbm>>) dst(%arg9 : memref<128xi32, #tpu.memory_space<vmem>>)
      tpu.yield
    }) : () -> ()
    %get3A_110 = arith.constant 0 : index
    %get3A_111 = tpu.vector_load %arg9[%get3A_110] {strides = array<i32>} : memref<128xi32, #tpu.memory_space<vmem>>, vector<16xi32>,
    %reduce_max3A_112 = arith.constant true
    %reduce_max3A_113 = vector.broadcast %reduce_max3A_112 : i1 to vector<16xi1>
    %reduce_max3A_114 = arith.constant -2147483648 : i32
    %reduce_max3A_115 = vector.broadcast %reduce_max3A_114 : i32 to vector<16xi32>
    %reduce_max3A_116 = arith.xori %get3A_111, %reduce_max3A_115 : vector<16xi32>
    %reduce_max3A_117 = tpu.scan <max>, %reduce_max3A_116 masked %reduce_max3A_113 : vector<16xi32>, vector<16xi1> -> vector<16xi32>
    %reduce_max3A_118 = arith.xori %reduce_max3A_117, %reduce_max3A_115 : vector<16xi32>
    %reduce_max3A_119 = vector.extract %reduce_max3A_118[15] : i32 from vector<16xi32>
    %while3A_120 = arith.constant 0 : i32
    %while3A_121 = arith.constant 0 : i32
    %while3A_122 = arith.subi %reduce_max3A_119, %while3A_121 : i32
    %while3A_123 = arith.addi %while3A_121, %while3A_122 : i32
    %while3A_124 = arith.constant 1 : i32
    %while3A_125 = arith.divsi %while3A_122, %while3A_124 : i32
    %while3A_126 = arith.muli %while3A_125, %while3A_124 : i32
    %while3A_127 = arith.addi %while3A_121, %while3A_126 : i32
    %while3A_128 = arith.constant 1 : i32
    scf.for %while3A_158 = %while3A_121 to %while3A_127 step %while3A_128  : i32 {
      "tpu.region"() ({
        %run_scoped3A_161 = tpu.sem_alloc : memref<!tpu.dma_semaphore, #tpu.memory_space<semaphore_mem>>
        %dma_start3A = arith.constant 0 : i32
        %dma_start3A_162 = arith.constant 0 : i32
        %dma_start3A_163 = tpu.memref_slice %arg3[%add3A_76, %add3A_108, %while3A_158, %dma_start3A, %dma_start3A_162] : memref<4x32x200x2x128xi32, #tpu.memory_space<hbm>> -> memref<1x1x1x2x128xi32, #tpu.memory_space<hbm>>
        %dma_start3A_164 = tpu.memref_squeeze %dma_start3A_163 : memref<1x1x1x2x128xi32, #tpu.memory_space<hbm>> -> memref<2x128xi32, #tpu.memory_space<hbm>>
        %dma_start3A_165 = arith.constant 0 : i32
        %dma_start3A_166 = arith.constant 0 : i32
        %dma_start3A_167 = tpu.memref_slice %arg3[%add3A_76, %add3A_108, %while3A_158, %dma_start3A_165, %dma_start3A_166] : memref<4x32x200x2x128xi32, #tpu.memory_space<hbm>> -> memref<1x1x1x2x128xi32, #tpu.memory_space<hbm>>
        %dma_start3A_168 = tpu.memref_squeeze %dma_start3A_167 : memref<1x1x1x2x128xi32, #tpu.memory_space<hbm>> -> memref<2x128xi32, #tpu.memory_space<hbm>>
        tpu.enqueue_dma source(%dma_start3A_168 : memref<2x128xi32, #tpu.memory_space<hbm>>) target(%arg8 : memref<2x128xi32, #tpu.memory_space<vmem>>) target_semaphore(%run_scoped3A_161 : memref<!tpu.dma_semaphore, #tpu.memory_space<semaphore_mem>>)
        %dma_wait3A = arith.constant 0 : i32
        %dma_wait3A_169 = arith.constant 0 : i32
        %dma_wait3A_170 = tpu.memref_slice %arg3[%add3A_76, %add3A_108, %while3A_158, %dma_wait3A, %dma_wait3A_169] : memref<4x32x200x2x128xi32, #tpu.memory_space<hbm>> -> memref<1x1x1x2x128xi32, #tpu.memory_space<hbm>>
        %dma_wait3A_171 = tpu.memref_squeeze %dma_wait3A_170 : memref<1x1x1x2x128xi32, #tpu.memory_space<hbm>> -> memref<2x128xi32, #tpu.memory_space<hbm>>
        %dma_wait3A_172 = arith.constant 0 : i32
        %dma_wait3A_173 = arith.constant 0 : i32
        %dma_wait3A_174 = tpu.memref_slice %arg3[%add3A_76, %add3A_108, %while3A_158, %dma_wait3A_172, %dma_wait3A_173] : memref<4x32x200x2x128xi32, #tpu.memory_space<hbm>> -> memref<1x1x1x2x128xi32, #tpu.memory_space<hbm>>
        %dma_wait3A_175 = tpu.memref_squeeze %dma_wait3A_174 : memref<1x1x1x2x128xi32, #tpu.memory_space<hbm>> -> memref<2x128xi32, #tpu.memory_space<hbm>>
        tpu.wait_dma2 semaphore(%run_scoped3A_161 : memref<!tpu.dma_semaphore, #tpu.memory_space<semaphore_mem>>) src(%dma_wait3A_175 : memref<2x128xi32, #tpu.memory_space<hbm>>) dst(%arg8 : memref<2x128xi32, #tpu.memory_space<vmem>>)
        tpu.yield
      }) : () -> ()
      %run_scoped3A_159 = arith.constant 0 : i32
      "tpu.region"() ({
        %run_scoped3A_161 = tpu.sem_alloc : memref<!tpu.dma_semaphore, #tpu.memory_space<semaphore_mem>>
        %dma_start3A = arith.constant 0 : i32
        %dma_start3A_162 = tpu.memref_slice %arg8[%run_scoped3A_159, %dma_start3A] : memref<2x128xi32, #tpu.memory_space<vmem>> -> memref<1x128xi32, #tpu.memory_space<vmem>>
        %dma_start3A_163 = tpu.memref_squeeze %dma_start3A_162 : memref<1x128xi32, #tpu.memory_space<vmem>> -> memref<128xi32, #tpu.memory_space<vmem>>
        %dma_start3A_164 = arith.constant 0 : i32
        %dma_start3A_165 = arith.constant 0 : i32
        %dma_start3A_166 = tpu.memref_slice %arg2[%dma_start3A_164, %dma_start3A_165] : memref<50000x128xf32, #tpu.memory_space<hbm>> -> memref<50000x128xf32, #tpu.memory_space<hbm>>
        tpu.enqueue_indirect_dma source(%dma_start3A_166 : memref<50000x128xf32, #tpu.memory_space<hbm>>) target(%arg10 : memref<128x128xf32, #tpu.memory_space<vmem>>) offsets(%dma_start3A_163 : memref<128xi32, #tpu.memory_space<vmem>>) semaphore(%run_scoped3A_161 : memref<!tpu.dma_semaphore, #tpu.memory_space<semaphore_mem>>)
        %dma_wait3A = arith.constant 0 : i32
        %dma_wait3A_167 = tpu.memref_slice %arg8[%run_scoped3A_159, %dma_wait3A] : memref<2x128xi32, #tpu.memory_space<vmem>> -> memref<1x128xi32, #tpu.memory_space<vmem>>
        %dma_wait3A_168 = tpu.memref_squeeze %dma_wait3A_167 : memref<1x128xi32, #tpu.memory_space<vmem>> -> memref<128xi32, #tpu.memory_space<vmem>>
        %dma_wait3A_169 = arith.constant 0 : i32
        %dma_wait3A_170 = arith.constant 0 : i32
        %dma_wait3A_171 = tpu.memref_slice %arg2[%dma_wait3A_169, %dma_wait3A_170] : memref<50000x128xf32, #tpu.memory_space<hbm>> -> memref<50000x128xf32, #tpu.memory_space<hbm>>
        tpu.wait_indirect_dma semaphore(%run_scoped3A_161 : memref<!tpu.dma_semaphore, #tpu.memory_space<semaphore_mem>>) src(%dma_wait3A_171 : memref<50000x128xf32, #tpu.memory_space<hbm>>) dst(%arg10 : memref<128x128xf32, #tpu.memory_space<vmem>>)
        tpu.yield
      }) : () -> ()
      %run_scoped3A_160 = arith.constant 1 : i32
      "tpu.region"() ({
        %run_scoped3A_161 = tpu.sem_alloc : memref<!tpu.dma_semaphore, #tpu.memory_space<semaphore_mem>>
        %dma_start3A = arith.constant 0 : i32
        %dma_start3A_162 = tpu.memref_slice %arg8[%run_scoped3A_160, %dma_start3A] : memref<2x128xi32, #tpu.memory_space<vmem>> -> memref<1x128xi32, #tpu.memory_space<vmem>>
        %dma_start3A_163 = tpu.memref_squeeze %dma_start3A_162 : memref<1x128xi32, #tpu.memory_space<vmem>> -> memref<128xi32, #tpu.memory_space<vmem>>
        %dma_start3A_164 = arith.constant 0 : i32
        %dma_start3A_165 = arith.constant 0 : i32
        %dma_start3A_166 = tpu.memref_slice %arg7[%dma_start3A_164, %dma_start3A_165] : memref<12544x128xf32, #tpu.memory_space<vmem_shared>> -> memref<12544x128xf32, #tpu.memory_space<vmem_shared>>
        tpu.enqueue_indirect_dma source(%arg10 : memref<128x128xf32, #tpu.memory_space<vmem>>) target(%dma_start3A_166 : memref<12544x128xf32, #tpu.memory_space<vmem_shared>>) offsets(%dma_start3A_163 : memref<128xi32, #tpu.memory_space<vmem>>) semaphore(%run_scoped3A_161 : memref<!tpu.dma_semaphore, #tpu.memory_space<semaphore_mem>>) {add = true}
        %dma_wait3A = arith.constant 0 : i32
        %dma_wait3A_167 = tpu.memref_slice %arg8[%run_scoped3A_160, %dma_wait3A] : memref<2x128xi32, #tpu.memory_space<vmem>> -> memref<1x128xi32, #tpu.memory_space<vmem>>
        %dma_wait3A_168 = tpu.memref_squeeze %dma_wait3A_167 : memref<1x128xi32, #tpu.memory_space<vmem>> -> memref<128xi32, #tpu.memory_space<vmem>>
        %dma_wait3A_169 = arith.constant 0 : i32
        %dma_wait3A_170 = arith.constant 0 : i32
        %dma_wait3A_171 = tpu.memref_slice %arg7[%dma_wait3A_169, %dma_wait3A_170] : memref<12544x128xf32, #tpu.memory_space<vmem_shared>> -> memref<12544x128xf32, #tpu.memory_space<vmem_shared>>
        tpu.wait_indirect_dma semaphore(%run_scoped3A_161 : memref<!tpu.dma_semaphore, #tpu.memory_space<semaphore_mem>>) src(%arg10 : memref<128x128xf32, #tpu.memory_space<vmem>>) dst(%dma_wait3A_171 : memref<12544x128xf32, #tpu.memory_space<vmem_shared>>)
        tpu.yield
      }) : () -> ()
    }
    %while3A_129 = arith.constant 1 : i32
    scf.for %while3A_158 = %while3A_127 to %while3A_123 step %while3A_129  : i32 {
      "tpu.region"() ({
        %run_scoped3A_161 = tpu.sem_alloc : memref<!tpu.dma_semaphore, #tpu.memory_space<semaphore_mem>>
        %dma_start3A = arith.constant 0 : i32
        %dma_start3A_162 = arith.constant 0 : i32
        %dma_start3A_163 = tpu.memref_slice %arg3[%add3A_76, %add3A_108, %while3A_158, %dma_start3A, %dma_start3A_162] : memref<4x32x200x2x128xi32, #tpu.memory_space<hbm>> -> memref<1x1x1x2x128xi32, #tpu.memory_space<hbm>>
        %dma_start3A_164 = tpu.memref_squeeze %dma_start3A_163 : memref<1x1x1x2x128xi32, #tpu.memory_space<hbm>> -> memref<2x128xi32, #tpu.memory_space<hbm>>
        %dma_start3A_165 = arith.constant 0 : i32
        %dma_start3A_166 = arith.constant 0 : i32
        %dma_start3A_167 = tpu.memref_slice %arg3[%add3A_76, %add3A_108, %while3A_158, %dma_start3A_165, %dma_start3A_166] : memref<4x32x200x2x128xi32, #tpu.memory_space<hbm>> -> memref<1x1x1x2x128xi32, #tpu.memory_space<hbm>>
        %dma_start3A_168 = tpu.memref_squeeze %dma_start3A_167 : memref<1x1x1x2x128xi32, #tpu.memory_space<hbm>> -> memref<2x128xi32, #tpu.memory_space<hbm>>
        tpu.enqueue_dma source(%dma_start3A_168 : memref<2x128xi32, #tpu.memory_space<hbm>>) target(%arg8 : memref<2x128xi32, #tpu.memory_space<vmem>>) target_semaphore(%run_scoped3A_161 : memref<!tpu.dma_semaphore, #tpu.memory_space<semaphore_mem>>)
        %dma_wait3A = arith.constant 0 : i32
        %dma_wait3A_169 = arith.constant 0 : i32
        %dma_wait3A_170 = tpu.memref_slice %arg3[%add3A_76, %add3A_108, %while3A_158, %dma_wait3A, %dma_wait3A_169] : memref<4x32x200x2x128xi32, #tpu.memory_space<hbm>> -> memref<1x1x1x2x128xi32, #tpu.memory_space<hbm>>
        %dma_wait3A_171 = tpu.memref_squeeze %dma_wait3A_170 : memref<1x1x1x2x128xi32, #tpu.memory_space<hbm>> -> memref<2x128xi32, #tpu.memory_space<hbm>>
        %dma_wait3A_172 = arith.constant 0 : i32
        %dma_wait3A_173 = arith.constant 0 : i32
        %dma_wait3A_174 = tpu.memref_slice %arg3[%add3A_76, %add3A_108, %while3A_158, %dma_wait3A_172, %dma_wait3A_173] : memref<4x32x200x2x128xi32, #tpu.memory_space<hbm>> -> memref<1x1x1x2x128xi32, #tpu.memory_space<hbm>>
        %dma_wait3A_175 = tpu.memref_squeeze %dma_wait3A_174 : memref<1x1x1x2x128xi32, #tpu.memory_space<hbm>> -> memref<2x128xi32, #tpu.memory_space<hbm>>
        tpu.wait_dma2 semaphore(%run_scoped3A_161 : memref<!tpu.dma_semaphore, #tpu.memory_space<semaphore_mem>>) src(%dma_wait3A_175 : memref<2x128xi32, #tpu.memory_space<hbm>>) dst(%arg8 : memref<2x128xi32, #tpu.memory_space<vmem>>)
        tpu.yield
      }) : () -> ()
      %run_scoped3A_159 = arith.constant 0 : i32
      "tpu.region"() ({
        %run_scoped3A_161 = tpu.sem_alloc : memref<!tpu.dma_semaphore, #tpu.memory_space<semaphore_mem>>
        %dma_start3A = arith.constant 0 : i32
        %dma_start3A_162 = tpu.memref_slice %arg8[%run_scoped3A_159, %dma_start3A] : memref<2x128xi32, #tpu.memory_space<vmem>> -> memref<1x128xi32, #tpu.memory_space<vmem>>
        %dma_start3A_163 = tpu.memref_squeeze %dma_start3A_162 : memref<1x128xi32, #tpu.memory_space<vmem>> -> memref<128xi32, #tpu.memory_space<vmem>>
        %dma_start3A_164 = arith.constant 0 : i32
        %dma_start3A_165 = arith.constant 0 : i32
        %dma_start3A_166 = tpu.memref_slice %arg2[%dma_start3A_164, %dma_start3A_165] : memref<50000x128xf32, #tpu.memory_space<hbm>> -> memref<50000x128xf32, #tpu.memory_space<hbm>>
        tpu.enqueue_indirect_dma source(%dma_start3A_166 : memref<50000x128xf32, #tpu.memory_space<hbm>>) target(%arg10 : memref<128x128xf32, #tpu.memory_space<vmem>>) offsets(%dma_start3A_163 : memref<128xi32, #tpu.memory_space<vmem>>) semaphore(%run_scoped3A_161 : memref<!tpu.dma_semaphore, #tpu.memory_space<semaphore_mem>>)
        %dma_wait3A = arith.constant 0 : i32
        %dma_wait3A_167 = tpu.memref_slice %arg8[%run_scoped3A_159, %dma_wait3A] : memref<2x128xi32, #tpu.memory_space<vmem>> -> memref<1x128xi32, #tpu.memory_space<vmem>>
        %dma_wait3A_168 = tpu.memref_squeeze %dma_wait3A_167 : memref<1x128xi32, #tpu.memory_space<vmem>> -> memref<128xi32, #tpu.memory_space<vmem>>
        %dma_wait3A_169 = arith.constant 0 : i32
        %dma_wait3A_170 = arith.constant 0 : i32
        %dma_wait3A_171 = tpu.memref_slice %arg2[%dma_wait3A_169, %dma_wait3A_170] : memref<50000x128xf32, #tpu.memory_space<hbm>> -> memref<50000x128xf32, #tpu.memory_space<hbm>>
        tpu.wait_indirect_dma semaphore(%run_scoped3A_161 : memref<!tpu.dma_semaphore, #tpu.memory_space<semaphore_mem>>) src(%dma_wait3A_171 : memref<50000x128xf32, #tpu.memory_space<hbm>>) dst(%arg10 : memref<128x128xf32, #tpu.memory_space<vmem>>)
        tpu.yield
      }) : () -> ()
      %run_scoped3A_160 = arith.constant 1 : i32
      "tpu.region"() ({
        %run_scoped3A_161 = tpu.sem_alloc : memref<!tpu.dma_semaphore, #tpu.memory_space<semaphore_mem>>
        %dma_start3A = arith.constant 0 : i32
        %dma_start3A_162 = tpu.memref_slice %arg8[%run_scoped3A_160, %dma_start3A] : memref<2x128xi32, #tpu.memory_space<vmem>> -> memref<1x128xi32, #tpu.memory_space<vmem>>
        %dma_start3A_163 = tpu.memref_squeeze %dma_start3A_162 : memref<1x128xi32, #tpu.memory_space<vmem>> -> memref<128xi32, #tpu.memory_space<vmem>>
        %dma_start3A_164 = arith.constant 0 : i32
        %dma_start3A_165 = arith.constant 0 : i32
        %dma_start3A_166 = tpu.memref_slice %arg7[%dma_start3A_164, %dma_start3A_165] : memref<12544x128xf32, #tpu.memory_space<vmem_shared>> -> memref<12544x128xf32, #tpu.memory_space<vmem_shared>>
        tpu.enqueue_indirect_dma source(%arg10 : memref<128x128xf32, #tpu.memory_space<vmem>>) target(%dma_start3A_166 : memref<12544x128xf32, #tpu.memory_space<vmem_shared>>) offsets(%dma_start3A_163 : memref<128xi32, #tpu.memory_space<vmem>>) semaphore(%run_scoped3A_161 : memref<!tpu.dma_semaphore, #tpu.memory_space<semaphore_mem>>) {add = true}
        %dma_wait3A = arith.constant 0 : i32
        %dma_wait3A_167 = tpu.memref_slice %arg8[%run_scoped3A_160, %dma_wait3A] : memref<2x128xi32, #tpu.memory_space<vmem>> -> memref<1x128xi32, #tpu.memory_space<vmem>>
        %dma_wait3A_168 = tpu.memref_squeeze %dma_wait3A_167 : memref<1x128xi32, #tpu.memory_space<vmem>> -> memref<128xi32, #tpu.memory_space<vmem>>
        %dma_wait3A_169 = arith.constant 0 : i32
        %dma_wait3A_170 = arith.constant 0 : i32
        %dma_wait3A_171 = tpu.memref_slice %arg7[%dma_wait3A_169, %dma_wait3A_170] : memref<12544x128xf32, #tpu.memory_space<vmem_shared>> -> memref<12544x128xf32, #tpu.memory_space<vmem_shared>>
        tpu.wait_indirect_dma semaphore(%run_scoped3A_161 : memref<!tpu.dma_semaphore, #tpu.memory_space<semaphore_mem>>) src(%arg10 : memref<128x128xf32, #tpu.memory_space<vmem>>) dst(%dma_wait3A_171 : memref<12544x128xf32, #tpu.memory_space<vmem_shared>>)
        tpu.yield
      }) : () -> ()
    }
    %barrier3A_130 = arith.constant 0 : index
    tpu.barrier barrier_id(%barrier3A_130)
    %mul3A_131 = arith.constant 12504 : i32
    %mul3A_132 = arith.muli %add3A_76, %mul3A_131 : i32
    %mul3A_133 = arith.constant 784 : i32
    %mul3A_134 = arith.muli %arg1, %mul3A_133 : i32
    %add3A_135 = arith.addi %mul3A_132, %mul3A_134 : i32
    %lt3A_136 = arith.constant 15 : i32
    %lt3A_137 = arith.cmpi slt, %arg1, %lt3A_136 : i32
    %convert_element_type3A_138 = arith.extui %lt3A_137 : i1 to i32
    %cond3A_139 = arith.constant 0 : i32
    %cond3A_140 = arith.cmpi ne, %convert_element_type3A_138, %cond3A_139 : i32
    scf.if %cond3A_140 {
      %mul3A_158 = arith.constant 784 : i32
      %mul3A_159 = arith.muli %arg1, %mul3A_158 : i32
      "tpu.region"() ({
        %run_scoped3A_160 = tpu.sem_alloc : memref<!tpu.dma_semaphore, #tpu.memory_space<semaphore_mem>>
        %dma_start3A = arith.constant 0 : i32
        %dma_start3A_161 = tpu.memref_slice %arg6[%add3A_135, %dma_start3A] : memref<50000x128xf32, #tpu.memory_space<hbm>> -> memref<784x128xf32, #tpu.memory_space<hbm>>
        %dma_start3A_162 = arith.constant 0 : i32
        %dma_start3A_163 = tpu.memref_slice %arg7[%mul3A_159, %dma_start3A_162] : memref<12544x128xf32, #tpu.memory_space<vmem_shared>> -> memref<784x128xf32, #tpu.memory_space<vmem_shared>>
        tpu.enqueue_dma source(%dma_start3A_163 : memref<784x128xf32, #tpu.memory_space<vmem_shared>>) target(%dma_start3A_161 : memref<784x128xf32, #tpu.memory_space<hbm>>) target_semaphore(%run_scoped3A_160 : memref<!tpu.dma_semaphore, #tpu.memory_space<semaphore_mem>>)
        %dma_wait3A = arith.constant 0 : i32
        %dma_wait3A_164 = tpu.memref_slice %arg6[%add3A_135, %dma_wait3A] : memref<50000x128xf32, #tpu.memory_space<hbm>> -> memref<784x128xf32, #tpu.memory_space<hbm>>
        %dma_wait3A_165 = arith.constant 0 : i32
        %dma_wait3A_166 = tpu.memref_slice %arg7[%mul3A_159, %dma_wait3A_165] : memref<12544x128xf32, #tpu.memory_space<vmem_shared>> -> memref<784x128xf32, #tpu.memory_space<vmem_shared>>
        tpu.wait_dma2 semaphore(%run_scoped3A_160 : memref<!tpu.dma_semaphore, #tpu.memory_space<semaphore_mem>>) src(%dma_wait3A_166 : memref<784x128xf32, #tpu.memory_space<vmem_shared>>) dst(%dma_wait3A_164 : memref<784x128xf32, #tpu.memory_space<hbm>>)
        tpu.yield
      }) : () -> ()
    } else {
    }
    %eq3A_141 = arith.constant 15 : i32
    %eq3A_142 = arith.cmpi eq, %arg1, %eq3A_141 : i32
    %lt3A_143 = arith.constant 3 : i32
    %lt3A_144 = arith.cmpi slt, %add3A_76, %lt3A_143 : i32
    %and3A_145 = arith.andi %eq3A_142, %lt3A_144 : i1
    %convert_element_type3A_146 = arith.extui %and3A_145 : i1 to i32
    %cond3A_147 = arith.constant 0 : i32
    %cond3A_148 = arith.cmpi ne, %convert_element_type3A_146, %cond3A_147 : i32
    scf.if %cond3A_148 {
      "tpu.region"() ({
        %run_scoped3A_158 = tpu.sem_alloc : memref<!tpu.dma_semaphore, #tpu.memory_space<semaphore_mem>>
        %dma_start3A = arith.constant 0 : i32
        %dma_start3A_159 = tpu.memref_slice %arg6[%add3A_135, %dma_start3A] : memref<50000x128xf32, #tpu.memory_space<hbm>> -> memref<744x128xf32, #tpu.memory_space<hbm>>
        %dma_start3A_160 = arith.constant 11760 : i32
        %dma_start3A_161 = arith.constant 0 : i32
        %dma_start3A_162 = tpu.memref_slice %arg7[%dma_start3A_160, %dma_start3A_161] : memref<12544x128xf32, #tpu.memory_space<vmem_shared>> -> memref<744x128xf32, #tpu.memory_space<vmem_shared>>
        tpu.enqueue_dma source(%dma_start3A_162 : memref<744x128xf32, #tpu.memory_space<vmem_shared>>) target(%dma_start3A_159 : memref<744x128xf32, #tpu.memory_space<hbm>>) target_semaphore(%run_scoped3A_158 : memref<!tpu.dma_semaphore, #tpu.memory_space<semaphore_mem>>)
        %dma_wait3A = arith.constant 0 : i32
        %dma_wait3A_163 = tpu.memref_slice %arg6[%add3A_135, %dma_wait3A] : memref<50000x128xf32, #tpu.memory_space<hbm>> -> memref<744x128xf32, #tpu.memory_space<hbm>>
        %dma_wait3A_164 = arith.constant 11760 : i32
        %dma_wait3A_165 = arith.constant 0 : i32
        %dma_wait3A_166 = tpu.memref_slice %arg7[%dma_wait3A_164, %dma_wait3A_165] : memref<12544x128xf32, #tpu.memory_space<vmem_shared>> -> memref<744x128xf32, #tpu.memory_space<vmem_shared>>
        tpu.wait_dma2 semaphore(%run_scoped3A_158 : memref<!tpu.dma_semaphore, #tpu.memory_space<semaphore_mem>>) src(%dma_wait3A_166 : memref<744x128xf32, #tpu.memory_space<vmem_shared>>) dst(%dma_wait3A_163 : memref<744x128xf32, #tpu.memory_space<hbm>>)
        tpu.yield
      }) : () -> ()
    } else {
    }
    %eq3A_149 = arith.constant 15 : i32
    %eq3A_150 = arith.cmpi eq, %arg1, %eq3A_149 : i32
    %eq3A_151 = arith.constant 3 : i32
    %eq3A_152 = arith.cmpi eq, %add3A_76, %eq3A_151 : i32
    %and3A_153 = arith.andi %eq3A_150, %eq3A_152 : i1
    %convert_element_type3A_154 = arith.extui %and3A_153 : i1 to i32
    %cond3A_155 = arith.constant 0 : i32
    %cond3A_156 = arith.cmpi ne, %convert_element_type3A_154, %cond3A_155 : i32
    scf.if %cond3A_156 {
      "tpu.region"() ({
        %run_scoped3A_158 = tpu.sem_alloc : memref<!tpu.dma_semaphore, #tpu.memory_space<semaphore_mem>>
        %dma_start3A = arith.constant 0 : i32
        %dma_start3A_159 = tpu.memref_slice %arg6[%add3A_135, %dma_start3A] : memref<50000x128xf32, #tpu.memory_space<hbm>> -> memref<728x128xf32, #tpu.memory_space<hbm>>
        %dma_start3A_160 = arith.constant 11760 : i32
        %dma_start3A_161 = arith.constant 0 : i32
        %dma_start3A_162 = tpu.memref_slice %arg7[%dma_start3A_160, %dma_start3A_161] : memref<12544x128xf32, #tpu.memory_space<vmem_shared>> -> memref<728x128xf32, #tpu.memory_space<vmem_shared>>
        tpu.enqueue_dma source(%dma_start3A_162 : memref<728x128xf32, #tpu.memory_space<vmem_shared>>) target(%dma_start3A_159 : memref<728x128xf32, #tpu.memory_space<hbm>>) target_semaphore(%run_scoped3A_158 : memref<!tpu.dma_semaphore, #tpu.memory_space<semaphore_mem>>)
        %dma_wait3A = arith.constant 0 : i32
        %dma_wait3A_163 = tpu.memref_slice %arg6[%add3A_135, %dma_wait3A] : memref<50000x128xf32, #tpu.memory_space<hbm>> -> memref<728x128xf32, #tpu.memory_space<hbm>>
        %dma_wait3A_164 = arith.constant 11760 : i32
        %dma_wait3A_165 = arith.constant 0 : i32
        %dma_wait3A_166 = tpu.memref_slice %arg7[%dma_wait3A_164, %dma_wait3A_165] : memref<12544x128xf32, #tpu.memory_space<vmem_shared>> -> memref<728x128xf32, #tpu.memory_space<vmem_shared>>
        tpu.wait_dma2 semaphore(%run_scoped3A_158 : memref<!tpu.dma_semaphore, #tpu.memory_space<semaphore_mem>>) src(%dma_wait3A_166 : memref<728x128xf32, #tpu.memory_space<vmem_shared>>) dst(%dma_wait3A_163 : memref<728x128xf32, #tpu.memory_space<hbm>>)
        tpu.yield
      }) : () -> ()
    } else {
    }
    %barrier3A_157 = arith.constant 0 : index
    tpu.barrier barrier_id(%barrier3A_157)
    return
  }
}

#map = affine_map<(d0, d1) -> (0, 0)>
#map1 = affine_map<(d0, d1) -> (0, 0, 0, 0, 0)>
#map2 = affine_map<(d0, d1) -> (0, 0, 0, 0)>
module attributes {stable_mosaic.version = 14 : i64} {
  func.func @_agg_kernel(%arg0: i32, %arg1: i32, %arg2: memref<50000x128xf32, #tpu.memory_space<hbm>>, %arg3: memref<4x32x200x2x128xi32, #tpu.memory_space<hbm>>, %arg4: memref<4x32x1x128xi32, #tpu.memory_space<hbm>>, %arg5: memref<784x128xf32, #tpu.memory_space<hbm>>, %arg6: memref<50000x128xf32, #tpu.memory_space<hbm>>, %arg7: memref<12544x128xf32, #tpu.memory_space<vmem_shared>>, %arg8: memref<2x128xi32, #tpu.memory_space<vmem>>, %arg9: memref<128xi32, #tpu.memory_space<vmem>>, %arg10: memref<128x128xf32, #tpu.memory_space<vmem>>) attributes {dimension_semantics = [#tpu.dimension_semantics<core_parallel>, #tpu.dimension_semantics<subcore_parallel>], iteration_bounds = array<i64: 2, 16>, scalar_prefetch = 0 : i64, scratch_operands = 4 : i64, tpu.core_type = #tpu.core_type<sc_vector_subcore>, window_params = [{transform_indices = #map}, {transform_indices = #map1}, {transform_indices = #map2}, {transform_indices = #map}, {transform_indices = #map}]} {
    %mul3A = arith.constant 2 : i32
    %mul3A_0 = arith.muli %arg0, %mul3A : i32
    %add3A = arith.constant 0 : i32
    %add3A_1 = arith.addi %mul3A_0, %add3A : i32
    %mul3A_2 = arith.constant 784 : i32
    %mul3A_3 = arith.muli %arg1, %mul3A_2 : i32
    "tpu.region"() ({
      %run_scoped3A_158 = tpu.sem_alloc : memref<!tpu.dma_semaphore, #tpu.memory_space<semaphore_mem>>
      %dma_start3A = arith.constant 0 : i32
      %dma_start3A_159 = tpu.memref_slice %arg7[%mul3A_3, %dma_start3A] : memref<12544x128xf32, #tpu.memory_space<vmem_shared>> -> memref<784x128xf32, #tpu.memory_space<vmem_shared>>
      tpu.enqueue_dma source(%arg5 : memref<784x128xf32, #tpu.memory_space<hbm>>) target(%dma_start3A_159 : memref<784x128xf32, #tpu.memory_space<vmem_shared>>) target_semaphore(%run_scoped3A_158 : memref<!tpu.dma_semaphore, #tpu.memory_space<semaphore_mem>>)
      %dma_wait3A = arith.constant 0 : i32
      %dma_wait3A_160 = tpu.memref_slice %arg7[%mul3A_3, %dma_wait3A] : memref<12544x128xf32, #tpu.memory_space<vmem_shared>> -> memref<784x128xf32, #tpu.memory_space<vmem_shared>>
      tpu.wait_dma2 semaphore(%run_scoped3A_158 : memref<!tpu.dma_semaphore, #tpu.memory_space<semaphore_mem>>) src(%arg5 : memref<784x128xf32, #tpu.memory_space<hbm>>) dst(%dma_wait3A_160 : memref<784x128xf32, #tpu.memory_space<vmem_shared>>)
      tpu.yield
    }) : () -> ()
    %barrier3A = arith.constant 0 : index
    tpu.barrier barrier_id(%barrier3A)
    %mul3A_4 = arith.constant 2 : i32
    %mul3A_5 = arith.muli %arg1, %mul3A_4 : i32
    %add3A_6 = arith.constant 0 : i32
    %add3A_7 = arith.addi %mul3A_5, %add3A_6 : i32
    %run_scoped3A = arith.constant 0 : i32
    "tpu.region"() ({
      %run_scoped3A_158 = tpu.sem_alloc : memref<!tpu.dma_semaphore, #tpu.memory_space<semaphore_mem>>
      %dma_start3A = arith.constant 0 : i32
      %dma_start3A_159 = tpu.memref_slice %arg4[%add3A_1, %add3A_7, %run_scoped3A, %dma_start3A] : memref<4x32x1x128xi32, #tpu.memory_space<hbm>> -> memref<1x1x1x128xi32, #tpu.memory_space<hbm>>
      %dma_start3A_160 = tpu.memref_squeeze %dma_start3A_159 : memref<1x1x1x128xi32, #tpu.memory_space<hbm>> -> memref<128xi32, #tpu.memory_space<hbm>>
      %dma_start3A_161 = arith.constant 0 : i32
      %dma_start3A_162 = tpu.memref_slice %arg4[%add3A_1, %add3A_7, %run_scoped3A, %dma_start3A_161] : memref<4x32x1x128xi32, #tpu.memory_space<hbm>> -> memref<1x1x1x128xi32, #tpu.memory_space<hbm>>
      %dma_start3A_163 = tpu.memref_squeeze %dma_start3A_162 : memref<1x1x1x128xi32, #tpu.memory_space<hbm>> -> memref<128xi32, #tpu.memory_space<hbm>>
      tpu.enqueue_dma source(%dma_start3A_163 : memref<128xi32, #tpu.memory_space<hbm>>) target(%arg9 : memref<128xi32, #tpu.memory_space<vmem>>) target_semaphore(%run_scoped3A_158 : memref<!tpu.dma_semaphore, #tpu.memory_space<semaphore_mem>>)
      %dma_wait3A = arith.constant 0 : i32
      %dma_wait3A_164 = tpu.memref_slice %arg4[%add3A_1, %add3A_7, %run_scoped3A, %dma_wait3A] : memref<4x32x1x128xi32, #tpu.memory_space<hbm>> -> memref<1x1x1x128xi32, #tpu.memory_space<hbm>>
      %dma_wait3A_165 = tpu.memref_squeeze %dma_wait3A_164 : memref<1x1x1x128xi32, #tpu.memory_space<hbm>> -> memref<128xi32, #tpu.memory_space<hbm>>
      %dma_wait3A_166 = arith.constant 0 : i32
      %dma_wait3A_167 = tpu.memref_slice %arg4[%add3A_1, %add3A_7, %run_scoped3A, %dma_wait3A_166] : memref<4x32x1x128xi32, #tpu.memory_space<hbm>> -> memref<1x1x1x128xi32, #tpu.memory_space<hbm>>
      %dma_wait3A_168 = tpu.memref_squeeze %dma_wait3A_167 : memref<1x1x1x128xi32, #tpu.memory_space<hbm>> -> memref<128xi32, #tpu.memory_space<hbm>>
      tpu.wait_dma2 semaphore(%run_scoped3A_158 : memref<!tpu.dma_semaphore, #tpu.memory_space<semaphore_mem>>) src(%dma_wait3A_168 : memref<128xi32, #tpu.memory_space<hbm>>) dst(%arg9 : memref<128xi32, #tpu.memory_space<vmem>>)
      tpu.yield
    }) : () -> ()
    %get3A = arith.constant 0 : index
    %get3A_8 = tpu.vector_load %arg9[%get3A] {strides = array<i32>} : memref<128xi32, #tpu.memory_space<vmem>>, vector<16xi32>,
    %reduce_max3A = arith.constant true
    %reduce_max3A_9 = vector.broadcast %reduce_max3A : i1 to vector<16xi1>
    %reduce_max3A_10 = arith.constant -2147483648 : i32
    %reduce_max3A_11 = vector.broadcast %reduce_max3A_10 : i32 to vector<16xi32>
    %reduce_max3A_12 = arith.xori %get3A_8, %reduce_max3A_11 : vector<16xi32>
    %reduce_max3A_13 = tpu.scan <max>, %reduce_max3A_12 masked %reduce_max3A_9 : vector<16xi32>, vector<16xi1> -> vector<16xi32>
    %reduce_max3A_14 = arith.xori %reduce_max3A_13, %reduce_max3A_11 : vector<16xi32>
    %reduce_max3A_15 = vector.extract %reduce_max3A_14[15] : i32 from vector<16xi32>
    %while3A = arith.constant 0 : i32
    %while3A_16 = arith.constant 0 : i32
    %while3A_17 = arith.subi %reduce_max3A_15, %while3A_16 : i32
    %while3A_18 = arith.addi %while3A_16, %while3A_17 : i32
    %while3A_19 = arith.constant 1 : i32
    %while3A_20 = arith.divsi %while3A_17, %while3A_19 : i32
    %while3A_21 = arith.muli %while3A_20, %while3A_19 : i32
    %while3A_22 = arith.addi %while3A_16, %while3A_21 : i32
    %while3A_23 = arith.constant 1 : i32
    scf.for %while3A_158 = %while3A_16 to %while3A_22 step %while3A_23  : i32 {
      "tpu.region"() ({
        %run_scoped3A_161 = tpu.sem_alloc : memref<!tpu.dma_semaphore, #tpu.memory_space<semaphore_mem>>
        %dma_start3A = arith.constant 0 : i32
        %dma_start3A_162 = arith.constant 0 : i32
        %dma_start3A_163 = tpu.memref_slice %arg3[%add3A_1, %add3A_7, %while3A_158, %dma_start3A, %dma_start3A_162] : memref<4x32x200x2x128xi32, #tpu.memory_space<hbm>> -> memref<1x1x1x2x128xi32, #tpu.memory_space<hbm>>
        %dma_start3A_164 = tpu.memref_squeeze %dma_start3A_163 : memref<1x1x1x2x128xi32, #tpu.memory_space<hbm>> -> memref<2x128xi32, #tpu.memory_space<hbm>>
        %dma_start3A_165 = arith.constant 0 : i32
        %dma_start3A_166 = arith.constant 0 : i32
        %dma_start3A_167 = tpu.memref_slice %arg3[%add3A_1, %add3A_7, %while3A_158, %dma_start3A_165, %dma_start3A_166] : memref<4x32x200x2x128xi32, #tpu.memory_space<hbm>> -> memref<1x1x1x2x128xi32, #tpu.memory_space<hbm>>
        %dma_start3A_168 = tpu.memref_squeeze %dma_start3A_167 : memref<1x1x1x2x128xi32, #tpu.memory_space<hbm>> -> memref<2x128xi32, #tpu.memory_space<hbm>>
        tpu.enqueue_dma source(%dma_start3A_168 : memref<2x128xi32, #tpu.memory_space<hbm>>) target(%arg8 : memref<2x128xi32, #tpu.memory_space<vmem>>) target_semaphore(%run_scoped3A_161 : memref<!tpu.dma_semaphore, #tpu.memory_space<semaphore_mem>>)
        %dma_wait3A = arith.constant 0 : i32
        %dma_wait3A_169 = arith.constant 0 : i32
        %dma_wait3A_170 = tpu.memref_slice %arg3[%add3A_1, %add3A_7, %while3A_158, %dma_wait3A, %dma_wait3A_169] : memref<4x32x200x2x128xi32, #tpu.memory_space<hbm>> -> memref<1x1x1x2x128xi32, #tpu.memory_space<hbm>>
        %dma_wait3A_171 = tpu.memref_squeeze %dma_wait3A_170 : memref<1x1x1x2x128xi32, #tpu.memory_space<hbm>> -> memref<2x128xi32, #tpu.memory_space<hbm>>
        %dma_wait3A_172 = arith.constant 0 : i32
        %dma_wait3A_173 = arith.constant 0 : i32
        %dma_wait3A_174 = tpu.memref_slice %arg3[%add3A_1, %add3A_7, %while3A_158, %dma_wait3A_172, %dma_wait3A_173] : memref<4x32x200x2x128xi32, #tpu.memory_space<hbm>> -> memref<1x1x1x2x128xi32, #tpu.memory_space<hbm>>
        %dma_wait3A_175 = tpu.memref_squeeze %dma_wait3A_174 : memref<1x1x1x2x128xi32, #tpu.memory_space<hbm>> -> memref<2x128xi32, #tpu.memory_space<hbm>>
        tpu.wait_dma2 semaphore(%run_scoped3A_161 : memref<!tpu.dma_semaphore, #tpu.memory_space<semaphore_mem>>) src(%dma_wait3A_175 : memref<2x128xi32, #tpu.memory_space<hbm>>) dst(%arg8 : memref<2x128xi32, #tpu.memory_space<vmem>>)
        tpu.yield
      }) : () -> ()
      %run_scoped3A_159 = arith.constant 0 : i32
      "tpu.region"() ({
        %run_scoped3A_161 = tpu.sem_alloc : memref<!tpu.dma_semaphore, #tpu.memory_space<semaphore_mem>>
        %dma_start3A = arith.constant 0 : i32
        %dma_start3A_162 = tpu.memref_slice %arg8[%run_scoped3A_159, %dma_start3A] : memref<2x128xi32, #tpu.memory_space<vmem>> -> memref<1x128xi32, #tpu.memory_space<vmem>>
        %dma_start3A_163 = tpu.memref_squeeze %dma_start3A_162 : memref<1x128xi32, #tpu.memory_space<vmem>> -> memref<128xi32, #tpu.memory_space<vmem>>
        %dma_start3A_164 = arith.constant 0 : i32
        %dma_start3A_165 = arith.constant 0 : i32
        %dma_start3A_166 = tpu.memref_slice %arg2[%dma_start3A_164, %dma_start3A_165] : memref<50000x128xf32, #tpu.memory_space<hbm>> -> memref<50000x128xf32, #tpu.memory_space<hbm>>
        tpu.enqueue_indirect_dma source(%dma_start3A_166 : memref<50000x128xf32, #tpu.memory_space<hbm>>) target(%arg10 : memref<128x128xf32, #tpu.memory_space<vmem>>) offsets(%dma_start3A_163 : memref<128xi32, #tpu.memory_space<vmem>>) semaphore(%run_scoped3A_161 : memref<!tpu.dma_semaphore, #tpu.memory_space<semaphore_mem>>)
        %dma_wait3A = arith.constant 0 : i32
        %dma_wait3A_167 = tpu.memref_slice %arg8[%run_scoped3A_159, %dma_wait3A] : memref<2x128xi32, #tpu.memory_space<vmem>> -> memref<1x128xi32, #tpu.memory_space<vmem>>
        %dma_wait3A_168 = tpu.memref_squeeze %dma_wait3A_167 : memref<1x128xi32, #tpu.memory_space<vmem>> -> memref<128xi32, #tpu.memory_space<vmem>>
        %dma_wait3A_169 = arith.constant 0 : i32
        %dma_wait3A_170 = arith.constant 0 : i32
        %dma_wait3A_171 = tpu.memref_slice %arg2[%dma_wait3A_169, %dma_wait3A_170] : memref<50000x128xf32, #tpu.memory_space<hbm>> -> memref<50000x128xf32, #tpu.memory_space<hbm>>
        tpu.wait_indirect_dma semaphore(%run_scoped3A_161 : memref<!tpu.dma_semaphore, #tpu.memory_space<semaphore_mem>>) src(%dma_wait3A_171 : memref<50000x128xf32, #tpu.memory_space<hbm>>) dst(%arg10 : memref<128x128xf32, #tpu.memory_space<vmem>>)
        tpu.yield
      }) : () -> ()
      %run_scoped3A_160 = arith.constant 1 : i32
      "tpu.region"() ({
        %run_scoped3A_161 = tpu.sem_alloc : memref<!tpu.dma_semaphore, #tpu.memory_space<semaphore_mem>>
        %dma_start3A = arith.constant 0 : i32
        %dma_start3A_162 = tpu.memref_slice %arg8[%run_scoped3A_160, %dma_start3A] : memref<2x128xi32, #tpu.memory_space<vmem>> -> memref<1x128xi32, #tpu.memory_space<vmem>>
        %dma_start3A_163 = tpu.memref_squeeze %dma_start3A_162 : memref<1x128xi32, #tpu.memory_space<vmem>> -> memref<128xi32, #tpu.memory_space<vmem>>
        %dma_start3A_164 = arith.constant 0 : i32
        %dma_start3A_165 = arith.constant 0 : i32
        %dma_start3A_166 = tpu.memref_slice %arg7[%dma_start3A_164, %dma_start3A_165] : memref<12544x128xf32, #tpu.memory_space<vmem_shared>> -> memref<12544x128xf32, #tpu.memory_space<vmem_shared>>
        tpu.enqueue_indirect_dma source(%arg10 : memref<128x128xf32, #tpu.memory_space<vmem>>) target(%dma_start3A_166 : memref<12544x128xf32, #tpu.memory_space<vmem_shared>>) offsets(%dma_start3A_163 : memref<128xi32, #tpu.memory_space<vmem>>) semaphore(%run_scoped3A_161 : memref<!tpu.dma_semaphore, #tpu.memory_space<semaphore_mem>>) {add = true}
        %dma_wait3A = arith.constant 0 : i32
        %dma_wait3A_167 = tpu.memref_slice %arg8[%run_scoped3A_160, %dma_wait3A] : memref<2x128xi32, #tpu.memory_space<vmem>> -> memref<1x128xi32, #tpu.memory_space<vmem>>
        %dma_wait3A_168 = tpu.memref_squeeze %dma_wait3A_167 : memref<1x128xi32, #tpu.memory_space<vmem>> -> memref<128xi32, #tpu.memory_space<vmem>>
        %dma_wait3A_169 = arith.constant 0 : i32
        %dma_wait3A_170 = arith.constant 0 : i32
        %dma_wait3A_171 = tpu.memref_slice %arg7[%dma_wait3A_169, %dma_wait3A_170] : memref<12544x128xf32, #tpu.memory_space<vmem_shared>> -> memref<12544x128xf32, #tpu.memory_space<vmem_shared>>
        tpu.wait_indirect_dma semaphore(%run_scoped3A_161 : memref<!tpu.dma_semaphore, #tpu.memory_space<semaphore_mem>>) src(%arg10 : memref<128x128xf32, #tpu.memory_space<vmem>>) dst(%dma_wait3A_171 : memref<12544x128xf32, #tpu.memory_space<vmem_shared>>)
        tpu.yield
      }) : () -> ()
    }
    %while3A_24 = arith.constant 1 : i32
    scf.for %while3A_158 = %while3A_22 to %while3A_18 step %while3A_24  : i32 {
      "tpu.region"() ({
        %run_scoped3A_161 = tpu.sem_alloc : memref<!tpu.dma_semaphore, #tpu.memory_space<semaphore_mem>>
        %dma_start3A = arith.constant 0 : i32
        %dma_start3A_162 = arith.constant 0 : i32
        %dma_start3A_163 = tpu.memref_slice %arg3[%add3A_1, %add3A_7, %while3A_158, %dma_start3A, %dma_start3A_162] : memref<4x32x200x2x128xi32, #tpu.memory_space<hbm>> -> memref<1x1x1x2x128xi32, #tpu.memory_space<hbm>>
        %dma_start3A_164 = tpu.memref_squeeze %dma_start3A_163 : memref<1x1x1x2x128xi32, #tpu.memory_space<hbm>> -> memref<2x128xi32, #tpu.memory_space<hbm>>
        %dma_start3A_165 = arith.constant 0 : i32
        %dma_start3A_166 = arith.constant 0 : i32
        %dma_start3A_167 = tpu.memref_slice %arg3[%add3A_1, %add3A_7, %while3A_158, %dma_start3A_165, %dma_start3A_166] : memref<4x32x200x2x128xi32, #tpu.memory_space<hbm>> -> memref<1x1x1x2x128xi32, #tpu.memory_space<hbm>>
        %dma_start3A_168 = tpu.memref_squeeze %dma_start3A_167 : memref<1x1x1x2x128xi32, #tpu.memory_space<hbm>> -> memref<2x128xi32, #tpu.memory_space<hbm>>
        tpu.enqueue_dma source(%dma_start3A_168 : memref<2x128xi32, #tpu.memory_space<hbm>>) target(%arg8 : memref<2x128xi32, #tpu.memory_space<vmem>>) target_semaphore(%run_scoped3A_161 : memref<!tpu.dma_semaphore, #tpu.memory_space<semaphore_mem>>)
        %dma_wait3A = arith.constant 0 : i32
        %dma_wait3A_169 = arith.constant 0 : i32
        %dma_wait3A_170 = tpu.memref_slice %arg3[%add3A_1, %add3A_7, %while3A_158, %dma_wait3A, %dma_wait3A_169] : memref<4x32x200x2x128xi32, #tpu.memory_space<hbm>> -> memref<1x1x1x2x128xi32, #tpu.memory_space<hbm>>
        %dma_wait3A_171 = tpu.memref_squeeze %dma_wait3A_170 : memref<1x1x1x2x128xi32, #tpu.memory_space<hbm>> -> memref<2x128xi32, #tpu.memory_space<hbm>>
        %dma_wait3A_172 = arith.constant 0 : i32
        %dma_wait3A_173 = arith.constant 0 : i32
        %dma_wait3A_174 = tpu.memref_slice %arg3[%add3A_1, %add3A_7, %while3A_158, %dma_wait3A_172, %dma_wait3A_173] : memref<4x32x200x2x128xi32, #tpu.memory_space<hbm>> -> memref<1x1x1x2x128xi32, #tpu.memory_space<hbm>>
        %dma_wait3A_175 = tpu.memref_squeeze %dma_wait3A_174 : memref<1x1x1x2x128xi32, #tpu.memory_space<hbm>> -> memref<2x128xi32, #tpu.memory_space<hbm>>
        tpu.wait_dma2 semaphore(%run_scoped3A_161 : memref<!tpu.dma_semaphore, #tpu.memory_space<semaphore_mem>>) src(%dma_wait3A_175 : memref<2x128xi32, #tpu.memory_space<hbm>>) dst(%arg8 : memref<2x128xi32, #tpu.memory_space<vmem>>)
        tpu.yield
      }) : () -> ()
      %run_scoped3A_159 = arith.constant 0 : i32
      "tpu.region"() ({
        %run_scoped3A_161 = tpu.sem_alloc : memref<!tpu.dma_semaphore, #tpu.memory_space<semaphore_mem>>
        %dma_start3A = arith.constant 0 : i32
        %dma_start3A_162 = tpu.memref_slice %arg8[%run_scoped3A_159, %dma_start3A] : memref<2x128xi32, #tpu.memory_space<vmem>> -> memref<1x128xi32, #tpu.memory_space<vmem>>
        %dma_start3A_163 = tpu.memref_squeeze %dma_start3A_162 : memref<1x128xi32, #tpu.memory_space<vmem>> -> memref<128xi32, #tpu.memory_space<vmem>>
        %dma_start3A_164 = arith.constant 0 : i32
        %dma_start3A_165 = arith.constant 0 : i32
        %dma_start3A_166 = tpu.memref_slice %arg2[%dma_start3A_164, %dma_start3A_165] : memref<50000x128xf32, #tpu.memory_space<hbm>> -> memref<50000x128xf32, #tpu.memory_space<hbm>>
        tpu.enqueue_indirect_dma source(%dma_start3A_166 : memref<50000x128xf32, #tpu.memory_space<hbm>>) target(%arg10 : memref<128x128xf32, #tpu.memory_space<vmem>>) offsets(%dma_start3A_163 : memref<128xi32, #tpu.memory_space<vmem>>) semaphore(%run_scoped3A_161 : memref<!tpu.dma_semaphore, #tpu.memory_space<semaphore_mem>>)
        %dma_wait3A = arith.constant 0 : i32
        %dma_wait3A_167 = tpu.memref_slice %arg8[%run_scoped3A_159, %dma_wait3A] : memref<2x128xi32, #tpu.memory_space<vmem>> -> memref<1x128xi32, #tpu.memory_space<vmem>>
        %dma_wait3A_168 = tpu.memref_squeeze %dma_wait3A_167 : memref<1x128xi32, #tpu.memory_space<vmem>> -> memref<128xi32, #tpu.memory_space<vmem>>
        %dma_wait3A_169 = arith.constant 0 : i32
        %dma_wait3A_170 = arith.constant 0 : i32
        %dma_wait3A_171 = tpu.memref_slice %arg2[%dma_wait3A_169, %dma_wait3A_170] : memref<50000x128xf32, #tpu.memory_space<hbm>> -> memref<50000x128xf32, #tpu.memory_space<hbm>>
        tpu.wait_indirect_dma semaphore(%run_scoped3A_161 : memref<!tpu.dma_semaphore, #tpu.memory_space<semaphore_mem>>) src(%dma_wait3A_171 : memref<50000x128xf32, #tpu.memory_space<hbm>>) dst(%arg10 : memref<128x128xf32, #tpu.memory_space<vmem>>)
        tpu.yield
      }) : () -> ()
      %run_scoped3A_160 = arith.constant 1 : i32
      "tpu.region"() ({
        %run_scoped3A_161 = tpu.sem_alloc : memref<!tpu.dma_semaphore, #tpu.memory_space<semaphore_mem>>
        %dma_start3A = arith.constant 0 : i32
        %dma_start3A_162 = tpu.memref_slice %arg8[%run_scoped3A_160, %dma_start3A] : memref<2x128xi32, #tpu.memory_space<vmem>> -> memref<1x128xi32, #tpu.memory_space<vmem>>
        %dma_start3A_163 = tpu.memref_squeeze %dma_start3A_162 : memref<1x128xi32, #tpu.memory_space<vmem>> -> memref<128xi32, #tpu.memory_space<vmem>>
        %dma_start3A_164 = arith.constant 0 : i32
        %dma_start3A_165 = arith.constant 0 : i32
        %dma_start3A_166 = tpu.memref_slice %arg7[%dma_start3A_164, %dma_start3A_165] : memref<12544x128xf32, #tpu.memory_space<vmem_shared>> -> memref<12544x128xf32, #tpu.memory_space<vmem_shared>>
        tpu.enqueue_indirect_dma source(%arg10 : memref<128x128xf32, #tpu.memory_space<vmem>>) target(%dma_start3A_166 : memref<12544x128xf32, #tpu.memory_space<vmem_shared>>) offsets(%dma_start3A_163 : memref<128xi32, #tpu.memory_space<vmem>>) semaphore(%run_scoped3A_161 : memref<!tpu.dma_semaphore, #tpu.memory_space<semaphore_mem>>) {add = true}
        %dma_wait3A = arith.constant 0 : i32
        %dma_wait3A_167 = tpu.memref_slice %arg8[%run_scoped3A_160, %dma_wait3A] : memref<2x128xi32, #tpu.memory_space<vmem>> -> memref<1x128xi32, #tpu.memory_space<vmem>>
        %dma_wait3A_168 = tpu.memref_squeeze %dma_wait3A_167 : memref<1x128xi32, #tpu.memory_space<vmem>> -> memref<128xi32, #tpu.memory_space<vmem>>
        %dma_wait3A_169 = arith.constant 0 : i32
        %dma_wait3A_170 = arith.constant 0 : i32
        %dma_wait3A_171 = tpu.memref_slice %arg7[%dma_wait3A_169, %dma_wait3A_170] : memref<12544x128xf32, #tpu.memory_space<vmem_shared>> -> memref<12544x128xf32, #tpu.memory_space<vmem_shared>>
        tpu.wait_indirect_dma semaphore(%run_scoped3A_161 : memref<!tpu.dma_semaphore, #tpu.memory_space<semaphore_mem>>) src(%arg10 : memref<128x128xf32, #tpu.memory_space<vmem>>) dst(%dma_wait3A_171 : memref<12544x128xf32, #tpu.memory_space<vmem_shared>>)
        tpu.yield
      }) : () -> ()
    }
    %mul3A_25 = arith.constant 2 : i32
    %mul3A_26 = arith.muli %arg1, %mul3A_25 : i32
    %add3A_27 = arith.constant 1 : i32
    %add3A_28 = arith.addi %mul3A_26, %add3A_27 : i32
    %run_scoped3A_29 = arith.constant 0 : i32
    "tpu.region"() ({
      %run_scoped3A_158 = tpu.sem_alloc : memref<!tpu.dma_semaphore, #tpu.memory_space<semaphore_mem>>
      %dma_start3A = arith.constant 0 : i32
      %dma_start3A_159 = tpu.memref_slice %arg4[%add3A_1, %add3A_28, %run_scoped3A_29, %dma_start3A] : memref<4x32x1x128xi32, #tpu.memory_space<hbm>> -> memref<1x1x1x128xi32, #tpu.memory_space<hbm>>
      %dma_start3A_160 = tpu.memref_squeeze %dma_start3A_159 : memref<1x1x1x128xi32, #tpu.memory_space<hbm>> -> memref<128xi32, #tpu.memory_space<hbm>>
      %dma_start3A_161 = arith.constant 0 : i32
      %dma_start3A_162 = tpu.memref_slice %arg4[%add3A_1, %add3A_28, %run_scoped3A_29, %dma_start3A_161] : memref<4x32x1x128xi32, #tpu.memory_space<hbm>> -> memref<1x1x1x128xi32, #tpu.memory_space<hbm>>
      %dma_start3A_163 = tpu.memref_squeeze %dma_start3A_162 : memref<1x1x1x128xi32, #tpu.memory_space<hbm>> -> memref<128xi32, #tpu.memory_space<hbm>>
      tpu.enqueue_dma source(%dma_start3A_163 : memref<128xi32, #tpu.memory_space<hbm>>) target(%arg9 : memref<128xi32, #tpu.memory_space<vmem>>) target_semaphore(%run_scoped3A_158 : memref<!tpu.dma_semaphore, #tpu.memory_space<semaphore_mem>>)
      %dma_wait3A = arith.constant 0 : i32
      %dma_wait3A_164 = tpu.memref_slice %arg4[%add3A_1, %add3A_28, %run_scoped3A_29, %dma_wait3A] : memref<4x32x1x128xi32, #tpu.memory_space<hbm>> -> memref<1x1x1x128xi32, #tpu.memory_space<hbm>>
      %dma_wait3A_165 = tpu.memref_squeeze %dma_wait3A_164 : memref<1x1x1x128xi32, #tpu.memory_space<hbm>> -> memref<128xi32, #tpu.memory_space<hbm>>
      %dma_wait3A_166 = arith.constant 0 : i32
      %dma_wait3A_167 = tpu.memref_slice %arg4[%add3A_1, %add3A_28, %run_scoped3A_29, %dma_wait3A_166] : memref<4x32x1x128xi32, #tpu.memory_space<hbm>> -> memref<1x1x1x128xi32, #tpu.memory_space<hbm>>
      %dma_wait3A_168 = tpu.memref_squeeze %dma_wait3A_167 : memref<1x1x1x128xi32, #tpu.memory_space<hbm>> -> memref<128xi32, #tpu.memory_space<hbm>>
      tpu.wait_dma2 semaphore(%run_scoped3A_158 : memref<!tpu.dma_semaphore, #tpu.memory_space<semaphore_mem>>) src(%dma_wait3A_168 : memref<128xi32, #tpu.memory_space<hbm>>) dst(%arg9 : memref<128xi32, #tpu.memory_space<vmem>>)
      tpu.yield
    }) : () -> ()
    %get3A_30 = arith.constant 0 : index
    %get3A_31 = tpu.vector_load %arg9[%get3A_30] {strides = array<i32>} : memref<128xi32, #tpu.memory_space<vmem>>, vector<16xi32>,
    %reduce_max3A_32 = arith.constant true
    %reduce_max3A_33 = vector.broadcast %reduce_max3A_32 : i1 to vector<16xi1>
    %reduce_max3A_34 = arith.constant -2147483648 : i32
    %reduce_max3A_35 = vector.broadcast %reduce_max3A_34 : i32 to vector<16xi32>
    %reduce_max3A_36 = arith.xori %get3A_31, %reduce_max3A_35 : vector<16xi32>
    %reduce_max3A_37 = tpu.scan <max>, %reduce_max3A_36 masked %reduce_max3A_33 : vector<16xi32>, vector<16xi1> -> vector<16xi32>
    %reduce_max3A_38 = arith.xori %reduce_max3A_37, %reduce_max3A_35 : vector<16xi32>
    %reduce_max3A_39 = vector.extract %reduce_max3A_38[15] : i32 from vector<16xi32>
    %while3A_40 = arith.constant 0 : i32
    %while3A_41 = arith.constant 0 : i32
    %while3A_42 = arith.subi %reduce_max3A_39, %while3A_41 : i32
    %while3A_43 = arith.addi %while3A_41, %while3A_42 : i32
    %while3A_44 = arith.constant 1 : i32
    %while3A_45 = arith.divsi %while3A_42, %while3A_44 : i32
    %while3A_46 = arith.muli %while3A_45, %while3A_44 : i32
    %while3A_47 = arith.addi %while3A_41, %while3A_46 : i32
    %while3A_48 = arith.constant 1 : i32
    scf.for %while3A_158 = %while3A_41 to %while3A_47 step %while3A_48  : i32 {
      "tpu.region"() ({
        %run_scoped3A_161 = tpu.sem_alloc : memref<!tpu.dma_semaphore, #tpu.memory_space<semaphore_mem>>
        %dma_start3A = arith.constant 0 : i32
        %dma_start3A_162 = arith.constant 0 : i32
        %dma_start3A_163 = tpu.memref_slice %arg3[%add3A_1, %add3A_28, %while3A_158, %dma_start3A, %dma_start3A_162] : memref<4x32x200x2x128xi32, #tpu.memory_space<hbm>> -> memref<1x1x1x2x128xi32, #tpu.memory_space<hbm>>
        %dma_start3A_164 = tpu.memref_squeeze %dma_start3A_163 : memref<1x1x1x2x128xi32, #tpu.memory_space<hbm>> -> memref<2x128xi32, #tpu.memory_space<hbm>>
        %dma_start3A_165 = arith.constant 0 : i32
        %dma_start3A_166 = arith.constant 0 : i32
        %dma_start3A_167 = tpu.memref_slice %arg3[%add3A_1, %add3A_28, %while3A_158, %dma_start3A_165, %dma_start3A_166] : memref<4x32x200x2x128xi32, #tpu.memory_space<hbm>> -> memref<1x1x1x2x128xi32, #tpu.memory_space<hbm>>
        %dma_start3A_168 = tpu.memref_squeeze %dma_start3A_167 : memref<1x1x1x2x128xi32, #tpu.memory_space<hbm>> -> memref<2x128xi32, #tpu.memory_space<hbm>>
        tpu.enqueue_dma source(%dma_start3A_168 : memref<2x128xi32, #tpu.memory_space<hbm>>) target(%arg8 : memref<2x128xi32, #tpu.memory_space<vmem>>) target_semaphore(%run_scoped3A_161 : memref<!tpu.dma_semaphore, #tpu.memory_space<semaphore_mem>>)
        %dma_wait3A = arith.constant 0 : i32
        %dma_wait3A_169 = arith.constant 0 : i32
        %dma_wait3A_170 = tpu.memref_slice %arg3[%add3A_1, %add3A_28, %while3A_158, %dma_wait3A, %dma_wait3A_169] : memref<4x32x200x2x128xi32, #tpu.memory_space<hbm>> -> memref<1x1x1x2x128xi32, #tpu.memory_space<hbm>>
        %dma_wait3A_171 = tpu.memref_squeeze %dma_wait3A_170 : memref<1x1x1x2x128xi32, #tpu.memory_space<hbm>> -> memref<2x128xi32, #tpu.memory_space<hbm>>
        %dma_wait3A_172 = arith.constant 0 : i32
        %dma_wait3A_173 = arith.constant 0 : i32
        %dma_wait3A_174 = tpu.memref_slice %arg3[%add3A_1, %add3A_28, %while3A_158, %dma_wait3A_172, %dma_wait3A_173] : memref<4x32x200x2x128xi32, #tpu.memory_space<hbm>> -> memref<1x1x1x2x128xi32, #tpu.memory_space<hbm>>
        %dma_wait3A_175 = tpu.memref_squeeze %dma_wait3A_174 : memref<1x1x1x2x128xi32, #tpu.memory_space<hbm>> -> memref<2x128xi32, #tpu.memory_space<hbm>>
        tpu.wait_dma2 semaphore(%run_scoped3A_161 : memref<!tpu.dma_semaphore, #tpu.memory_space<semaphore_mem>>) src(%dma_wait3A_175 : memref<2x128xi32, #tpu.memory_space<hbm>>) dst(%arg8 : memref<2x128xi32, #tpu.memory_space<vmem>>)
        tpu.yield
      }) : () -> ()
      %run_scoped3A_159 = arith.constant 0 : i32
      "tpu.region"() ({
        %run_scoped3A_161 = tpu.sem_alloc : memref<!tpu.dma_semaphore, #tpu.memory_space<semaphore_mem>>
        %dma_start3A = arith.constant 0 : i32
        %dma_start3A_162 = tpu.memref_slice %arg8[%run_scoped3A_159, %dma_start3A] : memref<2x128xi32, #tpu.memory_space<vmem>> -> memref<1x128xi32, #tpu.memory_space<vmem>>
        %dma_start3A_163 = tpu.memref_squeeze %dma_start3A_162 : memref<1x128xi32, #tpu.memory_space<vmem>> -> memref<128xi32, #tpu.memory_space<vmem>>
        %dma_start3A_164 = arith.constant 0 : i32
        %dma_start3A_165 = arith.constant 0 : i32
        %dma_start3A_166 = tpu.memref_slice %arg2[%dma_start3A_164, %dma_start3A_165] : memref<50000x128xf32, #tpu.memory_space<hbm>> -> memref<50000x128xf32, #tpu.memory_space<hbm>>
        tpu.enqueue_indirect_dma source(%dma_start3A_166 : memref<50000x128xf32, #tpu.memory_space<hbm>>) target(%arg10 : memref<128x128xf32, #tpu.memory_space<vmem>>) offsets(%dma_start3A_163 : memref<128xi32, #tpu.memory_space<vmem>>) semaphore(%run_scoped3A_161 : memref<!tpu.dma_semaphore, #tpu.memory_space<semaphore_mem>>)
        %dma_wait3A = arith.constant 0 : i32
        %dma_wait3A_167 = tpu.memref_slice %arg8[%run_scoped3A_159, %dma_wait3A] : memref<2x128xi32, #tpu.memory_space<vmem>> -> memref<1x128xi32, #tpu.memory_space<vmem>>
        %dma_wait3A_168 = tpu.memref_squeeze %dma_wait3A_167 : memref<1x128xi32, #tpu.memory_space<vmem>> -> memref<128xi32, #tpu.memory_space<vmem>>
        %dma_wait3A_169 = arith.constant 0 : i32
        %dma_wait3A_170 = arith.constant 0 : i32
        %dma_wait3A_171 = tpu.memref_slice %arg2[%dma_wait3A_169, %dma_wait3A_170] : memref<50000x128xf32, #tpu.memory_space<hbm>> -> memref<50000x128xf32, #tpu.memory_space<hbm>>
        tpu.wait_indirect_dma semaphore(%run_scoped3A_161 : memref<!tpu.dma_semaphore, #tpu.memory_space<semaphore_mem>>) src(%dma_wait3A_171 : memref<50000x128xf32, #tpu.memory_space<hbm>>) dst(%arg10 : memref<128x128xf32, #tpu.memory_space<vmem>>)
        tpu.yield
      }) : () -> ()
      %run_scoped3A_160 = arith.constant 1 : i32
      "tpu.region"() ({
        %run_scoped3A_161 = tpu.sem_alloc : memref<!tpu.dma_semaphore, #tpu.memory_space<semaphore_mem>>
        %dma_start3A = arith.constant 0 : i32
        %dma_start3A_162 = tpu.memref_slice %arg8[%run_scoped3A_160, %dma_start3A] : memref<2x128xi32, #tpu.memory_space<vmem>> -> memref<1x128xi32, #tpu.memory_space<vmem>>
        %dma_start3A_163 = tpu.memref_squeeze %dma_start3A_162 : memref<1x128xi32, #tpu.memory_space<vmem>> -> memref<128xi32, #tpu.memory_space<vmem>>
        %dma_start3A_164 = arith.constant 0 : i32
        %dma_start3A_165 = arith.constant 0 : i32
        %dma_start3A_166 = tpu.memref_slice %arg7[%dma_start3A_164, %dma_start3A_165] : memref<12544x128xf32, #tpu.memory_space<vmem_shared>> -> memref<12544x128xf32, #tpu.memory_space<vmem_shared>>
        tpu.enqueue_indirect_dma source(%arg10 : memref<128x128xf32, #tpu.memory_space<vmem>>) target(%dma_start3A_166 : memref<12544x128xf32, #tpu.memory_space<vmem_shared>>) offsets(%dma_start3A_163 : memref<128xi32, #tpu.memory_space<vmem>>) semaphore(%run_scoped3A_161 : memref<!tpu.dma_semaphore, #tpu.memory_space<semaphore_mem>>) {add = true}
        %dma_wait3A = arith.constant 0 : i32
        %dma_wait3A_167 = tpu.memref_slice %arg8[%run_scoped3A_160, %dma_wait3A] : memref<2x128xi32, #tpu.memory_space<vmem>> -> memref<1x128xi32, #tpu.memory_space<vmem>>
        %dma_wait3A_168 = tpu.memref_squeeze %dma_wait3A_167 : memref<1x128xi32, #tpu.memory_space<vmem>> -> memref<128xi32, #tpu.memory_space<vmem>>
        %dma_wait3A_169 = arith.constant 0 : i32
        %dma_wait3A_170 = arith.constant 0 : i32
        %dma_wait3A_171 = tpu.memref_slice %arg7[%dma_wait3A_169, %dma_wait3A_170] : memref<12544x128xf32, #tpu.memory_space<vmem_shared>> -> memref<12544x128xf32, #tpu.memory_space<vmem_shared>>
        tpu.wait_indirect_dma semaphore(%run_scoped3A_161 : memref<!tpu.dma_semaphore, #tpu.memory_space<semaphore_mem>>) src(%arg10 : memref<128x128xf32, #tpu.memory_space<vmem>>) dst(%dma_wait3A_171 : memref<12544x128xf32, #tpu.memory_space<vmem_shared>>)
        tpu.yield
      }) : () -> ()
    }
    %while3A_49 = arith.constant 1 : i32
    scf.for %while3A_158 = %while3A_47 to %while3A_43 step %while3A_49  : i32 {
      "tpu.region"() ({
        %run_scoped3A_161 = tpu.sem_alloc : memref<!tpu.dma_semaphore, #tpu.memory_space<semaphore_mem>>
        %dma_start3A = arith.constant 0 : i32
        %dma_start3A_162 = arith.constant 0 : i32
        %dma_start3A_163 = tpu.memref_slice %arg3[%add3A_1, %add3A_28, %while3A_158, %dma_start3A, %dma_start3A_162] : memref<4x32x200x2x128xi32, #tpu.memory_space<hbm>> -> memref<1x1x1x2x128xi32, #tpu.memory_space<hbm>>
        %dma_start3A_164 = tpu.memref_squeeze %dma_start3A_163 : memref<1x1x1x2x128xi32, #tpu.memory_space<hbm>> -> memref<2x128xi32, #tpu.memory_space<hbm>>
        %dma_start3A_165 = arith.constant 0 : i32
        %dma_start3A_166 = arith.constant 0 : i32
        %dma_start3A_167 = tpu.memref_slice %arg3[%add3A_1, %add3A_28, %while3A_158, %dma_start3A_165, %dma_start3A_166] : memref<4x32x200x2x128xi32, #tpu.memory_space<hbm>> -> memref<1x1x1x2x128xi32, #tpu.memory_space<hbm>>
        %dma_start3A_168 = tpu.memref_squeeze %dma_start3A_167 : memref<1x1x1x2x128xi32, #tpu.memory_space<hbm>> -> memref<2x128xi32, #tpu.memory_space<hbm>>
        tpu.enqueue_dma source(%dma_start3A_168 : memref<2x128xi32, #tpu.memory_space<hbm>>) target(%arg8 : memref<2x128xi32, #tpu.memory_space<vmem>>) target_semaphore(%run_scoped3A_161 : memref<!tpu.dma_semaphore, #tpu.memory_space<semaphore_mem>>)
        %dma_wait3A = arith.constant 0 : i32
        %dma_wait3A_169 = arith.constant 0 : i32
        %dma_wait3A_170 = tpu.memref_slice %arg3[%add3A_1, %add3A_28, %while3A_158, %dma_wait3A, %dma_wait3A_169] : memref<4x32x200x2x128xi32, #tpu.memory_space<hbm>> -> memref<1x1x1x2x128xi32, #tpu.memory_space<hbm>>
        %dma_wait3A_171 = tpu.memref_squeeze %dma_wait3A_170 : memref<1x1x1x2x128xi32, #tpu.memory_space<hbm>> -> memref<2x128xi32, #tpu.memory_space<hbm>>
        %dma_wait3A_172 = arith.constant 0 : i32
        %dma_wait3A_173 = arith.constant 0 : i32
        %dma_wait3A_174 = tpu.memref_slice %arg3[%add3A_1, %add3A_28, %while3A_158, %dma_wait3A_172, %dma_wait3A_173] : memref<4x32x200x2x128xi32, #tpu.memory_space<hbm>> -> memref<1x1x1x2x128xi32, #tpu.memory_space<hbm>>
        %dma_wait3A_175 = tpu.memref_squeeze %dma_wait3A_174 : memref<1x1x1x2x128xi32, #tpu.memory_space<hbm>> -> memref<2x128xi32, #tpu.memory_space<hbm>>
        tpu.wait_dma2 semaphore(%run_scoped3A_161 : memref<!tpu.dma_semaphore, #tpu.memory_space<semaphore_mem>>) src(%dma_wait3A_175 : memref<2x128xi32, #tpu.memory_space<hbm>>) dst(%arg8 : memref<2x128xi32, #tpu.memory_space<vmem>>)
        tpu.yield
      }) : () -> ()
      %run_scoped3A_159 = arith.constant 0 : i32
      "tpu.region"() ({
        %run_scoped3A_161 = tpu.sem_alloc : memref<!tpu.dma_semaphore, #tpu.memory_space<semaphore_mem>>
        %dma_start3A = arith.constant 0 : i32
        %dma_start3A_162 = tpu.memref_slice %arg8[%run_scoped3A_159, %dma_start3A] : memref<2x128xi32, #tpu.memory_space<vmem>> -> memref<1x128xi32, #tpu.memory_space<vmem>>
        %dma_start3A_163 = tpu.memref_squeeze %dma_start3A_162 : memref<1x128xi32, #tpu.memory_space<vmem>> -> memref<128xi32, #tpu.memory_space<vmem>>
        %dma_start3A_164 = arith.constant 0 : i32
        %dma_start3A_165 = arith.constant 0 : i32
        %dma_start3A_166 = tpu.memref_slice %arg2[%dma_start3A_164, %dma_start3A_165] : memref<50000x128xf32, #tpu.memory_space<hbm>> -> memref<50000x128xf32, #tpu.memory_space<hbm>>
        tpu.enqueue_indirect_dma source(%dma_start3A_166 : memref<50000x128xf32, #tpu.memory_space<hbm>>) target(%arg10 : memref<128x128xf32, #tpu.memory_space<vmem>>) offsets(%dma_start3A_163 : memref<128xi32, #tpu.memory_space<vmem>>) semaphore(%run_scoped3A_161 : memref<!tpu.dma_semaphore, #tpu.memory_space<semaphore_mem>>)
        %dma_wait3A = arith.constant 0 : i32
        %dma_wait3A_167 = tpu.memref_slice %arg8[%run_scoped3A_159, %dma_wait3A] : memref<2x128xi32, #tpu.memory_space<vmem>> -> memref<1x128xi32, #tpu.memory_space<vmem>>
        %dma_wait3A_168 = tpu.memref_squeeze %dma_wait3A_167 : memref<1x128xi32, #tpu.memory_space<vmem>> -> memref<128xi32, #tpu.memory_space<vmem>>
        %dma_wait3A_169 = arith.constant 0 : i32
        %dma_wait3A_170 = arith.constant 0 : i32
        %dma_wait3A_171 = tpu.memref_slice %arg2[%dma_wait3A_169, %dma_wait3A_170] : memref<50000x128xf32, #tpu.memory_space<hbm>> -> memref<50000x128xf32, #tpu.memory_space<hbm>>
        tpu.wait_indirect_dma semaphore(%run_scoped3A_161 : memref<!tpu.dma_semaphore, #tpu.memory_space<semaphore_mem>>) src(%dma_wait3A_171 : memref<50000x128xf32, #tpu.memory_space<hbm>>) dst(%arg10 : memref<128x128xf32, #tpu.memory_space<vmem>>)
        tpu.yield
      }) : () -> ()
      %run_scoped3A_160 = arith.constant 1 : i32
      "tpu.region"() ({
        %run_scoped3A_161 = tpu.sem_alloc : memref<!tpu.dma_semaphore, #tpu.memory_space<semaphore_mem>>
        %dma_start3A = arith.constant 0 : i32
        %dma_start3A_162 = tpu.memref_slice %arg8[%run_scoped3A_160, %dma_start3A] : memref<2x128xi32, #tpu.memory_space<vmem>> -> memref<1x128xi32, #tpu.memory_space<vmem>>
        %dma_start3A_163 = tpu.memref_squeeze %dma_start3A_162 : memref<1x128xi32, #tpu.memory_space<vmem>> -> memref<128xi32, #tpu.memory_space<vmem>>
        %dma_start3A_164 = arith.constant 0 : i32
        %dma_start3A_165 = arith.constant 0 : i32
        %dma_start3A_166 = tpu.memref_slice %arg7[%dma_start3A_164, %dma_start3A_165] : memref<12544x128xf32, #tpu.memory_space<vmem_shared>> -> memref<12544x128xf32, #tpu.memory_space<vmem_shared>>
        tpu.enqueue_indirect_dma source(%arg10 : memref<128x128xf32, #tpu.memory_space<vmem>>) target(%dma_start3A_166 : memref<12544x128xf32, #tpu.memory_space<vmem_shared>>) offsets(%dma_start3A_163 : memref<128xi32, #tpu.memory_space<vmem>>) semaphore(%run_scoped3A_161 : memref<!tpu.dma_semaphore, #tpu.memory_space<semaphore_mem>>) {add = true}
        %dma_wait3A = arith.constant 0 : i32
        %dma_wait3A_167 = tpu.memref_slice %arg8[%run_scoped3A_160, %dma_wait3A] : memref<2x128xi32, #tpu.memory_space<vmem>> -> memref<1x128xi32, #tpu.memory_space<vmem>>
        %dma_wait3A_168 = tpu.memref_squeeze %dma_wait3A_167 : memref<1x128xi32, #tpu.memory_space<vmem>> -> memref<128xi32, #tpu.memory_space<vmem>>
        %dma_wait3A_169 = arith.constant 0 : i32
        %dma_wait3A_170 = arith.constant 0 : i32
        %dma_wait3A_171 = tpu.memref_slice %arg7[%dma_wait3A_169, %dma_wait3A_170] : memref<12544x128xf32, #tpu.memory_space<vmem_shared>> -> memref<12544x128xf32, #tpu.memory_space<vmem_shared>>
        tpu.wait_indirect_dma semaphore(%run_scoped3A_161 : memref<!tpu.dma_semaphore, #tpu.memory_space<semaphore_mem>>) src(%arg10 : memref<128x128xf32, #tpu.memory_space<vmem>>) dst(%dma_wait3A_171 : memref<12544x128xf32, #tpu.memory_space<vmem_shared>>)
        tpu.yield
      }) : () -> ()
    }
    %barrier3A_50 = arith.constant 0 : index
    tpu.barrier barrier_id(%barrier3A_50)
    %mul3A_51 = arith.constant 12504 : i32
    %mul3A_52 = arith.muli %add3A_1, %mul3A_51 : i32
    %mul3A_53 = arith.constant 784 : i32
    %mul3A_54 = arith.muli %arg1, %mul3A_53 : i32
    %add3A_55 = arith.addi %mul3A_52, %mul3A_54 : i32
    %lt3A = arith.constant 15 : i32
    %lt3A_56 = arith.cmpi slt, %arg1, %lt3A : i32
    %convert_element_type3A = arith.extui %lt3A_56 : i1 to i32
    %cond3A = arith.constant 0 : i32
    %cond3A_57 = arith.cmpi ne, %convert_element_type3A, %cond3A : i32
    scf.if %cond3A_57 {
      %mul3A_158 = arith.constant 784 : i32
      %mul3A_159 = arith.muli %arg1, %mul3A_158 : i32
      "tpu.region"() ({
        %run_scoped3A_160 = tpu.sem_alloc : memref<!tpu.dma_semaphore, #tpu.memory_space<semaphore_mem>>
        %dma_start3A = arith.constant 0 : i32
        %dma_start3A_161 = tpu.memref_slice %arg6[%add3A_55, %dma_start3A] : memref<50000x128xf32, #tpu.memory_space<hbm>> -> memref<784x128xf32, #tpu.memory_space<hbm>>
        %dma_start3A_162 = arith.constant 0 : i32
        %dma_start3A_163 = tpu.memref_slice %arg7[%mul3A_159, %dma_start3A_162] : memref<12544x128xf32, #tpu.memory_space<vmem_shared>> -> memref<784x128xf32, #tpu.memory_space<vmem_shared>>
        tpu.enqueue_dma source(%dma_start3A_163 : memref<784x128xf32, #tpu.memory_space<vmem_shared>>) target(%dma_start3A_161 : memref<784x128xf32, #tpu.memory_space<hbm>>) target_semaphore(%run_scoped3A_160 : memref<!tpu.dma_semaphore, #tpu.memory_space<semaphore_mem>>)
        %dma_wait3A = arith.constant 0 : i32
        %dma_wait3A_164 = tpu.memref_slice %arg6[%add3A_55, %dma_wait3A] : memref<50000x128xf32, #tpu.memory_space<hbm>> -> memref<784x128xf32, #tpu.memory_space<hbm>>
        %dma_wait3A_165 = arith.constant 0 : i32
        %dma_wait3A_166 = tpu.memref_slice %arg7[%mul3A_159, %dma_wait3A_165] : memref<12544x128xf32, #tpu.memory_space<vmem_shared>> -> memref<784x128xf32, #tpu.memory_space<vmem_shared>>
        tpu.wait_dma2 semaphore(%run_scoped3A_160 : memref<!tpu.dma_semaphore, #tpu.memory_space<semaphore_mem>>) src(%dma_wait3A_166 : memref<784x128xf32, #tpu.memory_space<vmem_shared>>) dst(%dma_wait3A_164 : memref<784x128xf32, #tpu.memory_space<hbm>>)
        tpu.yield
      }) : () -> ()
    } else {
    }
    %eq3A = arith.constant 15 : i32
    %eq3A_58 = arith.cmpi eq, %arg1, %eq3A : i32
    %lt3A_59 = arith.constant 3 : i32
    %lt3A_60 = arith.cmpi slt, %add3A_1, %lt3A_59 : i32
    %and3A = arith.andi %eq3A_58, %lt3A_60 : i1
    %convert_element_type3A_61 = arith.extui %and3A : i1 to i32
    %cond3A_62 = arith.constant 0 : i32
    %cond3A_63 = arith.cmpi ne, %convert_element_type3A_61, %cond3A_62 : i32
    scf.if %cond3A_63 {
      "tpu.region"() ({
        %run_scoped3A_158 = tpu.sem_alloc : memref<!tpu.dma_semaphore, #tpu.memory_space<semaphore_mem>>
        %dma_start3A = arith.constant 0 : i32
        %dma_start3A_159 = tpu.memref_slice %arg6[%add3A_55, %dma_start3A] : memref<50000x128xf32, #tpu.memory_space<hbm>> -> memref<744x128xf32, #tpu.memory_space<hbm>>
        %dma_start3A_160 = arith.constant 11760 : i32
        %dma_start3A_161 = arith.constant 0 : i32
        %dma_start3A_162 = tpu.memref_slice %arg7[%dma_start3A_160, %dma_start3A_161] : memref<12544x128xf32, #tpu.memory_space<vmem_shared>> -> memref<744x128xf32, #tpu.memory_space<vmem_shared>>
        tpu.enqueue_dma source(%dma_start3A_162 : memref<744x128xf32, #tpu.memory_space<vmem_shared>>) target(%dma_start3A_159 : memref<744x128xf32, #tpu.memory_space<hbm>>) target_semaphore(%run_scoped3A_158 : memref<!tpu.dma_semaphore, #tpu.memory_space<semaphore_mem>>)
        %dma_wait3A = arith.constant 0 : i32
        %dma_wait3A_163 = tpu.memref_slice %arg6[%add3A_55, %dma_wait3A] : memref<50000x128xf32, #tpu.memory_space<hbm>> -> memref<744x128xf32, #tpu.memory_space<hbm>>
        %dma_wait3A_164 = arith.constant 11760 : i32
        %dma_wait3A_165 = arith.constant 0 : i32
        %dma_wait3A_166 = tpu.memref_slice %arg7[%dma_wait3A_164, %dma_wait3A_165] : memref<12544x128xf32, #tpu.memory_space<vmem_shared>> -> memref<744x128xf32, #tpu.memory_space<vmem_shared>>
        tpu.wait_dma2 semaphore(%run_scoped3A_158 : memref<!tpu.dma_semaphore, #tpu.memory_space<semaphore_mem>>) src(%dma_wait3A_166 : memref<744x128xf32, #tpu.memory_space<vmem_shared>>) dst(%dma_wait3A_163 : memref<744x128xf32, #tpu.memory_space<hbm>>)
        tpu.yield
      }) : () -> ()
    } else {
    }
    %eq3A_64 = arith.constant 15 : i32
    %eq3A_65 = arith.cmpi eq, %arg1, %eq3A_64 : i32
    %eq3A_66 = arith.constant 3 : i32
    %eq3A_67 = arith.cmpi eq, %add3A_1, %eq3A_66 : i32
    %and3A_68 = arith.andi %eq3A_65, %eq3A_67 : i1
    %convert_element_type3A_69 = arith.extui %and3A_68 : i1 to i32
    %cond3A_70 = arith.constant 0 : i32
    %cond3A_71 = arith.cmpi ne, %convert_element_type3A_69, %cond3A_70 : i32
    scf.if %cond3A_71 {
      "tpu.region"() ({
        %run_scoped3A_158 = tpu.sem_alloc : memref<!tpu.dma_semaphore, #tpu.memory_space<semaphore_mem>>
        %dma_start3A = arith.constant 0 : i32
        %dma_start3A_159 = tpu.memref_slice %arg6[%add3A_55, %dma_start3A] : memref<50000x128xf32, #tpu.memory_space<hbm>> -> memref<728x128xf32, #tpu.memory_space<hbm>>
        %dma_start3A_160 = arith.constant 11760 : i32
        %dma_start3A_161 = arith.constant 0 : i32
        %dma_start3A_162 = tpu.memref_slice %arg7[%dma_start3A_160, %dma_start3A_161] : memref<12544x128xf32, #tpu.memory_space<vmem_shared>> -> memref<728x128xf32, #tpu.memory_space<vmem_shared>>
        tpu.enqueue_dma source(%dma_start3A_162 : memref<728x128xf32, #tpu.memory_space<vmem_shared>>) target(%dma_start3A_159 : memref<728x128xf32, #tpu.memory_space<hbm>>) target_semaphore(%run_scoped3A_158 : memref<!tpu.dma_semaphore, #tpu.memory_space<semaphore_mem>>)
        %dma_wait3A = arith.constant 0 : i32
        %dma_wait3A_163 = tpu.memref_slice %arg6[%add3A_55, %dma_wait3A] : memref<50000x128xf32, #tpu.memory_space<hbm>> -> memref<728x128xf32, #tpu.memory_space<hbm>>
        %dma_wait3A_164 = arith.constant 11760 : i32
        %dma_wait3A_165 = arith.constant 0 : i32
        %dma_wait3A_166 = tpu.memref_slice %arg7[%dma_wait3A_164, %dma_wait3A_165] : memref<12544x128xf32, #tpu.memory_space<vmem_shared>> -> memref<728x128xf32, #tpu.memory_space<vmem_shared>>
        tpu.wait_dma2 semaphore(%run_scoped3A_158 : memref<!tpu.dma_semaphore, #tpu.memory_space<semaphore_mem>>) src(%dma_wait3A_166 : memref<728x128xf32, #tpu.memory_space<vmem_shared>>) dst(%dma_wait3A_163 : memref<728x128xf32, #tpu.memory_space<hbm>>)
        tpu.yield
      }) : () -> ()
    } else {
    }
    %barrier3A_72 = arith.constant 0 : index
    tpu.barrier barrier_id(%barrier3A_72)
    %mul3A_73 = arith.constant 2 : i32
    %mul3A_74 = arith.muli %arg0, %mul3A_73 : i32
    %add3A_75 = arith.constant 1 : i32
    %add3A_76 = arith.addi %mul3A_74, %add3A_75 : i32
    %mul3A_77 = arith.constant 784 : i32
    %mul3A_78 = arith.muli %arg1, %mul3A_77 : i32
    "tpu.region"() ({
      %run_scoped3A_158 = tpu.sem_alloc : memref<!tpu.dma_semaphore, #tpu.memory_space<semaphore_mem>>
      %dma_start3A = arith.constant 0 : i32
      %dma_start3A_159 = tpu.memref_slice %arg7[%mul3A_78, %dma_start3A] : memref<12544x128xf32, #tpu.memory_space<vmem_shared>> -> memref<784x128xf32, #tpu.memory_space<vmem_shared>>
      tpu.enqueue_dma source(%arg5 : memref<784x128xf32, #tpu.memory_space<hbm>>) target(%dma_start3A_159 : memref<784x128xf32, #tpu.memory_space<vmem_shared>>) target_semaphore(%run_scoped3A_158 : memref<!tpu.dma_semaphore, #tpu.memory_space<semaphore_mem>>)
      %dma_wait3A = arith.constant 0 : i32
      %dma_wait3A_160 = tpu.memref_slice %arg7[%mul3A_78, %dma_wait3A] : memref<12544x128xf32, #tpu.memory_space<vmem_shared>> -> memref<784x128xf32, #tpu.memory_space<vmem_shared>>
      tpu.wait_dma2 semaphore(%run_scoped3A_158 : memref<!tpu.dma_semaphore, #tpu.memory_space<semaphore_mem>>) src(%arg5 : memref<784x128xf32, #tpu.memory_space<hbm>>) dst(%dma_wait3A_160 : memref<784x128xf32, #tpu.memory_space<vmem_shared>>)
      tpu.yield
    }) : () -> ()
    %barrier3A_79 = arith.constant 0 : index
    tpu.barrier barrier_id(%barrier3A_79)
    %mul3A_80 = arith.constant 2 : i32
    %mul3A_81 = arith.muli %arg1, %mul3A_80 : i32
    %add3A_82 = arith.constant 0 : i32
    %add3A_83 = arith.addi %mul3A_81, %add3A_82 : i32
    %run_scoped3A_84 = arith.constant 0 : i32
    "tpu.region"() ({
      %run_scoped3A_158 = tpu.sem_alloc : memref<!tpu.dma_semaphore, #tpu.memory_space<semaphore_mem>>
      %dma_start3A = arith.constant 0 : i32
      %dma_start3A_159 = tpu.memref_slice %arg4[%add3A_76, %add3A_83, %run_scoped3A_84, %dma_start3A] : memref<4x32x1x128xi32, #tpu.memory_space<hbm>> -> memref<1x1x1x128xi32, #tpu.memory_space<hbm>>
      %dma_start3A_160 = tpu.memref_squeeze %dma_start3A_159 : memref<1x1x1x128xi32, #tpu.memory_space<hbm>> -> memref<128xi32, #tpu.memory_space<hbm>>
      %dma_start3A_161 = arith.constant 0 : i32
      %dma_start3A_162 = tpu.memref_slice %arg4[%add3A_76, %add3A_83, %run_scoped3A_84, %dma_start3A_161] : memref<4x32x1x128xi32, #tpu.memory_space<hbm>> -> memref<1x1x1x128xi32, #tpu.memory_space<hbm>>
      %dma_start3A_163 = tpu.memref_squeeze %dma_start3A_162 : memref<1x1x1x128xi32, #tpu.memory_space<hbm>> -> memref<128xi32, #tpu.memory_space<hbm>>
      tpu.enqueue_dma source(%dma_start3A_163 : memref<128xi32, #tpu.memory_space<hbm>>) target(%arg9 : memref<128xi32, #tpu.memory_space<vmem>>) target_semaphore(%run_scoped3A_158 : memref<!tpu.dma_semaphore, #tpu.memory_space<semaphore_mem>>)
      %dma_wait3A = arith.constant 0 : i32
      %dma_wait3A_164 = tpu.memref_slice %arg4[%add3A_76, %add3A_83, %run_scoped3A_84, %dma_wait3A] : memref<4x32x1x128xi32, #tpu.memory_space<hbm>> -> memref<1x1x1x128xi32, #tpu.memory_space<hbm>>
      %dma_wait3A_165 = tpu.memref_squeeze %dma_wait3A_164 : memref<1x1x1x128xi32, #tpu.memory_space<hbm>> -> memref<128xi32, #tpu.memory_space<hbm>>
      %dma_wait3A_166 = arith.constant 0 : i32
      %dma_wait3A_167 = tpu.memref_slice %arg4[%add3A_76, %add3A_83, %run_scoped3A_84, %dma_wait3A_166] : memref<4x32x1x128xi32, #tpu.memory_space<hbm>> -> memref<1x1x1x128xi32, #tpu.memory_space<hbm>>
      %dma_wait3A_168 = tpu.memref_squeeze %dma_wait3A_167 : memref<1x1x1x128xi32, #tpu.memory_space<hbm>> -> memref<128xi32, #tpu.memory_space<hbm>>
      tpu.wait_dma2 semaphore(%run_scoped3A_158 : memref<!tpu.dma_semaphore, #tpu.memory_space<semaphore_mem>>) src(%dma_wait3A_168 : memref<128xi32, #tpu.memory_space<hbm>>) dst(%arg9 : memref<128xi32, #tpu.memory_space<vmem>>)
      tpu.yield
    }) : () -> ()
    %get3A_85 = arith.constant 0 : index
    %get3A_86 = tpu.vector_load %arg9[%get3A_85] {strides = array<i32>} : memref<128xi32, #tpu.memory_space<vmem>>, vector<16xi32>,
    %reduce_max3A_87 = arith.constant true
    %reduce_max3A_88 = vector.broadcast %reduce_max3A_87 : i1 to vector<16xi1>
    %reduce_max3A_89 = arith.constant -2147483648 : i32
    %reduce_max3A_90 = vector.broadcast %reduce_max3A_89 : i32 to vector<16xi32>
    %reduce_max3A_91 = arith.xori %get3A_86, %reduce_max3A_90 : vector<16xi32>
    %reduce_max3A_92 = tpu.scan <max>, %reduce_max3A_91 masked %reduce_max3A_88 : vector<16xi32>, vector<16xi1> -> vector<16xi32>
    %reduce_max3A_93 = arith.xori %reduce_max3A_92, %reduce_max3A_90 : vector<16xi32>
    %reduce_max3A_94 = vector.extract %reduce_max3A_93[15] : i32 from vector<16xi32>
    %while3A_95 = arith.constant 0 : i32
    %while3A_96 = arith.constant 0 : i32
    %while3A_97 = arith.subi %reduce_max3A_94, %while3A_96 : i32
    %while3A_98 = arith.addi %while3A_96, %while3A_97 : i32
    %while3A_99 = arith.constant 1 : i32
    %while3A_100 = arith.divsi %while3A_97, %while3A_99 : i32
    %while3A_101 = arith.muli %while3A_100, %while3A_99 : i32
    %while3A_102 = arith.addi %while3A_96, %while3A_101 : i32
    %while3A_103 = arith.constant 1 : i32
    scf.for %while3A_158 = %while3A_96 to %while3A_102 step %while3A_103  : i32 {
      "tpu.region"() ({
        %run_scoped3A_161 = tpu.sem_alloc : memref<!tpu.dma_semaphore, #tpu.memory_space<semaphore_mem>>
        %dma_start3A = arith.constant 0 : i32
        %dma_start3A_162 = arith.constant 0 : i32
        %dma_start3A_163 = tpu.memref_slice %arg3[%add3A_76, %add3A_83, %while3A_158, %dma_start3A, %dma_start3A_162] : memref<4x32x200x2x128xi32, #tpu.memory_space<hbm>> -> memref<1x1x1x2x128xi32, #tpu.memory_space<hbm>>
        %dma_start3A_164 = tpu.memref_squeeze %dma_start3A_163 : memref<1x1x1x2x128xi32, #tpu.memory_space<hbm>> -> memref<2x128xi32, #tpu.memory_space<hbm>>
        %dma_start3A_165 = arith.constant 0 : i32
        %dma_start3A_166 = arith.constant 0 : i32
        %dma_start3A_167 = tpu.memref_slice %arg3[%add3A_76, %add3A_83, %while3A_158, %dma_start3A_165, %dma_start3A_166] : memref<4x32x200x2x128xi32, #tpu.memory_space<hbm>> -> memref<1x1x1x2x128xi32, #tpu.memory_space<hbm>>
        %dma_start3A_168 = tpu.memref_squeeze %dma_start3A_167 : memref<1x1x1x2x128xi32, #tpu.memory_space<hbm>> -> memref<2x128xi32, #tpu.memory_space<hbm>>
        tpu.enqueue_dma source(%dma_start3A_168 : memref<2x128xi32, #tpu.memory_space<hbm>>) target(%arg8 : memref<2x128xi32, #tpu.memory_space<vmem>>) target_semaphore(%run_scoped3A_161 : memref<!tpu.dma_semaphore, #tpu.memory_space<semaphore_mem>>)
        %dma_wait3A = arith.constant 0 : i32
        %dma_wait3A_169 = arith.constant 0 : i32
        %dma_wait3A_170 = tpu.memref_slice %arg3[%add3A_76, %add3A_83, %while3A_158, %dma_wait3A, %dma_wait3A_169] : memref<4x32x200x2x128xi32, #tpu.memory_space<hbm>> -> memref<1x1x1x2x128xi32, #tpu.memory_space<hbm>>
        %dma_wait3A_171 = tpu.memref_squeeze %dma_wait3A_170 : memref<1x1x1x2x128xi32, #tpu.memory_space<hbm>> -> memref<2x128xi32, #tpu.memory_space<hbm>>
        %dma_wait3A_172 = arith.constant 0 : i32
        %dma_wait3A_173 = arith.constant 0 : i32
        %dma_wait3A_174 = tpu.memref_slice %arg3[%add3A_76, %add3A_83, %while3A_158, %dma_wait3A_172, %dma_wait3A_173] : memref<4x32x200x2x128xi32, #tpu.memory_space<hbm>> -> memref<1x1x1x2x128xi32, #tpu.memory_space<hbm>>
        %dma_wait3A_175 = tpu.memref_squeeze %dma_wait3A_174 : memref<1x1x1x2x128xi32, #tpu.memory_space<hbm>> -> memref<2x128xi32, #tpu.memory_space<hbm>>
        tpu.wait_dma2 semaphore(%run_scoped3A_161 : memref<!tpu.dma_semaphore, #tpu.memory_space<semaphore_mem>>) src(%dma_wait3A_175 : memref<2x128xi32, #tpu.memory_space<hbm>>) dst(%arg8 : memref<2x128xi32, #tpu.memory_space<vmem>>)
        tpu.yield
      }) : () -> ()
      %run_scoped3A_159 = arith.constant 0 : i32
      "tpu.region"() ({
        %run_scoped3A_161 = tpu.sem_alloc : memref<!tpu.dma_semaphore, #tpu.memory_space<semaphore_mem>>
        %dma_start3A = arith.constant 0 : i32
        %dma_start3A_162 = tpu.memref_slice %arg8[%run_scoped3A_159, %dma_start3A] : memref<2x128xi32, #tpu.memory_space<vmem>> -> memref<1x128xi32, #tpu.memory_space<vmem>>
        %dma_start3A_163 = tpu.memref_squeeze %dma_start3A_162 : memref<1x128xi32, #tpu.memory_space<vmem>> -> memref<128xi32, #tpu.memory_space<vmem>>
        %dma_start3A_164 = arith.constant 0 : i32
        %dma_start3A_165 = arith.constant 0 : i32
        %dma_start3A_166 = tpu.memref_slice %arg2[%dma_start3A_164, %dma_start3A_165] : memref<50000x128xf32, #tpu.memory_space<hbm>> -> memref<50000x128xf32, #tpu.memory_space<hbm>>
        tpu.enqueue_indirect_dma source(%dma_start3A_166 : memref<50000x128xf32, #tpu.memory_space<hbm>>) target(%arg10 : memref<128x128xf32, #tpu.memory_space<vmem>>) offsets(%dma_start3A_163 : memref<128xi32, #tpu.memory_space<vmem>>) semaphore(%run_scoped3A_161 : memref<!tpu.dma_semaphore, #tpu.memory_space<semaphore_mem>>)
        %dma_wait3A = arith.constant 0 : i32
        %dma_wait3A_167 = tpu.memref_slice %arg8[%run_scoped3A_159, %dma_wait3A] : memref<2x128xi32, #tpu.memory_space<vmem>> -> memref<1x128xi32, #tpu.memory_space<vmem>>
        %dma_wait3A_168 = tpu.memref_squeeze %dma_wait3A_167 : memref<1x128xi32, #tpu.memory_space<vmem>> -> memref<128xi32, #tpu.memory_space<vmem>>
        %dma_wait3A_169 = arith.constant 0 : i32
        %dma_wait3A_170 = arith.constant 0 : i32
        %dma_wait3A_171 = tpu.memref_slice %arg2[%dma_wait3A_169, %dma_wait3A_170] : memref<50000x128xf32, #tpu.memory_space<hbm>> -> memref<50000x128xf32, #tpu.memory_space<hbm>>
        tpu.wait_indirect_dma semaphore(%run_scoped3A_161 : memref<!tpu.dma_semaphore, #tpu.memory_space<semaphore_mem>>) src(%dma_wait3A_171 : memref<50000x128xf32, #tpu.memory_space<hbm>>) dst(%arg10 : memref<128x128xf32, #tpu.memory_space<vmem>>)
        tpu.yield
      }) : () -> ()
      %run_scoped3A_160 = arith.constant 1 : i32
      "tpu.region"() ({
        %run_scoped3A_161 = tpu.sem_alloc : memref<!tpu.dma_semaphore, #tpu.memory_space<semaphore_mem>>
        %dma_start3A = arith.constant 0 : i32
        %dma_start3A_162 = tpu.memref_slice %arg8[%run_scoped3A_160, %dma_start3A] : memref<2x128xi32, #tpu.memory_space<vmem>> -> memref<1x128xi32, #tpu.memory_space<vmem>>
        %dma_start3A_163 = tpu.memref_squeeze %dma_start3A_162 : memref<1x128xi32, #tpu.memory_space<vmem>> -> memref<128xi32, #tpu.memory_space<vmem>>
        %dma_start3A_164 = arith.constant 0 : i32
        %dma_start3A_165 = arith.constant 0 : i32
        %dma_start3A_166 = tpu.memref_slice %arg7[%dma_start3A_164, %dma_start3A_165] : memref<12544x128xf32, #tpu.memory_space<vmem_shared>> -> memref<12544x128xf32, #tpu.memory_space<vmem_shared>>
        tpu.enqueue_indirect_dma source(%arg10 : memref<128x128xf32, #tpu.memory_space<vmem>>) target(%dma_start3A_166 : memref<12544x128xf32, #tpu.memory_space<vmem_shared>>) offsets(%dma_start3A_163 : memref<128xi32, #tpu.memory_space<vmem>>) semaphore(%run_scoped3A_161 : memref<!tpu.dma_semaphore, #tpu.memory_space<semaphore_mem>>) {add = true}
        %dma_wait3A = arith.constant 0 : i32
        %dma_wait3A_167 = tpu.memref_slice %arg8[%run_scoped3A_160, %dma_wait3A] : memref<2x128xi32, #tpu.memory_space<vmem>> -> memref<1x128xi32, #tpu.memory_space<vmem>>
        %dma_wait3A_168 = tpu.memref_squeeze %dma_wait3A_167 : memref<1x128xi32, #tpu.memory_space<vmem>> -> memref<128xi32, #tpu.memory_space<vmem>>
        %dma_wait3A_169 = arith.constant 0 : i32
        %dma_wait3A_170 = arith.constant 0 : i32
        %dma_wait3A_171 = tpu.memref_slice %arg7[%dma_wait3A_169, %dma_wait3A_170] : memref<12544x128xf32, #tpu.memory_space<vmem_shared>> -> memref<12544x128xf32, #tpu.memory_space<vmem_shared>>
        tpu.wait_indirect_dma semaphore(%run_scoped3A_161 : memref<!tpu.dma_semaphore, #tpu.memory_space<semaphore_mem>>) src(%arg10 : memref<128x128xf32, #tpu.memory_space<vmem>>) dst(%dma_wait3A_171 : memref<12544x128xf32, #tpu.memory_space<vmem_shared>>)
        tpu.yield
      }) : () -> ()
    }
    %while3A_104 = arith.constant 1 : i32
    scf.for %while3A_158 = %while3A_102 to %while3A_98 step %while3A_104  : i32 {
      "tpu.region"() ({
        %run_scoped3A_161 = tpu.sem_alloc : memref<!tpu.dma_semaphore, #tpu.memory_space<semaphore_mem>>
        %dma_start3A = arith.constant 0 : i32
        %dma_start3A_162 = arith.constant 0 : i32
        %dma_start3A_163 = tpu.memref_slice %arg3[%add3A_76, %add3A_83, %while3A_158, %dma_start3A, %dma_start3A_162] : memref<4x32x200x2x128xi32, #tpu.memory_space<hbm>> -> memref<1x1x1x2x128xi32, #tpu.memory_space<hbm>>
        %dma_start3A_164 = tpu.memref_squeeze %dma_start3A_163 : memref<1x1x1x2x128xi32, #tpu.memory_space<hbm>> -> memref<2x128xi32, #tpu.memory_space<hbm>>
        %dma_start3A_165 = arith.constant 0 : i32
        %dma_start3A_166 = arith.constant 0 : i32
        %dma_start3A_167 = tpu.memref_slice %arg3[%add3A_76, %add3A_83, %while3A_158, %dma_start3A_165, %dma_start3A_166] : memref<4x32x200x2x128xi32, #tpu.memory_space<hbm>> -> memref<1x1x1x2x128xi32, #tpu.memory_space<hbm>>
        %dma_start3A_168 = tpu.memref_squeeze %dma_start3A_167 : memref<1x1x1x2x128xi32, #tpu.memory_space<hbm>> -> memref<2x128xi32, #tpu.memory_space<hbm>>
        tpu.enqueue_dma source(%dma_start3A_168 : memref<2x128xi32, #tpu.memory_space<hbm>>) target(%arg8 : memref<2x128xi32, #tpu.memory_space<vmem>>) target_semaphore(%run_scoped3A_161 : memref<!tpu.dma_semaphore, #tpu.memory_space<semaphore_mem>>)
        %dma_wait3A = arith.constant 0 : i32
        %dma_wait3A_169 = arith.constant 0 : i32
        %dma_wait3A_170 = tpu.memref_slice %arg3[%add3A_76, %add3A_83, %while3A_158, %dma_wait3A, %dma_wait3A_169] : memref<4x32x200x2x128xi32, #tpu.memory_space<hbm>> -> memref<1x1x1x2x128xi32, #tpu.memory_space<hbm>>
        %dma_wait3A_171 = tpu.memref_squeeze %dma_wait3A_170 : memref<1x1x1x2x128xi32, #tpu.memory_space<hbm>> -> memref<2x128xi32, #tpu.memory_space<hbm>>
        %dma_wait3A_172 = arith.constant 0 : i32
        %dma_wait3A_173 = arith.constant 0 : i32
        %dma_wait3A_174 = tpu.memref_slice %arg3[%add3A_76, %add3A_83, %while3A_158, %dma_wait3A_172, %dma_wait3A_173] : memref<4x32x200x2x128xi32, #tpu.memory_space<hbm>> -> memref<1x1x1x2x128xi32, #tpu.memory_space<hbm>>
        %dma_wait3A_175 = tpu.memref_squeeze %dma_wait3A_174 : memref<1x1x1x2x128xi32, #tpu.memory_space<hbm>> -> memref<2x128xi32, #tpu.memory_space<hbm>>
        tpu.wait_dma2 semaphore(%run_scoped3A_161 : memref<!tpu.dma_semaphore, #tpu.memory_space<semaphore_mem>>) src(%dma_wait3A_175 : memref<2x128xi32, #tpu.memory_space<hbm>>) dst(%arg8 : memref<2x128xi32, #tpu.memory_space<vmem>>)
        tpu.yield
      }) : () -> ()
      %run_scoped3A_159 = arith.constant 0 : i32
      "tpu.region"() ({
        %run_scoped3A_161 = tpu.sem_alloc : memref<!tpu.dma_semaphore, #tpu.memory_space<semaphore_mem>>
        %dma_start3A = arith.constant 0 : i32
        %dma_start3A_162 = tpu.memref_slice %arg8[%run_scoped3A_159, %dma_start3A] : memref<2x128xi32, #tpu.memory_space<vmem>> -> memref<1x128xi32, #tpu.memory_space<vmem>>
        %dma_start3A_163 = tpu.memref_squeeze %dma_start3A_162 : memref<1x128xi32, #tpu.memory_space<vmem>> -> memref<128xi32, #tpu.memory_space<vmem>>
        %dma_start3A_164 = arith.constant 0 : i32
        %dma_start3A_165 = arith.constant 0 : i32
        %dma_start3A_166 = tpu.memref_slice %arg2[%dma_start3A_164, %dma_start3A_165] : memref<50000x128xf32, #tpu.memory_space<hbm>> -> memref<50000x128xf32, #tpu.memory_space<hbm>>
        tpu.enqueue_indirect_dma source(%dma_start3A_166 : memref<50000x128xf32, #tpu.memory_space<hbm>>) target(%arg10 : memref<128x128xf32, #tpu.memory_space<vmem>>) offsets(%dma_start3A_163 : memref<128xi32, #tpu.memory_space<vmem>>) semaphore(%run_scoped3A_161 : memref<!tpu.dma_semaphore, #tpu.memory_space<semaphore_mem>>)
        %dma_wait3A = arith.constant 0 : i32
        %dma_wait3A_167 = tpu.memref_slice %arg8[%run_scoped3A_159, %dma_wait3A] : memref<2x128xi32, #tpu.memory_space<vmem>> -> memref<1x128xi32, #tpu.memory_space<vmem>>
        %dma_wait3A_168 = tpu.memref_squeeze %dma_wait3A_167 : memref<1x128xi32, #tpu.memory_space<vmem>> -> memref<128xi32, #tpu.memory_space<vmem>>
        %dma_wait3A_169 = arith.constant 0 : i32
        %dma_wait3A_170 = arith.constant 0 : i32
        %dma_wait3A_171 = tpu.memref_slice %arg2[%dma_wait3A_169, %dma_wait3A_170] : memref<50000x128xf32, #tpu.memory_space<hbm>> -> memref<50000x128xf32, #tpu.memory_space<hbm>>
        tpu.wait_indirect_dma semaphore(%run_scoped3A_161 : memref<!tpu.dma_semaphore, #tpu.memory_space<semaphore_mem>>) src(%dma_wait3A_171 : memref<50000x128xf32, #tpu.memory_space<hbm>>) dst(%arg10 : memref<128x128xf32, #tpu.memory_space<vmem>>)
        tpu.yield
      }) : () -> ()
      %run_scoped3A_160 = arith.constant 1 : i32
      "tpu.region"() ({
        %run_scoped3A_161 = tpu.sem_alloc : memref<!tpu.dma_semaphore, #tpu.memory_space<semaphore_mem>>
        %dma_start3A = arith.constant 0 : i32
        %dma_start3A_162 = tpu.memref_slice %arg8[%run_scoped3A_160, %dma_start3A] : memref<2x128xi32, #tpu.memory_space<vmem>> -> memref<1x128xi32, #tpu.memory_space<vmem>>
        %dma_start3A_163 = tpu.memref_squeeze %dma_start3A_162 : memref<1x128xi32, #tpu.memory_space<vmem>> -> memref<128xi32, #tpu.memory_space<vmem>>
        %dma_start3A_164 = arith.constant 0 : i32
        %dma_start3A_165 = arith.constant 0 : i32
        %dma_start3A_166 = tpu.memref_slice %arg7[%dma_start3A_164, %dma_start3A_165] : memref<12544x128xf32, #tpu.memory_space<vmem_shared>> -> memref<12544x128xf32, #tpu.memory_space<vmem_shared>>
        tpu.enqueue_indirect_dma source(%arg10 : memref<128x128xf32, #tpu.memory_space<vmem>>) target(%dma_start3A_166 : memref<12544x128xf32, #tpu.memory_space<vmem_shared>>) offsets(%dma_start3A_163 : memref<128xi32, #tpu.memory_space<vmem>>) semaphore(%run_scoped3A_161 : memref<!tpu.dma_semaphore, #tpu.memory_space<semaphore_mem>>) {add = true}
        %dma_wait3A = arith.constant 0 : i32
        %dma_wait3A_167 = tpu.memref_slice %arg8[%run_scoped3A_160, %dma_wait3A] : memref<2x128xi32, #tpu.memory_space<vmem>> -> memref<1x128xi32, #tpu.memory_space<vmem>>
        %dma_wait3A_168 = tpu.memref_squeeze %dma_wait3A_167 : memref<1x128xi32, #tpu.memory_space<vmem>> -> memref<128xi32, #tpu.memory_space<vmem>>
        %dma_wait3A_169 = arith.constant 0 : i32
        %dma_wait3A_170 = arith.constant 0 : i32
        %dma_wait3A_171 = tpu.memref_slice %arg7[%dma_wait3A_169, %dma_wait3A_170] : memref<12544x128xf32, #tpu.memory_space<vmem_shared>> -> memref<12544x128xf32, #tpu.memory_space<vmem_shared>>
        tpu.wait_indirect_dma semaphore(%run_scoped3A_161 : memref<!tpu.dma_semaphore, #tpu.memory_space<semaphore_mem>>) src(%arg10 : memref<128x128xf32, #tpu.memory_space<vmem>>) dst(%dma_wait3A_171 : memref<12544x128xf32, #tpu.memory_space<vmem_shared>>)
        tpu.yield
      }) : () -> ()
    }
    %mul3A_105 = arith.constant 2 : i32
    %mul3A_106 = arith.muli %arg1, %mul3A_105 : i32
    %add3A_107 = arith.constant 1 : i32
    %add3A_108 = arith.addi %mul3A_106, %add3A_107 : i32
    %run_scoped3A_109 = arith.constant 0 : i32
    "tpu.region"() ({
      %run_scoped3A_158 = tpu.sem_alloc : memref<!tpu.dma_semaphore, #tpu.memory_space<semaphore_mem>>
      %dma_start3A = arith.constant 0 : i32
      %dma_start3A_159 = tpu.memref_slice %arg4[%add3A_76, %add3A_108, %run_scoped3A_109, %dma_start3A] : memref<4x32x1x128xi32, #tpu.memory_space<hbm>> -> memref<1x1x1x128xi32, #tpu.memory_space<hbm>>
      %dma_start3A_160 = tpu.memref_squeeze %dma_start3A_159 : memref<1x1x1x128xi32, #tpu.memory_space<hbm>> -> memref<128xi32, #tpu.memory_space<hbm>>
      %dma_start3A_161 = arith.constant 0 : i32
      %dma_start3A_162 = tpu.memref_slice %arg4[%add3A_76, %add3A_108, %run_scoped3A_109, %dma_start3A_161] : memref<4x32x1x128xi32, #tpu.memory_space<hbm>> -> memref<1x1x1x128xi32, #tpu.memory_space<hbm>>
      %dma_start3A_163 = tpu.memref_squeeze %dma_start3A_162 : memref<1x1x1x128xi32, #tpu.memory_space<hbm>> -> memref<128xi32, #tpu.memory_space<hbm>>
      tpu.enqueue_dma source(%dma_start3A_163 : memref<128xi32, #tpu.memory_space<hbm>>) target(%arg9 : memref<128xi32, #tpu.memory_space<vmem>>) target_semaphore(%run_scoped3A_158 : memref<!tpu.dma_semaphore, #tpu.memory_space<semaphore_mem>>)
      %dma_wait3A = arith.constant 0 : i32
      %dma_wait3A_164 = tpu.memref_slice %arg4[%add3A_76, %add3A_108, %run_scoped3A_109, %dma_wait3A] : memref<4x32x1x128xi32, #tpu.memory_space<hbm>> -> memref<1x1x1x128xi32, #tpu.memory_space<hbm>>
      %dma_wait3A_165 = tpu.memref_squeeze %dma_wait3A_164 : memref<1x1x1x128xi32, #tpu.memory_space<hbm>> -> memref<128xi32, #tpu.memory_space<hbm>>
      %dma_wait3A_166 = arith.constant 0 : i32
      %dma_wait3A_167 = tpu.memref_slice %arg4[%add3A_76, %add3A_108, %run_scoped3A_109, %dma_wait3A_166] : memref<4x32x1x128xi32, #tpu.memory_space<hbm>> -> memref<1x1x1x128xi32, #tpu.memory_space<hbm>>
      %dma_wait3A_168 = tpu.memref_squeeze %dma_wait3A_167 : memref<1x1x1x128xi32, #tpu.memory_space<hbm>> -> memref<128xi32, #tpu.memory_space<hbm>>
      tpu.wait_dma2 semaphore(%run_scoped3A_158 : memref<!tpu.dma_semaphore, #tpu.memory_space<semaphore_mem>>) src(%dma_wait3A_168 : memref<128xi32, #tpu.memory_space<hbm>>) dst(%arg9 : memref<128xi32, #tpu.memory_space<vmem>>)
      tpu.yield
    }) : () -> ()
    %get3A_110 = arith.constant 0 : index
    %get3A_111 = tpu.vector_load %arg9[%get3A_110] {strides = array<i32>} : memref<128xi32, #tpu.memory_space<vmem>>, vector<16xi32>,
    %reduce_max3A_112 = arith.constant true
    %reduce_max3A_113 = vector.broadcast %reduce_max3A_112 : i1 to vector<16xi1>
    %reduce_max3A_114 = arith.constant -2147483648 : i32
    %reduce_max3A_115 = vector.broadcast %reduce_max3A_114 : i32 to vector<16xi32>
    %reduce_max3A_116 = arith.xori %get3A_111, %reduce_max3A_115 : vector<16xi32>
    %reduce_max3A_117 = tpu.scan <max>, %reduce_max3A_116 masked %reduce_max3A_113 : vector<16xi32>, vector<16xi1> -> vector<16xi32>
    %reduce_max3A_118 = arith.xori %reduce_max3A_117, %reduce_max3A_115 : vector<16xi32>
    %reduce_max3A_119 = vector.extract %reduce_max3A_118[15] : i32 from vector<16xi32>
    %while3A_120 = arith.constant 0 : i32
    %while3A_121 = arith.constant 0 : i32
    %while3A_122 = arith.subi %reduce_max3A_119, %while3A_121 : i32
    %while3A_123 = arith.addi %while3A_121, %while3A_122 : i32
    %while3A_124 = arith.constant 1 : i32
    %while3A_125 = arith.divsi %while3A_122, %while3A_124 : i32
    %while3A_126 = arith.muli %while3A_125, %while3A_124 : i32
    %while3A_127 = arith.addi %while3A_121, %while3A_126 : i32
    %while3A_128 = arith.constant 1 : i32
    scf.for %while3A_158 = %while3A_121 to %while3A_127 step %while3A_128  : i32 {
      "tpu.region"() ({
        %run_scoped3A_161 = tpu.sem_alloc : memref<!tpu.dma_semaphore, #tpu.memory_space<semaphore_mem>>
        %dma_start3A = arith.constant 0 : i32
        %dma_start3A_162 = arith.constant 0 : i32
        %dma_start3A_163 = tpu.memref_slice %arg3[%add3A_76, %add3A_108, %while3A_158, %dma_start3A, %dma_start3A_162] : memref<4x32x200x2x128xi32, #tpu.memory_space<hbm>> -> memref<1x1x1x2x128xi32, #tpu.memory_space<hbm>>
        %dma_start3A_164 = tpu.memref_squeeze %dma_start3A_163 : memref<1x1x1x2x128xi32, #tpu.memory_space<hbm>> -> memref<2x128xi32, #tpu.memory_space<hbm>>
        %dma_start3A_165 = arith.constant 0 : i32
        %dma_start3A_166 = arith.constant 0 : i32
        %dma_start3A_167 = tpu.memref_slice %arg3[%add3A_76, %add3A_108, %while3A_158, %dma_start3A_165, %dma_start3A_166] : memref<4x32x200x2x128xi32, #tpu.memory_space<hbm>> -> memref<1x1x1x2x128xi32, #tpu.memory_space<hbm>>
        %dma_start3A_168 = tpu.memref_squeeze %dma_start3A_167 : memref<1x1x1x2x128xi32, #tpu.memory_space<hbm>> -> memref<2x128xi32, #tpu.memory_space<hbm>>
        tpu.enqueue_dma source(%dma_start3A_168 : memref<2x128xi32, #tpu.memory_space<hbm>>) target(%arg8 : memref<2x128xi32, #tpu.memory_space<vmem>>) target_semaphore(%run_scoped3A_161 : memref<!tpu.dma_semaphore, #tpu.memory_space<semaphore_mem>>)
        %dma_wait3A = arith.constant 0 : i32
        %dma_wait3A_169 = arith.constant 0 : i32
        %dma_wait3A_170 = tpu.memref_slice %arg3[%add3A_76, %add3A_108, %while3A_158, %dma_wait3A, %dma_wait3A_169] : memref<4x32x200x2x128xi32, #tpu.memory_space<hbm>> -> memref<1x1x1x2x128xi32, #tpu.memory_space<hbm>>
        %dma_wait3A_171 = tpu.memref_squeeze %dma_wait3A_170 : memref<1x1x1x2x128xi32, #tpu.memory_space<hbm>> -> memref<2x128xi32, #tpu.memory_space<hbm>>
        %dma_wait3A_172 = arith.constant 0 : i32
        %dma_wait3A_173 = arith.constant 0 : i32
        %dma_wait3A_174 = tpu.memref_slice %arg3[%add3A_76, %add3A_108, %while3A_158, %dma_wait3A_172, %dma_wait3A_173] : memref<4x32x200x2x128xi32, #tpu.memory_space<hbm>> -> memref<1x1x1x2x128xi32, #tpu.memory_space<hbm>>
        %dma_wait3A_175 = tpu.memref_squeeze %dma_wait3A_174 : memref<1x1x1x2x128xi32, #tpu.memory_space<hbm>> -> memref<2x128xi32, #tpu.memory_space<hbm>>
        tpu.wait_dma2 semaphore(%run_scoped3A_161 : memref<!tpu.dma_semaphore, #tpu.memory_space<semaphore_mem>>) src(%dma_wait3A_175 : memref<2x128xi32, #tpu.memory_space<hbm>>) dst(%arg8 : memref<2x128xi32, #tpu.memory_space<vmem>>)
        tpu.yield
      }) : () -> ()
      %run_scoped3A_159 = arith.constant 0 : i32
      "tpu.region"() ({
        %run_scoped3A_161 = tpu.sem_alloc : memref<!tpu.dma_semaphore, #tpu.memory_space<semaphore_mem>>
        %dma_start3A = arith.constant 0 : i32
        %dma_start3A_162 = tpu.memref_slice %arg8[%run_scoped3A_159, %dma_start3A] : memref<2x128xi32, #tpu.memory_space<vmem>> -> memref<1x128xi32, #tpu.memory_space<vmem>>
        %dma_start3A_163 = tpu.memref_squeeze %dma_start3A_162 : memref<1x128xi32, #tpu.memory_space<vmem>> -> memref<128xi32, #tpu.memory_space<vmem>>
        %dma_start3A_164 = arith.constant 0 : i32
        %dma_start3A_165 = arith.constant 0 : i32
        %dma_start3A_166 = tpu.memref_slice %arg2[%dma_start3A_164, %dma_start3A_165] : memref<50000x128xf32, #tpu.memory_space<hbm>> -> memref<50000x128xf32, #tpu.memory_space<hbm>>
        tpu.enqueue_indirect_dma source(%dma_start3A_166 : memref<50000x128xf32, #tpu.memory_space<hbm>>) target(%arg10 : memref<128x128xf32, #tpu.memory_space<vmem>>) offsets(%dma_start3A_163 : memref<128xi32, #tpu.memory_space<vmem>>) semaphore(%run_scoped3A_161 : memref<!tpu.dma_semaphore, #tpu.memory_space<semaphore_mem>>)
        %dma_wait3A = arith.constant 0 : i32
        %dma_wait3A_167 = tpu.memref_slice %arg8[%run_scoped3A_159, %dma_wait3A] : memref<2x128xi32, #tpu.memory_space<vmem>> -> memref<1x128xi32, #tpu.memory_space<vmem>>
        %dma_wait3A_168 = tpu.memref_squeeze %dma_wait3A_167 : memref<1x128xi32, #tpu.memory_space<vmem>> -> memref<128xi32, #tpu.memory_space<vmem>>
        %dma_wait3A_169 = arith.constant 0 : i32
        %dma_wait3A_170 = arith.constant 0 : i32
        %dma_wait3A_171 = tpu.memref_slice %arg2[%dma_wait3A_169, %dma_wait3A_170] : memref<50000x128xf32, #tpu.memory_space<hbm>> -> memref<50000x128xf32, #tpu.memory_space<hbm>>
        tpu.wait_indirect_dma semaphore(%run_scoped3A_161 : memref<!tpu.dma_semaphore, #tpu.memory_space<semaphore_mem>>) src(%dma_wait3A_171 : memref<50000x128xf32, #tpu.memory_space<hbm>>) dst(%arg10 : memref<128x128xf32, #tpu.memory_space<vmem>>)
        tpu.yield
      }) : () -> ()
      %run_scoped3A_160 = arith.constant 1 : i32
      "tpu.region"() ({
        %run_scoped3A_161 = tpu.sem_alloc : memref<!tpu.dma_semaphore, #tpu.memory_space<semaphore_mem>>
        %dma_start3A = arith.constant 0 : i32
        %dma_start3A_162 = tpu.memref_slice %arg8[%run_scoped3A_160, %dma_start3A] : memref<2x128xi32, #tpu.memory_space<vmem>> -> memref<1x128xi32, #tpu.memory_space<vmem>>
        %dma_start3A_163 = tpu.memref_squeeze %dma_start3A_162 : memref<1x128xi32, #tpu.memory_space<vmem>> -> memref<128xi32, #tpu.memory_space<vmem>>
        %dma_start3A_164 = arith.constant 0 : i32
        %dma_start3A_165 = arith.constant 0 : i32
        %dma_start3A_166 = tpu.memref_slice %arg7[%dma_start3A_164, %dma_start3A_165] : memref<12544x128xf32, #tpu.memory_space<vmem_shared>> -> memref<12544x128xf32, #tpu.memory_space<vmem_shared>>
        tpu.enqueue_indirect_dma source(%arg10 : memref<128x128xf32, #tpu.memory_space<vmem>>) target(%dma_start3A_166 : memref<12544x128xf32, #tpu.memory_space<vmem_shared>>) offsets(%dma_start3A_163 : memref<128xi32, #tpu.memory_space<vmem>>) semaphore(%run_scoped3A_161 : memref<!tpu.dma_semaphore, #tpu.memory_space<semaphore_mem>>) {add = true}
        %dma_wait3A = arith.constant 0 : i32
        %dma_wait3A_167 = tpu.memref_slice %arg8[%run_scoped3A_160, %dma_wait3A] : memref<2x128xi32, #tpu.memory_space<vmem>> -> memref<1x128xi32, #tpu.memory_space<vmem>>
        %dma_wait3A_168 = tpu.memref_squeeze %dma_wait3A_167 : memref<1x128xi32, #tpu.memory_space<vmem>> -> memref<128xi32, #tpu.memory_space<vmem>>
        %dma_wait3A_169 = arith.constant 0 : i32
        %dma_wait3A_170 = arith.constant 0 : i32
        %dma_wait3A_171 = tpu.memref_slice %arg7[%dma_wait3A_169, %dma_wait3A_170] : memref<12544x128xf32, #tpu.memory_space<vmem_shared>> -> memref<12544x128xf32, #tpu.memory_space<vmem_shared>>
        tpu.wait_indirect_dma semaphore(%run_scoped3A_161 : memref<!tpu.dma_semaphore, #tpu.memory_space<semaphore_mem>>) src(%arg10 : memref<128x128xf32, #tpu.memory_space<vmem>>) dst(%dma_wait3A_171 : memref<12544x128xf32, #tpu.memory_space<vmem_shared>>)
        tpu.yield
      }) : () -> ()
    }
    %while3A_129 = arith.constant 1 : i32
    scf.for %while3A_158 = %while3A_127 to %while3A_123 step %while3A_129  : i32 {
      "tpu.region"() ({
        %run_scoped3A_161 = tpu.sem_alloc : memref<!tpu.dma_semaphore, #tpu.memory_space<semaphore_mem>>
        %dma_start3A = arith.constant 0 : i32
        %dma_start3A_162 = arith.constant 0 : i32
        %dma_start3A_163 = tpu.memref_slice %arg3[%add3A_76, %add3A_108, %while3A_158, %dma_start3A, %dma_start3A_162] : memref<4x32x200x2x128xi32, #tpu.memory_space<hbm>> -> memref<1x1x1x2x128xi32, #tpu.memory_space<hbm>>
        %dma_start3A_164 = tpu.memref_squeeze %dma_start3A_163 : memref<1x1x1x2x128xi32, #tpu.memory_space<hbm>> -> memref<2x128xi32, #tpu.memory_space<hbm>>
        %dma_start3A_165 = arith.constant 0 : i32
        %dma_start3A_166 = arith.constant 0 : i32
        %dma_start3A_167 = tpu.memref_slice %arg3[%add3A_76, %add3A_108, %while3A_158, %dma_start3A_165, %dma_start3A_166] : memref<4x32x200x2x128xi32, #tpu.memory_space<hbm>> -> memref<1x1x1x2x128xi32, #tpu.memory_space<hbm>>
        %dma_start3A_168 = tpu.memref_squeeze %dma_start3A_167 : memref<1x1x1x2x128xi32, #tpu.memory_space<hbm>> -> memref<2x128xi32, #tpu.memory_space<hbm>>
        tpu.enqueue_dma source(%dma_start3A_168 : memref<2x128xi32, #tpu.memory_space<hbm>>) target(%arg8 : memref<2x128xi32, #tpu.memory_space<vmem>>) target_semaphore(%run_scoped3A_161 : memref<!tpu.dma_semaphore, #tpu.memory_space<semaphore_mem>>)
        %dma_wait3A = arith.constant 0 : i32
        %dma_wait3A_169 = arith.constant 0 : i32
        %dma_wait3A_170 = tpu.memref_slice %arg3[%add3A_76, %add3A_108, %while3A_158, %dma_wait3A, %dma_wait3A_169] : memref<4x32x200x2x128xi32, #tpu.memory_space<hbm>> -> memref<1x1x1x2x128xi32, #tpu.memory_space<hbm>>
        %dma_wait3A_171 = tpu.memref_squeeze %dma_wait3A_170 : memref<1x1x1x2x128xi32, #tpu.memory_space<hbm>> -> memref<2x128xi32, #tpu.memory_space<hbm>>
        %dma_wait3A_172 = arith.constant 0 : i32
        %dma_wait3A_173 = arith.constant 0 : i32
        %dma_wait3A_174 = tpu.memref_slice %arg3[%add3A_76, %add3A_108, %while3A_158, %dma_wait3A_172, %dma_wait3A_173] : memref<4x32x200x2x128xi32, #tpu.memory_space<hbm>> -> memref<1x1x1x2x128xi32, #tpu.memory_space<hbm>>
        %dma_wait3A_175 = tpu.memref_squeeze %dma_wait3A_174 : memref<1x1x1x2x128xi32, #tpu.memory_space<hbm>> -> memref<2x128xi32, #tpu.memory_space<hbm>>
        tpu.wait_dma2 semaphore(%run_scoped3A_161 : memref<!tpu.dma_semaphore, #tpu.memory_space<semaphore_mem>>) src(%dma_wait3A_175 : memref<2x128xi32, #tpu.memory_space<hbm>>) dst(%arg8 : memref<2x128xi32, #tpu.memory_space<vmem>>)
        tpu.yield
      }) : () -> ()
      %run_scoped3A_159 = arith.constant 0 : i32
      "tpu.region"() ({
        %run_scoped3A_161 = tpu.sem_alloc : memref<!tpu.dma_semaphore, #tpu.memory_space<semaphore_mem>>
        %dma_start3A = arith.constant 0 : i32
        %dma_start3A_162 = tpu.memref_slice %arg8[%run_scoped3A_159, %dma_start3A] : memref<2x128xi32, #tpu.memory_space<vmem>> -> memref<1x128xi32, #tpu.memory_space<vmem>>
        %dma_start3A_163 = tpu.memref_squeeze %dma_start3A_162 : memref<1x128xi32, #tpu.memory_space<vmem>> -> memref<128xi32, #tpu.memory_space<vmem>>
        %dma_start3A_164 = arith.constant 0 : i32
        %dma_start3A_165 = arith.constant 0 : i32
        %dma_start3A_166 = tpu.memref_slice %arg2[%dma_start3A_164, %dma_start3A_165] : memref<50000x128xf32, #tpu.memory_space<hbm>> -> memref<50000x128xf32, #tpu.memory_space<hbm>>
        tpu.enqueue_indirect_dma source(%dma_start3A_166 : memref<50000x128xf32, #tpu.memory_space<hbm>>) target(%arg10 : memref<128x128xf32, #tpu.memory_space<vmem>>) offsets(%dma_start3A_163 : memref<128xi32, #tpu.memory_space<vmem>>) semaphore(%run_scoped3A_161 : memref<!tpu.dma_semaphore, #tpu.memory_space<semaphore_mem>>)
        %dma_wait3A = arith.constant 0 : i32
        %dma_wait3A_167 = tpu.memref_slice %arg8[%run_scoped3A_159, %dma_wait3A] : memref<2x128xi32, #tpu.memory_space<vmem>> -> memref<1x128xi32, #tpu.memory_space<vmem>>
        %dma_wait3A_168 = tpu.memref_squeeze %dma_wait3A_167 : memref<1x128xi32, #tpu.memory_space<vmem>> -> memref<128xi32, #tpu.memory_space<vmem>>
        %dma_wait3A_169 = arith.constant 0 : i32
        %dma_wait3A_170 = arith.constant 0 : i32
        %dma_wait3A_171 = tpu.memref_slice %arg2[%dma_wait3A_169, %dma_wait3A_170] : memref<50000x128xf32, #tpu.memory_space<hbm>> -> memref<50000x128xf32, #tpu.memory_space<hbm>>
        tpu.wait_indirect_dma semaphore(%run_scoped3A_161 : memref<!tpu.dma_semaphore, #tpu.memory_space<semaphore_mem>>) src(%dma_wait3A_171 : memref<50000x128xf32, #tpu.memory_space<hbm>>) dst(%arg10 : memref<128x128xf32, #tpu.memory_space<vmem>>)
        tpu.yield
      }) : () -> ()
      %run_scoped3A_160 = arith.constant 1 : i32
      "tpu.region"() ({
        %run_scoped3A_161 = tpu.sem_alloc : memref<!tpu.dma_semaphore, #tpu.memory_space<semaphore_mem>>
        %dma_start3A = arith.constant 0 : i32
        %dma_start3A_162 = tpu.memref_slice %arg8[%run_scoped3A_160, %dma_start3A] : memref<2x128xi32, #tpu.memory_space<vmem>> -> memref<1x128xi32, #tpu.memory_space<vmem>>
        %dma_start3A_163 = tpu.memref_squeeze %dma_start3A_162 : memref<1x128xi32, #tpu.memory_space<vmem>> -> memref<128xi32, #tpu.memory_space<vmem>>
        %dma_start3A_164 = arith.constant 0 : i32
        %dma_start3A_165 = arith.constant 0 : i32
        %dma_start3A_166 = tpu.memref_slice %arg7[%dma_start3A_164, %dma_start3A_165] : memref<12544x128xf32, #tpu.memory_space<vmem_shared>> -> memref<12544x128xf32, #tpu.memory_space<vmem_shared>>
        tpu.enqueue_indirect_dma source(%arg10 : memref<128x128xf32, #tpu.memory_space<vmem>>) target(%dma_start3A_166 : memref<12544x128xf32, #tpu.memory_space<vmem_shared>>) offsets(%dma_start3A_163 : memref<128xi32, #tpu.memory_space<vmem>>) semaphore(%run_scoped3A_161 : memref<!tpu.dma_semaphore, #tpu.memory_space<semaphore_mem>>) {add = true}
        %dma_wait3A = arith.constant 0 : i32
        %dma_wait3A_167 = tpu.memref_slice %arg8[%run_scoped3A_160, %dma_wait3A] : memref<2x128xi32, #tpu.memory_space<vmem>> -> memref<1x128xi32, #tpu.memory_space<vmem>>
        %dma_wait3A_168 = tpu.memref_squeeze %dma_wait3A_167 : memref<1x128xi32, #tpu.memory_space<vmem>> -> memref<128xi32, #tpu.memory_space<vmem>>
        %dma_wait3A_169 = arith.constant 0 : i32
        %dma_wait3A_170 = arith.constant 0 : i32
        %dma_wait3A_171 = tpu.memref_slice %arg7[%dma_wait3A_169, %dma_wait3A_170] : memref<12544x128xf32, #tpu.memory_space<vmem_shared>> -> memref<12544x128xf32, #tpu.memory_space<vmem_shared>>
        tpu.wait_indirect_dma semaphore(%run_scoped3A_161 : memref<!tpu.dma_semaphore, #tpu.memory_space<semaphore_mem>>) src(%arg10 : memref<128x128xf32, #tpu.memory_space<vmem>>) dst(%dma_wait3A_171 : memref<12544x128xf32, #tpu.memory_space<vmem_shared>>)
        tpu.yield
      }) : () -> ()
    }
    %barrier3A_130 = arith.constant 0 : index
    tpu.barrier barrier_id(%barrier3A_130)
    %mul3A_131 = arith.constant 12504 : i32
    %mul3A_132 = arith.muli %add3A_76, %mul3A_131 : i32
    %mul3A_133 = arith.constant 784 : i32
    %mul3A_134 = arith.muli %arg1, %mul3A_133 : i32
    %add3A_135 = arith.addi %mul3A_132, %mul3A_134 : i32
    %lt3A_136 = arith.constant 15 : i32
    %lt3A_137 = arith.cmpi slt, %arg1, %lt3A_136 : i32
    %convert_element_type3A_138 = arith.extui %lt3A_137 : i1 to i32
    %cond3A_139 = arith.constant 0 : i32
    %cond3A_140 = arith.cmpi ne, %convert_element_type3A_138, %cond3A_139 : i32
    scf.if %cond3A_140 {
      %mul3A_158 = arith.constant 784 : i32
      %mul3A_159 = arith.muli %arg1, %mul3A_158 : i32
      "tpu.region"() ({
        %run_scoped3A_160 = tpu.sem_alloc : memref<!tpu.dma_semaphore, #tpu.memory_space<semaphore_mem>>
        %dma_start3A = arith.constant 0 : i32
        %dma_start3A_161 = tpu.memref_slice %arg6[%add3A_135, %dma_start3A] : memref<50000x128xf32, #tpu.memory_space<hbm>> -> memref<784x128xf32, #tpu.memory_space<hbm>>
        %dma_start3A_162 = arith.constant 0 : i32
        %dma_start3A_163 = tpu.memref_slice %arg7[%mul3A_159, %dma_start3A_162] : memref<12544x128xf32, #tpu.memory_space<vmem_shared>> -> memref<784x128xf32, #tpu.memory_space<vmem_shared>>
        tpu.enqueue_dma source(%dma_start3A_163 : memref<784x128xf32, #tpu.memory_space<vmem_shared>>) target(%dma_start3A_161 : memref<784x128xf32, #tpu.memory_space<hbm>>) target_semaphore(%run_scoped3A_160 : memref<!tpu.dma_semaphore, #tpu.memory_space<semaphore_mem>>)
        %dma_wait3A = arith.constant 0 : i32
        %dma_wait3A_164 = tpu.memref_slice %arg6[%add3A_135, %dma_wait3A] : memref<50000x128xf32, #tpu.memory_space<hbm>> -> memref<784x128xf32, #tpu.memory_space<hbm>>
        %dma_wait3A_165 = arith.constant 0 : i32
        %dma_wait3A_166 = tpu.memref_slice %arg7[%mul3A_159, %dma_wait3A_165] : memref<12544x128xf32, #tpu.memory_space<vmem_shared>> -> memref<784x128xf32, #tpu.memory_space<vmem_shared>>
        tpu.wait_dma2 semaphore(%run_scoped3A_160 : memref<!tpu.dma_semaphore, #tpu.memory_space<semaphore_mem>>) src(%dma_wait3A_166 : memref<784x128xf32, #tpu.memory_space<vmem_shared>>) dst(%dma_wait3A_164 : memref<784x128xf32, #tpu.memory_space<hbm>>)
        tpu.yield
      }) : () -> ()
    } else {
    }
    %eq3A_141 = arith.constant 15 : i32
    %eq3A_142 = arith.cmpi eq, %arg1, %eq3A_141 : i32
    %lt3A_143 = arith.constant 3 : i32
    %lt3A_144 = arith.cmpi slt, %add3A_76, %lt3A_143 : i32
    %and3A_145 = arith.andi %eq3A_142, %lt3A_144 : i1
    %convert_element_type3A_146 = arith.extui %and3A_145 : i1 to i32
    %cond3A_147 = arith.constant 0 : i32
    %cond3A_148 = arith.cmpi ne, %convert_element_type3A_146, %cond3A_147 : i32
    scf.if %cond3A_148 {
      "tpu.region"() ({
        %run_scoped3A_158 = tpu.sem_alloc : memref<!tpu.dma_semaphore, #tpu.memory_space<semaphore_mem>>
        %dma_start3A = arith.constant 0 : i32
        %dma_start3A_159 = tpu.memref_slice %arg6[%add3A_135, %dma_start3A] : memref<50000x128xf32, #tpu.memory_space<hbm>> -> memref<744x128xf32, #tpu.memory_space<hbm>>
        %dma_start3A_160 = arith.constant 11760 : i32
        %dma_start3A_161 = arith.constant 0 : i32
        %dma_start3A_162 = tpu.memref_slice %arg7[%dma_start3A_160, %dma_start3A_161] : memref<12544x128xf32, #tpu.memory_space<vmem_shared>> -> memref<744x128xf32, #tpu.memory_space<vmem_shared>>
        tpu.enqueue_dma source(%dma_start3A_162 : memref<744x128xf32, #tpu.memory_space<vmem_shared>>) target(%dma_start3A_159 : memref<744x128xf32, #tpu.memory_space<hbm>>) target_semaphore(%run_scoped3A_158 : memref<!tpu.dma_semaphore, #tpu.memory_space<semaphore_mem>>)
        %dma_wait3A = arith.constant 0 : i32
        %dma_wait3A_163 = tpu.memref_slice %arg6[%add3A_135, %dma_wait3A] : memref<50000x128xf32, #tpu.memory_space<hbm>> -> memref<744x128xf32, #tpu.memory_space<hbm>>
        %dma_wait3A_164 = arith.constant 11760 : i32
        %dma_wait3A_165 = arith.constant 0 : i32
        %dma_wait3A_166 = tpu.memref_slice %arg7[%dma_wait3A_164, %dma_wait3A_165] : memref<12544x128xf32, #tpu.memory_space<vmem_shared>> -> memref<744x128xf32, #tpu.memory_space<vmem_shared>>
        tpu.wait_dma2 semaphore(%run_scoped3A_158 : memref<!tpu.dma_semaphore, #tpu.memory_space<semaphore_mem>>) src(%dma_wait3A_166 : memref<744x128xf32, #tpu.memory_space<vmem_shared>>) dst(%dma_wait3A_163 : memref<744x128xf32, #tpu.memory_space<hbm>>)
        tpu.yield
      }) : () -> ()
    } else {
    }
    %eq3A_149 = arith.constant 15 : i32
    %eq3A_150 = arith.cmpi eq, %arg1, %eq3A_149 : i32
    %eq3A_151 = arith.constant 3 : i32
    %eq3A_152 = arith.cmpi eq, %add3A_76, %eq3A_151 : i32
    %and3A_153 = arith.andi %eq3A_150, %eq3A_152 : i1
    %convert_element_type3A_154 = arith.extui %and3A_153 : i1 to i32
    %cond3A_155 = arith.constant 0 : i32
    %cond3A_156 = arith.cmpi ne, %convert_element_type3A_154, %cond3A_155 : i32
    scf.if %cond3A_156 {
      "tpu.region"() ({
        %run_scoped3A_158 = tpu.sem_alloc : memref<!tpu.dma_semaphore, #tpu.memory_space<semaphore_mem>>
        %dma_start3A = arith.constant 0 : i32
        %dma_start3A_159 = tpu.memref_slice %arg6[%add3A_135, %dma_start3A] : memref<50000x128xf32, #tpu.memory_space<hbm>> -> memref<728x128xf32, #tpu.memory_space<hbm>>
        %dma_start3A_160 = arith.constant 11760 : i32
        %dma_start3A_161 = arith.constant 0 : i32
        %dma_start3A_162 = tpu.memref_slice %arg7[%dma_start3A_160, %dma_start3A_161] : memref<12544x128xf32, #tpu.memory_space<vmem_shared>> -> memref<728x128xf32, #tpu.memory_space<vmem_shared>>
        tpu.enqueue_dma source(%dma_start3A_162 : memref<728x128xf32, #tpu.memory_space<vmem_shared>>) target(%dma_start3A_159 : memref<728x128xf32, #tpu.memory_space<hbm>>) target_semaphore(%run_scoped3A_158 : memref<!tpu.dma_semaphore, #tpu.memory_space<semaphore_mem>>)
        %dma_wait3A = arith.constant 0 : i32
        %dma_wait3A_163 = tpu.memref_slice %arg6[%add3A_135, %dma_wait3A] : memref<50000x128xf32, #tpu.memory_space<hbm>> -> memref<728x128xf32, #tpu.memory_space<hbm>>
        %dma_wait3A_164 = arith.constant 11760 : i32
        %dma_wait3A_165 = arith.constant 0 : i32
        %dma_wait3A_166 = tpu.memref_slice %arg7[%dma_wait3A_164, %dma_wait3A_165] : memref<12544x128xf32, #tpu.memory_space<vmem_shared>> -> memref<728x128xf32, #tpu.memory_space<vmem_shared>>
        tpu.wait_dma2 semaphore(%run_scoped3A_158 : memref<!tpu.dma_semaphore, #tpu.memory_space<semaphore_mem>>) src(%dma_wait3A_166 : memref<728x128xf32, #tpu.memory_space<vmem_shared>>) dst(%dma_wait3A_163 : memref<728x128xf32, #tpu.memory_space<hbm>>)
        tpu.yield
      }) : () -> ()
    } else {
    }
    %barrier3A_157 = arith.constant 0 : index
    tpu.barrier barrier_id(%barrier3A_157)
    return
  }
}

#map = affine_map<(d0, d1) -> (0)>
#map1 = affine_map<(d0, d1) -> (0, 0, 0, 0)>
module attributes {stable_mosaic.version = 14 : i64} {
  func.func @_lists_kernel(%arg0: i32, %arg1: i32, %arg2: memref<800000xi32, #tpu.memory_space<hbm>>, %arg3: memref<800000xi32, #tpu.memory_space<hbm>>, %arg4: memref<4x32x1x51200xi32, #tpu.memory_space<hbm>>, %arg5: memref<4x32x1x128xi32, #tpu.memory_space<hbm>>, %arg6: memref<25008xi32, #tpu.memory_space<vmem>>, %arg7: memref<25008xi32, #tpu.memory_space<vmem>>, %arg8: memref<51200xi32, #tpu.memory_space<vmem>>, %arg9: memref<128xi32, #tpu.memory_space<vmem>>) attributes {dimension_semantics = [#tpu.dimension_semantics<core_parallel>, #tpu.dimension_semantics<subcore_parallel>], iteration_bounds = array<i64: 2, 16>, scalar_prefetch = 0 : i64, scratch_operands = 4 : i64, tpu.core_type = #tpu.core_type<sc_vector_subcore>, window_params = [{transform_indices = #map}, {transform_indices = #map}, {transform_indices = #map1}, {transform_indices = #map1}]} {
    %mul3A = arith.constant 2 : i32
    %mul3A_0 = arith.muli %arg1, %mul3A : i32
    %add3A = arith.addi %mul3A_0, %arg0 : i32
    %mul3A_1 = arith.constant 25000 : i32
    %mul3A_2 = arith.muli %add3A, %mul3A_1 : i32
    "tpu.region"() ({
      %run_scoped3A_200 = tpu.sem_alloc : memref<!tpu.dma_semaphore, #tpu.memory_space<semaphore_mem>>
      %dma_start3A = arith.constant 0 : i32
      %dma_start3A_201 = tpu.memref_slice %arg6[%dma_start3A] : memref<25008xi32, #tpu.memory_space<vmem>> -> memref<25000xi32, #tpu.memory_space<vmem>>
      %dma_start3A_202 = tpu.memref_slice %arg2[%mul3A_2] : memref<800000xi32, #tpu.memory_space<hbm>> -> memref<25000xi32, #tpu.memory_space<hbm>>
      %dma_start3A_203 = arith.constant 0 : i32
      %dma_start3A_204 = tpu.memref_slice %arg6[%dma_start3A_203] : memref<25008xi32, #tpu.memory_space<vmem>> -> memref<25000xi32, #tpu.memory_space<vmem>>
      %dma_start3A_205 = tpu.memref_slice %arg2[%mul3A_2] : memref<800000xi32, #tpu.memory_space<hbm>> -> memref<25000xi32, #tpu.memory_space<hbm>>
      tpu.enqueue_dma source(%dma_start3A_205 : memref<25000xi32, #tpu.memory_space<hbm>>) target(%dma_start3A_204 : memref<25000xi32, #tpu.memory_space<vmem>>) target_semaphore(%run_scoped3A_200 : memref<!tpu.dma_semaphore, #tpu.memory_space<semaphore_mem>>)
      %dma_wait3A = arith.constant 0 : i32
      %dma_wait3A_206 = tpu.memref_slice %arg6[%dma_wait3A] : memref<25008xi32, #tpu.memory_space<vmem>> -> memref<25000xi32, #tpu.memory_space<vmem>>
      %dma_wait3A_207 = tpu.memref_slice %arg2[%mul3A_2] : memref<800000xi32, #tpu.memory_space<hbm>> -> memref<25000xi32, #tpu.memory_space<hbm>>
      %dma_wait3A_208 = arith.constant 0 : i32
      %dma_wait3A_209 = tpu.memref_slice %arg6[%dma_wait3A_208] : memref<25008xi32, #tpu.memory_space<vmem>> -> memref<25000xi32, #tpu.memory_space<vmem>>
      %dma_wait3A_210 = tpu.memref_slice %arg2[%mul3A_2] : memref<800000xi32, #tpu.memory_space<hbm>> -> memref<25000xi32, #tpu.memory_space<hbm>>
      tpu.wait_dma2 semaphore(%run_scoped3A_200 : memref<!tpu.dma_semaphore, #tpu.memory_space<semaphore_mem>>) src(%dma_wait3A_210 : memref<25000xi32, #tpu.memory_space<hbm>>) dst(%dma_wait3A_209 : memref<25000xi32, #tpu.memory_space<vmem>>)
      tpu.yield
    }) : () -> ()
    "tpu.region"() ({
      %run_scoped3A_200 = tpu.sem_alloc : memref<!tpu.dma_semaphore, #tpu.memory_space<semaphore_mem>>
      %dma_start3A = arith.constant 0 : i32
      %dma_start3A_201 = tpu.memref_slice %arg7[%dma_start3A] : memref<25008xi32, #tpu.memory_space<vmem>> -> memref<25000xi32, #tpu.memory_space<vmem>>
      %dma_start3A_202 = tpu.memref_slice %arg3[%mul3A_2] : memref<800000xi32, #tpu.memory_space<hbm>> -> memref<25000xi32, #tpu.memory_space<hbm>>
      %dma_start3A_203 = arith.constant 0 : i32
      %dma_start3A_204 = tpu.memref_slice %arg7[%dma_start3A_203] : memref<25008xi32, #tpu.memory_space<vmem>> -> memref<25000xi32, #tpu.memory_space<vmem>>
      %dma_start3A_205 = tpu.memref_slice %arg3[%mul3A_2] : memref<800000xi32, #tpu.memory_space<hbm>> -> memref<25000xi32, #tpu.memory_space<hbm>>
      tpu.enqueue_dma source(%dma_start3A_205 : memref<25000xi32, #tpu.memory_space<hbm>>) target(%dma_start3A_204 : memref<25000xi32, #tpu.memory_space<vmem>>) target_semaphore(%run_scoped3A_200 : memref<!tpu.dma_semaphore, #tpu.memory_space<semaphore_mem>>)
      %dma_wait3A = arith.constant 0 : i32
      %dma_wait3A_206 = tpu.memref_slice %arg7[%dma_wait3A] : memref<25008xi32, #tpu.memory_space<vmem>> -> memref<25000xi32, #tpu.memory_space<vmem>>
      %dma_wait3A_207 = tpu.memref_slice %arg3[%mul3A_2] : memref<800000xi32, #tpu.memory_space<hbm>> -> memref<25000xi32, #tpu.memory_space<hbm>>
      %dma_wait3A_208 = arith.constant 0 : i32
      %dma_wait3A_209 = tpu.memref_slice %arg7[%dma_wait3A_208] : memref<25008xi32, #tpu.memory_space<vmem>> -> memref<25000xi32, #tpu.memory_space<vmem>>
      %dma_wait3A_210 = tpu.memref_slice %arg3[%mul3A_2] : memref<800000xi32, #tpu.memory_space<hbm>> -> memref<25000xi32, #tpu.memory_space<hbm>>
      tpu.wait_dma2 semaphore(%run_scoped3A_200 : memref<!tpu.dma_semaphore, #tpu.memory_space<semaphore_mem>>) src(%dma_wait3A_210 : memref<25000xi32, #tpu.memory_space<hbm>>) dst(%dma_wait3A_209 : memref<25000xi32, #tpu.memory_space<vmem>>)
      tpu.yield
    }) : () -> ()
    %iota3A = tpu.iota {dimensions = array<i32: 0>} : vector<16xi32>
    %broadcast_in_dim3A = arith.constant 0 : i32
    %broadcast_in_dim3A_3 = vector.broadcast %broadcast_in_dim3A : i32 to vector<16xi32>
    %broadcast_in_dim3A_4 = arith.constant 12520 : i32
    %broadcast_in_dim3A_5 = vector.broadcast %broadcast_in_dim3A_4 : i32 to vector<16xi32>
    %scan3A = arith.constant 0 : i32
    %scan3A_6 = arith.constant 0 : i32
    %scan3A_7 = arith.constant 1563 : i32
    %scan3A_8 = arith.addi %scan3A_6, %scan3A_7 : i32
    %scan3A_9 = arith.constant 1 : i32
    %scan3A_10 = scf.for %scan3A_200 = %scan3A_6 to %scan3A_8 step %scan3A_9 iter_args(%scan3A_201 = %scan3A) -> (i32)  : i32 {
      %mul3A_202 = arith.constant 16 : i32
      %mul3A_203 = arith.muli %scan3A_200, %mul3A_202 : i32
      %get3A = arith.index_cast %mul3A_203 : i32 to index
      %get3A_204 = tpu.vector_load %arg6[%get3A] {strides = array<i32>} : memref<25008xi32, #tpu.memory_space<vmem>>, vector<16xi32>,
      %mul3A_205 = arith.constant 16 : i32
      %mul3A_206 = arith.muli %scan3A_200, %mul3A_205 : i32
      %get3A_207 = arith.index_cast %mul3A_206 : i32 to index
      %get3A_208 = tpu.vector_load %arg7[%get3A_207] {strides = array<i32>} : memref<25008xi32, #tpu.memory_space<vmem>>, vector<16xi32>,
      %mul3A_209 = arith.constant 16 : i32
      %mul3A_210 = arith.muli %scan3A_200, %mul3A_209 : i32
      %add3A_211 = vector.broadcast %mul3A_210 : i32 to vector<16xi32>
      %add3A_212 = arith.addi %add3A_211, %iota3A : vector<16xi32>
      %lt3A = arith.constant 25000 : i32
      %lt3A_213 = vector.broadcast %lt3A : i32 to vector<16xi32>
      %lt3A_214 = arith.cmpi slt, %add3A_212, %lt3A_213 : vector<16xi32>
      %ge3A = arith.constant 0 : i32
      %ge3A_215 = vector.broadcast %ge3A : i32 to vector<16xi32>
      %ge3A_216 = arith.cmpi sge, %get3A_208, %ge3A_215 : vector<16xi32>
      %and3A_217 = arith.andi %lt3A_214, %ge3A_216 : vector<16xi1>
      %lt3A_218 = arith.constant 12504 : i32
      %lt3A_219 = vector.broadcast %lt3A_218 : i32 to vector<16xi32>
      %lt3A_220 = arith.cmpi slt, %get3A_208, %lt3A_219 : vector<16xi32>
      %and3A_221 = arith.andi %and3A_217, %lt3A_220 : vector<16xi1>
      %convert_element_type3A = arith.extui %and3A_221 : vector<16xi1> to vector<16xi32>
      %cumsum3A = arith.constant true
      %cumsum3A_222 = vector.broadcast %cumsum3A : i1 to vector<16xi1>
      %cumsum3A_223 = tpu.scan <sum>, %convert_element_type3A masked %cumsum3A_222 : vector<16xi32>, vector<16xi1> -> vector<16xi32>
      %add3A_224 = vector.broadcast %scan3A_201 : i32 to vector<16xi32>
      %add3A_225 = arith.addi %add3A_224, %cumsum3A_223 : vector<16xi32>
      %sub3A_226 = arith.constant 1 : i32
      %sub3A_227 = vector.broadcast %sub3A_226 : i32 to vector<16xi32>
      %sub3A_228 = arith.subi %add3A_225, %sub3A_227 : vector<16xi32>
      %shift_right_arithmetic3A = arith.constant 7 : i32
      %shift_right_arithmetic3A_229 = vector.broadcast %shift_right_arithmetic3A : i32 to vector<16xi32>
      %shift_right_arithmetic3A_230 = arith.shrsi %sub3A_228, %shift_right_arithmetic3A_229 : vector<16xi32>
      %shift_left3A = arith.constant 8 : i32
      %shift_left3A_231 = vector.broadcast %shift_left3A : i32 to vector<16xi32>
      %shift_left3A_232 = arith.shli %shift_right_arithmetic3A_230, %shift_left3A_231 : vector<16xi32>
      %and3A_233 = arith.constant 127 : i32
      %and3A_234 = vector.broadcast %and3A_233 : i32 to vector<16xi32>
      %and3A_235 = arith.andi %sub3A_228, %and3A_234 : vector<16xi32>
      %add3A_236 = arith.addi %shift_left3A_232, %and3A_235 : vector<16xi32>
      tpu.vector_store_idx %arg8[%add3A_236], %get3A_204 masked %and3A_221 : memref<51200xi32, #tpu.memory_space<vmem>>[vector<16xi32>], vector<16xi32>, vector<16xi1>
      %add3A_237 = arith.constant 128 : i32
      %add3A_238 = vector.broadcast %add3A_237 : i32 to vector<16xi32>
      %add3A_239 = arith.addi %add3A_236, %add3A_238 : vector<16xi32>
      %sub3A_240 = arith.constant 0 : i32
      %sub3A_241 = vector.broadcast %sub3A_240 : i32 to vector<16xi32>
      %sub3A_242 = arith.subi %get3A_208, %sub3A_241 : vector<16xi32>
      tpu.vector_store_idx %arg8[%add3A_239], %sub3A_242 masked %and3A_221 : memref<51200xi32, #tpu.memory_space<vmem>>[vector<16xi32>], vector<16xi32>, vector<16xi1>
      %reduce_max3A = arith.constant true
      %reduce_max3A_243 = vector.broadcast %reduce_max3A : i1 to vector<16xi1>
      %reduce_max3A_244 = arith.constant -2147483648 : i32
      %reduce_max3A_245 = vector.broadcast %reduce_max3A_244 : i32 to vector<16xi32>
      %reduce_max3A_246 = arith.xori %cumsum3A_223, %reduce_max3A_245 : vector<16xi32>
      %reduce_max3A_247 = tpu.scan <max>, %reduce_max3A_246 masked %reduce_max3A_243 : vector<16xi32>, vector<16xi1> -> vector<16xi32>
      %reduce_max3A_248 = arith.xori %reduce_max3A_247, %reduce_max3A_245 : vector<16xi32>
      %reduce_max3A_249 = vector.extract %reduce_max3A_248[15] : i32 from vector<16xi32>
      %add3A_250 = arith.addi %scan3A_201, %reduce_max3A_249 : i32
      scf.yield %add3A_250 : i32
    }
    %scan3A_11 = arith.constant 1563 : i32
    %scan3A_12 = arith.constant 0 : i32
    %scan3A_13 = arith.constant 0 : i32
    %scan3A_14 = arith.constant 8 : i32
    %scan3A_15 = arith.addi %scan3A_13, %scan3A_14 : i32
    %scan3A_16 = arith.constant 1 : i32
    scf.for %scan3A_200 = %scan3A_13 to %scan3A_15 step %scan3A_16  : i32 {
      %mul3A_201 = arith.constant 16 : i32
      %mul3A_202 = arith.muli %scan3A_200, %mul3A_201 : i32
      %add3A_203 = arith.addi %scan3A_10, %mul3A_202 : i32
      %add3A_204 = vector.broadcast %add3A_203 : i32 to vector<16xi32>
      %add3A_205 = arith.addi %add3A_204, %iota3A : vector<16xi32>
      %shift_right_arithmetic3A = arith.constant 7 : i32
      %shift_right_arithmetic3A_206 = vector.broadcast %shift_right_arithmetic3A : i32 to vector<16xi32>
      %shift_right_arithmetic3A_207 = arith.shrsi %add3A_205, %shift_right_arithmetic3A_206 : vector<16xi32>
      %shift_left3A = arith.constant 8 : i32
      %shift_left3A_208 = vector.broadcast %shift_left3A : i32 to vector<16xi32>
      %shift_left3A_209 = arith.shli %shift_right_arithmetic3A_207, %shift_left3A_208 : vector<16xi32>
      %and3A_210 = arith.constant 127 : i32
      %and3A_211 = vector.broadcast %and3A_210 : i32 to vector<16xi32>
      %and3A_212 = arith.andi %add3A_205, %and3A_211 : vector<16xi32>
      %add3A_213 = arith.addi %shift_left3A_209, %and3A_212 : vector<16xi32>
      %broadcast_in_dim3A_214 = arith.constant true
      %broadcast_in_dim3A_215 = vector.broadcast %broadcast_in_dim3A_214 : i1 to vector<16xi1>
      tpu.vector_store_idx %arg8[%add3A_213], %broadcast_in_dim3A_3 masked %broadcast_in_dim3A_215 : memref<51200xi32, #tpu.memory_space<vmem>>[vector<16xi32>], vector<16xi32>, vector<16xi1>
      %add3A_216 = arith.constant 128 : i32
      %add3A_217 = vector.broadcast %add3A_216 : i32 to vector<16xi32>
      %add3A_218 = arith.addi %add3A_213, %add3A_217 : vector<16xi32>
      tpu.vector_store_idx %arg8[%add3A_218], %broadcast_in_dim3A_5 masked %broadcast_in_dim3A_215 : memref<51200xi32, #tpu.memory_space<vmem>>[vector<16xi32>], vector<16xi32>, vector<16xi1>
    }
    %scan3A_17 = arith.constant 8 : i32
    %add3A_18 = arith.constant 128 : i32
    %add3A_19 = arith.addi %scan3A_10, %add3A_18 : i32
    %sub3A = arith.constant 1 : i32
    %sub3A_20 = arith.subi %add3A_19, %sub3A : i32
    %jit3A = arith.constant 128 : i32
    %div3A = arith.divsi %sub3A_20, %jit3A : i32
    %sign3A = arith.constant 0 : i32
    %sign3A_21 = arith.cmpi sgt, %sub3A_20, %sign3A : i32
    %sign3A_22 = arith.extui %sign3A_21 : i1 to i32
    %sign3A_23 = arith.constant 0 : i32
    %sign3A_24 = arith.cmpi slt, %sub3A_20, %sign3A_23 : i32
    %sign3A_25 = arith.extui %sign3A_24 : i1 to i32
    %sign3A_26 = arith.subi %sign3A_22, %sign3A_25 : i32
    %sign3A_27 = arith.constant 0 : i32
    %sign3A_28 = arith.cmpi sgt, %jit3A, %sign3A_27 : i32
    %sign3A_29 = arith.extui %sign3A_28 : i1 to i32
    %sign3A_30 = arith.constant 0 : i32
    %sign3A_31 = arith.cmpi slt, %jit3A, %sign3A_30 : i32
    %sign3A_32 = arith.extui %sign3A_31 : i1 to i32
    %sign3A_33 = arith.subi %sign3A_29, %sign3A_32 : i32
    %ne3A = arith.cmpi ne, %sign3A_26, %sign3A_33 : i32
    %rem3A = arith.remsi %sub3A_20, %jit3A : i32
    %ne3A_34 = arith.constant 0 : i32
    %ne3A_35 = arith.cmpi ne, %rem3A, %ne3A_34 : i32
    %and3A = arith.andi %ne3A, %ne3A_35 : i1
    %sub3A_36 = arith.constant 1 : i32
    %sub3A_37 = arith.subi %div3A, %sub3A_36 : i32
    %select_n3A = arith.select %and3A, %sub3A_37, %div3A : i32
    %scan3A_38 = arith.constant 0 : i32
    %scan3A_39 = arith.constant 0 : i32
    %scan3A_40 = arith.constant 8 : i32
    %scan3A_41 = arith.addi %scan3A_39, %scan3A_40 : i32
    %scan3A_42 = arith.constant 1 : i32
    scf.for %scan3A_200 = %scan3A_39 to %scan3A_41 step %scan3A_42  : i32 {
      %broadcast_in_dim3A_201 = vector.broadcast %select_n3A : i32 to vector<16xi32>
      %mul3A_202 = arith.constant 16 : i32
      %mul3A_203 = arith.muli %scan3A_200, %mul3A_202 : i32
      %swap3A = arith.index_cast %mul3A_203 : i32 to index
      %swap3A_204 = tpu.vector_load %arg9[%swap3A] {strides = array<i32>} : memref<128xi32, #tpu.memory_space<vmem>>, vector<16xi32>,
      tpu.vector_store %arg9[%swap3A], %broadcast_in_dim3A_201 {strides = array<i32>} : memref<128xi32, #tpu.memory_space<vmem>>, vector<16xi32>,
    }
    %scan3A_43 = arith.constant 8 : i32
    %run_scoped3A = arith.constant 0 : i32
    %run_scoped3A_44 = arith.constant 0 : i32
    "tpu.region"() ({
      %run_scoped3A_200 = tpu.sem_alloc : memref<!tpu.dma_semaphore, #tpu.memory_space<semaphore_mem>>
      %dma_start3A = arith.constant 0 : i32
      %dma_start3A_201 = tpu.memref_slice %arg4[%run_scoped3A, %add3A, %run_scoped3A_44, %dma_start3A] : memref<4x32x1x51200xi32, #tpu.memory_space<hbm>> -> memref<1x1x1x51200xi32, #tpu.memory_space<hbm>>
      %dma_start3A_202 = tpu.memref_squeeze %dma_start3A_201 : memref<1x1x1x51200xi32, #tpu.memory_space<hbm>> -> memref<51200xi32, #tpu.memory_space<hbm>>
      %dma_start3A_203 = arith.constant 0 : i32
      %dma_start3A_204 = tpu.memref_slice %arg4[%run_scoped3A, %add3A, %run_scoped3A_44, %dma_start3A_203] : memref<4x32x1x51200xi32, #tpu.memory_space<hbm>> -> memref<1x1x1x51200xi32, #tpu.memory_space<hbm>>
      %dma_start3A_205 = tpu.memref_squeeze %dma_start3A_204 : memref<1x1x1x51200xi32, #tpu.memory_space<hbm>> -> memref<51200xi32, #tpu.memory_space<hbm>>
      tpu.enqueue_dma source(%arg8 : memref<51200xi32, #tpu.memory_space<vmem>>) target(%dma_start3A_205 : memref<51200xi32, #tpu.memory_space<hbm>>) target_semaphore(%run_scoped3A_200 : memref<!tpu.dma_semaphore, #tpu.memory_space<semaphore_mem>>)
      %dma_wait3A = arith.constant 0 : i32
      %dma_wait3A_206 = tpu.memref_slice %arg4[%run_scoped3A, %add3A, %run_scoped3A_44, %dma_wait3A] : memref<4x32x1x51200xi32, #tpu.memory_space<hbm>> -> memref<1x1x1x51200xi32, #tpu.memory_space<hbm>>
      %dma_wait3A_207 = tpu.memref_squeeze %dma_wait3A_206 : memref<1x1x1x51200xi32, #tpu.memory_space<hbm>> -> memref<51200xi32, #tpu.memory_space<hbm>>
      %dma_wait3A_208 = arith.constant 0 : i32
      %dma_wait3A_209 = tpu.memref_slice %arg4[%run_scoped3A, %add3A, %run_scoped3A_44, %dma_wait3A_208] : memref<4x32x1x51200xi32, #tpu.memory_space<hbm>> -> memref<1x1x1x51200xi32, #tpu.memory_space<hbm>>
      %dma_wait3A_210 = tpu.memref_squeeze %dma_wait3A_209 : memref<1x1x1x51200xi32, #tpu.memory_space<hbm>> -> memref<51200xi32, #tpu.memory_space<hbm>>
      tpu.wait_dma2 semaphore(%run_scoped3A_200 : memref<!tpu.dma_semaphore, #tpu.memory_space<semaphore_mem>>) src(%arg8 : memref<51200xi32, #tpu.memory_space<vmem>>) dst(%dma_wait3A_210 : memref<51200xi32, #tpu.memory_space<hbm>>)
      tpu.yield
    }) : () -> ()
    %run_scoped3A_45 = arith.constant 0 : i32
    %run_scoped3A_46 = arith.constant 0 : i32
    "tpu.region"() ({
      %run_scoped3A_200 = tpu.sem_alloc : memref<!tpu.dma_semaphore, #tpu.memory_space<semaphore_mem>>
      %dma_start3A = arith.constant 0 : i32
      %dma_start3A_201 = tpu.memref_slice %arg5[%run_scoped3A_45, %add3A, %run_scoped3A_46, %dma_start3A] : memref<4x32x1x128xi32, #tpu.memory_space<hbm>> -> memref<1x1x1x128xi32, #tpu.memory_space<hbm>>
      %dma_start3A_202 = tpu.memref_squeeze %dma_start3A_201 : memref<1x1x1x128xi32, #tpu.memory_space<hbm>> -> memref<128xi32, #tpu.memory_space<hbm>>
      %dma_start3A_203 = arith.constant 0 : i32
      %dma_start3A_204 = tpu.memref_slice %arg5[%run_scoped3A_45, %add3A, %run_scoped3A_46, %dma_start3A_203] : memref<4x32x1x128xi32, #tpu.memory_space<hbm>> -> memref<1x1x1x128xi32, #tpu.memory_space<hbm>>
      %dma_start3A_205 = tpu.memref_squeeze %dma_start3A_204 : memref<1x1x1x128xi32, #tpu.memory_space<hbm>> -> memref<128xi32, #tpu.memory_space<hbm>>
      tpu.enqueue_dma source(%arg9 : memref<128xi32, #tpu.memory_space<vmem>>) target(%dma_start3A_205 : memref<128xi32, #tpu.memory_space<hbm>>) target_semaphore(%run_scoped3A_200 : memref<!tpu.dma_semaphore, #tpu.memory_space<semaphore_mem>>)
      %dma_wait3A = arith.constant 0 : i32
      %dma_wait3A_206 = tpu.memref_slice %arg5[%run_scoped3A_45, %add3A, %run_scoped3A_46, %dma_wait3A] : memref<4x32x1x128xi32, #tpu.memory_space<hbm>> -> memref<1x1x1x128xi32, #tpu.memory_space<hbm>>
      %dma_wait3A_207 = tpu.memref_squeeze %dma_wait3A_206 : memref<1x1x1x128xi32, #tpu.memory_space<hbm>> -> memref<128xi32, #tpu.memory_space<hbm>>
      %dma_wait3A_208 = arith.constant 0 : i32
      %dma_wait3A_209 = tpu.memref_slice %arg5[%run_scoped3A_45, %add3A, %run_scoped3A_46, %dma_wait3A_208] : memref<4x32x1x128xi32, #tpu.memory_space<hbm>> -> memref<1x1x1x128xi32, #tpu.memory_space<hbm>>
      %dma_wait3A_210 = tpu.memref_squeeze %dma_wait3A_209 : memref<1x1x1x128xi32, #tpu.memory_space<hbm>> -> memref<128xi32, #tpu.memory_space<hbm>>
      tpu.wait_dma2 semaphore(%run_scoped3A_200 : memref<!tpu.dma_semaphore, #tpu.memory_space<semaphore_mem>>) src(%arg9 : memref<128xi32, #tpu.memory_space<vmem>>) dst(%dma_wait3A_210 : memref<128xi32, #tpu.memory_space<hbm>>)
      tpu.yield
    }) : () -> ()
    %scan3A_47 = arith.constant 0 : i32
    %scan3A_48 = arith.constant 0 : i32
    %scan3A_49 = arith.constant 1563 : i32
    %scan3A_50 = arith.addi %scan3A_48, %scan3A_49 : i32
    %scan3A_51 = arith.constant 1 : i32
    %scan3A_52 = scf.for %scan3A_200 = %scan3A_48 to %scan3A_50 step %scan3A_51 iter_args(%scan3A_201 = %scan3A_47) -> (i32)  : i32 {
      %mul3A_202 = arith.constant 16 : i32
      %mul3A_203 = arith.muli %scan3A_200, %mul3A_202 : i32
      %get3A = arith.index_cast %mul3A_203 : i32 to index
      %get3A_204 = tpu.vector_load %arg6[%get3A] {strides = array<i32>} : memref<25008xi32, #tpu.memory_space<vmem>>, vector<16xi32>,
      %mul3A_205 = arith.constant 16 : i32
      %mul3A_206 = arith.muli %scan3A_200, %mul3A_205 : i32
      %get3A_207 = arith.index_cast %mul3A_206 : i32 to index
      %get3A_208 = tpu.vector_load %arg7[%get3A_207] {strides = array<i32>} : memref<25008xi32, #tpu.memory_space<vmem>>, vector<16xi32>,
      %mul3A_209 = arith.constant 16 : i32
      %mul3A_210 = arith.muli %scan3A_200, %mul3A_209 : i32
      %add3A_211 = vector.broadcast %mul3A_210 : i32 to vector<16xi32>
      %add3A_212 = arith.addi %add3A_211, %iota3A : vector<16xi32>
      %lt3A = arith.constant 25000 : i32
      %lt3A_213 = vector.broadcast %lt3A : i32 to vector<16xi32>
      %lt3A_214 = arith.cmpi slt, %add3A_212, %lt3A_213 : vector<16xi32>
      %ge3A = arith.constant 12504 : i32
      %ge3A_215 = vector.broadcast %ge3A : i32 to vector<16xi32>
      %ge3A_216 = arith.cmpi sge, %get3A_208, %ge3A_215 : vector<16xi32>
      %and3A_217 = arith.andi %lt3A_214, %ge3A_216 : vector<16xi1>
      %lt3A_218 = arith.constant 25008 : i32
      %lt3A_219 = vector.broadcast %lt3A_218 : i32 to vector<16xi32>
      %lt3A_220 = arith.cmpi slt, %get3A_208, %lt3A_219 : vector<16xi32>
      %and3A_221 = arith.andi %and3A_217, %lt3A_220 : vector<16xi1>
      %convert_element_type3A = arith.extui %and3A_221 : vector<16xi1> to vector<16xi32>
      %cumsum3A = arith.constant true
      %cumsum3A_222 = vector.broadcast %cumsum3A : i1 to vector<16xi1>
      %cumsum3A_223 = tpu.scan <sum>, %convert_element_type3A masked %cumsum3A_222 : vector<16xi32>, vector<16xi1> -> vector<16xi32>
      %add3A_224 = vector.broadcast %scan3A_201 : i32 to vector<16xi32>
      %add3A_225 = arith.addi %add3A_224, %cumsum3A_223 : vector<16xi32>
      %sub3A_226 = arith.constant 1 : i32
      %sub3A_227 = vector.broadcast %sub3A_226 : i32 to vector<16xi32>
      %sub3A_228 = arith.subi %add3A_225, %sub3A_227 : vector<16xi32>
      %shift_right_arithmetic3A = arith.constant 7 : i32
      %shift_right_arithmetic3A_229 = vector.broadcast %shift_right_arithmetic3A : i32 to vector<16xi32>
      %shift_right_arithmetic3A_230 = arith.shrsi %sub3A_228, %shift_right_arithmetic3A_229 : vector<16xi32>
      %shift_left3A = arith.constant 8 : i32
      %shift_left3A_231 = vector.broadcast %shift_left3A : i32 to vector<16xi32>
      %shift_left3A_232 = arith.shli %shift_right_arithmetic3A_230, %shift_left3A_231 : vector<16xi32>
      %and3A_233 = arith.constant 127 : i32
      %and3A_234 = vector.broadcast %and3A_233 : i32 to vector<16xi32>
      %and3A_235 = arith.andi %sub3A_228, %and3A_234 : vector<16xi32>
      %add3A_236 = arith.addi %shift_left3A_232, %and3A_235 : vector<16xi32>
      tpu.vector_store_idx %arg8[%add3A_236], %get3A_204 masked %and3A_221 : memref<51200xi32, #tpu.memory_space<vmem>>[vector<16xi32>], vector<16xi32>, vector<16xi1>
      %add3A_237 = arith.constant 128 : i32
      %add3A_238 = vector.broadcast %add3A_237 : i32 to vector<16xi32>
      %add3A_239 = arith.addi %add3A_236, %add3A_238 : vector<16xi32>
      %sub3A_240 = arith.constant 12504 : i32
      %sub3A_241 = vector.broadcast %sub3A_240 : i32 to vector<16xi32>
      %sub3A_242 = arith.subi %get3A_208, %sub3A_241 : vector<16xi32>
      tpu.vector_store_idx %arg8[%add3A_239], %sub3A_242 masked %and3A_221 : memref<51200xi32, #tpu.memory_space<vmem>>[vector<16xi32>], vector<16xi32>, vector<16xi1>
      %reduce_max3A = arith.constant true
      %reduce_max3A_243 = vector.broadcast %reduce_max3A : i1 to vector<16xi1>
      %reduce_max3A_244 = arith.constant -2147483648 : i32
      %reduce_max3A_245 = vector.broadcast %reduce_max3A_244 : i32 to vector<16xi32>
      %reduce_max3A_246 = arith.xori %cumsum3A_223, %reduce_max3A_245 : vector<16xi32>
      %reduce_max3A_247 = tpu.scan <max>, %reduce_max3A_246 masked %reduce_max3A_243 : vector<16xi32>, vector<16xi1> -> vector<16xi32>
      %reduce_max3A_248 = arith.xori %reduce_max3A_247, %reduce_max3A_245 : vector<16xi32>
      %reduce_max3A_249 = vector.extract %reduce_max3A_248[15] : i32 from vector<16xi32>
      %add3A_250 = arith.addi %scan3A_201, %reduce_max3A_249 : i32
      scf.yield %add3A_250 : i32
    }
    %scan3A_53 = arith.constant 1563 : i32
    %scan3A_54 = arith.constant 0 : i32
    %scan3A_55 = arith.constant 0 : i32
    %scan3A_56 = arith.constant 8 : i32
    %scan3A_57 = arith.addi %scan3A_55, %scan3A_56 : i32
    %scan3A_58 = arith.constant 1 : i32
    scf.for %scan3A_200 = %scan3A_55 to %scan3A_57 step %scan3A_58  : i32 {
      %mul3A_201 = arith.constant 16 : i32
      %mul3A_202 = arith.muli %scan3A_200, %mul3A_201 : i32
      %add3A_203 = arith.addi %scan3A_52, %mul3A_202 : i32
      %add3A_204 = vector.broadcast %add3A_203 : i32 to vector<16xi32>
      %add3A_205 = arith.addi %add3A_204, %iota3A : vector<16xi32>
      %shift_right_arithmetic3A = arith.constant 7 : i32
      %shift_right_arithmetic3A_206 = vector.broadcast %shift_right_arithmetic3A : i32 to vector<16xi32>
      %shift_right_arithmetic3A_207 = arith.shrsi %add3A_205, %shift_right_arithmetic3A_206 : vector<16xi32>
      %shift_left3A = arith.constant 8 : i32
      %shift_left3A_208 = vector.broadcast %shift_left3A : i32 to vector<16xi32>
      %shift_left3A_209 = arith.shli %shift_right_arithmetic3A_207, %shift_left3A_208 : vector<16xi32>
      %and3A_210 = arith.constant 127 : i32
      %and3A_211 = vector.broadcast %and3A_210 : i32 to vector<16xi32>
      %and3A_212 = arith.andi %add3A_205, %and3A_211 : vector<16xi32>
      %add3A_213 = arith.addi %shift_left3A_209, %and3A_212 : vector<16xi32>
      %broadcast_in_dim3A_214 = arith.constant true
      %broadcast_in_dim3A_215 = vector.broadcast %broadcast_in_dim3A_214 : i1 to vector<16xi1>
      tpu.vector_store_idx %arg8[%add3A_213], %broadcast_in_dim3A_3 masked %broadcast_in_dim3A_215 : memref<51200xi32, #tpu.memory_space<vmem>>[vector<16xi32>], vector<16xi32>, vector<16xi1>
      %add3A_216 = arith.constant 128 : i32
      %add3A_217 = vector.broadcast %add3A_216 : i32 to vector<16xi32>
      %add3A_218 = arith.addi %add3A_213, %add3A_217 : vector<16xi32>
      tpu.vector_store_idx %arg8[%add3A_218], %broadcast_in_dim3A_5 masked %broadcast_in_dim3A_215 : memref<51200xi32, #tpu.memory_space<vmem>>[vector<16xi32>], vector<16xi32>, vector<16xi1>
    }
    %scan3A_59 = arith.constant 8 : i32
    %add3A_60 = arith.constant 128 : i32
    %add3A_61 = arith.addi %scan3A_52, %add3A_60 : i32
    %sub3A_62 = arith.constant 1 : i32
    %sub3A_63 = arith.subi %add3A_61, %sub3A_62 : i32
    %jit3A_64 = arith.constant 128 : i32
    %div3A_65 = arith.divsi %sub3A_63, %jit3A_64 : i32
    %sign3A_66 = arith.constant 0 : i32
    %sign3A_67 = arith.cmpi sgt, %sub3A_63, %sign3A_66 : i32
    %sign3A_68 = arith.extui %sign3A_67 : i1 to i32
    %sign3A_69 = arith.constant 0 : i32
    %sign3A_70 = arith.cmpi slt, %sub3A_63, %sign3A_69 : i32
    %sign3A_71 = arith.extui %sign3A_70 : i1 to i32
    %sign3A_72 = arith.subi %sign3A_68, %sign3A_71 : i32
    %sign3A_73 = arith.constant 0 : i32
    %sign3A_74 = arith.cmpi sgt, %jit3A_64, %sign3A_73 : i32
    %sign3A_75 = arith.extui %sign3A_74 : i1 to i32
    %sign3A_76 = arith.constant 0 : i32
    %sign3A_77 = arith.cmpi slt, %jit3A_64, %sign3A_76 : i32
    %sign3A_78 = arith.extui %sign3A_77 : i1 to i32
    %sign3A_79 = arith.subi %sign3A_75, %sign3A_78 : i32
    %ne3A_80 = arith.cmpi ne, %sign3A_72, %sign3A_79 : i32
    %rem3A_81 = arith.remsi %sub3A_63, %jit3A_64 : i32
    %ne3A_82 = arith.constant 0 : i32
    %ne3A_83 = arith.cmpi ne, %rem3A_81, %ne3A_82 : i32
    %and3A_84 = arith.andi %ne3A_80, %ne3A_83 : i1
    %sub3A_85 = arith.constant 1 : i32
    %sub3A_86 = arith.subi %div3A_65, %sub3A_85 : i32
    %select_n3A_87 = arith.select %and3A_84, %sub3A_86, %div3A_65 : i32
    %scan3A_88 = arith.constant 0 : i32
    %scan3A_89 = arith.constant 0 : i32
    %scan3A_90 = arith.constant 8 : i32
    %scan3A_91 = arith.addi %scan3A_89, %scan3A_90 : i32
    %scan3A_92 = arith.constant 1 : i32
    scf.for %scan3A_200 = %scan3A_89 to %scan3A_91 step %scan3A_92  : i32 {
      %broadcast_in_dim3A_201 = vector.broadcast %select_n3A_87 : i32 to vector<16xi32>
      %mul3A_202 = arith.constant 16 : i32
      %mul3A_203 = arith.muli %scan3A_200, %mul3A_202 : i32
      %swap3A = arith.index_cast %mul3A_203 : i32 to index
      %swap3A_204 = tpu.vector_load %arg9[%swap3A] {strides = array<i32>} : memref<128xi32, #tpu.memory_space<vmem>>, vector<16xi32>,
      tpu.vector_store %arg9[%swap3A], %broadcast_in_dim3A_201 {strides = array<i32>} : memref<128xi32, #tpu.memory_space<vmem>>, vector<16xi32>,
    }
    %scan3A_93 = arith.constant 8 : i32
    %run_scoped3A_94 = arith.constant 1 : i32
    %run_scoped3A_95 = arith.constant 0 : i32
    "tpu.region"() ({
      %run_scoped3A_200 = tpu.sem_alloc : memref<!tpu.dma_semaphore, #tpu.memory_space<semaphore_mem>>
      %dma_start3A = arith.constant 0 : i32
      %dma_start3A_201 = tpu.memref_slice %arg4[%run_scoped3A_94, %add3A, %run_scoped3A_95, %dma_start3A] : memref<4x32x1x51200xi32, #tpu.memory_space<hbm>> -> memref<1x1x1x51200xi32, #tpu.memory_space<hbm>>
      %dma_start3A_202 = tpu.memref_squeeze %dma_start3A_201 : memref<1x1x1x51200xi32, #tpu.memory_space<hbm>> -> memref<51200xi32, #tpu.memory_space<hbm>>
      %dma_start3A_203 = arith.constant 0 : i32
      %dma_start3A_204 = tpu.memref_slice %arg4[%run_scoped3A_94, %add3A, %run_scoped3A_95, %dma_start3A_203] : memref<4x32x1x51200xi32, #tpu.memory_space<hbm>> -> memref<1x1x1x51200xi32, #tpu.memory_space<hbm>>
      %dma_start3A_205 = tpu.memref_squeeze %dma_start3A_204 : memref<1x1x1x51200xi32, #tpu.memory_space<hbm>> -> memref<51200xi32, #tpu.memory_space<hbm>>
      tpu.enqueue_dma source(%arg8 : memref<51200xi32, #tpu.memory_space<vmem>>) target(%dma_start3A_205 : memref<51200xi32, #tpu.memory_space<hbm>>) target_semaphore(%run_scoped3A_200 : memref<!tpu.dma_semaphore, #tpu.memory_space<semaphore_mem>>)
      %dma_wait3A = arith.constant 0 : i32
      %dma_wait3A_206 = tpu.memref_slice %arg4[%run_scoped3A_94, %add3A, %run_scoped3A_95, %dma_wait3A] : memref<4x32x1x51200xi32, #tpu.memory_space<hbm>> -> memref<1x1x1x51200xi32, #tpu.memory_space<hbm>>
      %dma_wait3A_207 = tpu.memref_squeeze %dma_wait3A_206 : memref<1x1x1x51200xi32, #tpu.memory_space<hbm>> -> memref<51200xi32, #tpu.memory_space<hbm>>
      %dma_wait3A_208 = arith.constant 0 : i32
      %dma_wait3A_209 = tpu.memref_slice %arg4[%run_scoped3A_94, %add3A, %run_scoped3A_95, %dma_wait3A_208] : memref<4x32x1x51200xi32, #tpu.memory_space<hbm>> -> memref<1x1x1x51200xi32, #tpu.memory_space<hbm>>
      %dma_wait3A_210 = tpu.memref_squeeze %dma_wait3A_209 : memref<1x1x1x51200xi32, #tpu.memory_space<hbm>> -> memref<51200xi32, #tpu.memory_space<hbm>>
      tpu.wait_dma2 semaphore(%run_scoped3A_200 : memref<!tpu.dma_semaphore, #tpu.memory_space<semaphore_mem>>) src(%arg8 : memref<51200xi32, #tpu.memory_space<vmem>>) dst(%dma_wait3A_210 : memref<51200xi32, #tpu.memory_space<hbm>>)
      tpu.yield
    }) : () -> ()
    %run_scoped3A_96 = arith.constant 1 : i32
    %run_scoped3A_97 = arith.constant 0 : i32
    "tpu.region"() ({
      %run_scoped3A_200 = tpu.sem_alloc : memref<!tpu.dma_semaphore, #tpu.memory_space<semaphore_mem>>
      %dma_start3A = arith.constant 0 : i32
      %dma_start3A_201 = tpu.memref_slice %arg5[%run_scoped3A_96, %add3A, %run_scoped3A_97, %dma_start3A] : memref<4x32x1x128xi32, #tpu.memory_space<hbm>> -> memref<1x1x1x128xi32, #tpu.memory_space<hbm>>
      %dma_start3A_202 = tpu.memref_squeeze %dma_start3A_201 : memref<1x1x1x128xi32, #tpu.memory_space<hbm>> -> memref<128xi32, #tpu.memory_space<hbm>>
      %dma_start3A_203 = arith.constant 0 : i32
      %dma_start3A_204 = tpu.memref_slice %arg5[%run_scoped3A_96, %add3A, %run_scoped3A_97, %dma_start3A_203] : memref<4x32x1x128xi32, #tpu.memory_space<hbm>> -> memref<1x1x1x128xi32, #tpu.memory_space<hbm>>
      %dma_start3A_205 = tpu.memref_squeeze %dma_start3A_204 : memref<1x1x1x128xi32, #tpu.memory_space<hbm>> -> memref<128xi32, #tpu.memory_space<hbm>>
      tpu.enqueue_dma source(%arg9 : memref<128xi32, #tpu.memory_space<vmem>>) target(%dma_start3A_205 : memref<128xi32, #tpu.memory_space<hbm>>) target_semaphore(%run_scoped3A_200 : memref<!tpu.dma_semaphore, #tpu.memory_space<semaphore_mem>>)
      %dma_wait3A = arith.constant 0 : i32
      %dma_wait3A_206 = tpu.memref_slice %arg5[%run_scoped3A_96, %add3A, %run_scoped3A_97, %dma_wait3A] : memref<4x32x1x128xi32, #tpu.memory_space<hbm>> -> memref<1x1x1x128xi32, #tpu.memory_space<hbm>>
      %dma_wait3A_207 = tpu.memref_squeeze %dma_wait3A_206 : memref<1x1x1x128xi32, #tpu.memory_space<hbm>> -> memref<128xi32, #tpu.memory_space<hbm>>
      %dma_wait3A_208 = arith.constant 0 : i32
      %dma_wait3A_209 = tpu.memref_slice %arg5[%run_scoped3A_96, %add3A, %run_scoped3A_97, %dma_wait3A_208] : memref<4x32x1x128xi32, #tpu.memory_space<hbm>> -> memref<1x1x1x128xi32, #tpu.memory_space<hbm>>
      %dma_wait3A_210 = tpu.memref_squeeze %dma_wait3A_209 : memref<1x1x1x128xi32, #tpu.memory_space<hbm>> -> memref<128xi32, #tpu.memory_space<hbm>>
      tpu.wait_dma2 semaphore(%run_scoped3A_200 : memref<!tpu.dma_semaphore, #tpu.memory_space<semaphore_mem>>) src(%arg9 : memref<128xi32, #tpu.memory_space<vmem>>) dst(%dma_wait3A_210 : memref<128xi32, #tpu.memory_space<hbm>>)
      tpu.yield
    }) : () -> ()
    %scan3A_98 = arith.constant 0 : i32
    %scan3A_99 = arith.constant 0 : i32
    %scan3A_100 = arith.constant 1563 : i32
    %scan3A_101 = arith.addi %scan3A_99, %scan3A_100 : i32
    %scan3A_102 = arith.constant 1 : i32
    %scan3A_103 = scf.for %scan3A_200 = %scan3A_99 to %scan3A_101 step %scan3A_102 iter_args(%scan3A_201 = %scan3A_98) -> (i32)  : i32 {
      %mul3A_202 = arith.constant 16 : i32
      %mul3A_203 = arith.muli %scan3A_200, %mul3A_202 : i32
      %get3A = arith.index_cast %mul3A_203 : i32 to index
      %get3A_204 = tpu.vector_load %arg6[%get3A] {strides = array<i32>} : memref<25008xi32, #tpu.memory_space<vmem>>, vector<16xi32>,
      %mul3A_205 = arith.constant 16 : i32
      %mul3A_206 = arith.muli %scan3A_200, %mul3A_205 : i32
      %get3A_207 = arith.index_cast %mul3A_206 : i32 to index
      %get3A_208 = tpu.vector_load %arg7[%get3A_207] {strides = array<i32>} : memref<25008xi32, #tpu.memory_space<vmem>>, vector<16xi32>,
      %mul3A_209 = arith.constant 16 : i32
      %mul3A_210 = arith.muli %scan3A_200, %mul3A_209 : i32
      %add3A_211 = vector.broadcast %mul3A_210 : i32 to vector<16xi32>
      %add3A_212 = arith.addi %add3A_211, %iota3A : vector<16xi32>
      %lt3A = arith.constant 25000 : i32
      %lt3A_213 = vector.broadcast %lt3A : i32 to vector<16xi32>
      %lt3A_214 = arith.cmpi slt, %add3A_212, %lt3A_213 : vector<16xi32>
      %ge3A = arith.constant 25008 : i32
      %ge3A_215 = vector.broadcast %ge3A : i32 to vector<16xi32>
      %ge3A_216 = arith.cmpi sge, %get3A_208, %ge3A_215 : vector<16xi32>
      %and3A_217 = arith.andi %lt3A_214, %ge3A_216 : vector<16xi1>
      %lt3A_218 = arith.constant 37512 : i32
      %lt3A_219 = vector.broadcast %lt3A_218 : i32 to vector<16xi32>
      %lt3A_220 = arith.cmpi slt, %get3A_208, %lt3A_219 : vector<16xi32>
      %and3A_221 = arith.andi %and3A_217, %lt3A_220 : vector<16xi1>
      %convert_element_type3A = arith.extui %and3A_221 : vector<16xi1> to vector<16xi32>
      %cumsum3A = arith.constant true
      %cumsum3A_222 = vector.broadcast %cumsum3A : i1 to vector<16xi1>
      %cumsum3A_223 = tpu.scan <sum>, %convert_element_type3A masked %cumsum3A_222 : vector<16xi32>, vector<16xi1> -> vector<16xi32>
      %add3A_224 = vector.broadcast %scan3A_201 : i32 to vector<16xi32>
      %add3A_225 = arith.addi %add3A_224, %cumsum3A_223 : vector<16xi32>
      %sub3A_226 = arith.constant 1 : i32
      %sub3A_227 = vector.broadcast %sub3A_226 : i32 to vector<16xi32>
      %sub3A_228 = arith.subi %add3A_225, %sub3A_227 : vector<16xi32>
      %shift_right_arithmetic3A = arith.constant 7 : i32
      %shift_right_arithmetic3A_229 = vector.broadcast %shift_right_arithmetic3A : i32 to vector<16xi32>
      %shift_right_arithmetic3A_230 = arith.shrsi %sub3A_228, %shift_right_arithmetic3A_229 : vector<16xi32>
      %shift_left3A = arith.constant 8 : i32
      %shift_left3A_231 = vector.broadcast %shift_left3A : i32 to vector<16xi32>
      %shift_left3A_232 = arith.shli %shift_right_arithmetic3A_230, %shift_left3A_231 : vector<16xi32>
      %and3A_233 = arith.constant 127 : i32
      %and3A_234 = vector.broadcast %and3A_233 : i32 to vector<16xi32>
      %and3A_235 = arith.andi %sub3A_228, %and3A_234 : vector<16xi32>
      %add3A_236 = arith.addi %shift_left3A_232, %and3A_235 : vector<16xi32>
      tpu.vector_store_idx %arg8[%add3A_236], %get3A_204 masked %and3A_221 : memref<51200xi32, #tpu.memory_space<vmem>>[vector<16xi32>], vector<16xi32>, vector<16xi1>
      %add3A_237 = arith.constant 128 : i32
      %add3A_238 = vector.broadcast %add3A_237 : i32 to vector<16xi32>
      %add3A_239 = arith.addi %add3A_236, %add3A_238 : vector<16xi32>
      %sub3A_240 = arith.constant 25008 : i32
      %sub3A_241 = vector.broadcast %sub3A_240 : i32 to vector<16xi32>
      %sub3A_242 = arith.subi %get3A_208, %sub3A_241 : vector<16xi32>
      tpu.vector_store_idx %arg8[%add3A_239], %sub3A_242 masked %and3A_221 : memref<51200xi32, #tpu.memory_space<vmem>>[vector<16xi32>], vector<16xi32>, vector<16xi1>
      %reduce_max3A = arith.constant true
      %reduce_max3A_243 = vector.broadcast %reduce_max3A : i1 to vector<16xi1>
      %reduce_max3A_244 = arith.constant -2147483648 : i32
      %reduce_max3A_245 = vector.broadcast %reduce_max3A_244 : i32 to vector<16xi32>
      %reduce_max3A_246 = arith.xori %cumsum3A_223, %reduce_max3A_245 : vector<16xi32>
      %reduce_max3A_247 = tpu.scan <max>, %reduce_max3A_246 masked %reduce_max3A_243 : vector<16xi32>, vector<16xi1> -> vector<16xi32>
      %reduce_max3A_248 = arith.xori %reduce_max3A_247, %reduce_max3A_245 : vector<16xi32>
      %reduce_max3A_249 = vector.extract %reduce_max3A_248[15] : i32 from vector<16xi32>
      %add3A_250 = arith.addi %scan3A_201, %reduce_max3A_249 : i32
      scf.yield %add3A_250 : i32
    }
    %scan3A_104 = arith.constant 1563 : i32
    %scan3A_105 = arith.constant 0 : i32
    %scan3A_106 = arith.constant 0 : i32
    %scan3A_107 = arith.constant 8 : i32
    %scan3A_108 = arith.addi %scan3A_106, %scan3A_107 : i32
    %scan3A_109 = arith.constant 1 : i32
    scf.for %scan3A_200 = %scan3A_106 to %scan3A_108 step %scan3A_109  : i32 {
      %mul3A_201 = arith.constant 16 : i32
      %mul3A_202 = arith.muli %scan3A_200, %mul3A_201 : i32
      %add3A_203 = arith.addi %scan3A_103, %mul3A_202 : i32
      %add3A_204 = vector.broadcast %add3A_203 : i32 to vector<16xi32>
      %add3A_205 = arith.addi %add3A_204, %iota3A : vector<16xi32>
      %shift_right_arithmetic3A = arith.constant 7 : i32
      %shift_right_arithmetic3A_206 = vector.broadcast %shift_right_arithmetic3A : i32 to vector<16xi32>
      %shift_right_arithmetic3A_207 = arith.shrsi %add3A_205, %shift_right_arithmetic3A_206 : vector<16xi32>
      %shift_left3A = arith.constant 8 : i32
      %shift_left3A_208 = vector.broadcast %shift_left3A : i32 to vector<16xi32>
      %shift_left3A_209 = arith.shli %shift_right_arithmetic3A_207, %shift_left3A_208 : vector<16xi32>
      %and3A_210 = arith.constant 127 : i32
      %and3A_211 = vector.broadcast %and3A_210 : i32 to vector<16xi32>
      %and3A_212 = arith.andi %add3A_205, %and3A_211 : vector<16xi32>
      %add3A_213 = arith.addi %shift_left3A_209, %and3A_212 : vector<16xi32>
      %broadcast_in_dim3A_214 = arith.constant true
      %broadcast_in_dim3A_215 = vector.broadcast %broadcast_in_dim3A_214 : i1 to vector<16xi1>
      tpu.vector_store_idx %arg8[%add3A_213], %broadcast_in_dim3A_3 masked %broadcast_in_dim3A_215 : memref<51200xi32, #tpu.memory_space<vmem>>[vector<16xi32>], vector<16xi32>, vector<16xi1>
      %add3A_216 = arith.constant 128 : i32
      %add3A_217 = vector.broadcast %add3A_216 : i32 to vector<16xi32>
      %add3A_218 = arith.addi %add3A_213, %add3A_217 : vector<16xi32>
      tpu.vector_store_idx %arg8[%add3A_218], %broadcast_in_dim3A_5 masked %broadcast_in_dim3A_215 : memref<51200xi32, #tpu.memory_space<vmem>>[vector<16xi32>], vector<16xi32>, vector<16xi1>
    }
    %scan3A_110 = arith.constant 8 : i32
    %add3A_111 = arith.constant 128 : i32
    %add3A_112 = arith.addi %scan3A_103, %add3A_111 : i32
    %sub3A_113 = arith.constant 1 : i32
    %sub3A_114 = arith.subi %add3A_112, %sub3A_113 : i32
    %jit3A_115 = arith.constant 128 : i32
    %div3A_116 = arith.divsi %sub3A_114, %jit3A_115 : i32
    %sign3A_117 = arith.constant 0 : i32
    %sign3A_118 = arith.cmpi sgt, %sub3A_114, %sign3A_117 : i32
    %sign3A_119 = arith.extui %sign3A_118 : i1 to i32
    %sign3A_120 = arith.constant 0 : i32
    %sign3A_121 = arith.cmpi slt, %sub3A_114, %sign3A_120 : i32
    %sign3A_122 = arith.extui %sign3A_121 : i1 to i32
    %sign3A_123 = arith.subi %sign3A_119, %sign3A_122 : i32
    %sign3A_124 = arith.constant 0 : i32
    %sign3A_125 = arith.cmpi sgt, %jit3A_115, %sign3A_124 : i32
    %sign3A_126 = arith.extui %sign3A_125 : i1 to i32
    %sign3A_127 = arith.constant 0 : i32
    %sign3A_128 = arith.cmpi slt, %jit3A_115, %sign3A_127 : i32
    %sign3A_129 = arith.extui %sign3A_128 : i1 to i32
    %sign3A_130 = arith.subi %sign3A_126, %sign3A_129 : i32
    %ne3A_131 = arith.cmpi ne, %sign3A_123, %sign3A_130 : i32
    %rem3A_132 = arith.remsi %sub3A_114, %jit3A_115 : i32
    %ne3A_133 = arith.constant 0 : i32
    %ne3A_134 = arith.cmpi ne, %rem3A_132, %ne3A_133 : i32
    %and3A_135 = arith.andi %ne3A_131, %ne3A_134 : i1
    %sub3A_136 = arith.constant 1 : i32
    %sub3A_137 = arith.subi %div3A_116, %sub3A_136 : i32
    %select_n3A_138 = arith.select %and3A_135, %sub3A_137, %div3A_116 : i32
    %scan3A_139 = arith.constant 0 : i32
    %scan3A_140 = arith.constant 0 : i32
    %scan3A_141 = arith.constant 8 : i32
    %scan3A_142 = arith.addi %scan3A_140, %scan3A_141 : i32
    %scan3A_143 = arith.constant 1 : i32
    scf.for %scan3A_200 = %scan3A_140 to %scan3A_142 step %scan3A_143  : i32 {
      %broadcast_in_dim3A_201 = vector.broadcast %select_n3A_138 : i32 to vector<16xi32>
      %mul3A_202 = arith.constant 16 : i32
      %mul3A_203 = arith.muli %scan3A_200, %mul3A_202 : i32
      %swap3A = arith.index_cast %mul3A_203 : i32 to index
      %swap3A_204 = tpu.vector_load %arg9[%swap3A] {strides = array<i32>} : memref<128xi32, #tpu.memory_space<vmem>>, vector<16xi32>,
      tpu.vector_store %arg9[%swap3A], %broadcast_in_dim3A_201 {strides = array<i32>} : memref<128xi32, #tpu.memory_space<vmem>>, vector<16xi32>,
    }
    %scan3A_144 = arith.constant 8 : i32
    %run_scoped3A_145 = arith.constant 2 : i32
    %run_scoped3A_146 = arith.constant 0 : i32
    "tpu.region"() ({
      %run_scoped3A_200 = tpu.sem_alloc : memref<!tpu.dma_semaphore, #tpu.memory_space<semaphore_mem>>
      %dma_start3A = arith.constant 0 : i32
      %dma_start3A_201 = tpu.memref_slice %arg4[%run_scoped3A_145, %add3A, %run_scoped3A_146, %dma_start3A] : memref<4x32x1x51200xi32, #tpu.memory_space<hbm>> -> memref<1x1x1x51200xi32, #tpu.memory_space<hbm>>
      %dma_start3A_202 = tpu.memref_squeeze %dma_start3A_201 : memref<1x1x1x51200xi32, #tpu.memory_space<hbm>> -> memref<51200xi32, #tpu.memory_space<hbm>>
      %dma_start3A_203 = arith.constant 0 : i32
      %dma_start3A_204 = tpu.memref_slice %arg4[%run_scoped3A_145, %add3A, %run_scoped3A_146, %dma_start3A_203] : memref<4x32x1x51200xi32, #tpu.memory_space<hbm>> -> memref<1x1x1x51200xi32, #tpu.memory_space<hbm>>
      %dma_start3A_205 = tpu.memref_squeeze %dma_start3A_204 : memref<1x1x1x51200xi32, #tpu.memory_space<hbm>> -> memref<51200xi32, #tpu.memory_space<hbm>>
      tpu.enqueue_dma source(%arg8 : memref<51200xi32, #tpu.memory_space<vmem>>) target(%dma_start3A_205 : memref<51200xi32, #tpu.memory_space<hbm>>) target_semaphore(%run_scoped3A_200 : memref<!tpu.dma_semaphore, #tpu.memory_space<semaphore_mem>>)
      %dma_wait3A = arith.constant 0 : i32
      %dma_wait3A_206 = tpu.memref_slice %arg4[%run_scoped3A_145, %add3A, %run_scoped3A_146, %dma_wait3A] : memref<4x32x1x51200xi32, #tpu.memory_space<hbm>> -> memref<1x1x1x51200xi32, #tpu.memory_space<hbm>>
      %dma_wait3A_207 = tpu.memref_squeeze %dma_wait3A_206 : memref<1x1x1x51200xi32, #tpu.memory_space<hbm>> -> memref<51200xi32, #tpu.memory_space<hbm>>
      %dma_wait3A_208 = arith.constant 0 : i32
      %dma_wait3A_209 = tpu.memref_slice %arg4[%run_scoped3A_145, %add3A, %run_scoped3A_146, %dma_wait3A_208] : memref<4x32x1x51200xi32, #tpu.memory_space<hbm>> -> memref<1x1x1x51200xi32, #tpu.memory_space<hbm>>
      %dma_wait3A_210 = tpu.memref_squeeze %dma_wait3A_209 : memref<1x1x1x51200xi32, #tpu.memory_space<hbm>> -> memref<51200xi32, #tpu.memory_space<hbm>>
      tpu.wait_dma2 semaphore(%run_scoped3A_200 : memref<!tpu.dma_semaphore, #tpu.memory_space<semaphore_mem>>) src(%arg8 : memref<51200xi32, #tpu.memory_space<vmem>>) dst(%dma_wait3A_210 : memref<51200xi32, #tpu.memory_space<hbm>>)
      tpu.yield
    }) : () -> ()
    %run_scoped3A_147 = arith.constant 2 : i32
    %run_scoped3A_148 = arith.constant 0 : i32
    "tpu.region"() ({
      %run_scoped3A_200 = tpu.sem_alloc : memref<!tpu.dma_semaphore, #tpu.memory_space<semaphore_mem>>
      %dma_start3A = arith.constant 0 : i32
      %dma_start3A_201 = tpu.memref_slice %arg5[%run_scoped3A_147, %add3A, %run_scoped3A_148, %dma_start3A] : memref<4x32x1x128xi32, #tpu.memory_space<hbm>> -> memref<1x1x1x128xi32, #tpu.memory_space<hbm>>
      %dma_start3A_202 = tpu.memref_squeeze %dma_start3A_201 : memref<1x1x1x128xi32, #tpu.memory_space<hbm>> -> memref<128xi32, #tpu.memory_space<hbm>>
      %dma_start3A_203 = arith.constant 0 : i32
      %dma_start3A_204 = tpu.memref_slice %arg5[%run_scoped3A_147, %add3A, %run_scoped3A_148, %dma_start3A_203] : memref<4x32x1x128xi32, #tpu.memory_space<hbm>> -> memref<1x1x1x128xi32, #tpu.memory_space<hbm>>
      %dma_start3A_205 = tpu.memref_squeeze %dma_start3A_204 : memref<1x1x1x128xi32, #tpu.memory_space<hbm>> -> memref<128xi32, #tpu.memory_space<hbm>>
      tpu.enqueue_dma source(%arg9 : memref<128xi32, #tpu.memory_space<vmem>>) target(%dma_start3A_205 : memref<128xi32, #tpu.memory_space<hbm>>) target_semaphore(%run_scoped3A_200 : memref<!tpu.dma_semaphore, #tpu.memory_space<semaphore_mem>>)
      %dma_wait3A = arith.constant 0 : i32
      %dma_wait3A_206 = tpu.memref_slice %arg5[%run_scoped3A_147, %add3A, %run_scoped3A_148, %dma_wait3A] : memref<4x32x1x128xi32, #tpu.memory_space<hbm>> -> memref<1x1x1x128xi32, #tpu.memory_space<hbm>>
      %dma_wait3A_207 = tpu.memref_squeeze %dma_wait3A_206 : memref<1x1x1x128xi32, #tpu.memory_space<hbm>> -> memref<128xi32, #tpu.memory_space<hbm>>
      %dma_wait3A_208 = arith.constant 0 : i32
      %dma_wait3A_209 = tpu.memref_slice %arg5[%run_scoped3A_147, %add3A, %run_scoped3A_148, %dma_wait3A_208] : memref<4x32x1x128xi32, #tpu.memory_space<hbm>> -> memref<1x1x1x128xi32, #tpu.memory_space<hbm>>
      %dma_wait3A_210 = tpu.memref_squeeze %dma_wait3A_209 : memref<1x1x1x128xi32, #tpu.memory_space<hbm>> -> memref<128xi32, #tpu.memory_space<hbm>>
      tpu.wait_dma2 semaphore(%run_scoped3A_200 : memref<!tpu.dma_semaphore, #tpu.memory_space<semaphore_mem>>) src(%arg9 : memref<128xi32, #tpu.memory_space<vmem>>) dst(%dma_wait3A_210 : memref<128xi32, #tpu.memory_space<hbm>>)
      tpu.yield
    }) : () -> ()
    %scan3A_149 = arith.constant 0 : i32
    %scan3A_150 = arith.constant 0 : i32
    %scan3A_151 = arith.constant 1563 : i32
    %scan3A_152 = arith.addi %scan3A_150, %scan3A_151 : i32
    %scan3A_153 = arith.constant 1 : i32
    %scan3A_154 = scf.for %scan3A_200 = %scan3A_150 to %scan3A_152 step %scan3A_153 iter_args(%scan3A_201 = %scan3A_149) -> (i32)  : i32 {
      %mul3A_202 = arith.constant 16 : i32
      %mul3A_203 = arith.muli %scan3A_200, %mul3A_202 : i32
      %get3A = arith.index_cast %mul3A_203 : i32 to index
      %get3A_204 = tpu.vector_load %arg6[%get3A] {strides = array<i32>} : memref<25008xi32, #tpu.memory_space<vmem>>, vector<16xi32>,
      %mul3A_205 = arith.constant 16 : i32
      %mul3A_206 = arith.muli %scan3A_200, %mul3A_205 : i32
      %get3A_207 = arith.index_cast %mul3A_206 : i32 to index
      %get3A_208 = tpu.vector_load %arg7[%get3A_207] {strides = array<i32>} : memref<25008xi32, #tpu.memory_space<vmem>>, vector<16xi32>,
      %mul3A_209 = arith.constant 16 : i32
      %mul3A_210 = arith.muli %scan3A_200, %mul3A_209 : i32
      %add3A_211 = vector.broadcast %mul3A_210 : i32 to vector<16xi32>
      %add3A_212 = arith.addi %add3A_211, %iota3A : vector<16xi32>
      %lt3A = arith.constant 25000 : i32
      %lt3A_213 = vector.broadcast %lt3A : i32 to vector<16xi32>
      %lt3A_214 = arith.cmpi slt, %add3A_212, %lt3A_213 : vector<16xi32>
      %ge3A = arith.constant 37512 : i32
      %ge3A_215 = vector.broadcast %ge3A : i32 to vector<16xi32>
      %ge3A_216 = arith.cmpi sge, %get3A_208, %ge3A_215 : vector<16xi32>
      %and3A_217 = arith.andi %lt3A_214, %ge3A_216 : vector<16xi1>
      %lt3A_218 = arith.constant 50016 : i32
      %lt3A_219 = vector.broadcast %lt3A_218 : i32 to vector<16xi32>
      %lt3A_220 = arith.cmpi slt, %get3A_208, %lt3A_219 : vector<16xi32>
      %and3A_221 = arith.andi %and3A_217, %lt3A_220 : vector<16xi1>
      %convert_element_type3A = arith.extui %and3A_221 : vector<16xi1> to vector<16xi32>
      %cumsum3A = arith.constant true
      %cumsum3A_222 = vector.broadcast %cumsum3A : i1 to vector<16xi1>
      %cumsum3A_223 = tpu.scan <sum>, %convert_element_type3A masked %cumsum3A_222 : vector<16xi32>, vector<16xi1> -> vector<16xi32>
      %add3A_224 = vector.broadcast %scan3A_201 : i32 to vector<16xi32>
      %add3A_225 = arith.addi %add3A_224, %cumsum3A_223 : vector<16xi32>
      %sub3A_226 = arith.constant 1 : i32
      %sub3A_227 = vector.broadcast %sub3A_226 : i32 to vector<16xi32>
      %sub3A_228 = arith.subi %add3A_225, %sub3A_227 : vector<16xi32>
      %shift_right_arithmetic3A = arith.constant 7 : i32
      %shift_right_arithmetic3A_229 = vector.broadcast %shift_right_arithmetic3A : i32 to vector<16xi32>
      %shift_right_arithmetic3A_230 = arith.shrsi %sub3A_228, %shift_right_arithmetic3A_229 : vector<16xi32>
      %shift_left3A = arith.constant 8 : i32
      %shift_left3A_231 = vector.broadcast %shift_left3A : i32 to vector<16xi32>
      %shift_left3A_232 = arith.shli %shift_right_arithmetic3A_230, %shift_left3A_231 : vector<16xi32>
      %and3A_233 = arith.constant 127 : i32
      %and3A_234 = vector.broadcast %and3A_233 : i32 to vector<16xi32>
      %and3A_235 = arith.andi %sub3A_228, %and3A_234 : vector<16xi32>
      %add3A_236 = arith.addi %shift_left3A_232, %and3A_235 : vector<16xi32>
      tpu.vector_store_idx %arg8[%add3A_236], %get3A_204 masked %and3A_221 : memref<51200xi32, #tpu.memory_space<vmem>>[vector<16xi32>], vector<16xi32>, vector<16xi1>
      %add3A_237 = arith.constant 128 : i32
      %add3A_238 = vector.broadcast %add3A_237 : i32 to vector<16xi32>
      %add3A_239 = arith.addi %add3A_236, %add3A_238 : vector<16xi32>
      %sub3A_240 = arith.constant 37512 : i32
      %sub3A_241 = vector.broadcast %sub3A_240 : i32 to vector<16xi32>
      %sub3A_242 = arith.subi %get3A_208, %sub3A_241 : vector<16xi32>
      tpu.vector_store_idx %arg8[%add3A_239], %sub3A_242 masked %and3A_221 : memref<51200xi32, #tpu.memory_space<vmem>>[vector<16xi32>], vector<16xi32>, vector<16xi1>
      %reduce_max3A = arith.constant true
      %reduce_max3A_243 = vector.broadcast %reduce_max3A : i1 to vector<16xi1>
      %reduce_max3A_244 = arith.constant -2147483648 : i32
      %reduce_max3A_245 = vector.broadcast %reduce_max3A_244 : i32 to vector<16xi32>
      %reduce_max3A_246 = arith.xori %cumsum3A_223, %reduce_max3A_245 : vector<16xi32>
      %reduce_max3A_247 = tpu.scan <max>, %reduce_max3A_246 masked %reduce_max3A_243 : vector<16xi32>, vector<16xi1> -> vector<16xi32>
      %reduce_max3A_248 = arith.xori %reduce_max3A_247, %reduce_max3A_245 : vector<16xi32>
      %reduce_max3A_249 = vector.extract %reduce_max3A_248[15] : i32 from vector<16xi32>
      %add3A_250 = arith.addi %scan3A_201, %reduce_max3A_249 : i32
      scf.yield %add3A_250 : i32
    }
    %scan3A_155 = arith.constant 1563 : i32
    %scan3A_156 = arith.constant 0 : i32
    %scan3A_157 = arith.constant 0 : i32
    %scan3A_158 = arith.constant 8 : i32
    %scan3A_159 = arith.addi %scan3A_157, %scan3A_158 : i32
    %scan3A_160 = arith.constant 1 : i32
    scf.for %scan3A_200 = %scan3A_157 to %scan3A_159 step %scan3A_160  : i32 {
      %mul3A_201 = arith.constant 16 : i32
      %mul3A_202 = arith.muli %scan3A_200, %mul3A_201 : i32
      %add3A_203 = arith.addi %scan3A_154, %mul3A_202 : i32
      %add3A_204 = vector.broadcast %add3A_203 : i32 to vector<16xi32>
      %add3A_205 = arith.addi %add3A_204, %iota3A : vector<16xi32>
      %shift_right_arithmetic3A = arith.constant 7 : i32
      %shift_right_arithmetic3A_206 = vector.broadcast %shift_right_arithmetic3A : i32 to vector<16xi32>
      %shift_right_arithmetic3A_207 = arith.shrsi %add3A_205, %shift_right_arithmetic3A_206 : vector<16xi32>
      %shift_left3A = arith.constant 8 : i32
      %shift_left3A_208 = vector.broadcast %shift_left3A : i32 to vector<16xi32>
      %shift_left3A_209 = arith.shli %shift_right_arithmetic3A_207, %shift_left3A_208 : vector<16xi32>
      %and3A_210 = arith.constant 127 : i32
      %and3A_211 = vector.broadcast %and3A_210 : i32 to vector<16xi32>
      %and3A_212 = arith.andi %add3A_205, %and3A_211 : vector<16xi32>
      %add3A_213 = arith.addi %shift_left3A_209, %and3A_212 : vector<16xi32>
      %broadcast_in_dim3A_214 = arith.constant true
      %broadcast_in_dim3A_215 = vector.broadcast %broadcast_in_dim3A_214 : i1 to vector<16xi1>
      tpu.vector_store_idx %arg8[%add3A_213], %broadcast_in_dim3A_3 masked %broadcast_in_dim3A_215 : memref<51200xi32, #tpu.memory_space<vmem>>[vector<16xi32>], vector<16xi32>, vector<16xi1>
      %add3A_216 = arith.constant 128 : i32
      %add3A_217 = vector.broadcast %add3A_216 : i32 to vector<16xi32>
      %add3A_218 = arith.addi %add3A_213, %add3A_217 : vector<16xi32>
      tpu.vector_store_idx %arg8[%add3A_218], %broadcast_in_dim3A_5 masked %broadcast_in_dim3A_215 : memref<51200xi32, #tpu.memory_space<vmem>>[vector<16xi32>], vector<16xi32>, vector<16xi1>
    }
    %scan3A_161 = arith.constant 8 : i32
    %add3A_162 = arith.constant 128 : i32
    %add3A_163 = arith.addi %scan3A_154, %add3A_162 : i32
    %sub3A_164 = arith.constant 1 : i32
    %sub3A_165 = arith.subi %add3A_163, %sub3A_164 : i32
    %jit3A_166 = arith.constant 128 : i32
    %div3A_167 = arith.divsi %sub3A_165, %jit3A_166 : i32
    %sign3A_168 = arith.constant 0 : i32
    %sign3A_169 = arith.cmpi sgt, %sub3A_165, %sign3A_168 : i32
    %sign3A_170 = arith.extui %sign3A_169 : i1 to i32
    %sign3A_171 = arith.constant 0 : i32
    %sign3A_172 = arith.cmpi slt, %sub3A_165, %sign3A_171 : i32
    %sign3A_173 = arith.extui %sign3A_172 : i1 to i32
    %sign3A_174 = arith.subi %sign3A_170, %sign3A_173 : i32
    %sign3A_175 = arith.constant 0 : i32
    %sign3A_176 = arith.cmpi sgt, %jit3A_166, %sign3A_175 : i32
    %sign3A_177 = arith.extui %sign3A_176 : i1 to i32
    %sign3A_178 = arith.constant 0 : i32
    %sign3A_179 = arith.cmpi slt, %jit3A_166, %sign3A_178 : i32
    %sign3A_180 = arith.extui %sign3A_179 : i1 to i32
    %sign3A_181 = arith.subi %sign3A_177, %sign3A_180 : i32
    %ne3A_182 = arith.cmpi ne, %sign3A_174, %sign3A_181 : i32
    %rem3A_183 = arith.remsi %sub3A_165, %jit3A_166 : i32
    %ne3A_184 = arith.constant 0 : i32
    %ne3A_185 = arith.cmpi ne, %rem3A_183, %ne3A_184 : i32
    %and3A_186 = arith.andi %ne3A_182, %ne3A_185 : i1
    %sub3A_187 = arith.constant 1 : i32
    %sub3A_188 = arith.subi %div3A_167, %sub3A_187 : i32
    %select_n3A_189 = arith.select %and3A_186, %sub3A_188, %div3A_167 : i32
    %scan3A_190 = arith.constant 0 : i32
    %scan3A_191 = arith.constant 0 : i32
    %scan3A_192 = arith.constant 8 : i32
    %scan3A_193 = arith.addi %scan3A_191, %scan3A_192 : i32
    %scan3A_194 = arith.constant 1 : i32
    scf.for %scan3A_200 = %scan3A_191 to %scan3A_193 step %scan3A_194  : i32 {
      %broadcast_in_dim3A_201 = vector.broadcast %select_n3A_189 : i32 to vector<16xi32>
      %mul3A_202 = arith.constant 16 : i32
      %mul3A_203 = arith.muli %scan3A_200, %mul3A_202 : i32
      %swap3A = arith.index_cast %mul3A_203 : i32 to index
      %swap3A_204 = tpu.vector_load %arg9[%swap3A] {strides = array<i32>} : memref<128xi32, #tpu.memory_space<vmem>>, vector<16xi32>,
      tpu.vector_store %arg9[%swap3A], %broadcast_in_dim3A_201 {strides = array<i32>} : memref<128xi32, #tpu.memory_space<vmem>>, vector<16xi32>,
    }
    %scan3A_195 = arith.constant 8 : i32
    %run_scoped3A_196 = arith.constant 3 : i32
    %run_scoped3A_197 = arith.constant 0 : i32
    "tpu.region"() ({
      %run_scoped3A_200 = tpu.sem_alloc : memref<!tpu.dma_semaphore, #tpu.memory_space<semaphore_mem>>
      %dma_start3A = arith.constant 0 : i32
      %dma_start3A_201 = tpu.memref_slice %arg4[%run_scoped3A_196, %add3A, %run_scoped3A_197, %dma_start3A] : memref<4x32x1x51200xi32, #tpu.memory_space<hbm>> -> memref<1x1x1x51200xi32, #tpu.memory_space<hbm>>
      %dma_start3A_202 = tpu.memref_squeeze %dma_start3A_201 : memref<1x1x1x51200xi32, #tpu.memory_space<hbm>> -> memref<51200xi32, #tpu.memory_space<hbm>>
      %dma_start3A_203 = arith.constant 0 : i32
      %dma_start3A_204 = tpu.memref_slice %arg4[%run_scoped3A_196, %add3A, %run_scoped3A_197, %dma_start3A_203] : memref<4x32x1x51200xi32, #tpu.memory_space<hbm>> -> memref<1x1x1x51200xi32, #tpu.memory_space<hbm>>
      %dma_start3A_205 = tpu.memref_squeeze %dma_start3A_204 : memref<1x1x1x51200xi32, #tpu.memory_space<hbm>> -> memref<51200xi32, #tpu.memory_space<hbm>>
      tpu.enqueue_dma source(%arg8 : memref<51200xi32, #tpu.memory_space<vmem>>) target(%dma_start3A_205 : memref<51200xi32, #tpu.memory_space<hbm>>) target_semaphore(%run_scoped3A_200 : memref<!tpu.dma_semaphore, #tpu.memory_space<semaphore_mem>>)
      %dma_wait3A = arith.constant 0 : i32
      %dma_wait3A_206 = tpu.memref_slice %arg4[%run_scoped3A_196, %add3A, %run_scoped3A_197, %dma_wait3A] : memref<4x32x1x51200xi32, #tpu.memory_space<hbm>> -> memref<1x1x1x51200xi32, #tpu.memory_space<hbm>>
      %dma_wait3A_207 = tpu.memref_squeeze %dma_wait3A_206 : memref<1x1x1x51200xi32, #tpu.memory_space<hbm>> -> memref<51200xi32, #tpu.memory_space<hbm>>
      %dma_wait3A_208 = arith.constant 0 : i32
      %dma_wait3A_209 = tpu.memref_slice %arg4[%run_scoped3A_196, %add3A, %run_scoped3A_197, %dma_wait3A_208] : memref<4x32x1x51200xi32, #tpu.memory_space<hbm>> -> memref<1x1x1x51200xi32, #tpu.memory_space<hbm>>
      %dma_wait3A_210 = tpu.memref_squeeze %dma_wait3A_209 : memref<1x1x1x51200xi32, #tpu.memory_space<hbm>> -> memref<51200xi32, #tpu.memory_space<hbm>>
      tpu.wait_dma2 semaphore(%run_scoped3A_200 : memref<!tpu.dma_semaphore, #tpu.memory_space<semaphore_mem>>) src(%arg8 : memref<51200xi32, #tpu.memory_space<vmem>>) dst(%dma_wait3A_210 : memref<51200xi32, #tpu.memory_space<hbm>>)
      tpu.yield
    }) : () -> ()
    %run_scoped3A_198 = arith.constant 3 : i32
    %run_scoped3A_199 = arith.constant 0 : i32
    "tpu.region"() ({
      %run_scoped3A_200 = tpu.sem_alloc : memref<!tpu.dma_semaphore, #tpu.memory_space<semaphore_mem>>
      %dma_start3A = arith.constant 0 : i32
      %dma_start3A_201 = tpu.memref_slice %arg5[%run_scoped3A_198, %add3A, %run_scoped3A_199, %dma_start3A] : memref<4x32x1x128xi32, #tpu.memory_space<hbm>> -> memref<1x1x1x128xi32, #tpu.memory_space<hbm>>
      %dma_start3A_202 = tpu.memref_squeeze %dma_start3A_201 : memref<1x1x1x128xi32, #tpu.memory_space<hbm>> -> memref<128xi32, #tpu.memory_space<hbm>>
      %dma_start3A_203 = arith.constant 0 : i32
      %dma_start3A_204 = tpu.memref_slice %arg5[%run_scoped3A_198, %add3A, %run_scoped3A_199, %dma_start3A_203] : memref<4x32x1x128xi32, #tpu.memory_space<hbm>> -> memref<1x1x1x128xi32, #tpu.memory_space<hbm>>
      %dma_start3A_205 = tpu.memref_squeeze %dma_start3A_204 : memref<1x1x1x128xi32, #tpu.memory_space<hbm>> -> memref<128xi32, #tpu.memory_space<hbm>>
      tpu.enqueue_dma source(%arg9 : memref<128xi32, #tpu.memory_space<vmem>>) target(%dma_start3A_205 : memref<128xi32, #tpu.memory_space<hbm>>) target_semaphore(%run_scoped3A_200 : memref<!tpu.dma_semaphore, #tpu.memory_space<semaphore_mem>>)
      %dma_wait3A = arith.constant 0 : i32
      %dma_wait3A_206 = tpu.memref_slice %arg5[%run_scoped3A_198, %add3A, %run_scoped3A_199, %dma_wait3A] : memref<4x32x1x128xi32, #tpu.memory_space<hbm>> -> memref<1x1x1x128xi32, #tpu.memory_space<hbm>>
      %dma_wait3A_207 = tpu.memref_squeeze %dma_wait3A_206 : memref<1x1x1x128xi32, #tpu.memory_space<hbm>> -> memref<128xi32, #tpu.memory_space<hbm>>
      %dma_wait3A_208 = arith.constant 0 : i32
      %dma_wait3A_209 = tpu.memref_slice %arg5[%run_scoped3A_198, %add3A, %run_scoped3A_199, %dma_wait3A_208] : memref<4x32x1x128xi32, #tpu.memory_space<hbm>> -> memref<1x1x1x128xi32, #tpu.memory_space<hbm>>
      %dma_wait3A_210 = tpu.memref_squeeze %dma_wait3A_209 : memref<1x1x1x128xi32, #tpu.memory_space<hbm>> -> memref<128xi32, #tpu.memory_space<hbm>>
      tpu.wait_dma2 semaphore(%run_scoped3A_200 : memref<!tpu.dma_semaphore, #tpu.memory_space<semaphore_mem>>) src(%arg9 : memref<128xi32, #tpu.memory_space<vmem>>) dst(%dma_wait3A_210 : memref<128xi32, #tpu.memory_space<hbm>>)
      tpu.yield
    }) : () -> ()
    return
  }
}

#map = affine_map<(d0, d1) -> (0, 0)>
#map1 = affine_map<(d0, d1) -> (0, 0, 0, 0, 0)>
#map2 = affine_map<(d0, d1) -> (0, 0, 0, 0)>
module attributes {stable_mosaic.version = 14 : i64} {
  func.func @_agg_kernel(%arg0: i32, %arg1: i32, %arg2: memref<50000x128xf32, #tpu.memory_space<hbm>>, %arg3: memref<4x32x200x2x128xi32, #tpu.memory_space<hbm>>, %arg4: memref<4x32x1x128xi32, #tpu.memory_space<hbm>>, %arg5: memref<784x128xf32, #tpu.memory_space<hbm>>, %arg6: memref<50000x128xf32, #tpu.memory_space<hbm>>, %arg7: memref<12544x128xf32, #tpu.memory_space<vmem_shared>>, %arg8: memref<2x128xi32, #tpu.memory_space<vmem>>, %arg9: memref<128xi32, #tpu.memory_space<vmem>>, %arg10: memref<128x128xf32, #tpu.memory_space<vmem>>) attributes {dimension_semantics = [#tpu.dimension_semantics<core_parallel>, #tpu.dimension_semantics<subcore_parallel>], iteration_bounds = array<i64: 2, 16>, scalar_prefetch = 0 : i64, scratch_operands = 4 : i64, tpu.core_type = #tpu.core_type<sc_vector_subcore>, window_params = [{transform_indices = #map}, {transform_indices = #map1}, {transform_indices = #map2}, {transform_indices = #map}, {transform_indices = #map}]} {
    %mul3A = arith.constant 2 : i32
    %mul3A_0 = arith.muli %arg0, %mul3A : i32
    %add3A = arith.constant 0 : i32
    %add3A_1 = arith.addi %mul3A_0, %add3A : i32
    %mul3A_2 = arith.constant 784 : i32
    %mul3A_3 = arith.muli %arg1, %mul3A_2 : i32
    "tpu.region"() ({
      %run_scoped3A_158 = tpu.sem_alloc : memref<!tpu.dma_semaphore, #tpu.memory_space<semaphore_mem>>
      %dma_start3A = arith.constant 0 : i32
      %dma_start3A_159 = tpu.memref_slice %arg7[%mul3A_3, %dma_start3A] : memref<12544x128xf32, #tpu.memory_space<vmem_shared>> -> memref<784x128xf32, #tpu.memory_space<vmem_shared>>
      tpu.enqueue_dma source(%arg5 : memref<784x128xf32, #tpu.memory_space<hbm>>) target(%dma_start3A_159 : memref<784x128xf32, #tpu.memory_space<vmem_shared>>) target_semaphore(%run_scoped3A_158 : memref<!tpu.dma_semaphore, #tpu.memory_space<semaphore_mem>>)
      %dma_wait3A = arith.constant 0 : i32
      %dma_wait3A_160 = tpu.memref_slice %arg7[%mul3A_3, %dma_wait3A] : memref<12544x128xf32, #tpu.memory_space<vmem_shared>> -> memref<784x128xf32, #tpu.memory_space<vmem_shared>>
      tpu.wait_dma2 semaphore(%run_scoped3A_158 : memref<!tpu.dma_semaphore, #tpu.memory_space<semaphore_mem>>) src(%arg5 : memref<784x128xf32, #tpu.memory_space<hbm>>) dst(%dma_wait3A_160 : memref<784x128xf32, #tpu.memory_space<vmem_shared>>)
      tpu.yield
    }) : () -> ()
    %barrier3A = arith.constant 0 : index
    tpu.barrier barrier_id(%barrier3A)
    %mul3A_4 = arith.constant 2 : i32
    %mul3A_5 = arith.muli %arg1, %mul3A_4 : i32
    %add3A_6 = arith.constant 0 : i32
    %add3A_7 = arith.addi %mul3A_5, %add3A_6 : i32
    %run_scoped3A = arith.constant 0 : i32
    "tpu.region"() ({
      %run_scoped3A_158 = tpu.sem_alloc : memref<!tpu.dma_semaphore, #tpu.memory_space<semaphore_mem>>
      %dma_start3A = arith.constant 0 : i32
      %dma_start3A_159 = tpu.memref_slice %arg4[%add3A_1, %add3A_7, %run_scoped3A, %dma_start3A] : memref<4x32x1x128xi32, #tpu.memory_space<hbm>> -> memref<1x1x1x128xi32, #tpu.memory_space<hbm>>
      %dma_start3A_160 = tpu.memref_squeeze %dma_start3A_159 : memref<1x1x1x128xi32, #tpu.memory_space<hbm>> -> memref<128xi32, #tpu.memory_space<hbm>>
      %dma_start3A_161 = arith.constant 0 : i32
      %dma_start3A_162 = tpu.memref_slice %arg4[%add3A_1, %add3A_7, %run_scoped3A, %dma_start3A_161] : memref<4x32x1x128xi32, #tpu.memory_space<hbm>> -> memref<1x1x1x128xi32, #tpu.memory_space<hbm>>
      %dma_start3A_163 = tpu.memref_squeeze %dma_start3A_162 : memref<1x1x1x128xi32, #tpu.memory_space<hbm>> -> memref<128xi32, #tpu.memory_space<hbm>>
      tpu.enqueue_dma source(%dma_start3A_163 : memref<128xi32, #tpu.memory_space<hbm>>) target(%arg9 : memref<128xi32, #tpu.memory_space<vmem>>) target_semaphore(%run_scoped3A_158 : memref<!tpu.dma_semaphore, #tpu.memory_space<semaphore_mem>>)
      %dma_wait3A = arith.constant 0 : i32
      %dma_wait3A_164 = tpu.memref_slice %arg4[%add3A_1, %add3A_7, %run_scoped3A, %dma_wait3A] : memref<4x32x1x128xi32, #tpu.memory_space<hbm>> -> memref<1x1x1x128xi32, #tpu.memory_space<hbm>>
      %dma_wait3A_165 = tpu.memref_squeeze %dma_wait3A_164 : memref<1x1x1x128xi32, #tpu.memory_space<hbm>> -> memref<128xi32, #tpu.memory_space<hbm>>
      %dma_wait3A_166 = arith.constant 0 : i32
      %dma_wait3A_167 = tpu.memref_slice %arg4[%add3A_1, %add3A_7, %run_scoped3A, %dma_wait3A_166] : memref<4x32x1x128xi32, #tpu.memory_space<hbm>> -> memref<1x1x1x128xi32, #tpu.memory_space<hbm>>
      %dma_wait3A_168 = tpu.memref_squeeze %dma_wait3A_167 : memref<1x1x1x128xi32, #tpu.memory_space<hbm>> -> memref<128xi32, #tpu.memory_space<hbm>>
      tpu.wait_dma2 semaphore(%run_scoped3A_158 : memref<!tpu.dma_semaphore, #tpu.memory_space<semaphore_mem>>) src(%dma_wait3A_168 : memref<128xi32, #tpu.memory_space<hbm>>) dst(%arg9 : memref<128xi32, #tpu.memory_space<vmem>>)
      tpu.yield
    }) : () -> ()
    %get3A = arith.constant 0 : index
    %get3A_8 = tpu.vector_load %arg9[%get3A] {strides = array<i32>} : memref<128xi32, #tpu.memory_space<vmem>>, vector<16xi32>,
    %reduce_max3A = arith.constant true
    %reduce_max3A_9 = vector.broadcast %reduce_max3A : i1 to vector<16xi1>
    %reduce_max3A_10 = arith.constant -2147483648 : i32
    %reduce_max3A_11 = vector.broadcast %reduce_max3A_10 : i32 to vector<16xi32>
    %reduce_max3A_12 = arith.xori %get3A_8, %reduce_max3A_11 : vector<16xi32>
    %reduce_max3A_13 = tpu.scan <max>, %reduce_max3A_12 masked %reduce_max3A_9 : vector<16xi32>, vector<16xi1> -> vector<16xi32>
    %reduce_max3A_14 = arith.xori %reduce_max3A_13, %reduce_max3A_11 : vector<16xi32>
    %reduce_max3A_15 = vector.extract %reduce_max3A_14[15] : i32 from vector<16xi32>
    %while3A = arith.constant 0 : i32
    %while3A_16 = arith.constant 0 : i32
    %while3A_17 = arith.subi %reduce_max3A_15, %while3A_16 : i32
    %while3A_18 = arith.addi %while3A_16, %while3A_17 : i32
    %while3A_19 = arith.constant 1 : i32
    %while3A_20 = arith.divsi %while3A_17, %while3A_19 : i32
    %while3A_21 = arith.muli %while3A_20, %while3A_19 : i32
    %while3A_22 = arith.addi %while3A_16, %while3A_21 : i32
    %while3A_23 = arith.constant 1 : i32
    scf.for %while3A_158 = %while3A_16 to %while3A_22 step %while3A_23  : i32 {
      "tpu.region"() ({
        %run_scoped3A_161 = tpu.sem_alloc : memref<!tpu.dma_semaphore, #tpu.memory_space<semaphore_mem>>
        %dma_start3A = arith.constant 0 : i32
        %dma_start3A_162 = arith.constant 0 : i32
        %dma_start3A_163 = tpu.memref_slice %arg3[%add3A_1, %add3A_7, %while3A_158, %dma_start3A, %dma_start3A_162] : memref<4x32x200x2x128xi32, #tpu.memory_space<hbm>> -> memref<1x1x1x2x128xi32, #tpu.memory_space<hbm>>
        %dma_start3A_164 = tpu.memref_squeeze %dma_start3A_163 : memref<1x1x1x2x128xi32, #tpu.memory_space<hbm>> -> memref<2x128xi32, #tpu.memory_space<hbm>>
        %dma_start3A_165 = arith.constant 0 : i32
        %dma_start3A_166 = arith.constant 0 : i32
        %dma_start3A_167 = tpu.memref_slice %arg3[%add3A_1, %add3A_7, %while3A_158, %dma_start3A_165, %dma_start3A_166] : memref<4x32x200x2x128xi32, #tpu.memory_space<hbm>> -> memref<1x1x1x2x128xi32, #tpu.memory_space<hbm>>
        %dma_start3A_168 = tpu.memref_squeeze %dma_start3A_167 : memref<1x1x1x2x128xi32, #tpu.memory_space<hbm>> -> memref<2x128xi32, #tpu.memory_space<hbm>>
        tpu.enqueue_dma source(%dma_start3A_168 : memref<2x128xi32, #tpu.memory_space<hbm>>) target(%arg8 : memref<2x128xi32, #tpu.memory_space<vmem>>) target_semaphore(%run_scoped3A_161 : memref<!tpu.dma_semaphore, #tpu.memory_space<semaphore_mem>>)
        %dma_wait3A = arith.constant 0 : i32
        %dma_wait3A_169 = arith.constant 0 : i32
        %dma_wait3A_170 = tpu.memref_slice %arg3[%add3A_1, %add3A_7, %while3A_158, %dma_wait3A, %dma_wait3A_169] : memref<4x32x200x2x128xi32, #tpu.memory_space<hbm>> -> memref<1x1x1x2x128xi32, #tpu.memory_space<hbm>>
        %dma_wait3A_171 = tpu.memref_squeeze %dma_wait3A_170 : memref<1x1x1x2x128xi32, #tpu.memory_space<hbm>> -> memref<2x128xi32, #tpu.memory_space<hbm>>
        %dma_wait3A_172 = arith.constant 0 : i32
        %dma_wait3A_173 = arith.constant 0 : i32
        %dma_wait3A_174 = tpu.memref_slice %arg3[%add3A_1, %add3A_7, %while3A_158, %dma_wait3A_172, %dma_wait3A_173] : memref<4x32x200x2x128xi32, #tpu.memory_space<hbm>> -> memref<1x1x1x2x128xi32, #tpu.memory_space<hbm>>
        %dma_wait3A_175 = tpu.memref_squeeze %dma_wait3A_174 : memref<1x1x1x2x128xi32, #tpu.memory_space<hbm>> -> memref<2x128xi32, #tpu.memory_space<hbm>>
        tpu.wait_dma2 semaphore(%run_scoped3A_161 : memref<!tpu.dma_semaphore, #tpu.memory_space<semaphore_mem>>) src(%dma_wait3A_175 : memref<2x128xi32, #tpu.memory_space<hbm>>) dst(%arg8 : memref<2x128xi32, #tpu.memory_space<vmem>>)
        tpu.yield
      }) : () -> ()
      %run_scoped3A_159 = arith.constant 0 : i32
      "tpu.region"() ({
        %run_scoped3A_161 = tpu.sem_alloc : memref<!tpu.dma_semaphore, #tpu.memory_space<semaphore_mem>>
        %dma_start3A = arith.constant 0 : i32
        %dma_start3A_162 = tpu.memref_slice %arg8[%run_scoped3A_159, %dma_start3A] : memref<2x128xi32, #tpu.memory_space<vmem>> -> memref<1x128xi32, #tpu.memory_space<vmem>>
        %dma_start3A_163 = tpu.memref_squeeze %dma_start3A_162 : memref<1x128xi32, #tpu.memory_space<vmem>> -> memref<128xi32, #tpu.memory_space<vmem>>
        %dma_start3A_164 = arith.constant 0 : i32
        %dma_start3A_165 = arith.constant 0 : i32
        %dma_start3A_166 = tpu.memref_slice %arg2[%dma_start3A_164, %dma_start3A_165] : memref<50000x128xf32, #tpu.memory_space<hbm>> -> memref<50000x128xf32, #tpu.memory_space<hbm>>
        tpu.enqueue_indirect_dma source(%dma_start3A_166 : memref<50000x128xf32, #tpu.memory_space<hbm>>) target(%arg10 : memref<128x128xf32, #tpu.memory_space<vmem>>) offsets(%dma_start3A_163 : memref<128xi32, #tpu.memory_space<vmem>>) semaphore(%run_scoped3A_161 : memref<!tpu.dma_semaphore, #tpu.memory_space<semaphore_mem>>)
        %dma_wait3A = arith.constant 0 : i32
        %dma_wait3A_167 = tpu.memref_slice %arg8[%run_scoped3A_159, %dma_wait3A] : memref<2x128xi32, #tpu.memory_space<vmem>> -> memref<1x128xi32, #tpu.memory_space<vmem>>
        %dma_wait3A_168 = tpu.memref_squeeze %dma_wait3A_167 : memref<1x128xi32, #tpu.memory_space<vmem>> -> memref<128xi32, #tpu.memory_space<vmem>>
        %dma_wait3A_169 = arith.constant 0 : i32
        %dma_wait3A_170 = arith.constant 0 : i32
        %dma_wait3A_171 = tpu.memref_slice %arg2[%dma_wait3A_169, %dma_wait3A_170] : memref<50000x128xf32, #tpu.memory_space<hbm>> -> memref<50000x128xf32, #tpu.memory_space<hbm>>
        tpu.wait_indirect_dma semaphore(%run_scoped3A_161 : memref<!tpu.dma_semaphore, #tpu.memory_space<semaphore_mem>>) src(%dma_wait3A_171 : memref<50000x128xf32, #tpu.memory_space<hbm>>) dst(%arg10 : memref<128x128xf32, #tpu.memory_space<vmem>>)
        tpu.yield
      }) : () -> ()
      %run_scoped3A_160 = arith.constant 1 : i32
      "tpu.region"() ({
        %run_scoped3A_161 = tpu.sem_alloc : memref<!tpu.dma_semaphore, #tpu.memory_space<semaphore_mem>>
        %dma_start3A = arith.constant 0 : i32
        %dma_start3A_162 = tpu.memref_slice %arg8[%run_scoped3A_160, %dma_start3A] : memref<2x128xi32, #tpu.memory_space<vmem>> -> memref<1x128xi32, #tpu.memory_space<vmem>>
        %dma_start3A_163 = tpu.memref_squeeze %dma_start3A_162 : memref<1x128xi32, #tpu.memory_space<vmem>> -> memref<128xi32, #tpu.memory_space<vmem>>
        %dma_start3A_164 = arith.constant 0 : i32
        %dma_start3A_165 = arith.constant 0 : i32
        %dma_start3A_166 = tpu.memref_slice %arg7[%dma_start3A_164, %dma_start3A_165] : memref<12544x128xf32, #tpu.memory_space<vmem_shared>> -> memref<12544x128xf32, #tpu.memory_space<vmem_shared>>
        tpu.enqueue_indirect_dma source(%arg10 : memref<128x128xf32, #tpu.memory_space<vmem>>) target(%dma_start3A_166 : memref<12544x128xf32, #tpu.memory_space<vmem_shared>>) offsets(%dma_start3A_163 : memref<128xi32, #tpu.memory_space<vmem>>) semaphore(%run_scoped3A_161 : memref<!tpu.dma_semaphore, #tpu.memory_space<semaphore_mem>>) {add = true}
        %dma_wait3A = arith.constant 0 : i32
        %dma_wait3A_167 = tpu.memref_slice %arg8[%run_scoped3A_160, %dma_wait3A] : memref<2x128xi32, #tpu.memory_space<vmem>> -> memref<1x128xi32, #tpu.memory_space<vmem>>
        %dma_wait3A_168 = tpu.memref_squeeze %dma_wait3A_167 : memref<1x128xi32, #tpu.memory_space<vmem>> -> memref<128xi32, #tpu.memory_space<vmem>>
        %dma_wait3A_169 = arith.constant 0 : i32
        %dma_wait3A_170 = arith.constant 0 : i32
        %dma_wait3A_171 = tpu.memref_slice %arg7[%dma_wait3A_169, %dma_wait3A_170] : memref<12544x128xf32, #tpu.memory_space<vmem_shared>> -> memref<12544x128xf32, #tpu.memory_space<vmem_shared>>
        tpu.wait_indirect_dma semaphore(%run_scoped3A_161 : memref<!tpu.dma_semaphore, #tpu.memory_space<semaphore_mem>>) src(%arg10 : memref<128x128xf32, #tpu.memory_space<vmem>>) dst(%dma_wait3A_171 : memref<12544x128xf32, #tpu.memory_space<vmem_shared>>)
        tpu.yield
      }) : () -> ()
    }
    %while3A_24 = arith.constant 1 : i32
    scf.for %while3A_158 = %while3A_22 to %while3A_18 step %while3A_24  : i32 {
      "tpu.region"() ({
        %run_scoped3A_161 = tpu.sem_alloc : memref<!tpu.dma_semaphore, #tpu.memory_space<semaphore_mem>>
        %dma_start3A = arith.constant 0 : i32
        %dma_start3A_162 = arith.constant 0 : i32
        %dma_start3A_163 = tpu.memref_slice %arg3[%add3A_1, %add3A_7, %while3A_158, %dma_start3A, %dma_start3A_162] : memref<4x32x200x2x128xi32, #tpu.memory_space<hbm>> -> memref<1x1x1x2x128xi32, #tpu.memory_space<hbm>>
        %dma_start3A_164 = tpu.memref_squeeze %dma_start3A_163 : memref<1x1x1x2x128xi32, #tpu.memory_space<hbm>> -> memref<2x128xi32, #tpu.memory_space<hbm>>
        %dma_start3A_165 = arith.constant 0 : i32
        %dma_start3A_166 = arith.constant 0 : i32
        %dma_start3A_167 = tpu.memref_slice %arg3[%add3A_1, %add3A_7, %while3A_158, %dma_start3A_165, %dma_start3A_166] : memref<4x32x200x2x128xi32, #tpu.memory_space<hbm>> -> memref<1x1x1x2x128xi32, #tpu.memory_space<hbm>>
        %dma_start3A_168 = tpu.memref_squeeze %dma_start3A_167 : memref<1x1x1x2x128xi32, #tpu.memory_space<hbm>> -> memref<2x128xi32, #tpu.memory_space<hbm>>
        tpu.enqueue_dma source(%dma_start3A_168 : memref<2x128xi32, #tpu.memory_space<hbm>>) target(%arg8 : memref<2x128xi32, #tpu.memory_space<vmem>>) target_semaphore(%run_scoped3A_161 : memref<!tpu.dma_semaphore, #tpu.memory_space<semaphore_mem>>)
        %dma_wait3A = arith.constant 0 : i32
        %dma_wait3A_169 = arith.constant 0 : i32
        %dma_wait3A_170 = tpu.memref_slice %arg3[%add3A_1, %add3A_7, %while3A_158, %dma_wait3A, %dma_wait3A_169] : memref<4x32x200x2x128xi32, #tpu.memory_space<hbm>> -> memref<1x1x1x2x128xi32, #tpu.memory_space<hbm>>
        %dma_wait3A_171 = tpu.memref_squeeze %dma_wait3A_170 : memref<1x1x1x2x128xi32, #tpu.memory_space<hbm>> -> memref<2x128xi32, #tpu.memory_space<hbm>>
        %dma_wait3A_172 = arith.constant 0 : i32
        %dma_wait3A_173 = arith.constant 0 : i32
        %dma_wait3A_174 = tpu.memref_slice %arg3[%add3A_1, %add3A_7, %while3A_158, %dma_wait3A_172, %dma_wait3A_173] : memref<4x32x200x2x128xi32, #tpu.memory_space<hbm>> -> memref<1x1x1x2x128xi32, #tpu.memory_space<hbm>>
        %dma_wait3A_175 = tpu.memref_squeeze %dma_wait3A_174 : memref<1x1x1x2x128xi32, #tpu.memory_space<hbm>> -> memref<2x128xi32, #tpu.memory_space<hbm>>
        tpu.wait_dma2 semaphore(%run_scoped3A_161 : memref<!tpu.dma_semaphore, #tpu.memory_space<semaphore_mem>>) src(%dma_wait3A_175 : memref<2x128xi32, #tpu.memory_space<hbm>>) dst(%arg8 : memref<2x128xi32, #tpu.memory_space<vmem>>)
        tpu.yield
      }) : () -> ()
      %run_scoped3A_159 = arith.constant 0 : i32
      "tpu.region"() ({
        %run_scoped3A_161 = tpu.sem_alloc : memref<!tpu.dma_semaphore, #tpu.memory_space<semaphore_mem>>
        %dma_start3A = arith.constant 0 : i32
        %dma_start3A_162 = tpu.memref_slice %arg8[%run_scoped3A_159, %dma_start3A] : memref<2x128xi32, #tpu.memory_space<vmem>> -> memref<1x128xi32, #tpu.memory_space<vmem>>
        %dma_start3A_163 = tpu.memref_squeeze %dma_start3A_162 : memref<1x128xi32, #tpu.memory_space<vmem>> -> memref<128xi32, #tpu.memory_space<vmem>>
        %dma_start3A_164 = arith.constant 0 : i32
        %dma_start3A_165 = arith.constant 0 : i32
        %dma_start3A_166 = tpu.memref_slice %arg2[%dma_start3A_164, %dma_start3A_165] : memref<50000x128xf32, #tpu.memory_space<hbm>> -> memref<50000x128xf32, #tpu.memory_space<hbm>>
        tpu.enqueue_indirect_dma source(%dma_start3A_166 : memref<50000x128xf32, #tpu.memory_space<hbm>>) target(%arg10 : memref<128x128xf32, #tpu.memory_space<vmem>>) offsets(%dma_start3A_163 : memref<128xi32, #tpu.memory_space<vmem>>) semaphore(%run_scoped3A_161 : memref<!tpu.dma_semaphore, #tpu.memory_space<semaphore_mem>>)
        %dma_wait3A = arith.constant 0 : i32
        %dma_wait3A_167 = tpu.memref_slice %arg8[%run_scoped3A_159, %dma_wait3A] : memref<2x128xi32, #tpu.memory_space<vmem>> -> memref<1x128xi32, #tpu.memory_space<vmem>>
        %dma_wait3A_168 = tpu.memref_squeeze %dma_wait3A_167 : memref<1x128xi32, #tpu.memory_space<vmem>> -> memref<128xi32, #tpu.memory_space<vmem>>
        %dma_wait3A_169 = arith.constant 0 : i32
        %dma_wait3A_170 = arith.constant 0 : i32
        %dma_wait3A_171 = tpu.memref_slice %arg2[%dma_wait3A_169, %dma_wait3A_170] : memref<50000x128xf32, #tpu.memory_space<hbm>> -> memref<50000x128xf32, #tpu.memory_space<hbm>>
        tpu.wait_indirect_dma semaphore(%run_scoped3A_161 : memref<!tpu.dma_semaphore, #tpu.memory_space<semaphore_mem>>) src(%dma_wait3A_171 : memref<50000x128xf32, #tpu.memory_space<hbm>>) dst(%arg10 : memref<128x128xf32, #tpu.memory_space<vmem>>)
        tpu.yield
      }) : () -> ()
      %run_scoped3A_160 = arith.constant 1 : i32
      "tpu.region"() ({
        %run_scoped3A_161 = tpu.sem_alloc : memref<!tpu.dma_semaphore, #tpu.memory_space<semaphore_mem>>
        %dma_start3A = arith.constant 0 : i32
        %dma_start3A_162 = tpu.memref_slice %arg8[%run_scoped3A_160, %dma_start3A] : memref<2x128xi32, #tpu.memory_space<vmem>> -> memref<1x128xi32, #tpu.memory_space<vmem>>
        %dma_start3A_163 = tpu.memref_squeeze %dma_start3A_162 : memref<1x128xi32, #tpu.memory_space<vmem>> -> memref<128xi32, #tpu.memory_space<vmem>>
        %dma_start3A_164 = arith.constant 0 : i32
        %dma_start3A_165 = arith.constant 0 : i32
        %dma_start3A_166 = tpu.memref_slice %arg7[%dma_start3A_164, %dma_start3A_165] : memref<12544x128xf32, #tpu.memory_space<vmem_shared>> -> memref<12544x128xf32, #tpu.memory_space<vmem_shared>>
        tpu.enqueue_indirect_dma source(%arg10 : memref<128x128xf32, #tpu.memory_space<vmem>>) target(%dma_start3A_166 : memref<12544x128xf32, #tpu.memory_space<vmem_shared>>) offsets(%dma_start3A_163 : memref<128xi32, #tpu.memory_space<vmem>>) semaphore(%run_scoped3A_161 : memref<!tpu.dma_semaphore, #tpu.memory_space<semaphore_mem>>) {add = true}
        %dma_wait3A = arith.constant 0 : i32
        %dma_wait3A_167 = tpu.memref_slice %arg8[%run_scoped3A_160, %dma_wait3A] : memref<2x128xi32, #tpu.memory_space<vmem>> -> memref<1x128xi32, #tpu.memory_space<vmem>>
        %dma_wait3A_168 = tpu.memref_squeeze %dma_wait3A_167 : memref<1x128xi32, #tpu.memory_space<vmem>> -> memref<128xi32, #tpu.memory_space<vmem>>
        %dma_wait3A_169 = arith.constant 0 : i32
        %dma_wait3A_170 = arith.constant 0 : i32
        %dma_wait3A_171 = tpu.memref_slice %arg7[%dma_wait3A_169, %dma_wait3A_170] : memref<12544x128xf32, #tpu.memory_space<vmem_shared>> -> memref<12544x128xf32, #tpu.memory_space<vmem_shared>>
        tpu.wait_indirect_dma semaphore(%run_scoped3A_161 : memref<!tpu.dma_semaphore, #tpu.memory_space<semaphore_mem>>) src(%arg10 : memref<128x128xf32, #tpu.memory_space<vmem>>) dst(%dma_wait3A_171 : memref<12544x128xf32, #tpu.memory_space<vmem_shared>>)
        tpu.yield
      }) : () -> ()
    }
    %mul3A_25 = arith.constant 2 : i32
    %mul3A_26 = arith.muli %arg1, %mul3A_25 : i32
    %add3A_27 = arith.constant 1 : i32
    %add3A_28 = arith.addi %mul3A_26, %add3A_27 : i32
    %run_scoped3A_29 = arith.constant 0 : i32
    "tpu.region"() ({
      %run_scoped3A_158 = tpu.sem_alloc : memref<!tpu.dma_semaphore, #tpu.memory_space<semaphore_mem>>
      %dma_start3A = arith.constant 0 : i32
      %dma_start3A_159 = tpu.memref_slice %arg4[%add3A_1, %add3A_28, %run_scoped3A_29, %dma_start3A] : memref<4x32x1x128xi32, #tpu.memory_space<hbm>> -> memref<1x1x1x128xi32, #tpu.memory_space<hbm>>
      %dma_start3A_160 = tpu.memref_squeeze %dma_start3A_159 : memref<1x1x1x128xi32, #tpu.memory_space<hbm>> -> memref<128xi32, #tpu.memory_space<hbm>>
      %dma_start3A_161 = arith.constant 0 : i32
      %dma_start3A_162 = tpu.memref_slice %arg4[%add3A_1, %add3A_28, %run_scoped3A_29, %dma_start3A_161] : memref<4x32x1x128xi32, #tpu.memory_space<hbm>> -> memref<1x1x1x128xi32, #tpu.memory_space<hbm>>
      %dma_start3A_163 = tpu.memref_squeeze %dma_start3A_162 : memref<1x1x1x128xi32, #tpu.memory_space<hbm>> -> memref<128xi32, #tpu.memory_space<hbm>>
      tpu.enqueue_dma source(%dma_start3A_163 : memref<128xi32, #tpu.memory_space<hbm>>) target(%arg9 : memref<128xi32, #tpu.memory_space<vmem>>) target_semaphore(%run_scoped3A_158 : memref<!tpu.dma_semaphore, #tpu.memory_space<semaphore_mem>>)
      %dma_wait3A = arith.constant 0 : i32
      %dma_wait3A_164 = tpu.memref_slice %arg4[%add3A_1, %add3A_28, %run_scoped3A_29, %dma_wait3A] : memref<4x32x1x128xi32, #tpu.memory_space<hbm>> -> memref<1x1x1x128xi32, #tpu.memory_space<hbm>>
      %dma_wait3A_165 = tpu.memref_squeeze %dma_wait3A_164 : memref<1x1x1x128xi32, #tpu.memory_space<hbm>> -> memref<128xi32, #tpu.memory_space<hbm>>
      %dma_wait3A_166 = arith.constant 0 : i32
      %dma_wait3A_167 = tpu.memref_slice %arg4[%add3A_1, %add3A_28, %run_scoped3A_29, %dma_wait3A_166] : memref<4x32x1x128xi32, #tpu.memory_space<hbm>> -> memref<1x1x1x128xi32, #tpu.memory_space<hbm>>
      %dma_wait3A_168 = tpu.memref_squeeze %dma_wait3A_167 : memref<1x1x1x128xi32, #tpu.memory_space<hbm>> -> memref<128xi32, #tpu.memory_space<hbm>>
      tpu.wait_dma2 semaphore(%run_scoped3A_158 : memref<!tpu.dma_semaphore, #tpu.memory_space<semaphore_mem>>) src(%dma_wait3A_168 : memref<128xi32, #tpu.memory_space<hbm>>) dst(%arg9 : memref<128xi32, #tpu.memory_space<vmem>>)
      tpu.yield
    }) : () -> ()
    %get3A_30 = arith.constant 0 : index
    %get3A_31 = tpu.vector_load %arg9[%get3A_30] {strides = array<i32>} : memref<128xi32, #tpu.memory_space<vmem>>, vector<16xi32>,
    %reduce_max3A_32 = arith.constant true
    %reduce_max3A_33 = vector.broadcast %reduce_max3A_32 : i1 to vector<16xi1>
    %reduce_max3A_34 = arith.constant -2147483648 : i32
    %reduce_max3A_35 = vector.broadcast %reduce_max3A_34 : i32 to vector<16xi32>
    %reduce_max3A_36 = arith.xori %get3A_31, %reduce_max3A_35 : vector<16xi32>
    %reduce_max3A_37 = tpu.scan <max>, %reduce_max3A_36 masked %reduce_max3A_33 : vector<16xi32>, vector<16xi1> -> vector<16xi32>
    %reduce_max3A_38 = arith.xori %reduce_max3A_37, %reduce_max3A_35 : vector<16xi32>
    %reduce_max3A_39 = vector.extract %reduce_max3A_38[15] : i32 from vector<16xi32>
    %while3A_40 = arith.constant 0 : i32
    %while3A_41 = arith.constant 0 : i32
    %while3A_42 = arith.subi %reduce_max3A_39, %while3A_41 : i32
    %while3A_43 = arith.addi %while3A_41, %while3A_42 : i32
    %while3A_44 = arith.constant 1 : i32
    %while3A_45 = arith.divsi %while3A_42, %while3A_44 : i32
    %while3A_46 = arith.muli %while3A_45, %while3A_44 : i32
    %while3A_47 = arith.addi %while3A_41, %while3A_46 : i32
    %while3A_48 = arith.constant 1 : i32
    scf.for %while3A_158 = %while3A_41 to %while3A_47 step %while3A_48  : i32 {
      "tpu.region"() ({
        %run_scoped3A_161 = tpu.sem_alloc : memref<!tpu.dma_semaphore, #tpu.memory_space<semaphore_mem>>
        %dma_start3A = arith.constant 0 : i32
        %dma_start3A_162 = arith.constant 0 : i32
        %dma_start3A_163 = tpu.memref_slice %arg3[%add3A_1, %add3A_28, %while3A_158, %dma_start3A, %dma_start3A_162] : memref<4x32x200x2x128xi32, #tpu.memory_space<hbm>> -> memref<1x1x1x2x128xi32, #tpu.memory_space<hbm>>
        %dma_start3A_164 = tpu.memref_squeeze %dma_start3A_163 : memref<1x1x1x2x128xi32, #tpu.memory_space<hbm>> -> memref<2x128xi32, #tpu.memory_space<hbm>>
        %dma_start3A_165 = arith.constant 0 : i32
        %dma_start3A_166 = arith.constant 0 : i32
        %dma_start3A_167 = tpu.memref_slice %arg3[%add3A_1, %add3A_28, %while3A_158, %dma_start3A_165, %dma_start3A_166] : memref<4x32x200x2x128xi32, #tpu.memory_space<hbm>> -> memref<1x1x1x2x128xi32, #tpu.memory_space<hbm>>
        %dma_start3A_168 = tpu.memref_squeeze %dma_start3A_167 : memref<1x1x1x2x128xi32, #tpu.memory_space<hbm>> -> memref<2x128xi32, #tpu.memory_space<hbm>>
        tpu.enqueue_dma source(%dma_start3A_168 : memref<2x128xi32, #tpu.memory_space<hbm>>) target(%arg8 : memref<2x128xi32, #tpu.memory_space<vmem>>) target_semaphore(%run_scoped3A_161 : memref<!tpu.dma_semaphore, #tpu.memory_space<semaphore_mem>>)
        %dma_wait3A = arith.constant 0 : i32
        %dma_wait3A_169 = arith.constant 0 : i32
        %dma_wait3A_170 = tpu.memref_slice %arg3[%add3A_1, %add3A_28, %while3A_158, %dma_wait3A, %dma_wait3A_169] : memref<4x32x200x2x128xi32, #tpu.memory_space<hbm>> -> memref<1x1x1x2x128xi32, #tpu.memory_space<hbm>>
        %dma_wait3A_171 = tpu.memref_squeeze %dma_wait3A_170 : memref<1x1x1x2x128xi32, #tpu.memory_space<hbm>> -> memref<2x128xi32, #tpu.memory_space<hbm>>
        %dma_wait3A_172 = arith.constant 0 : i32
        %dma_wait3A_173 = arith.constant 0 : i32
        %dma_wait3A_174 = tpu.memref_slice %arg3[%add3A_1, %add3A_28, %while3A_158, %dma_wait3A_172, %dma_wait3A_173] : memref<4x32x200x2x128xi32, #tpu.memory_space<hbm>> -> memref<1x1x1x2x128xi32, #tpu.memory_space<hbm>>
        %dma_wait3A_175 = tpu.memref_squeeze %dma_wait3A_174 : memref<1x1x1x2x128xi32, #tpu.memory_space<hbm>> -> memref<2x128xi32, #tpu.memory_space<hbm>>
        tpu.wait_dma2 semaphore(%run_scoped3A_161 : memref<!tpu.dma_semaphore, #tpu.memory_space<semaphore_mem>>) src(%dma_wait3A_175 : memref<2x128xi32, #tpu.memory_space<hbm>>) dst(%arg8 : memref<2x128xi32, #tpu.memory_space<vmem>>)
        tpu.yield
      }) : () -> ()
      %run_scoped3A_159 = arith.constant 0 : i32
      "tpu.region"() ({
        %run_scoped3A_161 = tpu.sem_alloc : memref<!tpu.dma_semaphore, #tpu.memory_space<semaphore_mem>>
        %dma_start3A = arith.constant 0 : i32
        %dma_start3A_162 = tpu.memref_slice %arg8[%run_scoped3A_159, %dma_start3A] : memref<2x128xi32, #tpu.memory_space<vmem>> -> memref<1x128xi32, #tpu.memory_space<vmem>>
        %dma_start3A_163 = tpu.memref_squeeze %dma_start3A_162 : memref<1x128xi32, #tpu.memory_space<vmem>> -> memref<128xi32, #tpu.memory_space<vmem>>
        %dma_start3A_164 = arith.constant 0 : i32
        %dma_start3A_165 = arith.constant 0 : i32
        %dma_start3A_166 = tpu.memref_slice %arg2[%dma_start3A_164, %dma_start3A_165] : memref<50000x128xf32, #tpu.memory_space<hbm>> -> memref<50000x128xf32, #tpu.memory_space<hbm>>
        tpu.enqueue_indirect_dma source(%dma_start3A_166 : memref<50000x128xf32, #tpu.memory_space<hbm>>) target(%arg10 : memref<128x128xf32, #tpu.memory_space<vmem>>) offsets(%dma_start3A_163 : memref<128xi32, #tpu.memory_space<vmem>>) semaphore(%run_scoped3A_161 : memref<!tpu.dma_semaphore, #tpu.memory_space<semaphore_mem>>)
        %dma_wait3A = arith.constant 0 : i32
        %dma_wait3A_167 = tpu.memref_slice %arg8[%run_scoped3A_159, %dma_wait3A] : memref<2x128xi32, #tpu.memory_space<vmem>> -> memref<1x128xi32, #tpu.memory_space<vmem>>
        %dma_wait3A_168 = tpu.memref_squeeze %dma_wait3A_167 : memref<1x128xi32, #tpu.memory_space<vmem>> -> memref<128xi32, #tpu.memory_space<vmem>>
        %dma_wait3A_169 = arith.constant 0 : i32
        %dma_wait3A_170 = arith.constant 0 : i32
        %dma_wait3A_171 = tpu.memref_slice %arg2[%dma_wait3A_169, %dma_wait3A_170] : memref<50000x128xf32, #tpu.memory_space<hbm>> -> memref<50000x128xf32, #tpu.memory_space<hbm>>
        tpu.wait_indirect_dma semaphore(%run_scoped3A_161 : memref<!tpu.dma_semaphore, #tpu.memory_space<semaphore_mem>>) src(%dma_wait3A_171 : memref<50000x128xf32, #tpu.memory_space<hbm>>) dst(%arg10 : memref<128x128xf32, #tpu.memory_space<vmem>>)
        tpu.yield
      }) : () -> ()
      %run_scoped3A_160 = arith.constant 1 : i32
      "tpu.region"() ({
        %run_scoped3A_161 = tpu.sem_alloc : memref<!tpu.dma_semaphore, #tpu.memory_space<semaphore_mem>>
        %dma_start3A = arith.constant 0 : i32
        %dma_start3A_162 = tpu.memref_slice %arg8[%run_scoped3A_160, %dma_start3A] : memref<2x128xi32, #tpu.memory_space<vmem>> -> memref<1x128xi32, #tpu.memory_space<vmem>>
        %dma_start3A_163 = tpu.memref_squeeze %dma_start3A_162 : memref<1x128xi32, #tpu.memory_space<vmem>> -> memref<128xi32, #tpu.memory_space<vmem>>
        %dma_start3A_164 = arith.constant 0 : i32
        %dma_start3A_165 = arith.constant 0 : i32
        %dma_start3A_166 = tpu.memref_slice %arg7[%dma_start3A_164, %dma_start3A_165] : memref<12544x128xf32, #tpu.memory_space<vmem_shared>> -> memref<12544x128xf32, #tpu.memory_space<vmem_shared>>
        tpu.enqueue_indirect_dma source(%arg10 : memref<128x128xf32, #tpu.memory_space<vmem>>) target(%dma_start3A_166 : memref<12544x128xf32, #tpu.memory_space<vmem_shared>>) offsets(%dma_start3A_163 : memref<128xi32, #tpu.memory_space<vmem>>) semaphore(%run_scoped3A_161 : memref<!tpu.dma_semaphore, #tpu.memory_space<semaphore_mem>>) {add = true}
        %dma_wait3A = arith.constant 0 : i32
        %dma_wait3A_167 = tpu.memref_slice %arg8[%run_scoped3A_160, %dma_wait3A] : memref<2x128xi32, #tpu.memory_space<vmem>> -> memref<1x128xi32, #tpu.memory_space<vmem>>
        %dma_wait3A_168 = tpu.memref_squeeze %dma_wait3A_167 : memref<1x128xi32, #tpu.memory_space<vmem>> -> memref<128xi32, #tpu.memory_space<vmem>>
        %dma_wait3A_169 = arith.constant 0 : i32
        %dma_wait3A_170 = arith.constant 0 : i32
        %dma_wait3A_171 = tpu.memref_slice %arg7[%dma_wait3A_169, %dma_wait3A_170] : memref<12544x128xf32, #tpu.memory_space<vmem_shared>> -> memref<12544x128xf32, #tpu.memory_space<vmem_shared>>
        tpu.wait_indirect_dma semaphore(%run_scoped3A_161 : memref<!tpu.dma_semaphore, #tpu.memory_space<semaphore_mem>>) src(%arg10 : memref<128x128xf32, #tpu.memory_space<vmem>>) dst(%dma_wait3A_171 : memref<12544x128xf32, #tpu.memory_space<vmem_shared>>)
        tpu.yield
      }) : () -> ()
    }
    %while3A_49 = arith.constant 1 : i32
    scf.for %while3A_158 = %while3A_47 to %while3A_43 step %while3A_49  : i32 {
      "tpu.region"() ({
        %run_scoped3A_161 = tpu.sem_alloc : memref<!tpu.dma_semaphore, #tpu.memory_space<semaphore_mem>>
        %dma_start3A = arith.constant 0 : i32
        %dma_start3A_162 = arith.constant 0 : i32
        %dma_start3A_163 = tpu.memref_slice %arg3[%add3A_1, %add3A_28, %while3A_158, %dma_start3A, %dma_start3A_162] : memref<4x32x200x2x128xi32, #tpu.memory_space<hbm>> -> memref<1x1x1x2x128xi32, #tpu.memory_space<hbm>>
        %dma_start3A_164 = tpu.memref_squeeze %dma_start3A_163 : memref<1x1x1x2x128xi32, #tpu.memory_space<hbm>> -> memref<2x128xi32, #tpu.memory_space<hbm>>
        %dma_start3A_165 = arith.constant 0 : i32
        %dma_start3A_166 = arith.constant 0 : i32
        %dma_start3A_167 = tpu.memref_slice %arg3[%add3A_1, %add3A_28, %while3A_158, %dma_start3A_165, %dma_start3A_166] : memref<4x32x200x2x128xi32, #tpu.memory_space<hbm>> -> memref<1x1x1x2x128xi32, #tpu.memory_space<hbm>>
        %dma_start3A_168 = tpu.memref_squeeze %dma_start3A_167 : memref<1x1x1x2x128xi32, #tpu.memory_space<hbm>> -> memref<2x128xi32, #tpu.memory_space<hbm>>
        tpu.enqueue_dma source(%dma_start3A_168 : memref<2x128xi32, #tpu.memory_space<hbm>>) target(%arg8 : memref<2x128xi32, #tpu.memory_space<vmem>>) target_semaphore(%run_scoped3A_161 : memref<!tpu.dma_semaphore, #tpu.memory_space<semaphore_mem>>)
        %dma_wait3A = arith.constant 0 : i32
        %dma_wait3A_169 = arith.constant 0 : i32
        %dma_wait3A_170 = tpu.memref_slice %arg3[%add3A_1, %add3A_28, %while3A_158, %dma_wait3A, %dma_wait3A_169] : memref<4x32x200x2x128xi32, #tpu.memory_space<hbm>> -> memref<1x1x1x2x128xi32, #tpu.memory_space<hbm>>
        %dma_wait3A_171 = tpu.memref_squeeze %dma_wait3A_170 : memref<1x1x1x2x128xi32, #tpu.memory_space<hbm>> -> memref<2x128xi32, #tpu.memory_space<hbm>>
        %dma_wait3A_172 = arith.constant 0 : i32
        %dma_wait3A_173 = arith.constant 0 : i32
        %dma_wait3A_174 = tpu.memref_slice %arg3[%add3A_1, %add3A_28, %while3A_158, %dma_wait3A_172, %dma_wait3A_173] : memref<4x32x200x2x128xi32, #tpu.memory_space<hbm>> -> memref<1x1x1x2x128xi32, #tpu.memory_space<hbm>>
        %dma_wait3A_175 = tpu.memref_squeeze %dma_wait3A_174 : memref<1x1x1x2x128xi32, #tpu.memory_space<hbm>> -> memref<2x128xi32, #tpu.memory_space<hbm>>
        tpu.wait_dma2 semaphore(%run_scoped3A_161 : memref<!tpu.dma_semaphore, #tpu.memory_space<semaphore_mem>>) src(%dma_wait3A_175 : memref<2x128xi32, #tpu.memory_space<hbm>>) dst(%arg8 : memref<2x128xi32, #tpu.memory_space<vmem>>)
        tpu.yield
      }) : () -> ()
      %run_scoped3A_159 = arith.constant 0 : i32
      "tpu.region"() ({
        %run_scoped3A_161 = tpu.sem_alloc : memref<!tpu.dma_semaphore, #tpu.memory_space<semaphore_mem>>
        %dma_start3A = arith.constant 0 : i32
        %dma_start3A_162 = tpu.memref_slice %arg8[%run_scoped3A_159, %dma_start3A] : memref<2x128xi32, #tpu.memory_space<vmem>> -> memref<1x128xi32, #tpu.memory_space<vmem>>
        %dma_start3A_163 = tpu.memref_squeeze %dma_start3A_162 : memref<1x128xi32, #tpu.memory_space<vmem>> -> memref<128xi32, #tpu.memory_space<vmem>>
        %dma_start3A_164 = arith.constant 0 : i32
        %dma_start3A_165 = arith.constant 0 : i32
        %dma_start3A_166 = tpu.memref_slice %arg2[%dma_start3A_164, %dma_start3A_165] : memref<50000x128xf32, #tpu.memory_space<hbm>> -> memref<50000x128xf32, #tpu.memory_space<hbm>>
        tpu.enqueue_indirect_dma source(%dma_start3A_166 : memref<50000x128xf32, #tpu.memory_space<hbm>>) target(%arg10 : memref<128x128xf32, #tpu.memory_space<vmem>>) offsets(%dma_start3A_163 : memref<128xi32, #tpu.memory_space<vmem>>) semaphore(%run_scoped3A_161 : memref<!tpu.dma_semaphore, #tpu.memory_space<semaphore_mem>>)
        %dma_wait3A = arith.constant 0 : i32
        %dma_wait3A_167 = tpu.memref_slice %arg8[%run_scoped3A_159, %dma_wait3A] : memref<2x128xi32, #tpu.memory_space<vmem>> -> memref<1x128xi32, #tpu.memory_space<vmem>>
        %dma_wait3A_168 = tpu.memref_squeeze %dma_wait3A_167 : memref<1x128xi32, #tpu.memory_space<vmem>> -> memref<128xi32, #tpu.memory_space<vmem>>
        %dma_wait3A_169 = arith.constant 0 : i32
        %dma_wait3A_170 = arith.constant 0 : i32
        %dma_wait3A_171 = tpu.memref_slice %arg2[%dma_wait3A_169, %dma_wait3A_170] : memref<50000x128xf32, #tpu.memory_space<hbm>> -> memref<50000x128xf32, #tpu.memory_space<hbm>>
        tpu.wait_indirect_dma semaphore(%run_scoped3A_161 : memref<!tpu.dma_semaphore, #tpu.memory_space<semaphore_mem>>) src(%dma_wait3A_171 : memref<50000x128xf32, #tpu.memory_space<hbm>>) dst(%arg10 : memref<128x128xf32, #tpu.memory_space<vmem>>)
        tpu.yield
      }) : () -> ()
      %run_scoped3A_160 = arith.constant 1 : i32
      "tpu.region"() ({
        %run_scoped3A_161 = tpu.sem_alloc : memref<!tpu.dma_semaphore, #tpu.memory_space<semaphore_mem>>
        %dma_start3A = arith.constant 0 : i32
        %dma_start3A_162 = tpu.memref_slice %arg8[%run_scoped3A_160, %dma_start3A] : memref<2x128xi32, #tpu.memory_space<vmem>> -> memref<1x128xi32, #tpu.memory_space<vmem>>
        %dma_start3A_163 = tpu.memref_squeeze %dma_start3A_162 : memref<1x128xi32, #tpu.memory_space<vmem>> -> memref<128xi32, #tpu.memory_space<vmem>>
        %dma_start3A_164 = arith.constant 0 : i32
        %dma_start3A_165 = arith.constant 0 : i32
        %dma_start3A_166 = tpu.memref_slice %arg7[%dma_start3A_164, %dma_start3A_165] : memref<12544x128xf32, #tpu.memory_space<vmem_shared>> -> memref<12544x128xf32, #tpu.memory_space<vmem_shared>>
        tpu.enqueue_indirect_dma source(%arg10 : memref<128x128xf32, #tpu.memory_space<vmem>>) target(%dma_start3A_166 : memref<12544x128xf32, #tpu.memory_space<vmem_shared>>) offsets(%dma_start3A_163 : memref<128xi32, #tpu.memory_space<vmem>>) semaphore(%run_scoped3A_161 : memref<!tpu.dma_semaphore, #tpu.memory_space<semaphore_mem>>) {add = true}
        %dma_wait3A = arith.constant 0 : i32
        %dma_wait3A_167 = tpu.memref_slice %arg8[%run_scoped3A_160, %dma_wait3A] : memref<2x128xi32, #tpu.memory_space<vmem>> -> memref<1x128xi32, #tpu.memory_space<vmem>>
        %dma_wait3A_168 = tpu.memref_squeeze %dma_wait3A_167 : memref<1x128xi32, #tpu.memory_space<vmem>> -> memref<128xi32, #tpu.memory_space<vmem>>
        %dma_wait3A_169 = arith.constant 0 : i32
        %dma_wait3A_170 = arith.constant 0 : i32
        %dma_wait3A_171 = tpu.memref_slice %arg7[%dma_wait3A_169, %dma_wait3A_170] : memref<12544x128xf32, #tpu.memory_space<vmem_shared>> -> memref<12544x128xf32, #tpu.memory_space<vmem_shared>>
        tpu.wait_indirect_dma semaphore(%run_scoped3A_161 : memref<!tpu.dma_semaphore, #tpu.memory_space<semaphore_mem>>) src(%arg10 : memref<128x128xf32, #tpu.memory_space<vmem>>) dst(%dma_wait3A_171 : memref<12544x128xf32, #tpu.memory_space<vmem_shared>>)
        tpu.yield
      }) : () -> ()
    }
    %barrier3A_50 = arith.constant 0 : index
    tpu.barrier barrier_id(%barrier3A_50)
    %mul3A_51 = arith.constant 12504 : i32
    %mul3A_52 = arith.muli %add3A_1, %mul3A_51 : i32
    %mul3A_53 = arith.constant 784 : i32
    %mul3A_54 = arith.muli %arg1, %mul3A_53 : i32
    %add3A_55 = arith.addi %mul3A_52, %mul3A_54 : i32
    %lt3A = arith.constant 15 : i32
    %lt3A_56 = arith.cmpi slt, %arg1, %lt3A : i32
    %convert_element_type3A = arith.extui %lt3A_56 : i1 to i32
    %cond3A = arith.constant 0 : i32
    %cond3A_57 = arith.cmpi ne, %convert_element_type3A, %cond3A : i32
    scf.if %cond3A_57 {
      %mul3A_158 = arith.constant 784 : i32
      %mul3A_159 = arith.muli %arg1, %mul3A_158 : i32
      "tpu.region"() ({
        %run_scoped3A_160 = tpu.sem_alloc : memref<!tpu.dma_semaphore, #tpu.memory_space<semaphore_mem>>
        %dma_start3A = arith.constant 0 : i32
        %dma_start3A_161 = tpu.memref_slice %arg6[%add3A_55, %dma_start3A] : memref<50000x128xf32, #tpu.memory_space<hbm>> -> memref<784x128xf32, #tpu.memory_space<hbm>>
        %dma_start3A_162 = arith.constant 0 : i32
        %dma_start3A_163 = tpu.memref_slice %arg7[%mul3A_159, %dma_start3A_162] : memref<12544x128xf32, #tpu.memory_space<vmem_shared>> -> memref<784x128xf32, #tpu.memory_space<vmem_shared>>
        tpu.enqueue_dma source(%dma_start3A_163 : memref<784x128xf32, #tpu.memory_space<vmem_shared>>) target(%dma_start3A_161 : memref<784x128xf32, #tpu.memory_space<hbm>>) target_semaphore(%run_scoped3A_160 : memref<!tpu.dma_semaphore, #tpu.memory_space<semaphore_mem>>)
        %dma_wait3A = arith.constant 0 : i32
        %dma_wait3A_164 = tpu.memref_slice %arg6[%add3A_55, %dma_wait3A] : memref<50000x128xf32, #tpu.memory_space<hbm>> -> memref<784x128xf32, #tpu.memory_space<hbm>>
        %dma_wait3A_165 = arith.constant 0 : i32
        %dma_wait3A_166 = tpu.memref_slice %arg7[%mul3A_159, %dma_wait3A_165] : memref<12544x128xf32, #tpu.memory_space<vmem_shared>> -> memref<784x128xf32, #tpu.memory_space<vmem_shared>>
        tpu.wait_dma2 semaphore(%run_scoped3A_160 : memref<!tpu.dma_semaphore, #tpu.memory_space<semaphore_mem>>) src(%dma_wait3A_166 : memref<784x128xf32, #tpu.memory_space<vmem_shared>>) dst(%dma_wait3A_164 : memref<784x128xf32, #tpu.memory_space<hbm>>)
        tpu.yield
      }) : () -> ()
    } else {
    }
    %eq3A = arith.constant 15 : i32
    %eq3A_58 = arith.cmpi eq, %arg1, %eq3A : i32
    %lt3A_59 = arith.constant 3 : i32
    %lt3A_60 = arith.cmpi slt, %add3A_1, %lt3A_59 : i32
    %and3A = arith.andi %eq3A_58, %lt3A_60 : i1
    %convert_element_type3A_61 = arith.extui %and3A : i1 to i32
    %cond3A_62 = arith.constant 0 : i32
    %cond3A_63 = arith.cmpi ne, %convert_element_type3A_61, %cond3A_62 : i32
    scf.if %cond3A_63 {
      "tpu.region"() ({
        %run_scoped3A_158 = tpu.sem_alloc : memref<!tpu.dma_semaphore, #tpu.memory_space<semaphore_mem>>
        %dma_start3A = arith.constant 0 : i32
        %dma_start3A_159 = tpu.memref_slice %arg6[%add3A_55, %dma_start3A] : memref<50000x128xf32, #tpu.memory_space<hbm>> -> memref<744x128xf32, #tpu.memory_space<hbm>>
        %dma_start3A_160 = arith.constant 11760 : i32
        %dma_start3A_161 = arith.constant 0 : i32
        %dma_start3A_162 = tpu.memref_slice %arg7[%dma_start3A_160, %dma_start3A_161] : memref<12544x128xf32, #tpu.memory_space<vmem_shared>> -> memref<744x128xf32, #tpu.memory_space<vmem_shared>>
        tpu.enqueue_dma source(%dma_start3A_162 : memref<744x128xf32, #tpu.memory_space<vmem_shared>>) target(%dma_start3A_159 : memref<744x128xf32, #tpu.memory_space<hbm>>) target_semaphore(%run_scoped3A_158 : memref<!tpu.dma_semaphore, #tpu.memory_space<semaphore_mem>>)
        %dma_wait3A = arith.constant 0 : i32
        %dma_wait3A_163 = tpu.memref_slice %arg6[%add3A_55, %dma_wait3A] : memref<50000x128xf32, #tpu.memory_space<hbm>> -> memref<744x128xf32, #tpu.memory_space<hbm>>
        %dma_wait3A_164 = arith.constant 11760 : i32
        %dma_wait3A_165 = arith.constant 0 : i32
        %dma_wait3A_166 = tpu.memref_slice %arg7[%dma_wait3A_164, %dma_wait3A_165] : memref<12544x128xf32, #tpu.memory_space<vmem_shared>> -> memref<744x128xf32, #tpu.memory_space<vmem_shared>>
        tpu.wait_dma2 semaphore(%run_scoped3A_158 : memref<!tpu.dma_semaphore, #tpu.memory_space<semaphore_mem>>) src(%dma_wait3A_166 : memref<744x128xf32, #tpu.memory_space<vmem_shared>>) dst(%dma_wait3A_163 : memref<744x128xf32, #tpu.memory_space<hbm>>)
        tpu.yield
      }) : () -> ()
    } else {
    }
    %eq3A_64 = arith.constant 15 : i32
    %eq3A_65 = arith.cmpi eq, %arg1, %eq3A_64 : i32
    %eq3A_66 = arith.constant 3 : i32
    %eq3A_67 = arith.cmpi eq, %add3A_1, %eq3A_66 : i32
    %and3A_68 = arith.andi %eq3A_65, %eq3A_67 : i1
    %convert_element_type3A_69 = arith.extui %and3A_68 : i1 to i32
    %cond3A_70 = arith.constant 0 : i32
    %cond3A_71 = arith.cmpi ne, %convert_element_type3A_69, %cond3A_70 : i32
    scf.if %cond3A_71 {
      "tpu.region"() ({
        %run_scoped3A_158 = tpu.sem_alloc : memref<!tpu.dma_semaphore, #tpu.memory_space<semaphore_mem>>
        %dma_start3A = arith.constant 0 : i32
        %dma_start3A_159 = tpu.memref_slice %arg6[%add3A_55, %dma_start3A] : memref<50000x128xf32, #tpu.memory_space<hbm>> -> memref<728x128xf32, #tpu.memory_space<hbm>>
        %dma_start3A_160 = arith.constant 11760 : i32
        %dma_start3A_161 = arith.constant 0 : i32
        %dma_start3A_162 = tpu.memref_slice %arg7[%dma_start3A_160, %dma_start3A_161] : memref<12544x128xf32, #tpu.memory_space<vmem_shared>> -> memref<728x128xf32, #tpu.memory_space<vmem_shared>>
        tpu.enqueue_dma source(%dma_start3A_162 : memref<728x128xf32, #tpu.memory_space<vmem_shared>>) target(%dma_start3A_159 : memref<728x128xf32, #tpu.memory_space<hbm>>) target_semaphore(%run_scoped3A_158 : memref<!tpu.dma_semaphore, #tpu.memory_space<semaphore_mem>>)
        %dma_wait3A = arith.constant 0 : i32
        %dma_wait3A_163 = tpu.memref_slice %arg6[%add3A_55, %dma_wait3A] : memref<50000x128xf32, #tpu.memory_space<hbm>> -> memref<728x128xf32, #tpu.memory_space<hbm>>
        %dma_wait3A_164 = arith.constant 11760 : i32
        %dma_wait3A_165 = arith.constant 0 : i32
        %dma_wait3A_166 = tpu.memref_slice %arg7[%dma_wait3A_164, %dma_wait3A_165] : memref<12544x128xf32, #tpu.memory_space<vmem_shared>> -> memref<728x128xf32, #tpu.memory_space<vmem_shared>>
        tpu.wait_dma2 semaphore(%run_scoped3A_158 : memref<!tpu.dma_semaphore, #tpu.memory_space<semaphore_mem>>) src(%dma_wait3A_166 : memref<728x128xf32, #tpu.memory_space<vmem_shared>>) dst(%dma_wait3A_163 : memref<728x128xf32, #tpu.memory_space<hbm>>)
        tpu.yield
      }) : () -> ()
    } else {
    }
    %barrier3A_72 = arith.constant 0 : index
    tpu.barrier barrier_id(%barrier3A_72)
    %mul3A_73 = arith.constant 2 : i32
    %mul3A_74 = arith.muli %arg0, %mul3A_73 : i32
    %add3A_75 = arith.constant 1 : i32
    %add3A_76 = arith.addi %mul3A_74, %add3A_75 : i32
    %mul3A_77 = arith.constant 784 : i32
    %mul3A_78 = arith.muli %arg1, %mul3A_77 : i32
    "tpu.region"() ({
      %run_scoped3A_158 = tpu.sem_alloc : memref<!tpu.dma_semaphore, #tpu.memory_space<semaphore_mem>>
      %dma_start3A = arith.constant 0 : i32
      %dma_start3A_159 = tpu.memref_slice %arg7[%mul3A_78, %dma_start3A] : memref<12544x128xf32, #tpu.memory_space<vmem_shared>> -> memref<784x128xf32, #tpu.memory_space<vmem_shared>>
      tpu.enqueue_dma source(%arg5 : memref<784x128xf32, #tpu.memory_space<hbm>>) target(%dma_start3A_159 : memref<784x128xf32, #tpu.memory_space<vmem_shared>>) target_semaphore(%run_scoped3A_158 : memref<!tpu.dma_semaphore, #tpu.memory_space<semaphore_mem>>)
      %dma_wait3A = arith.constant 0 : i32
      %dma_wait3A_160 = tpu.memref_slice %arg7[%mul3A_78, %dma_wait3A] : memref<12544x128xf32, #tpu.memory_space<vmem_shared>> -> memref<784x128xf32, #tpu.memory_space<vmem_shared>>
      tpu.wait_dma2 semaphore(%run_scoped3A_158 : memref<!tpu.dma_semaphore, #tpu.memory_space<semaphore_mem>>) src(%arg5 : memref<784x128xf32, #tpu.memory_space<hbm>>) dst(%dma_wait3A_160 : memref<784x128xf32, #tpu.memory_space<vmem_shared>>)
      tpu.yield
    }) : () -> ()
    %barrier3A_79 = arith.constant 0 : index
    tpu.barrier barrier_id(%barrier3A_79)
    %mul3A_80 = arith.constant 2 : i32
    %mul3A_81 = arith.muli %arg1, %mul3A_80 : i32
    %add3A_82 = arith.constant 0 : i32
    %add3A_83 = arith.addi %mul3A_81, %add3A_82 : i32
    %run_scoped3A_84 = arith.constant 0 : i32
    "tpu.region"() ({
      %run_scoped3A_158 = tpu.sem_alloc : memref<!tpu.dma_semaphore, #tpu.memory_space<semaphore_mem>>
      %dma_start3A = arith.constant 0 : i32
      %dma_start3A_159 = tpu.memref_slice %arg4[%add3A_76, %add3A_83, %run_scoped3A_84, %dma_start3A] : memref<4x32x1x128xi32, #tpu.memory_space<hbm>> -> memref<1x1x1x128xi32, #tpu.memory_space<hbm>>
      %dma_start3A_160 = tpu.memref_squeeze %dma_start3A_159 : memref<1x1x1x128xi32, #tpu.memory_space<hbm>> -> memref<128xi32, #tpu.memory_space<hbm>>
      %dma_start3A_161 = arith.constant 0 : i32
      %dma_start3A_162 = tpu.memref_slice %arg4[%add3A_76, %add3A_83, %run_scoped3A_84, %dma_start3A_161] : memref<4x32x1x128xi32, #tpu.memory_space<hbm>> -> memref<1x1x1x128xi32, #tpu.memory_space<hbm>>
      %dma_start3A_163 = tpu.memref_squeeze %dma_start3A_162 : memref<1x1x1x128xi32, #tpu.memory_space<hbm>> -> memref<128xi32, #tpu.memory_space<hbm>>
      tpu.enqueue_dma source(%dma_start3A_163 : memref<128xi32, #tpu.memory_space<hbm>>) target(%arg9 : memref<128xi32, #tpu.memory_space<vmem>>) target_semaphore(%run_scoped3A_158 : memref<!tpu.dma_semaphore, #tpu.memory_space<semaphore_mem>>)
      %dma_wait3A = arith.constant 0 : i32
      %dma_wait3A_164 = tpu.memref_slice %arg4[%add3A_76, %add3A_83, %run_scoped3A_84, %dma_wait3A] : memref<4x32x1x128xi32, #tpu.memory_space<hbm>> -> memref<1x1x1x128xi32, #tpu.memory_space<hbm>>
      %dma_wait3A_165 = tpu.memref_squeeze %dma_wait3A_164 : memref<1x1x1x128xi32, #tpu.memory_space<hbm>> -> memref<128xi32, #tpu.memory_space<hbm>>
      %dma_wait3A_166 = arith.constant 0 : i32
      %dma_wait3A_167 = tpu.memref_slice %arg4[%add3A_76, %add3A_83, %run_scoped3A_84, %dma_wait3A_166] : memref<4x32x1x128xi32, #tpu.memory_space<hbm>> -> memref<1x1x1x128xi32, #tpu.memory_space<hbm>>
      %dma_wait3A_168 = tpu.memref_squeeze %dma_wait3A_167 : memref<1x1x1x128xi32, #tpu.memory_space<hbm>> -> memref<128xi32, #tpu.memory_space<hbm>>
      tpu.wait_dma2 semaphore(%run_scoped3A_158 : memref<!tpu.dma_semaphore, #tpu.memory_space<semaphore_mem>>) src(%dma_wait3A_168 : memref<128xi32, #tpu.memory_space<hbm>>) dst(%arg9 : memref<128xi32, #tpu.memory_space<vmem>>)
      tpu.yield
    }) : () -> ()
    %get3A_85 = arith.constant 0 : index
    %get3A_86 = tpu.vector_load %arg9[%get3A_85] {strides = array<i32>} : memref<128xi32, #tpu.memory_space<vmem>>, vector<16xi32>,
    %reduce_max3A_87 = arith.constant true
    %reduce_max3A_88 = vector.broadcast %reduce_max3A_87 : i1 to vector<16xi1>
    %reduce_max3A_89 = arith.constant -2147483648 : i32
    %reduce_max3A_90 = vector.broadcast %reduce_max3A_89 : i32 to vector<16xi32>
    %reduce_max3A_91 = arith.xori %get3A_86, %reduce_max3A_90 : vector<16xi32>
    %reduce_max3A_92 = tpu.scan <max>, %reduce_max3A_91 masked %reduce_max3A_88 : vector<16xi32>, vector<16xi1> -> vector<16xi32>
    %reduce_max3A_93 = arith.xori %reduce_max3A_92, %reduce_max3A_90 : vector<16xi32>
    %reduce_max3A_94 = vector.extract %reduce_max3A_93[15] : i32 from vector<16xi32>
    %while3A_95 = arith.constant 0 : i32
    %while3A_96 = arith.constant 0 : i32
    %while3A_97 = arith.subi %reduce_max3A_94, %while3A_96 : i32
    %while3A_98 = arith.addi %while3A_96, %while3A_97 : i32
    %while3A_99 = arith.constant 1 : i32
    %while3A_100 = arith.divsi %while3A_97, %while3A_99 : i32
    %while3A_101 = arith.muli %while3A_100, %while3A_99 : i32
    %while3A_102 = arith.addi %while3A_96, %while3A_101 : i32
    %while3A_103 = arith.constant 1 : i32
    scf.for %while3A_158 = %while3A_96 to %while3A_102 step %while3A_103  : i32 {
      "tpu.region"() ({
        %run_scoped3A_161 = tpu.sem_alloc : memref<!tpu.dma_semaphore, #tpu.memory_space<semaphore_mem>>
        %dma_start3A = arith.constant 0 : i32
        %dma_start3A_162 = arith.constant 0 : i32
        %dma_start3A_163 = tpu.memref_slice %arg3[%add3A_76, %add3A_83, %while3A_158, %dma_start3A, %dma_start3A_162] : memref<4x32x200x2x128xi32, #tpu.memory_space<hbm>> -> memref<1x1x1x2x128xi32, #tpu.memory_space<hbm>>
        %dma_start3A_164 = tpu.memref_squeeze %dma_start3A_163 : memref<1x1x1x2x128xi32, #tpu.memory_space<hbm>> -> memref<2x128xi32, #tpu.memory_space<hbm>>
        %dma_start3A_165 = arith.constant 0 : i32
        %dma_start3A_166 = arith.constant 0 : i32
        %dma_start3A_167 = tpu.memref_slice %arg3[%add3A_76, %add3A_83, %while3A_158, %dma_start3A_165, %dma_start3A_166] : memref<4x32x200x2x128xi32, #tpu.memory_space<hbm>> -> memref<1x1x1x2x128xi32, #tpu.memory_space<hbm>>
        %dma_start3A_168 = tpu.memref_squeeze %dma_start3A_167 : memref<1x1x1x2x128xi32, #tpu.memory_space<hbm>> -> memref<2x128xi32, #tpu.memory_space<hbm>>
        tpu.enqueue_dma source(%dma_start3A_168 : memref<2x128xi32, #tpu.memory_space<hbm>>) target(%arg8 : memref<2x128xi32, #tpu.memory_space<vmem>>) target_semaphore(%run_scoped3A_161 : memref<!tpu.dma_semaphore, #tpu.memory_space<semaphore_mem>>)
        %dma_wait3A = arith.constant 0 : i32
        %dma_wait3A_169 = arith.constant 0 : i32
        %dma_wait3A_170 = tpu.memref_slice %arg3[%add3A_76, %add3A_83, %while3A_158, %dma_wait3A, %dma_wait3A_169] : memref<4x32x200x2x128xi32, #tpu.memory_space<hbm>> -> memref<1x1x1x2x128xi32, #tpu.memory_space<hbm>>
        %dma_wait3A_171 = tpu.memref_squeeze %dma_wait3A_170 : memref<1x1x1x2x128xi32, #tpu.memory_space<hbm>> -> memref<2x128xi32, #tpu.memory_space<hbm>>
        %dma_wait3A_172 = arith.constant 0 : i32
        %dma_wait3A_173 = arith.constant 0 : i32
        %dma_wait3A_174 = tpu.memref_slice %arg3[%add3A_76, %add3A_83, %while3A_158, %dma_wait3A_172, %dma_wait3A_173] : memref<4x32x200x2x128xi32, #tpu.memory_space<hbm>> -> memref<1x1x1x2x128xi32, #tpu.memory_space<hbm>>
        %dma_wait3A_175 = tpu.memref_squeeze %dma_wait3A_174 : memref<1x1x1x2x128xi32, #tpu.memory_space<hbm>> -> memref<2x128xi32, #tpu.memory_space<hbm>>
        tpu.wait_dma2 semaphore(%run_scoped3A_161 : memref<!tpu.dma_semaphore, #tpu.memory_space<semaphore_mem>>) src(%dma_wait3A_175 : memref<2x128xi32, #tpu.memory_space<hbm>>) dst(%arg8 : memref<2x128xi32, #tpu.memory_space<vmem>>)
        tpu.yield
      }) : () -> ()
      %run_scoped3A_159 = arith.constant 0 : i32
      "tpu.region"() ({
        %run_scoped3A_161 = tpu.sem_alloc : memref<!tpu.dma_semaphore, #tpu.memory_space<semaphore_mem>>
        %dma_start3A = arith.constant 0 : i32
        %dma_start3A_162 = tpu.memref_slice %arg8[%run_scoped3A_159, %dma_start3A] : memref<2x128xi32, #tpu.memory_space<vmem>> -> memref<1x128xi32, #tpu.memory_space<vmem>>
        %dma_start3A_163 = tpu.memref_squeeze %dma_start3A_162 : memref<1x128xi32, #tpu.memory_space<vmem>> -> memref<128xi32, #tpu.memory_space<vmem>>
        %dma_start3A_164 = arith.constant 0 : i32
        %dma_start3A_165 = arith.constant 0 : i32
        %dma_start3A_166 = tpu.memref_slice %arg2[%dma_start3A_164, %dma_start3A_165] : memref<50000x128xf32, #tpu.memory_space<hbm>> -> memref<50000x128xf32, #tpu.memory_space<hbm>>
        tpu.enqueue_indirect_dma source(%dma_start3A_166 : memref<50000x128xf32, #tpu.memory_space<hbm>>) target(%arg10 : memref<128x128xf32, #tpu.memory_space<vmem>>) offsets(%dma_start3A_163 : memref<128xi32, #tpu.memory_space<vmem>>) semaphore(%run_scoped3A_161 : memref<!tpu.dma_semaphore, #tpu.memory_space<semaphore_mem>>)
        %dma_wait3A = arith.constant 0 : i32
        %dma_wait3A_167 = tpu.memref_slice %arg8[%run_scoped3A_159, %dma_wait3A] : memref<2x128xi32, #tpu.memory_space<vmem>> -> memref<1x128xi32, #tpu.memory_space<vmem>>
        %dma_wait3A_168 = tpu.memref_squeeze %dma_wait3A_167 : memref<1x128xi32, #tpu.memory_space<vmem>> -> memref<128xi32, #tpu.memory_space<vmem>>
        %dma_wait3A_169 = arith.constant 0 : i32
        %dma_wait3A_170 = arith.constant 0 : i32
        %dma_wait3A_171 = tpu.memref_slice %arg2[%dma_wait3A_169, %dma_wait3A_170] : memref<50000x128xf32, #tpu.memory_space<hbm>> -> memref<50000x128xf32, #tpu.memory_space<hbm>>
        tpu.wait_indirect_dma semaphore(%run_scoped3A_161 : memref<!tpu.dma_semaphore, #tpu.memory_space<semaphore_mem>>) src(%dma_wait3A_171 : memref<50000x128xf32, #tpu.memory_space<hbm>>) dst(%arg10 : memref<128x128xf32, #tpu.memory_space<vmem>>)
        tpu.yield
      }) : () -> ()
      %run_scoped3A_160 = arith.constant 1 : i32
      "tpu.region"() ({
        %run_scoped3A_161 = tpu.sem_alloc : memref<!tpu.dma_semaphore, #tpu.memory_space<semaphore_mem>>
        %dma_start3A = arith.constant 0 : i32
        %dma_start3A_162 = tpu.memref_slice %arg8[%run_scoped3A_160, %dma_start3A] : memref<2x128xi32, #tpu.memory_space<vmem>> -> memref<1x128xi32, #tpu.memory_space<vmem>>
        %dma_start3A_163 = tpu.memref_squeeze %dma_start3A_162 : memref<1x128xi32, #tpu.memory_space<vmem>> -> memref<128xi32, #tpu.memory_space<vmem>>
        %dma_start3A_164 = arith.constant 0 : i32
        %dma_start3A_165 = arith.constant 0 : i32
        %dma_start3A_166 = tpu.memref_slice %arg7[%dma_start3A_164, %dma_start3A_165] : memref<12544x128xf32, #tpu.memory_space<vmem_shared>> -> memref<12544x128xf32, #tpu.memory_space<vmem_shared>>
        tpu.enqueue_indirect_dma source(%arg10 : memref<128x128xf32, #tpu.memory_space<vmem>>) target(%dma_start3A_166 : memref<12544x128xf32, #tpu.memory_space<vmem_shared>>) offsets(%dma_start3A_163 : memref<128xi32, #tpu.memory_space<vmem>>) semaphore(%run_scoped3A_161 : memref<!tpu.dma_semaphore, #tpu.memory_space<semaphore_mem>>) {add = true}
        %dma_wait3A = arith.constant 0 : i32
        %dma_wait3A_167 = tpu.memref_slice %arg8[%run_scoped3A_160, %dma_wait3A] : memref<2x128xi32, #tpu.memory_space<vmem>> -> memref<1x128xi32, #tpu.memory_space<vmem>>
        %dma_wait3A_168 = tpu.memref_squeeze %dma_wait3A_167 : memref<1x128xi32, #tpu.memory_space<vmem>> -> memref<128xi32, #tpu.memory_space<vmem>>
        %dma_wait3A_169 = arith.constant 0 : i32
        %dma_wait3A_170 = arith.constant 0 : i32
        %dma_wait3A_171 = tpu.memref_slice %arg7[%dma_wait3A_169, %dma_wait3A_170] : memref<12544x128xf32, #tpu.memory_space<vmem_shared>> -> memref<12544x128xf32, #tpu.memory_space<vmem_shared>>
        tpu.wait_indirect_dma semaphore(%run_scoped3A_161 : memref<!tpu.dma_semaphore, #tpu.memory_space<semaphore_mem>>) src(%arg10 : memref<128x128xf32, #tpu.memory_space<vmem>>) dst(%dma_wait3A_171 : memref<12544x128xf32, #tpu.memory_space<vmem_shared>>)
        tpu.yield
      }) : () -> ()
    }
    %while3A_104 = arith.constant 1 : i32
    scf.for %while3A_158 = %while3A_102 to %while3A_98 step %while3A_104  : i32 {
      "tpu.region"() ({
        %run_scoped3A_161 = tpu.sem_alloc : memref<!tpu.dma_semaphore, #tpu.memory_space<semaphore_mem>>
        %dma_start3A = arith.constant 0 : i32
        %dma_start3A_162 = arith.constant 0 : i32
        %dma_start3A_163 = tpu.memref_slice %arg3[%add3A_76, %add3A_83, %while3A_158, %dma_start3A, %dma_start3A_162] : memref<4x32x200x2x128xi32, #tpu.memory_space<hbm>> -> memref<1x1x1x2x128xi32, #tpu.memory_space<hbm>>
        %dma_start3A_164 = tpu.memref_squeeze %dma_start3A_163 : memref<1x1x1x2x128xi32, #tpu.memory_space<hbm>> -> memref<2x128xi32, #tpu.memory_space<hbm>>
        %dma_start3A_165 = arith.constant 0 : i32
        %dma_start3A_166 = arith.constant 0 : i32
        %dma_start3A_167 = tpu.memref_slice %arg3[%add3A_76, %add3A_83, %while3A_158, %dma_start3A_165, %dma_start3A_166] : memref<4x32x200x2x128xi32, #tpu.memory_space<hbm>> -> memref<1x1x1x2x128xi32, #tpu.memory_space<hbm>>
        %dma_start3A_168 = tpu.memref_squeeze %dma_start3A_167 : memref<1x1x1x2x128xi32, #tpu.memory_space<hbm>> -> memref<2x128xi32, #tpu.memory_space<hbm>>
        tpu.enqueue_dma source(%dma_start3A_168 : memref<2x128xi32, #tpu.memory_space<hbm>>) target(%arg8 : memref<2x128xi32, #tpu.memory_space<vmem>>) target_semaphore(%run_scoped3A_161 : memref<!tpu.dma_semaphore, #tpu.memory_space<semaphore_mem>>)
        %dma_wait3A = arith.constant 0 : i32
        %dma_wait3A_169 = arith.constant 0 : i32
        %dma_wait3A_170 = tpu.memref_slice %arg3[%add3A_76, %add3A_83, %while3A_158, %dma_wait3A, %dma_wait3A_169] : memref<4x32x200x2x128xi32, #tpu.memory_space<hbm>> -> memref<1x1x1x2x128xi32, #tpu.memory_space<hbm>>
        %dma_wait3A_171 = tpu.memref_squeeze %dma_wait3A_170 : memref<1x1x1x2x128xi32, #tpu.memory_space<hbm>> -> memref<2x128xi32, #tpu.memory_space<hbm>>
        %dma_wait3A_172 = arith.constant 0 : i32
        %dma_wait3A_173 = arith.constant 0 : i32
        %dma_wait3A_174 = tpu.memref_slice %arg3[%add3A_76, %add3A_83, %while3A_158, %dma_wait3A_172, %dma_wait3A_173] : memref<4x32x200x2x128xi32, #tpu.memory_space<hbm>> -> memref<1x1x1x2x128xi32, #tpu.memory_space<hbm>>
        %dma_wait3A_175 = tpu.memref_squeeze %dma_wait3A_174 : memref<1x1x1x2x128xi32, #tpu.memory_space<hbm>> -> memref<2x128xi32, #tpu.memory_space<hbm>>
        tpu.wait_dma2 semaphore(%run_scoped3A_161 : memref<!tpu.dma_semaphore, #tpu.memory_space<semaphore_mem>>) src(%dma_wait3A_175 : memref<2x128xi32, #tpu.memory_space<hbm>>) dst(%arg8 : memref<2x128xi32, #tpu.memory_space<vmem>>)
        tpu.yield
      }) : () -> ()
      %run_scoped3A_159 = arith.constant 0 : i32
      "tpu.region"() ({
        %run_scoped3A_161 = tpu.sem_alloc : memref<!tpu.dma_semaphore, #tpu.memory_space<semaphore_mem>>
        %dma_start3A = arith.constant 0 : i32
        %dma_start3A_162 = tpu.memref_slice %arg8[%run_scoped3A_159, %dma_start3A] : memref<2x128xi32, #tpu.memory_space<vmem>> -> memref<1x128xi32, #tpu.memory_space<vmem>>
        %dma_start3A_163 = tpu.memref_squeeze %dma_start3A_162 : memref<1x128xi32, #tpu.memory_space<vmem>> -> memref<128xi32, #tpu.memory_space<vmem>>
        %dma_start3A_164 = arith.constant 0 : i32
        %dma_start3A_165 = arith.constant 0 : i32
        %dma_start3A_166 = tpu.memref_slice %arg2[%dma_start3A_164, %dma_start3A_165] : memref<50000x128xf32, #tpu.memory_space<hbm>> -> memref<50000x128xf32, #tpu.memory_space<hbm>>
        tpu.enqueue_indirect_dma source(%dma_start3A_166 : memref<50000x128xf32, #tpu.memory_space<hbm>>) target(%arg10 : memref<128x128xf32, #tpu.memory_space<vmem>>) offsets(%dma_start3A_163 : memref<128xi32, #tpu.memory_space<vmem>>) semaphore(%run_scoped3A_161 : memref<!tpu.dma_semaphore, #tpu.memory_space<semaphore_mem>>)
        %dma_wait3A = arith.constant 0 : i32
        %dma_wait3A_167 = tpu.memref_slice %arg8[%run_scoped3A_159, %dma_wait3A] : memref<2x128xi32, #tpu.memory_space<vmem>> -> memref<1x128xi32, #tpu.memory_space<vmem>>
        %dma_wait3A_168 = tpu.memref_squeeze %dma_wait3A_167 : memref<1x128xi32, #tpu.memory_space<vmem>> -> memref<128xi32, #tpu.memory_space<vmem>>
        %dma_wait3A_169 = arith.constant 0 : i32
        %dma_wait3A_170 = arith.constant 0 : i32
        %dma_wait3A_171 = tpu.memref_slice %arg2[%dma_wait3A_169, %dma_wait3A_170] : memref<50000x128xf32, #tpu.memory_space<hbm>> -> memref<50000x128xf32, #tpu.memory_space<hbm>>
        tpu.wait_indirect_dma semaphore(%run_scoped3A_161 : memref<!tpu.dma_semaphore, #tpu.memory_space<semaphore_mem>>) src(%dma_wait3A_171 : memref<50000x128xf32, #tpu.memory_space<hbm>>) dst(%arg10 : memref<128x128xf32, #tpu.memory_space<vmem>>)
        tpu.yield
      }) : () -> ()
      %run_scoped3A_160 = arith.constant 1 : i32
      "tpu.region"() ({
        %run_scoped3A_161 = tpu.sem_alloc : memref<!tpu.dma_semaphore, #tpu.memory_space<semaphore_mem>>
        %dma_start3A = arith.constant 0 : i32
        %dma_start3A_162 = tpu.memref_slice %arg8[%run_scoped3A_160, %dma_start3A] : memref<2x128xi32, #tpu.memory_space<vmem>> -> memref<1x128xi32, #tpu.memory_space<vmem>>
        %dma_start3A_163 = tpu.memref_squeeze %dma_start3A_162 : memref<1x128xi32, #tpu.memory_space<vmem>> -> memref<128xi32, #tpu.memory_space<vmem>>
        %dma_start3A_164 = arith.constant 0 : i32
        %dma_start3A_165 = arith.constant 0 : i32
        %dma_start3A_166 = tpu.memref_slice %arg7[%dma_start3A_164, %dma_start3A_165] : memref<12544x128xf32, #tpu.memory_space<vmem_shared>> -> memref<12544x128xf32, #tpu.memory_space<vmem_shared>>
        tpu.enqueue_indirect_dma source(%arg10 : memref<128x128xf32, #tpu.memory_space<vmem>>) target(%dma_start3A_166 : memref<12544x128xf32, #tpu.memory_space<vmem_shared>>) offsets(%dma_start3A_163 : memref<128xi32, #tpu.memory_space<vmem>>) semaphore(%run_scoped3A_161 : memref<!tpu.dma_semaphore, #tpu.memory_space<semaphore_mem>>) {add = true}
        %dma_wait3A = arith.constant 0 : i32
        %dma_wait3A_167 = tpu.memref_slice %arg8[%run_scoped3A_160, %dma_wait3A] : memref<2x128xi32, #tpu.memory_space<vmem>> -> memref<1x128xi32, #tpu.memory_space<vmem>>
        %dma_wait3A_168 = tpu.memref_squeeze %dma_wait3A_167 : memref<1x128xi32, #tpu.memory_space<vmem>> -> memref<128xi32, #tpu.memory_space<vmem>>
        %dma_wait3A_169 = arith.constant 0 : i32
        %dma_wait3A_170 = arith.constant 0 : i32
        %dma_wait3A_171 = tpu.memref_slice %arg7[%dma_wait3A_169, %dma_wait3A_170] : memref<12544x128xf32, #tpu.memory_space<vmem_shared>> -> memref<12544x128xf32, #tpu.memory_space<vmem_shared>>
        tpu.wait_indirect_dma semaphore(%run_scoped3A_161 : memref<!tpu.dma_semaphore, #tpu.memory_space<semaphore_mem>>) src(%arg10 : memref<128x128xf32, #tpu.memory_space<vmem>>) dst(%dma_wait3A_171 : memref<12544x128xf32, #tpu.memory_space<vmem_shared>>)
        tpu.yield
      }) : () -> ()
    }
    %mul3A_105 = arith.constant 2 : i32
    %mul3A_106 = arith.muli %arg1, %mul3A_105 : i32
    %add3A_107 = arith.constant 1 : i32
    %add3A_108 = arith.addi %mul3A_106, %add3A_107 : i32
    %run_scoped3A_109 = arith.constant 0 : i32
    "tpu.region"() ({
      %run_scoped3A_158 = tpu.sem_alloc : memref<!tpu.dma_semaphore, #tpu.memory_space<semaphore_mem>>
      %dma_start3A = arith.constant 0 : i32
      %dma_start3A_159 = tpu.memref_slice %arg4[%add3A_76, %add3A_108, %run_scoped3A_109, %dma_start3A] : memref<4x32x1x128xi32, #tpu.memory_space<hbm>> -> memref<1x1x1x128xi32, #tpu.memory_space<hbm>>
      %dma_start3A_160 = tpu.memref_squeeze %dma_start3A_159 : memref<1x1x1x128xi32, #tpu.memory_space<hbm>> -> memref<128xi32, #tpu.memory_space<hbm>>
      %dma_start3A_161 = arith.constant 0 : i32
      %dma_start3A_162 = tpu.memref_slice %arg4[%add3A_76, %add3A_108, %run_scoped3A_109, %dma_start3A_161] : memref<4x32x1x128xi32, #tpu.memory_space<hbm>> -> memref<1x1x1x128xi32, #tpu.memory_space<hbm>>
      %dma_start3A_163 = tpu.memref_squeeze %dma_start3A_162 : memref<1x1x1x128xi32, #tpu.memory_space<hbm>> -> memref<128xi32, #tpu.memory_space<hbm>>
      tpu.enqueue_dma source(%dma_start3A_163 : memref<128xi32, #tpu.memory_space<hbm>>) target(%arg9 : memref<128xi32, #tpu.memory_space<vmem>>) target_semaphore(%run_scoped3A_158 : memref<!tpu.dma_semaphore, #tpu.memory_space<semaphore_mem>>)
      %dma_wait3A = arith.constant 0 : i32
      %dma_wait3A_164 = tpu.memref_slice %arg4[%add3A_76, %add3A_108, %run_scoped3A_109, %dma_wait3A] : memref<4x32x1x128xi32, #tpu.memory_space<hbm>> -> memref<1x1x1x128xi32, #tpu.memory_space<hbm>>
      %dma_wait3A_165 = tpu.memref_squeeze %dma_wait3A_164 : memref<1x1x1x128xi32, #tpu.memory_space<hbm>> -> memref<128xi32, #tpu.memory_space<hbm>>
      %dma_wait3A_166 = arith.constant 0 : i32
      %dma_wait3A_167 = tpu.memref_slice %arg4[%add3A_76, %add3A_108, %run_scoped3A_109, %dma_wait3A_166] : memref<4x32x1x128xi32, #tpu.memory_space<hbm>> -> memref<1x1x1x128xi32, #tpu.memory_space<hbm>>
      %dma_wait3A_168 = tpu.memref_squeeze %dma_wait3A_167 : memref<1x1x1x128xi32, #tpu.memory_space<hbm>> -> memref<128xi32, #tpu.memory_space<hbm>>
      tpu.wait_dma2 semaphore(%run_scoped3A_158 : memref<!tpu.dma_semaphore, #tpu.memory_space<semaphore_mem>>) src(%dma_wait3A_168 : memref<128xi32, #tpu.memory_space<hbm>>) dst(%arg9 : memref<128xi32, #tpu.memory_space<vmem>>)
      tpu.yield
    }) : () -> ()
    %get3A_110 = arith.constant 0 : index
    %get3A_111 = tpu.vector_load %arg9[%get3A_110] {strides = array<i32>} : memref<128xi32, #tpu.memory_space<vmem>>, vector<16xi32>,
    %reduce_max3A_112 = arith.constant true
    %reduce_max3A_113 = vector.broadcast %reduce_max3A_112 : i1 to vector<16xi1>
    %reduce_max3A_114 = arith.constant -2147483648 : i32
    %reduce_max3A_115 = vector.broadcast %reduce_max3A_114 : i32 to vector<16xi32>
    %reduce_max3A_116 = arith.xori %get3A_111, %reduce_max3A_115 : vector<16xi32>
    %reduce_max3A_117 = tpu.scan <max>, %reduce_max3A_116 masked %reduce_max3A_113 : vector<16xi32>, vector<16xi1> -> vector<16xi32>
    %reduce_max3A_118 = arith.xori %reduce_max3A_117, %reduce_max3A_115 : vector<16xi32>
    %reduce_max3A_119 = vector.extract %reduce_max3A_118[15] : i32 from vector<16xi32>
    %while3A_120 = arith.constant 0 : i32
    %while3A_121 = arith.constant 0 : i32
    %while3A_122 = arith.subi %reduce_max3A_119, %while3A_121 : i32
    %while3A_123 = arith.addi %while3A_121, %while3A_122 : i32
    %while3A_124 = arith.constant 1 : i32
    %while3A_125 = arith.divsi %while3A_122, %while3A_124 : i32
    %while3A_126 = arith.muli %while3A_125, %while3A_124 : i32
    %while3A_127 = arith.addi %while3A_121, %while3A_126 : i32
    %while3A_128 = arith.constant 1 : i32
    scf.for %while3A_158 = %while3A_121 to %while3A_127 step %while3A_128  : i32 {
      "tpu.region"() ({
        %run_scoped3A_161 = tpu.sem_alloc : memref<!tpu.dma_semaphore, #tpu.memory_space<semaphore_mem>>
        %dma_start3A = arith.constant 0 : i32
        %dma_start3A_162 = arith.constant 0 : i32
        %dma_start3A_163 = tpu.memref_slice %arg3[%add3A_76, %add3A_108, %while3A_158, %dma_start3A, %dma_start3A_162] : memref<4x32x200x2x128xi32, #tpu.memory_space<hbm>> -> memref<1x1x1x2x128xi32, #tpu.memory_space<hbm>>
        %dma_start3A_164 = tpu.memref_squeeze %dma_start3A_163 : memref<1x1x1x2x128xi32, #tpu.memory_space<hbm>> -> memref<2x128xi32, #tpu.memory_space<hbm>>
        %dma_start3A_165 = arith.constant 0 : i32
        %dma_start3A_166 = arith.constant 0 : i32
        %dma_start3A_167 = tpu.memref_slice %arg3[%add3A_76, %add3A_108, %while3A_158, %dma_start3A_165, %dma_start3A_166] : memref<4x32x200x2x128xi32, #tpu.memory_space<hbm>> -> memref<1x1x1x2x128xi32, #tpu.memory_space<hbm>>
        %dma_start3A_168 = tpu.memref_squeeze %dma_start3A_167 : memref<1x1x1x2x128xi32, #tpu.memory_space<hbm>> -> memref<2x128xi32, #tpu.memory_space<hbm>>
        tpu.enqueue_dma source(%dma_start3A_168 : memref<2x128xi32, #tpu.memory_space<hbm>>) target(%arg8 : memref<2x128xi32, #tpu.memory_space<vmem>>) target_semaphore(%run_scoped3A_161 : memref<!tpu.dma_semaphore, #tpu.memory_space<semaphore_mem>>)
        %dma_wait3A = arith.constant 0 : i32
        %dma_wait3A_169 = arith.constant 0 : i32
        %dma_wait3A_170 = tpu.memref_slice %arg3[%add3A_76, %add3A_108, %while3A_158, %dma_wait3A, %dma_wait3A_169] : memref<4x32x200x2x128xi32, #tpu.memory_space<hbm>> -> memref<1x1x1x2x128xi32, #tpu.memory_space<hbm>>
        %dma_wait3A_171 = tpu.memref_squeeze %dma_wait3A_170 : memref<1x1x1x2x128xi32, #tpu.memory_space<hbm>> -> memref<2x128xi32, #tpu.memory_space<hbm>>
        %dma_wait3A_172 = arith.constant 0 : i32
        %dma_wait3A_173 = arith.constant 0 : i32
        %dma_wait3A_174 = tpu.memref_slice %arg3[%add3A_76, %add3A_108, %while3A_158, %dma_wait3A_172, %dma_wait3A_173] : memref<4x32x200x2x128xi32, #tpu.memory_space<hbm>> -> memref<1x1x1x2x128xi32, #tpu.memory_space<hbm>>
        %dma_wait3A_175 = tpu.memref_squeeze %dma_wait3A_174 : memref<1x1x1x2x128xi32, #tpu.memory_space<hbm>> -> memref<2x128xi32, #tpu.memory_space<hbm>>
        tpu.wait_dma2 semaphore(%run_scoped3A_161 : memref<!tpu.dma_semaphore, #tpu.memory_space<semaphore_mem>>) src(%dma_wait3A_175 : memref<2x128xi32, #tpu.memory_space<hbm>>) dst(%arg8 : memref<2x128xi32, #tpu.memory_space<vmem>>)
        tpu.yield
      }) : () -> ()
      %run_scoped3A_159 = arith.constant 0 : i32
      "tpu.region"() ({
        %run_scoped3A_161 = tpu.sem_alloc : memref<!tpu.dma_semaphore, #tpu.memory_space<semaphore_mem>>
        %dma_start3A = arith.constant 0 : i32
        %dma_start3A_162 = tpu.memref_slice %arg8[%run_scoped3A_159, %dma_start3A] : memref<2x128xi32, #tpu.memory_space<vmem>> -> memref<1x128xi32, #tpu.memory_space<vmem>>
        %dma_start3A_163 = tpu.memref_squeeze %dma_start3A_162 : memref<1x128xi32, #tpu.memory_space<vmem>> -> memref<128xi32, #tpu.memory_space<vmem>>
        %dma_start3A_164 = arith.constant 0 : i32
        %dma_start3A_165 = arith.constant 0 : i32
        %dma_start3A_166 = tpu.memref_slice %arg2[%dma_start3A_164, %dma_start3A_165] : memref<50000x128xf32, #tpu.memory_space<hbm>> -> memref<50000x128xf32, #tpu.memory_space<hbm>>
        tpu.enqueue_indirect_dma source(%dma_start3A_166 : memref<50000x128xf32, #tpu.memory_space<hbm>>) target(%arg10 : memref<128x128xf32, #tpu.memory_space<vmem>>) offsets(%dma_start3A_163 : memref<128xi32, #tpu.memory_space<vmem>>) semaphore(%run_scoped3A_161 : memref<!tpu.dma_semaphore, #tpu.memory_space<semaphore_mem>>)
        %dma_wait3A = arith.constant 0 : i32
        %dma_wait3A_167 = tpu.memref_slice %arg8[%run_scoped3A_159, %dma_wait3A] : memref<2x128xi32, #tpu.memory_space<vmem>> -> memref<1x128xi32, #tpu.memory_space<vmem>>
        %dma_wait3A_168 = tpu.memref_squeeze %dma_wait3A_167 : memref<1x128xi32, #tpu.memory_space<vmem>> -> memref<128xi32, #tpu.memory_space<vmem>>
        %dma_wait3A_169 = arith.constant 0 : i32
        %dma_wait3A_170 = arith.constant 0 : i32
        %dma_wait3A_171 = tpu.memref_slice %arg2[%dma_wait3A_169, %dma_wait3A_170] : memref<50000x128xf32, #tpu.memory_space<hbm>> -> memref<50000x128xf32, #tpu.memory_space<hbm>>
        tpu.wait_indirect_dma semaphore(%run_scoped3A_161 : memref<!tpu.dma_semaphore, #tpu.memory_space<semaphore_mem>>) src(%dma_wait3A_171 : memref<50000x128xf32, #tpu.memory_space<hbm>>) dst(%arg10 : memref<128x128xf32, #tpu.memory_space<vmem>>)
        tpu.yield
      }) : () -> ()
      %run_scoped3A_160 = arith.constant 1 : i32
      "tpu.region"() ({
        %run_scoped3A_161 = tpu.sem_alloc : memref<!tpu.dma_semaphore, #tpu.memory_space<semaphore_mem>>
        %dma_start3A = arith.constant 0 : i32
        %dma_start3A_162 = tpu.memref_slice %arg8[%run_scoped3A_160, %dma_start3A] : memref<2x128xi32, #tpu.memory_space<vmem>> -> memref<1x128xi32, #tpu.memory_space<vmem>>
        %dma_start3A_163 = tpu.memref_squeeze %dma_start3A_162 : memref<1x128xi32, #tpu.memory_space<vmem>> -> memref<128xi32, #tpu.memory_space<vmem>>
        %dma_start3A_164 = arith.constant 0 : i32
        %dma_start3A_165 = arith.constant 0 : i32
        %dma_start3A_166 = tpu.memref_slice %arg7[%dma_start3A_164, %dma_start3A_165] : memref<12544x128xf32, #tpu.memory_space<vmem_shared>> -> memref<12544x128xf32, #tpu.memory_space<vmem_shared>>
        tpu.enqueue_indirect_dma source(%arg10 : memref<128x128xf32, #tpu.memory_space<vmem>>) target(%dma_start3A_166 : memref<12544x128xf32, #tpu.memory_space<vmem_shared>>) offsets(%dma_start3A_163 : memref<128xi32, #tpu.memory_space<vmem>>) semaphore(%run_scoped3A_161 : memref<!tpu.dma_semaphore, #tpu.memory_space<semaphore_mem>>) {add = true}
        %dma_wait3A = arith.constant 0 : i32
        %dma_wait3A_167 = tpu.memref_slice %arg8[%run_scoped3A_160, %dma_wait3A] : memref<2x128xi32, #tpu.memory_space<vmem>> -> memref<1x128xi32, #tpu.memory_space<vmem>>
        %dma_wait3A_168 = tpu.memref_squeeze %dma_wait3A_167 : memref<1x128xi32, #tpu.memory_space<vmem>> -> memref<128xi32, #tpu.memory_space<vmem>>
        %dma_wait3A_169 = arith.constant 0 : i32
        %dma_wait3A_170 = arith.constant 0 : i32
        %dma_wait3A_171 = tpu.memref_slice %arg7[%dma_wait3A_169, %dma_wait3A_170] : memref<12544x128xf32, #tpu.memory_space<vmem_shared>> -> memref<12544x128xf32, #tpu.memory_space<vmem_shared>>
        tpu.wait_indirect_dma semaphore(%run_scoped3A_161 : memref<!tpu.dma_semaphore, #tpu.memory_space<semaphore_mem>>) src(%arg10 : memref<128x128xf32, #tpu.memory_space<vmem>>) dst(%dma_wait3A_171 : memref<12544x128xf32, #tpu.memory_space<vmem_shared>>)
        tpu.yield
      }) : () -> ()
    }
    %while3A_129 = arith.constant 1 : i32
    scf.for %while3A_158 = %while3A_127 to %while3A_123 step %while3A_129  : i32 {
      "tpu.region"() ({
        %run_scoped3A_161 = tpu.sem_alloc : memref<!tpu.dma_semaphore, #tpu.memory_space<semaphore_mem>>
        %dma_start3A = arith.constant 0 : i32
        %dma_start3A_162 = arith.constant 0 : i32
        %dma_start3A_163 = tpu.memref_slice %arg3[%add3A_76, %add3A_108, %while3A_158, %dma_start3A, %dma_start3A_162] : memref<4x32x200x2x128xi32, #tpu.memory_space<hbm>> -> memref<1x1x1x2x128xi32, #tpu.memory_space<hbm>>
        %dma_start3A_164 = tpu.memref_squeeze %dma_start3A_163 : memref<1x1x1x2x128xi32, #tpu.memory_space<hbm>> -> memref<2x128xi32, #tpu.memory_space<hbm>>
        %dma_start3A_165 = arith.constant 0 : i32
        %dma_start3A_166 = arith.constant 0 : i32
        %dma_start3A_167 = tpu.memref_slice %arg3[%add3A_76, %add3A_108, %while3A_158, %dma_start3A_165, %dma_start3A_166] : memref<4x32x200x2x128xi32, #tpu.memory_space<hbm>> -> memref<1x1x1x2x128xi32, #tpu.memory_space<hbm>>
        %dma_start3A_168 = tpu.memref_squeeze %dma_start3A_167 : memref<1x1x1x2x128xi32, #tpu.memory_space<hbm>> -> memref<2x128xi32, #tpu.memory_space<hbm>>
        tpu.enqueue_dma source(%dma_start3A_168 : memref<2x128xi32, #tpu.memory_space<hbm>>) target(%arg8 : memref<2x128xi32, #tpu.memory_space<vmem>>) target_semaphore(%run_scoped3A_161 : memref<!tpu.dma_semaphore, #tpu.memory_space<semaphore_mem>>)
        %dma_wait3A = arith.constant 0 : i32
        %dma_wait3A_169 = arith.constant 0 : i32
        %dma_wait3A_170 = tpu.memref_slice %arg3[%add3A_76, %add3A_108, %while3A_158, %dma_wait3A, %dma_wait3A_169] : memref<4x32x200x2x128xi32, #tpu.memory_space<hbm>> -> memref<1x1x1x2x128xi32, #tpu.memory_space<hbm>>
        %dma_wait3A_171 = tpu.memref_squeeze %dma_wait3A_170 : memref<1x1x1x2x128xi32, #tpu.memory_space<hbm>> -> memref<2x128xi32, #tpu.memory_space<hbm>>
        %dma_wait3A_172 = arith.constant 0 : i32
        %dma_wait3A_173 = arith.constant 0 : i32
        %dma_wait3A_174 = tpu.memref_slice %arg3[%add3A_76, %add3A_108, %while3A_158, %dma_wait3A_172, %dma_wait3A_173] : memref<4x32x200x2x128xi32, #tpu.memory_space<hbm>> -> memref<1x1x1x2x128xi32, #tpu.memory_space<hbm>>
        %dma_wait3A_175 = tpu.memref_squeeze %dma_wait3A_174 : memref<1x1x1x2x128xi32, #tpu.memory_space<hbm>> -> memref<2x128xi32, #tpu.memory_space<hbm>>
        tpu.wait_dma2 semaphore(%run_scoped3A_161 : memref<!tpu.dma_semaphore, #tpu.memory_space<semaphore_mem>>) src(%dma_wait3A_175 : memref<2x128xi32, #tpu.memory_space<hbm>>) dst(%arg8 : memref<2x128xi32, #tpu.memory_space<vmem>>)
        tpu.yield
      }) : () -> ()
      %run_scoped3A_159 = arith.constant 0 : i32
      "tpu.region"() ({
        %run_scoped3A_161 = tpu.sem_alloc : memref<!tpu.dma_semaphore, #tpu.memory_space<semaphore_mem>>
        %dma_start3A = arith.constant 0 : i32
        %dma_start3A_162 = tpu.memref_slice %arg8[%run_scoped3A_159, %dma_start3A] : memref<2x128xi32, #tpu.memory_space<vmem>> -> memref<1x128xi32, #tpu.memory_space<vmem>>
        %dma_start3A_163 = tpu.memref_squeeze %dma_start3A_162 : memref<1x128xi32, #tpu.memory_space<vmem>> -> memref<128xi32, #tpu.memory_space<vmem>>
        %dma_start3A_164 = arith.constant 0 : i32
        %dma_start3A_165 = arith.constant 0 : i32
        %dma_start3A_166 = tpu.memref_slice %arg2[%dma_start3A_164, %dma_start3A_165] : memref<50000x128xf32, #tpu.memory_space<hbm>> -> memref<50000x128xf32, #tpu.memory_space<hbm>>
        tpu.enqueue_indirect_dma source(%dma_start3A_166 : memref<50000x128xf32, #tpu.memory_space<hbm>>) target(%arg10 : memref<128x128xf32, #tpu.memory_space<vmem>>) offsets(%dma_start3A_163 : memref<128xi32, #tpu.memory_space<vmem>>) semaphore(%run_scoped3A_161 : memref<!tpu.dma_semaphore, #tpu.memory_space<semaphore_mem>>)
        %dma_wait3A = arith.constant 0 : i32
        %dma_wait3A_167 = tpu.memref_slice %arg8[%run_scoped3A_159, %dma_wait3A] : memref<2x128xi32, #tpu.memory_space<vmem>> -> memref<1x128xi32, #tpu.memory_space<vmem>>
        %dma_wait3A_168 = tpu.memref_squeeze %dma_wait3A_167 : memref<1x128xi32, #tpu.memory_space<vmem>> -> memref<128xi32, #tpu.memory_space<vmem>>
        %dma_wait3A_169 = arith.constant 0 : i32
        %dma_wait3A_170 = arith.constant 0 : i32
        %dma_wait3A_171 = tpu.memref_slice %arg2[%dma_wait3A_169, %dma_wait3A_170] : memref<50000x128xf32, #tpu.memory_space<hbm>> -> memref<50000x128xf32, #tpu.memory_space<hbm>>
        tpu.wait_indirect_dma semaphore(%run_scoped3A_161 : memref<!tpu.dma_semaphore, #tpu.memory_space<semaphore_mem>>) src(%dma_wait3A_171 : memref<50000x128xf32, #tpu.memory_space<hbm>>) dst(%arg10 : memref<128x128xf32, #tpu.memory_space<vmem>>)
        tpu.yield
      }) : () -> ()
      %run_scoped3A_160 = arith.constant 1 : i32
      "tpu.region"() ({
        %run_scoped3A_161 = tpu.sem_alloc : memref<!tpu.dma_semaphore, #tpu.memory_space<semaphore_mem>>
        %dma_start3A = arith.constant 0 : i32
        %dma_start3A_162 = tpu.memref_slice %arg8[%run_scoped3A_160, %dma_start3A] : memref<2x128xi32, #tpu.memory_space<vmem>> -> memref<1x128xi32, #tpu.memory_space<vmem>>
        %dma_start3A_163 = tpu.memref_squeeze %dma_start3A_162 : memref<1x128xi32, #tpu.memory_space<vmem>> -> memref<128xi32, #tpu.memory_space<vmem>>
        %dma_start3A_164 = arith.constant 0 : i32
        %dma_start3A_165 = arith.constant 0 : i32
        %dma_start3A_166 = tpu.memref_slice %arg7[%dma_start3A_164, %dma_start3A_165] : memref<12544x128xf32, #tpu.memory_space<vmem_shared>> -> memref<12544x128xf32, #tpu.memory_space<vmem_shared>>
        tpu.enqueue_indirect_dma source(%arg10 : memref<128x128xf32, #tpu.memory_space<vmem>>) target(%dma_start3A_166 : memref<12544x128xf32, #tpu.memory_space<vmem_shared>>) offsets(%dma_start3A_163 : memref<128xi32, #tpu.memory_space<vmem>>) semaphore(%run_scoped3A_161 : memref<!tpu.dma_semaphore, #tpu.memory_space<semaphore_mem>>) {add = true}
        %dma_wait3A = arith.constant 0 : i32
        %dma_wait3A_167 = tpu.memref_slice %arg8[%run_scoped3A_160, %dma_wait3A] : memref<2x128xi32, #tpu.memory_space<vmem>> -> memref<1x128xi32, #tpu.memory_space<vmem>>
        %dma_wait3A_168 = tpu.memref_squeeze %dma_wait3A_167 : memref<1x128xi32, #tpu.memory_space<vmem>> -> memref<128xi32, #tpu.memory_space<vmem>>
        %dma_wait3A_169 = arith.constant 0 : i32
        %dma_wait3A_170 = arith.constant 0 : i32
        %dma_wait3A_171 = tpu.memref_slice %arg7[%dma_wait3A_169, %dma_wait3A_170] : memref<12544x128xf32, #tpu.memory_space<vmem_shared>> -> memref<12544x128xf32, #tpu.memory_space<vmem_shared>>
        tpu.wait_indirect_dma semaphore(%run_scoped3A_161 : memref<!tpu.dma_semaphore, #tpu.memory_space<semaphore_mem>>) src(%arg10 : memref<128x128xf32, #tpu.memory_space<vmem>>) dst(%dma_wait3A_171 : memref<12544x128xf32, #tpu.memory_space<vmem_shared>>)
        tpu.yield
      }) : () -> ()
    }
    %barrier3A_130 = arith.constant 0 : index
    tpu.barrier barrier_id(%barrier3A_130)
    %mul3A_131 = arith.constant 12504 : i32
    %mul3A_132 = arith.muli %add3A_76, %mul3A_131 : i32
    %mul3A_133 = arith.constant 784 : i32
    %mul3A_134 = arith.muli %arg1, %mul3A_133 : i32
    %add3A_135 = arith.addi %mul3A_132, %mul3A_134 : i32
    %lt3A_136 = arith.constant 15 : i32
    %lt3A_137 = arith.cmpi slt, %arg1, %lt3A_136 : i32
    %convert_element_type3A_138 = arith.extui %lt3A_137 : i1 to i32
    %cond3A_139 = arith.constant 0 : i32
    %cond3A_140 = arith.cmpi ne, %convert_element_type3A_138, %cond3A_139 : i32
    scf.if %cond3A_140 {
      %mul3A_158 = arith.constant 784 : i32
      %mul3A_159 = arith.muli %arg1, %mul3A_158 : i32
      "tpu.region"() ({
        %run_scoped3A_160 = tpu.sem_alloc : memref<!tpu.dma_semaphore, #tpu.memory_space<semaphore_mem>>
        %dma_start3A = arith.constant 0 : i32
        %dma_start3A_161 = tpu.memref_slice %arg6[%add3A_135, %dma_start3A] : memref<50000x128xf32, #tpu.memory_space<hbm>> -> memref<784x128xf32, #tpu.memory_space<hbm>>
        %dma_start3A_162 = arith.constant 0 : i32
        %dma_start3A_163 = tpu.memref_slice %arg7[%mul3A_159, %dma_start3A_162] : memref<12544x128xf32, #tpu.memory_space<vmem_shared>> -> memref<784x128xf32, #tpu.memory_space<vmem_shared>>
        tpu.enqueue_dma source(%dma_start3A_163 : memref<784x128xf32, #tpu.memory_space<vmem_shared>>) target(%dma_start3A_161 : memref<784x128xf32, #tpu.memory_space<hbm>>) target_semaphore(%run_scoped3A_160 : memref<!tpu.dma_semaphore, #tpu.memory_space<semaphore_mem>>)
        %dma_wait3A = arith.constant 0 : i32
        %dma_wait3A_164 = tpu.memref_slice %arg6[%add3A_135, %dma_wait3A] : memref<50000x128xf32, #tpu.memory_space<hbm>> -> memref<784x128xf32, #tpu.memory_space<hbm>>
        %dma_wait3A_165 = arith.constant 0 : i32
        %dma_wait3A_166 = tpu.memref_slice %arg7[%mul3A_159, %dma_wait3A_165] : memref<12544x128xf32, #tpu.memory_space<vmem_shared>> -> memref<784x128xf32, #tpu.memory_space<vmem_shared>>
        tpu.wait_dma2 semaphore(%run_scoped3A_160 : memref<!tpu.dma_semaphore, #tpu.memory_space<semaphore_mem>>) src(%dma_wait3A_166 : memref<784x128xf32, #tpu.memory_space<vmem_shared>>) dst(%dma_wait3A_164 : memref<784x128xf32, #tpu.memory_space<hbm>>)
        tpu.yield
      }) : () -> ()
    } else {
    }
    %eq3A_141 = arith.constant 15 : i32
    %eq3A_142 = arith.cmpi eq, %arg1, %eq3A_141 : i32
    %lt3A_143 = arith.constant 3 : i32
    %lt3A_144 = arith.cmpi slt, %add3A_76, %lt3A_143 : i32
    %and3A_145 = arith.andi %eq3A_142, %lt3A_144 : i1
    %convert_element_type3A_146 = arith.extui %and3A_145 : i1 to i32
    %cond3A_147 = arith.constant 0 : i32
    %cond3A_148 = arith.cmpi ne, %convert_element_type3A_146, %cond3A_147 : i32
    scf.if %cond3A_148 {
      "tpu.region"() ({
        %run_scoped3A_158 = tpu.sem_alloc : memref<!tpu.dma_semaphore, #tpu.memory_space<semaphore_mem>>
        %dma_start3A = arith.constant 0 : i32
        %dma_start3A_159 = tpu.memref_slice %arg6[%add3A_135, %dma_start3A] : memref<50000x128xf32, #tpu.memory_space<hbm>> -> memref<744x128xf32, #tpu.memory_space<hbm>>
        %dma_start3A_160 = arith.constant 11760 : i32
        %dma_start3A_161 = arith.constant 0 : i32
        %dma_start3A_162 = tpu.memref_slice %arg7[%dma_start3A_160, %dma_start3A_161] : memref<12544x128xf32, #tpu.memory_space<vmem_shared>> -> memref<744x128xf32, #tpu.memory_space<vmem_shared>>
        tpu.enqueue_dma source(%dma_start3A_162 : memref<744x128xf32, #tpu.memory_space<vmem_shared>>) target(%dma_start3A_159 : memref<744x128xf32, #tpu.memory_space<hbm>>) target_semaphore(%run_scoped3A_158 : memref<!tpu.dma_semaphore, #tpu.memory_space<semaphore_mem>>)
        %dma_wait3A = arith.constant 0 : i32
        %dma_wait3A_163 = tpu.memref_slice %arg6[%add3A_135, %dma_wait3A] : memref<50000x128xf32, #tpu.memory_space<hbm>> -> memref<744x128xf32, #tpu.memory_space<hbm>>
        %dma_wait3A_164 = arith.constant 11760 : i32
        %dma_wait3A_165 = arith.constant 0 : i32
        %dma_wait3A_166 = tpu.memref_slice %arg7[%dma_wait3A_164, %dma_wait3A_165] : memref<12544x128xf32, #tpu.memory_space<vmem_shared>> -> memref<744x128xf32, #tpu.memory_space<vmem_shared>>
        tpu.wait_dma2 semaphore(%run_scoped3A_158 : memref<!tpu.dma_semaphore, #tpu.memory_space<semaphore_mem>>) src(%dma_wait3A_166 : memref<744x128xf32, #tpu.memory_space<vmem_shared>>) dst(%dma_wait3A_163 : memref<744x128xf32, #tpu.memory_space<hbm>>)
        tpu.yield
      }) : () -> ()
    } else {
    }
    %eq3A_149 = arith.constant 15 : i32
    %eq3A_150 = arith.cmpi eq, %arg1, %eq3A_149 : i32
    %eq3A_151 = arith.constant 3 : i32
    %eq3A_152 = arith.cmpi eq, %add3A_76, %eq3A_151 : i32
    %and3A_153 = arith.andi %eq3A_150, %eq3A_152 : i1
    %convert_element_type3A_154 = arith.extui %and3A_153 : i1 to i32
    %cond3A_155 = arith.constant 0 : i32
    %cond3A_156 = arith.cmpi ne, %convert_element_type3A_154, %cond3A_155 : i32
    scf.if %cond3A_156 {
      "tpu.region"() ({
        %run_scoped3A_158 = tpu.sem_alloc : memref<!tpu.dma_semaphore, #tpu.memory_space<semaphore_mem>>
        %dma_start3A = arith.constant 0 : i32
        %dma_start3A_159 = tpu.memref_slice %arg6[%add3A_135, %dma_start3A] : memref<50000x128xf32, #tpu.memory_space<hbm>> -> memref<728x128xf32, #tpu.memory_space<hbm>>
        %dma_start3A_160 = arith.constant 11760 : i32
        %dma_start3A_161 = arith.constant 0 : i32
        %dma_start3A_162 = tpu.memref_slice %arg7[%dma_start3A_160, %dma_start3A_161] : memref<12544x128xf32, #tpu.memory_space<vmem_shared>> -> memref<728x128xf32, #tpu.memory_space<vmem_shared>>
        tpu.enqueue_dma source(%dma_start3A_162 : memref<728x128xf32, #tpu.memory_space<vmem_shared>>) target(%dma_start3A_159 : memref<728x128xf32, #tpu.memory_space<hbm>>) target_semaphore(%run_scoped3A_158 : memref<!tpu.dma_semaphore, #tpu.memory_space<semaphore_mem>>)
        %dma_wait3A = arith.constant 0 : i32
        %dma_wait3A_163 = tpu.memref_slice %arg6[%add3A_135, %dma_wait3A] : memref<50000x128xf32, #tpu.memory_space<hbm>> -> memref<728x128xf32, #tpu.memory_space<hbm>>
        %dma_wait3A_164 = arith.constant 11760 : i32
        %dma_wait3A_165 = arith.constant 0 : i32
        %dma_wait3A_166 = tpu.memref_slice %arg7[%dma_wait3A_164, %dma_wait3A_165] : memref<12544x128xf32, #tpu.memory_space<vmem_shared>> -> memref<728x128xf32, #tpu.memory_space<vmem_shared>>
        tpu.wait_dma2 semaphore(%run_scoped3A_158 : memref<!tpu.dma_semaphore, #tpu.memory_space<semaphore_mem>>) src(%dma_wait3A_166 : memref<728x128xf32, #tpu.memory_space<vmem_shared>>) dst(%dma_wait3A_163 : memref<728x128xf32, #tpu.memory_space<hbm>>)
        tpu.yield
      }) : () -> ()
    } else {
    }
    %barrier3A_157 = arith.constant 0 : index
    tpu.barrier barrier_id(%barrier3A_157)
    return
  }
}

module attributes {stable_mosaic.version = 14 : i64} {
  func.func @_m1_body(%arg0: i32, %arg1: memref<1000x1024xf32, #tpu.memory_space<vmem>>, %arg2: memref<1000x32xf32, #tpu.memory_space<vmem>>, %arg3: memref<1024x128xf32, #tpu.memory_space<vmem>>, %arg4: memref<1000x128xf32, #tpu.memory_space<vmem>>, %arg5: memref<1000x1xf32, #tpu.memory_space<vmem>>) attributes {dimension_semantics = [#tpu.dimension_semantics<arbitrary>], iteration_bounds = array<i64: 50>, scalar_prefetch = 0 : i64, scratch_operands = 0 : i64, tpu.core_type = #tpu.core_type<tc>, window_params = [{transform_indices = @transform_0, window_bounds = array<i64: 1000, 1024>}, {transform_indices = @transform_1, window_bounds = array<i64: 1000, 32>}, {pipeline_mode = #tpu.pipeline_mode<synchronous>, transform_indices = @transform_2, window_bounds = array<i64: 1024, 128>}, {transform_indices = @transform_3, window_bounds = array<i64: 1000, 128>}, {transform_indices = @transform_4, window_bounds = array<i64: 1000, 1>}]} {
    %get3A = arith.constant 0 : index
    %get3A_0 = arith.constant 0 : index
    %get3A_1 = vector.load %arg2[%get3A, %get3A_0] : memref<1000x32xf32, #tpu.memory_space<vmem>>, vector<1000x32xf32>
    %reduce_sum3A = arith.constant dense<0.000000e+00> : vector<1000xf32>
    %reduce_sum3A_2 = vector.multi_reduction <add>, %get3A_1, %reduce_sum3A [1] : vector<1000x32xf32> to vector<1000xf32>
    %add3A = arith.constant 1.000000e+00 : f32
    %add3A_3 = vector.broadcast %add3A : f32 to vector<1000xf32>
    %add3A_4 = arith.addf %reduce_sum3A_2, %add3A_3 : vector<1000xf32>
    %rsqrt3A = math.rsqrt %add3A_4 : vector<1000xf32>
    %broadcast_in_dim3A = vector.shape_cast %rsqrt3A : vector<1000xf32> to vector<1000x1xf32>
    %get3A_5 = arith.constant 0 : index
    %get3A_6 = arith.constant 0 : index
    %get3A_7 = vector.load %arg1[%get3A_5, %get3A_6] : memref<1000x1024xf32, #tpu.memory_space<vmem>>, vector<1000x1024xf32>
    %get3A_8 = arith.constant 0 : index
    %get3A_9 = arith.constant 0 : index
    %get3A_10 = vector.load %arg3[%get3A_8, %get3A_9] : memref<1024x128xf32, #tpu.memory_space<vmem>>, vector<1024x128xf32>
    %dot_general3A = arith.constant dense<0.000000e+00> : vector<1000x128xf32>
    %dot_general3A_11 = tpu.matmul %get3A_7, %get3A_10, %dot_general3A {dimension_numbers = #tpu.dot_dimension_numbers<[1], [0], [0], [1], [0, 0, 1, 1], [], []>, transpose_lhs_hint = false} : vector<1000x1024xf32>, vector<1024x128xf32>, vector<1000x128xf32> -> vector<1000x128xf32>
    %mul3A = vector.broadcast %broadcast_in_dim3A : vector<1000x1xf32> to vector<1000x128xf32>
    %mul3A_12 = arith.mulf %dot_general3A_11, %mul3A : vector<1000x128xf32>
    %swap3A = arith.constant 0 : index
    %swap3A_13 = arith.constant 0 : index
    %swap3A_14 = vector.load %arg4[%swap3A, %swap3A_13] : memref<1000x128xf32, #tpu.memory_space<vmem>>, vector<1000x128xf32>
    tpu.vector_store %arg4[%swap3A, %swap3A_13], %mul3A_12 {strides = array<i32>} : memref<1000x128xf32, #tpu.memory_space<vmem>>, vector<1000x128xf32>,
    %swap3A_15 = arith.constant 0 : index
    %swap3A_16 = arith.constant 0 : index
    %swap3A_17 = vector.load %arg5[%swap3A_15, %swap3A_16] : memref<1000x1xf32, #tpu.memory_space<vmem>>, vector<1000x1xf32>
    tpu.vector_store %arg5[%swap3A_15, %swap3A_16], %broadcast_in_dim3A {strides = array<i32>} : memref<1000x1xf32, #tpu.memory_space<vmem>>, vector<1000x1xf32>,
    return
  }
  func.func @transform_0(%arg0: i32) -> (i32, i32) {
    %c0_i32 = arith.constant 0 : i32
    %c0_i32_0 = arith.constant 0 : i32
    return %arg0, %c0_i32 : i32, i32
  }
  func.func @transform_1(%arg0: i32) -> (i32, i32) {
    %c0_i32 = arith.constant 0 : i32
    %c0_i32_0 = arith.constant 0 : i32
    return %arg0, %c0_i32 : i32, i32
  }
  func.func @transform_2(%arg0: i32) -> (i32, i32) {
    %c0_i32 = arith.constant 0 : i32
    %c0_i32_0 = arith.constant 0 : i32
    %c0_i32_1 = arith.constant 0 : i32
    return %c0_i32, %c0_i32_0 : i32, i32
  }
  func.func @transform_3(%arg0: i32) -> (i32, i32) {
    %c0_i32 = arith.constant 0 : i32
    %c0_i32_0 = arith.constant 0 : i32
    return %arg0, %c0_i32 : i32, i32
  }
  func.func @transform_4(%arg0: i32) -> (i32, i32) {
    %c0_i32 = arith.constant 0 : i32
    %c0_i32_0 = arith.constant 0 : i32
    return %arg0, %c0_i32 : i32, i32
  }
}

module attributes {stable_mosaic.version = 14 : i64} {
  func.func @_m2_body(%arg0: i32, %arg1: memref<1000x128xf32, #tpu.memory_space<vmem>>, %arg2: memref<1000x128xf32, #tpu.memory_space<vmem>>, %arg3: memref<1000x1xf32, #tpu.memory_space<vmem>>, %arg4: memref<128x128xf32, #tpu.memory_space<vmem>>, %arg5: memref<1x128xf32, #tpu.memory_space<vmem>>, %arg6: memref<1000x128xf32, #tpu.memory_space<vmem>>) attributes {dimension_semantics = [#tpu.dimension_semantics<arbitrary>], iteration_bounds = array<i64: 50>, scalar_prefetch = 0 : i64, scratch_operands = 0 : i64, tpu.core_type = #tpu.core_type<tc>, window_params = [{transform_indices = @transform_0, window_bounds = array<i64: 1000, 128>}, {transform_indices = @transform_1, window_bounds = array<i64: 1000, 128>}, {transform_indices = @transform_2, window_bounds = array<i64: 1000, 1>}, {pipeline_mode = #tpu.pipeline_mode<synchronous>, transform_indices = @transform_3, window_bounds = array<i64: 128, 128>}, {pipeline_mode = #tpu.pipeline_mode<synchronous>, transform_indices = @transform_4, window_bounds = array<i64: 1, 128>}, {transform_indices = @transform_5, window_bounds = array<i64: 1000, 128>}]} {
    %get3A = arith.constant 0 : index
    %get3A_0 = arith.constant 0 : index
    %get3A_1 = vector.load %arg3[%get3A, %get3A_0] : memref<1000x1xf32, #tpu.memory_space<vmem>>, vector<1000x1xf32>
    %get3A_2 = arith.constant 0 : index
    %get3A_3 = arith.constant 0 : index
    %get3A_4 = vector.load %arg1[%get3A_2, %get3A_3] : memref<1000x128xf32, #tpu.memory_space<vmem>>, vector<1000x128xf32>
    %get3A_5 = arith.constant 0 : index
    %get3A_6 = arith.constant 0 : index
    %get3A_7 = vector.load %arg2[%get3A_5, %get3A_6] : memref<1000x128xf32, #tpu.memory_space<vmem>>, vector<1000x128xf32>
    %add3A = arith.addf %get3A_4, %get3A_7 : vector<1000x128xf32>
    %mul3A = vector.broadcast %get3A_1 : vector<1000x1xf32> to vector<1000x128xf32>
    %mul3A_8 = arith.mulf %mul3A, %add3A : vector<1000x128xf32>
    %get3A_9 = arith.constant 0 : index
    %get3A_10 = arith.constant 0 : index
    %get3A_11 = vector.load %arg5[%get3A_9, %get3A_10] : memref<1x128xf32, #tpu.memory_space<vmem>>, vector<1x128xf32>
    %add3A_12 = vector.broadcast %get3A_11 : vector<1x128xf32> to vector<1000x128xf32>
    %add3A_13 = arith.addf %mul3A_8, %add3A_12 : vector<1000x128xf32>
    %max3A = arith.constant 0.000000e+00 : f32
    %max3A_14 = vector.broadcast %max3A : f32 to vector<1000x128xf32>
    %max3A_15 = arith.maximumf %add3A_13, %max3A_14 : vector<1000x128xf32>
    %get3A_16 = arith.constant 0 : index
    %get3A_17 = arith.constant 0 : index
    %get3A_18 = vector.load %arg4[%get3A_16, %get3A_17] : memref<128x128xf32, #tpu.memory_space<vmem>>, vector<128x128xf32>
    %dot_general3A = arith.constant dense<0.000000e+00> : vector<1000x128xf32>
    %dot_general3A_19 = tpu.matmul %max3A_15, %get3A_18, %dot_general3A {dimension_numbers = #tpu.dot_dimension_numbers<[1], [0], [0], [1], [0, 0, 1, 1], [], []>, transpose_lhs_hint = false} : vector<1000x128xf32>, vector<128x128xf32>, vector<1000x128xf32> -> vector<1000x128xf32>
    %mul3A_20 = vector.broadcast %get3A_1 : vector<1000x1xf32> to vector<1000x128xf32>
    %mul3A_21 = arith.mulf %mul3A_20, %dot_general3A_19 : vector<1000x128xf32>
    %swap3A = arith.constant 0 : index
    %swap3A_22 = arith.constant 0 : index
    %swap3A_23 = vector.load %arg6[%swap3A, %swap3A_22] : memref<1000x128xf32, #tpu.memory_space<vmem>>, vector<1000x128xf32>
    tpu.vector_store %arg6[%swap3A, %swap3A_22], %mul3A_21 {strides = array<i32>} : memref<1000x128xf32, #tpu.memory_space<vmem>>, vector<1000x128xf32>,
    return
  }
  func.func @transform_0(%arg0: i32) -> (i32, i32) {
    %c0_i32 = arith.constant 0 : i32
    %c0_i32_0 = arith.constant 0 : i32
    return %arg0, %c0_i32 : i32, i32
  }
  func.func @transform_1(%arg0: i32) -> (i32, i32) {
    %c0_i32 = arith.constant 0 : i32
    %c0_i32_0 = arith.constant 0 : i32
    return %arg0, %c0_i32 : i32, i32
  }
  func.func @transform_2(%arg0: i32) -> (i32, i32) {
    %c0_i32 = arith.constant 0 : i32
    %c0_i32_0 = arith.constant 0 : i32
    return %arg0, %c0_i32 : i32, i32
  }
  func.func @transform_3(%arg0: i32) -> (i32, i32) {
    %c0_i32 = arith.constant 0 : i32
    %c0_i32_0 = arith.constant 0 : i32
    %c0_i32_1 = arith.constant 0 : i32
    return %c0_i32, %c0_i32_0 : i32, i32
  }
  func.func @transform_4(%arg0: i32) -> (i32, i32) {
    %c0_i32 = arith.constant 0 : i32
    %c0_i32_0 = arith.constant 0 : i32
    %c0_i32_1 = arith.constant 0 : i32
    return %c0_i32, %c0_i32_0 : i32, i32
  }
  func.func @transform_5(%arg0: i32) -> (i32, i32) {
    %c0_i32 = arith.constant 0 : i32
    %c0_i32_0 = arith.constant 0 : i32
    return %arg0, %c0_i32 : i32, i32
  }
}

module attributes {stable_mosaic.version = 14 : i64} {
  func.func @_m3_body(%arg0: i32, %arg1: memref<1000x128xf32, #tpu.memory_space<vmem>>, %arg2: memref<1000x128xf32, #tpu.memory_space<vmem>>, %arg3: memref<1000x1xf32, #tpu.memory_space<vmem>>, %arg4: memref<1x128xf32, #tpu.memory_space<vmem>>, %arg5: memref<1000x128xf32, #tpu.memory_space<vmem>>) attributes {dimension_semantics = [#tpu.dimension_semantics<arbitrary>], iteration_bounds = array<i64: 50>, scalar_prefetch = 0 : i64, scratch_operands = 0 : i64, tpu.core_type = #tpu.core_type<tc>, window_params = [{transform_indices = @transform_0, window_bounds = array<i64: 1000, 128>}, {transform_indices = @transform_1, window_bounds = array<i64: 1000, 128>}, {transform_indices = @transform_2, window_bounds = array<i64: 1000, 1>}, {pipeline_mode = #tpu.pipeline_mode<synchronous>, transform_indices = @transform_3, window_bounds = array<i64: 1, 128>}, {transform_indices = @transform_4, window_bounds = array<i64: 1000, 128>}]} {
    %get3A = arith.constant 0 : index
    %get3A_0 = arith.constant 0 : index
    %get3A_1 = vector.load %arg3[%get3A, %get3A_0] : memref<1000x1xf32, #tpu.memory_space<vmem>>, vector<1000x1xf32>
    %get3A_2 = arith.constant 0 : index
    %get3A_3 = arith.constant 0 : index
    %get3A_4 = vector.load %arg1[%get3A_2, %get3A_3] : memref<1000x128xf32, #tpu.memory_space<vmem>>, vector<1000x128xf32>
    %get3A_5 = arith.constant 0 : index
    %get3A_6 = arith.constant 0 : index
    %get3A_7 = vector.load %arg2[%get3A_5, %get3A_6] : memref<1000x128xf32, #tpu.memory_space<vmem>>, vector<1000x128xf32>
    %add3A = arith.addf %get3A_4, %get3A_7 : vector<1000x128xf32>
    %mul3A = vector.broadcast %get3A_1 : vector<1000x1xf32> to vector<1000x128xf32>
    %mul3A_8 = arith.mulf %mul3A, %add3A : vector<1000x128xf32>
    %get3A_9 = arith.constant 0 : index
    %get3A_10 = arith.constant 0 : index
    %get3A_11 = vector.load %arg4[%get3A_9, %get3A_10] : memref<1x128xf32, #tpu.memory_space<vmem>>, vector<1x128xf32>
    %add3A_12 = vector.broadcast %get3A_11 : vector<1x128xf32> to vector<1000x128xf32>
    %add3A_13 = arith.addf %mul3A_8, %add3A_12 : vector<1000x128xf32>
    %max3A = arith.constant 0.000000e+00 : f32
    %max3A_14 = vector.broadcast %max3A : f32 to vector<1000x128xf32>
    %max3A_15 = arith.maximumf %add3A_13, %max3A_14 : vector<1000x128xf32>
    %mul3A_16 = vector.broadcast %get3A_1 : vector<1000x1xf32> to vector<1000x128xf32>
    %mul3A_17 = arith.mulf %mul3A_16, %max3A_15 : vector<1000x128xf32>
    %swap3A = arith.constant 0 : index
    %swap3A_18 = arith.constant 0 : index
    %swap3A_19 = vector.load %arg5[%swap3A, %swap3A_18] : memref<1000x128xf32, #tpu.memory_space<vmem>>, vector<1000x128xf32>
    tpu.vector_store %arg5[%swap3A, %swap3A_18], %mul3A_17 {strides = array<i32>} : memref<1000x128xf32, #tpu.memory_space<vmem>>, vector<1000x128xf32>,
    return
  }
  func.func @transform_0(%arg0: i32) -> (i32, i32) {
    %c0_i32 = arith.constant 0 : i32
    %c0_i32_0 = arith.constant 0 : i32
    return %arg0, %c0_i32 : i32, i32
  }
  func.func @transform_1(%arg0: i32) -> (i32, i32) {
    %c0_i32 = arith.constant 0 : i32
    %c0_i32_0 = arith.constant 0 : i32
    return %arg0, %c0_i32 : i32, i32
  }
  func.func @transform_2(%arg0: i32) -> (i32, i32) {
    %c0_i32 = arith.constant 0 : i32
    %c0_i32_0 = arith.constant 0 : i32
    return %arg0, %c0_i32 : i32, i32
  }
  func.func @transform_3(%arg0: i32) -> (i32, i32) {
    %c0_i32 = arith.constant 0 : i32
    %c0_i32_0 = arith.constant 0 : i32
    %c0_i32_1 = arith.constant 0 : i32
    return %c0_i32, %c0_i32_0 : i32, i32
  }
  func.func @transform_4(%arg0: i32) -> (i32, i32) {
    %c0_i32 = arith.constant 0 : i32
    %c0_i32_0 = arith.constant 0 : i32
    return %arg0, %c0_i32 : i32, i32
  }
}

module attributes {stable_mosaic.version = 14 : i64} {
  func.func @_m4_body(%arg0: i32, %arg1: memref<1000x128xf32, #tpu.memory_space<vmem>>, %arg2: memref<1000x128xf32, #tpu.memory_space<vmem>>, %arg3: memref<1000x1xf32, #tpu.memory_space<vmem>>, %arg4: memref<128x16xf32, #tpu.memory_space<vmem>>, %arg5: memref<1x16xf32, #tpu.memory_space<vmem>>, %arg6: memref<1000x9xf32, #tpu.memory_space<vmem>>) attributes {dimension_semantics = [#tpu.dimension_semantics<arbitrary>], iteration_bounds = array<i64: 50>, scalar_prefetch = 0 : i64, scratch_operands = 0 : i64, tpu.core_type = #tpu.core_type<tc>, window_params = [{transform_indices = @transform_0, window_bounds = array<i64: 1000, 128>}, {transform_indices = @transform_1, window_bounds = array<i64: 1000, 128>}, {transform_indices = @transform_2, window_bounds = array<i64: 1000, 1>}, {pipeline_mode = #tpu.pipeline_mode<synchronous>, transform_indices = @transform_3, window_bounds = array<i64: 128, 16>}, {pipeline_mode = #tpu.pipeline_mode<synchronous>, transform_indices = @transform_4, window_bounds = array<i64: 1, 16>}, {transform_indices = @transform_5, window_bounds = array<i64: 1000, 9>}]} {
    %get3A = arith.constant 0 : index
    %get3A_0 = arith.constant 0 : index
    %get3A_1 = vector.load %arg3[%get3A, %get3A_0] : memref<1000x1xf32, #tpu.memory_space<vmem>>, vector<1000x1xf32>
    %get3A_2 = arith.constant 0 : index
    %get3A_3 = arith.constant 0 : index
    %get3A_4 = vector.load %arg1[%get3A_2, %get3A_3] : memref<1000x128xf32, #tpu.memory_space<vmem>>, vector<1000x128xf32>
    %get3A_5 = arith.constant 0 : index
    %get3A_6 = arith.constant 0 : index
    %get3A_7 = vector.load %arg2[%get3A_5, %get3A_6] : memref<1000x128xf32, #tpu.memory_space<vmem>>, vector<1000x128xf32>
    %add3A = arith.addf %get3A_4, %get3A_7 : vector<1000x128xf32>
    %mul3A = vector.broadcast %get3A_1 : vector<1000x1xf32> to vector<1000x128xf32>
    %mul3A_8 = arith.mulf %mul3A, %add3A : vector<1000x128xf32>
    %get3A_9 = arith.constant 0 : index
    %get3A_10 = arith.constant 0 : index
    %get3A_11 = vector.load %arg4[%get3A_9, %get3A_10] : memref<128x16xf32, #tpu.memory_space<vmem>>, vector<128x16xf32>
    %dot_general3A = arith.constant dense<0.000000e+00> : vector<1000x16xf32>
    %dot_general3A_12 = tpu.matmul %mul3A_8, %get3A_11, %dot_general3A {dimension_numbers = #tpu.dot_dimension_numbers<[1], [0], [0], [1], [0, 0, 1, 1], [], []>, transpose_lhs_hint = false} : vector<1000x128xf32>, vector<128x16xf32>, vector<1000x16xf32> -> vector<1000x16xf32>
    %get3A_13 = arith.constant 0 : index
    %get3A_14 = arith.constant 0 : index
    %get3A_15 = vector.load %arg5[%get3A_13, %get3A_14] : memref<1x16xf32, #tpu.memory_space<vmem>>, vector<1x16xf32>
    %add3A_16 = vector.broadcast %get3A_15 : vector<1x16xf32> to vector<1000x16xf32>
    %add3A_17 = arith.addf %dot_general3A_12, %add3A_16 : vector<1000x16xf32>
    %iota3A = tpu.iota {dimensions = array<i32: 1>} : vector<1000x16xi32>
    %lt3A = arith.constant 9 : i32
    %lt3A_18 = vector.broadcast %lt3A : i32 to vector<1000x16xi32>
    %lt3A_19 = arith.cmpi slt, %iota3A, %lt3A_18 : vector<1000x16xi32>
    %jit3A = arith.constant 0xFF800000 : f32
    %broadcast_in_dim3A = vector.broadcast %jit3A : f32 to vector<1000x16xf32>
    %select_n3A = arith.select %lt3A_19, %add3A_17, %broadcast_in_dim3A : vector<1000x16xi1>, vector<1000x16xf32>
    %reduce_max3A = arith.constant dense<0xFF800000> : vector<1000xf32>
    %reduce_max3A_20 = vector.multi_reduction <maximumf>, %select_n3A, %reduce_max3A [1] : vector<1000x16xf32> to vector<1000xf32>
    %broadcast_in_dim3A_21 = vector.shape_cast %reduce_max3A_20 : vector<1000xf32> to vector<1000x1xf32>
    %sub3A = vector.broadcast %broadcast_in_dim3A_21 : vector<1000x1xf32> to vector<1000x16xf32>
    %sub3A_22 = arith.subf %select_n3A, %sub3A : vector<1000x16xf32>
    %lt3A_23 = arith.constant 9 : i32
    %lt3A_24 = vector.broadcast %lt3A_23 : i32 to vector<1000x16xi32>
    %lt3A_25 = arith.cmpi slt, %iota3A, %lt3A_24 : vector<1000x16xi32>
    %exp3A = math.exp %sub3A_22 : vector<1000x16xf32>
    %jit3A_26 = arith.constant 0.000000e+00 : f32
    %broadcast_in_dim3A_27 = vector.broadcast %jit3A_26 : f32 to vector<1000x16xf32>
    %select_n3A_28 = arith.select %lt3A_25, %exp3A, %broadcast_in_dim3A_27 : vector<1000x16xi1>, vector<1000x16xf32>
    %reduce_sum3A = arith.constant dense<0.000000e+00> : vector<1000xf32>
    %reduce_sum3A_29 = vector.multi_reduction <add>, %select_n3A_28, %reduce_sum3A [1] : vector<1000x16xf32> to vector<1000xf32>
    %broadcast_in_dim3A_30 = vector.shape_cast %reduce_sum3A_29 : vector<1000xf32> to vector<1000x1xf32>
    %log3A = math.log %broadcast_in_dim3A_30 : vector<1000x1xf32>
    %sub3A_31 = vector.broadcast %log3A : vector<1000x1xf32> to vector<1000x16xf32>
    %sub3A_32 = arith.subf %sub3A_22, %sub3A_31 : vector<1000x16xf32>
    %slice3A = vector.extract_strided_slice %sub3A_32 {offsets = [0, 0], sizes = [1000, 9], strides = [1, 1]} : vector<1000x16xf32> to vector<1000x9xf32>
    %swap3A = arith.constant 0 : index
    %swap3A_33 = arith.constant 0 : index
    %swap3A_34 = vector.load %arg6[%swap3A, %swap3A_33] : memref<1000x9xf32, #tpu.memory_space<vmem>>, vector<1000x9xf32>
    tpu.vector_store %arg6[%swap3A, %swap3A_33], %slice3A {strides = array<i32>} : memref<1000x9xf32, #tpu.memory_space<vmem>>, vector<1000x9xf32>,
    return
  }
  func.func @transform_0(%arg0: i32) -> (i32, i32) {
    %c0_i32 = arith.constant 0 : i32
    %c0_i32_0 = arith.constant 0 : i32
    return %arg0, %c0_i32 : i32, i32
  }
  func.func @transform_1(%arg0: i32) -> (i32, i32) {
    %c0_i32 = arith.constant 0 : i32
    %c0_i32_0 = arith.constant 0 : i32
    return %arg0, %c0_i32 : i32, i32
  }
  func.func @transform_2(%arg0: i32) -> (i32, i32) {
    %c0_i32 = arith.constant 0 : i32
    %c0_i32_0 = arith.constant 0 : i32
    return %arg0, %c0_i32 : i32, i32
  }
  func.func @transform_3(%arg0: i32) -> (i32, i32) {
    %c0_i32 = arith.constant 0 : i32
    %c0_i32_0 = arith.constant 0 : i32
    %c0_i32_1 = arith.constant 0 : i32
    return %c0_i32, %c0_i32_0 : i32, i32
  }
  func.func @transform_4(%arg0: i32) -> (i32, i32) {
    %c0_i32 = arith.constant 0 : i32
    %c0_i32_0 = arith.constant 0 : i32
    %c0_i32_1 = arith.constant 0 : i32
    return %c0_i32, %c0_i32_0 : i32, i32
  }
  func.func @transform_5(%arg0: i32) -> (i32, i32) {
    %c0_i32 = arith.constant 0 : i32
    %c0_i32_0 = arith.constant 0 : i32
    return %arg0, %c0_i32 : i32, i32
  }
}

</mosaic_0001>

<sc_bundles>
// kernel: kernel.11.cloned.1.call-start
scs
__scs_entry_jumppad:
0x0: {  	(pc) =	sbr.rel $0x88, $3  }
0x1: {  	(tag) =	ssettag $0x0;
	lr =	simm.s32 $0x1  }
0x2: {  	[smem:$0x3F99] =	sst lr;
	_ =	strace $0xD0000000  }
0x3: {  	_ = 	snop  }
0x4: {  	_ = 	snop  }
0x5: {  	_ = 	snop  }
0x6: {  	_ = 	snop  }
0x7: {  	_ = 	snop  }
__scs_overlays_trampoline_lowered:
0x8: {  	[smem:$0x3FA8] =	sst s0  }
0x9: {  	[smem:$0x3FA9] =	sst s1  }
0xa: {  	[smem:$0x3FAA] =	sst s2  }
0xb: {  	[smem:$0x3FAB] =	sst s3  }
0xc: {  	[smem:$0x3FAC] =	sst s4  }
0xd: {  	[smem:$0x3FAD] =	sst s5  }
0xe: {  	[smem:$0x3FAE] =	sst s6  }
0xf: {  	[smem:$0x3FAF] =	sst s7  }
0x10: {  	[smem:$0x3FB0] =	sst s8  }
0x11: {  	[smem:$0x3FB1] =	sst s9;
	s0 =	simm.s32 @!p0 $0x0  }
0x12: {  	s1 =	sld [smem:$0x3F97];
	s0 =	simm.s32 @p0 $0x1  }
0x13: {  	[smem:$0x3FB2] =	sst s0;
	s0 =	simm.s32 @!p1 $0x0  }
0x14: {  	s2 =	sld [smem:$0x3F96];
	s0 =	simm.s32 @p1 $0x1  }
0x15: {  	[smem:$0x3FB3] =	sst s0;
	s0 =	simm.s32 @!p2 $0x0  }
0x16: {  	s3 =	sld [smem:$0x3FDB];
	s0 =	simm.s32 @p2 $0x1  }
0x17: {  	s4 =	simm.s32 $0x1BF5;
	[smem:$0x3FB5] =	sst s0  }
0x18: {  	s0 =	sld [smem:$0x3F98];
	_ =	swait.ge [sflag:s4], $0x0  }
0x19: {  	s7 =	sld [smem:$0x3F99]  }
0x1a: {  	s8 =	sadd.s32 $0xFFFFE003, lr  }
0x1b: {  	s9 =	sadd.s32 $0xFFFFFEF7, lr;
	s5 =	simm.s32 $0xFFFFFFFF;
	p2 =	slt.u32 s8, $0xFFFFF086  }
0x1c: {  	p1 =	slt.u32 s9, $0xF7A;
	s5 =	simm.s32 @!p2 $0x0  }
0x1d: {  	s5 =	simm.s32 @p1 $0x1;
	p0 =	seq.s32 s7, s2  }
0x1e: {  	s7 =	smul.u32 @!p0 $0xF7A, s2;
	p2 =	seq.s32 @!p0 s5, $0x0  }
0x1f: {  	s9 =	smul.u32 $0xF7A, s1;
	s8 =	simm.s32 @!p0 $0x1BF5;
	p2 =	por !p2, p0  }
0x20: {  	[sflag:s8] =	ssyncset.s32 @!p0 $0xFFFFF086;
	s6 =	sadd.s32 @!p0 s3, s7;
	s7 =	simm.s32 @!p0 $0x108  }
0x21: {  	s3 =	sadd.s32 s3, s9;
	s6 =	sadd.s32 @!p0 $0x88, s6;
	s7 =	simm.s32 @p2 $0x1082  }
0x22: {  	[simem:s7], [sflag:s8] =	dma.local @!p0 [hbm:s6], $0xF7A  }
0x23: {  	s9 =	sor.u32 $0xD0000000, s2;
	s6 =	simm.s32 $0x108;
	_ =	swait.ge @!p0 [sflag:s8], $0x0  }
0x24: {  	s3 =	sadd.s32 $0x88, s3;
	s6 =	simm.s32 @!p1 $0x1082;
	[sflag:s4] =	ssyncset.s32 $0xFFFFF086  }
0x25: {  	[simem:s6], [sflag:s4] =	dma.local [hbm:s3], $0xF7A  }
0x26: {  	[smem:$0x3F99] =	sst s1;
	(tag) =	ssettag s2;
	_ =	strace s9  }
0x27: {  	s1 =	sld [smem:$0x3FA9]  }
0x28: {  	s2 =	sld [smem:$0x3FAA]  }
0x29: {  	s4 =	sld [smem:$0x3FAC]  }
0x2a: {  	p0 =	seq.s32 s5, $0x0;
	s5 =	sld [smem:$0x3FAD]  }
0x2b: {  	s6 =	sld [smem:$0x3FAE]  }
0x2c: {  	s7 =	sld [smem:$0x3FAF]  }
0x2d: {  	s3 =	simm.s32 $0x108;
	s8 =	sld [smem:$0x3FB0]  }
0x2e: {  	s3 =	simm.s32 @!p0 $0x1082;
	s9 =	sld [smem:$0x3FB1]  }
0x2f: {  	lr =	sadd.s32 s0, s3;
	s0 =	sld [smem:$0x3FA8]  }
0x30: {  	s3 =	sld [smem:$0x3FAB]  }
0x31: {  	[smem:$0x3FB4] =	sst s10  }
0x32: {  	s10 =	sld [smem:$0x3FB2];
	_ =	sdelay $0x3  }
0x33: {  	p0 =	seq.s32 s10, $0x1;
	s10 =	sld [smem:$0x3FB4];
	_ =	sdelay $0x3  }
0x34: {  	[smem:$0x3FB4] =	sst s10  }
0x35: {  	s10 =	sld [smem:$0x3FB3];
	_ =	sdelay $0x3  }
0x36: {  	p1 =	seq.s32 s10, $0x1;
	s10 =	sld [smem:$0x3FB4];
	_ =	sdelay $0x3  }
0x37: {  	[smem:$0x3FB4] =	sst s10  }
0x38: {  	s10 =	sld [smem:$0x3FB5]  }
0x39: {  	_ = 	snop;
	(pc) =	sbr.ind lr, $3  }
0x3a: {  	_ = 	snop  }
0x3b: {  	_ = 	snop  }
0x3c: {  	p2 =	seq.s32 s10, $0x1;
	s10 =	sld [smem:$0x3FB4]  }
0x3d: {  	_ =	shalt  }
0x3e: {  	_ =	shalt  }
0x3f: {  	_ =	shalt  }
0x40: {  	_ =	shalt  }
0x41: {  	_ =	shalt  }
0x42: {  	_ =	shalt  }
0x43: {  	_ =	shalt  }
0x44: {  	_ =	shalt  }
0x45: {  	_ =	shalt  }
0x46: {  	_ =	shalt  }
0x47: {  	_ =	shalt  }
0x48: {  	_ =	shalt  }
0x49: {  	_ =	shalt  }
0x4a: {  	_ =	shalt  }
0x4b: {  	_ =	shalt  }
0x4c: {  	_ =	shalt  }
0x4d: {  	_ =	shalt  }
0x4e: {  	_ =	shalt  }
0x4f: {  	_ =	shalt  }
0x50: {  	_ =	shalt  }
0x51: {  	_ =	shalt  }
0x52: {  	_ =	shalt  }
0x53: {  	_ =	shalt  }
0x54: {  	_ =	shalt  }
0x55: {  	_ =	shalt  }
0x56: {  	_ =	shalt  }
0x57: {  	_ =	shalt  }
0x58: {  	_ =	shalt  }
0x59: {  	_ =	shalt  }
0x5a: {  	_ =	shalt  }
0x5b: {  	_ =	shalt  }
0x5c: {  	_ =	shalt  }
0x5d: {  	_ =	shalt  }
0x5e: {  	_ =	shalt  }
0x5f: {  	_ =	shalt  }
0x60: {  	_ =	shalt  }
0x61: {  	_ =	shalt  }
0x62: {  	_ =	shalt  }
0x63: {  	_ =	shalt  }
0x64: {  	_ =	shalt  }
0x65: {  	_ =	shalt  }
0x66: {  	_ =	shalt  }
0x67: {  	_ =	shalt  }
0x68: {  	_ =	shalt  }
0x69: {  	_ =	shalt  }
0x6a: {  	_ =	shalt  }
0x6b: {  	_ =	shalt  }
0x6c: {  	_ =	shalt  }
0x6d: {  	_ =	shalt  }
0x6e: {  	_ =	shalt  }
0x6f: {  	_ =	shalt  }
0x70: {  	_ =	shalt  }
0x71: {  	_ =	shalt  }
0x72: {  	_ =	shalt  }
0x73: {  	_ =	shalt  }
0x74: {  	_ =	shalt  }
0x75: {  	_ =	shalt  }
0x76: {  	_ =	shalt  }
0x77: {  	_ =	shalt  }
0x78: {  	_ =	shalt  }
0x79: {  	_ =	shalt  }
0x7a: {  	_ =	shalt  }
0x7b: {  	_ =	shalt  }
0x7c: {  	_ =	shalt  }
0x7d: {  	_ =	shalt  }
0x7e: {  	_ =	shalt  }
0x7f: {  	_ =	shalt  }
0x80: {  	_ =	shalt  }
0x81: {  	_ =	shalt  }
0x82: {  	_ =	shalt  }
0x83: {  	_ =	shalt  }
0x84: {  	_ =	shalt  }
0x85: {  	_ =	shalt  }
0x86: {  	_ =	shalt  }
0x87: {  	_ =	shalt  }
.Lfunc_end0:
.L_simem_size_0:
called_computation_lowered:
.L_overlay_start_0:
0x88: {  	s2 =	sld [smem:$0x3FD9]  }
0x89: {  	s3 =	sld [smem:$0x3FFE];
	_ =	sdelay $0x1  }
0x8a: {  	s1 =	srdreg.scid  }
0x8b: {  	s0 =	sand.u32 $0x1, s1  }
0x8c: {  	s16 =	sshll.u32 s0, $0xA;
	s2 =	sadd.s32 s3, s2  }
0x8d: {  	s2 =	sadd.s32 s2, s16  }
0x8e: {  	[smem:$0x3FC0] =	sst s2  }
0x8f: {  	_ = 	snop  }
0x90: {  	(tm) =	ssettm $0x1  }
0x91: {  	s17 =	sld [smem:$0x3FFB];
	_ =	sdelay $0x3  }
0x92: {  	_ =	strace s17  }
0x93: {  	s2 =	sld [smem:$0x3FFC];
	_ =	sdelay $0x3  }
0x94: {  	_ =	strace s2  }
0x95: {  	s2 =	sld [smem:$0x3FFD];
	_ =	sdelay $0x3  }
0x96: {  	_ =	strace s2  }
0x97: {  	_ =	strace $0x8FFFFFFF  }
0x98: {  	s18 =	sld [smem:$0x3FDB];
	_ =	sdelay $0x1  }
0x99: {  	s19 =	simm.s32 $_scs_section_size  }
0x9a: {  	s4 =	simm.s32 $_size__tile_overlayer_lowered;
	s5 =	simm.s32 $_tile_overlayer_lowered  }
0x9b: {  	s22 =	simm.s32 $0x1BFF;
	s21 =	sshll.u32 s5, $0x1;
	s2 =	sadd.s32 s19, s18  }
0x9c: {  	s6 =	simm.s32 $0x0;
	s20 =	sshll.u32 s4, $0x1;
	s4 =	sadd.s32 s21, s2  }
0x9d: {  	[timem:s6], [sflag:s22] =	dma.local [hbm:s4], s20  }
0x9e: {  	_ =	swait.ge [sflag:s22], s20  }
0x9f: {  	s3 =	ssub.s32 $0x0, s20;
	[sflag:s22] =	ssyncset.done $0x0  }
0xa0: {  	[sflag:s22] =	ssyncadd.s32 s3;
	_ =	sdelay $0x1  }
0xa1: {  	s23 =	simm.s32 $0x1B8B  }
0xa2: {  	_ =	swait.ge [sflag:s23], $0x1  }
0xa3: {  	[sflag:s23] =	ssyncset.done $0x0  }
0xa4: {  	s25 =	simm.s32 $0x1B8E;
	s24 =	sld [smem:$0x3FFE];
	[sflag:s23] =	ssyncadd.s32 $0xFFFFFFFF  }
0xa5: {  	s26 =	simm.s32 $execute0_lowered;
	[smem:$0x3FD2] =	sst s25  }
0xa6: {  	s4 =	sshll.u32 s26, $0x1;
	_ =	strace $0x80000046;
	[dreg:$0x1] =	wrdreg $0xFFFFFFFF  }
0xa7: {  	s28 =	simm.s32 $_size_execute0_lowered;
	s2 =	sadd.s32 s2, s4;
	[dreg:$0x0] =	wrdreg $0x0  }
0xa8: {  	s4 =	sshll.u32 s28, $0x1;
	[dreg:$0x2] =	wrdreg s2  }
0xa9: {  	[dreg:$0x3] =	wrdreg s4  }
0xaa: {  	[dreg:$0x4] =	wrdreg $0xC0  }
0xab: {  	_ =	task [dreg:s6], $0x5FFFF  }
0xac: {  	[dreg:$0x1] =	wrdreg $0xFFFFFFFF  }
0xad: {  	[dreg:$0x0] =	wrdreg $0x60  }
0xae: {  	[dreg:$0x2] =	wrdreg s24  }
0xaf: {  	[dreg:$0x3] =	wrdreg $0x9  }
0xb0: {  	_ =	task.clear_ibuf [dreg:s6], $0x4FFFF;
	_ =	strace $0x90000046  }
0xb1: {  	s29 =	simm.s32 $0x9;
	_ =	strace $0x80000048  }
0xb2: {  	_ =	swait.ge [sflag:s29], $0x1  }
0xb3: {  	[sflag:s29] =	ssyncadd.s32 $0xFFFFFFFF  }
0xb4: {  	_ =	strace $0x90000048  }
0xb5: {  	_ =	sfence  }
0xb6: {  	s30 =	sld [smem:$0x0];
	_ =	sdelay $0x2  }
0xb7: {  	s31 =	sshll.u32 s1, $0xD;
	s1 =	sshrl.u32 s1, $0x2  }
0xb8: {  	s3 =	sand.u32 $0x4000, s31;
	s1 =	sadd.s32 s1, s30  }
0xb9: {  	s0 =	sor.u32 s3, s0;
	s1 =	sshll.u32 s1, $0x11  }
0xba: {  	s0 =	sor.u32 s1, s0  }
0xbb: {  	s0 =	sadd.s32 $0x8F2B, s0  }
0xbc: {  	[sflag:s0] =	ssyncadd.remote.s32 $0x1  }
0xbd: {  	_ =	sfence.sel $0xFFFF  }
0xbe: {  	[dreg:$0x0] =	wrdreg $0xFFFFFFFF;
	(pc) =	sbr.abs _section_cstart, $3  }
0xbf: {  	[dreg:$0x1] =	wrdreg $0xFFFFFFFF  }
0xc0: {  	_ =	task.clear_ibuf [dreg:s6], $0x2FFFF;
	_ =	strace $0x9FFFFFFF  }
0xc1: {  	(tm) =	ssettm $0x7FFFFFFF  }
tec
execute0_lowered:
.L_overlay_start_1:
0x0: {  	(tag) =	ssettag $0x1  }
0x1: {  	s1 =	srdreg.scid;
	s0 =	stileid.u32  }
0x2: {  	s4 =	rddreg [dreg:$0x0];
	s3 =	sand.u32 $0x1, s1;
	s30 =	sshll.u32 s0, $0x1  }
0x3: {  	s2 =	simm.s32 $0x0;
	s8 =	simm.s32 $0x0;
	s5 =	sor.u32 s3, s30  }
0x4: {  	s1 =	rddreg [dreg:$0x1];
	s3 =	ssub.s32 $0x2, s3;
	s6 =	smul.u32 $0xC35, s5  }
0x5: {  	v0 =	vlaneseq.u32;
	[smem:$0x7FF] =	sst s2;
	s5 =	smul.u32 $0x1870, s5;
	s7 =	sshrl.u32 s3, $0x1  }
0x6: {  	v1 =	vmul.u32 $0xFFFFFFFF, v0;
	_ =	strace $0x80000047;
	s31 =	ssub.s32 s3, s7;
	s7 =	simm.s32 $0x6200  }
0x7: {  	s6 =	sadd.s32 s6, s4;
	s4 =	sadd.s32 s5, s4;
	s5 =	smax.u32 s31, $0x1  }
0x8: {  	v2 =	vimm.f32 $1.000000000e+00;
	v0 =	vimm.f32 $0.0e+00;
	v1 =	vadd.s32 $0x61A8, v1;
	s3 =	sadd.s32 $0x1E00, s6;
	s4 =	sadd.s32 $0x1A600, s4;
	s6 =	simm.s32 $0x1  }
.LBB2_1:
0x9: {  	[tilespmem:s2], [sflag:$0x1] =	stream.linear.gather [hbm4b:s3+s2], $0x61A8, $0x38;
	[tilespmem:$0x12580] =	vst v63  }
0xa: {  	_ =	swait.ge [sflag:s6], $0x61A8  }
0xb: {  	[sflag:s6] =	ssyncset.done $0x0  }
0xc: {  	s9 =	simm.s32 $0x0;
	[sflag:s6] =	ssyncadd.s32 $0xFFFF9E58  }
.LBB2_2:
0xd: {  	p0 =	sne.s32 s9, $0x30D00  }
.Ltmp0:
0xe: {  	_ = 	snop;
	(pc) =	sbr.rel @p0 .LBB2_2-.Ltmp0, $3  }
0xf: {  	_ =	sdelay $0x1  }
0x10: {  	s10 =	sshra.s32 s9, $0x2  }
0x11: {  	s9 =	sadd.s32 $0x40, s9;
	[tilespmem:s10+$0x6200] =	vst v0  }
0x12: {  	s9 =	simm.s32 $0x0  }
0x13: {  	s10 =	simm.s32 $0x10;
	s11 =	simm.s32 $0x0;
	v3 =	vld [tilespmem:s9+$0x0]  }
.LBB2_4:
0x14: {  	p0 =	sne.s32 s10, $0x61A0;
	v4 =	vmov s9;
	s9 =	smov.u32 s10  }
0x15: {  	vm0 =	vlt.u32 v4, v1;
	_ =	sdelay $0x2  }
.Ltmp1:
0x16: {  	(pc) =	sbr.rel @p0 .LBB2_4-.Ltmp1, $3  }
0x17: {  	_ =	sdelay $0x1  }
0x18: {  	s11 =	sadd.s32 $0x10, s11;
	[tilespmem:v3+s7+$0x0] =	vst.idx.add.f32.msk vm0, v2  }
0x19: {  	s10 =	sadd.s32 $0x10, s10;
	v3 =	vld [tilespmem:s11+$0x0]  }
0x1a: {  	_ = 	snop  }
0x1b: {  	v4 =	vmov s9  }
0x1c: {  	vm0 =	vlt.u32 v4, v1;
	_ =	sdelay $0x3  }
0x1d: {  	s8 =	sadd.s32 $0x1, s8  }
0x1e: {  	p0 =	sne.s32 s8, s5  }
.Ltmp2:
0x1f: {  	[tilespmem:v3+s7+$0x0] =	vst.idx.add.f32.msk vm0, v2;
	(pc) =	sbr.rel @p0 .LBB2_1-.Ltmp2, $4  }
0x20: {  	[hbm4b:s4+s2] =	stream.linear.scatter [tilespmem:s7], [sflag:$0x1], $0xC380, $0x38;
	[tilespmem:$0x12580] =	vst v63  }
0x21: {  	_ =	swait.ge [sflag:s6], $0xC380  }
0x22: {  	[sflag:s6] =	ssyncset.done $0x0  }
0x23: {  	[sflag:s6] =	ssyncadd.s32 $0xFFFF3C80  }
0x24: {  	_ =	sfence.sel $0x180000  }
0x25: {  	[bflag:$0x0] =	sbarrier.arrive $0xFFFF  }
0x26: {  	p0 =	sne.s32 s0, $0x0;
	_ =	strace $0x90000047  }
0x27: {  	s0 =	sadd.s32 @!p0 $0x100000, s1;
	[bflag:$0x2] =	sbarrier.arrive $0xFFFF  }
0x28: {  	[sflag:s0] =	ssyncadd.tile.s32 @!p0 $0x1;
	_ =	shalt  }
.Lfunc_end2:
_tile_overlayer_lowered:
.L_overlay_start_2:
0x29: {  	(tag) =	ssettag $0x2  }
0x2a: {  	s0 =	rddreg [dreg:$0x0];
	s2 =	stileid.u32  }
0x2b: {  	s1 =	rddreg [dreg:$0x1];
	p0 =	sne.s32 s2, $0x0  }
0x2c: {  	s3 =	rddreg [dreg:$0x2];
	[bflag:$0x3] =	sbarrier.arrive $0xFFFF;
	s2 =	simm.s32 @!p0 $0x1C01  }
0x2d: {  	[timem:s3], [sflag:s2] =	dma.local @!p0 [hbm:s0], s1  }
0x2e: {  	s0 =	simm.s32 @!p0 $0x1  }
0x2f: {  	_ =	swait.ge @!p0 [sflag:s0], s1  }
0x30: {  	s1 =	ssub.s32 @!p0 $0x0, s1;
	[sflag:s0] =	ssyncset.done @!p0 $0x0  }
0x31: {  	[sflag:s0] =	ssyncadd.s32 @!p0 s1  }
0x32: {  	[bflag:$0x3] =	sbarrier.arrive $0xFFFF  }
0x33: {  	_ =	shalt  }

// kernel: kernel.14.cloned.1.call-start
scs
__scs_entry_jumppad:
0x0: {  	(pc) =	sbr.rel $0x88, $3  }
0x1: {  	(tag) =	ssettag $0x0;
	lr =	simm.s32 $0x1  }
0x2: {  	[smem:$0x3F99] =	sst lr;
	_ =	strace $0xD0000000  }
0x3: {  	_ = 	snop  }
0x4: {  	_ = 	snop  }
0x5: {  	_ = 	snop  }
0x6: {  	_ = 	snop  }
0x7: {  	_ = 	snop  }
__scs_overlays_trampoline_lowered:
0x8: {  	[smem:$0x3FA8] =	sst s0  }
0x9: {  	[smem:$0x3FA9] =	sst s1  }
0xa: {  	[smem:$0x3FAA] =	sst s2  }
0xb: {  	[smem:$0x3FAB] =	sst s3  }
0xc: {  	[smem:$0x3FAC] =	sst s4  }
0xd: {  	[smem:$0x3FAD] =	sst s5  }
0xe: {  	[smem:$0x3FAE] =	sst s6  }
0xf: {  	[smem:$0x3FAF] =	sst s7  }
0x10: {  	[smem:$0x3FB0] =	sst s8  }
0x11: {  	[smem:$0x3FB1] =	sst s9;
	s0 =	simm.s32 @!p0 $0x0  }
0x12: {  	s1 =	sld [smem:$0x3F97];
	s0 =	simm.s32 @p0 $0x1  }
0x13: {  	[smem:$0x3FB2] =	sst s0;
	s0 =	simm.s32 @!p1 $0x0  }
0x14: {  	s2 =	sld [smem:$0x3F96];
	s0 =	simm.s32 @p1 $0x1  }
0x15: {  	[smem:$0x3FB3] =	sst s0;
	s0 =	simm.s32 @!p2 $0x0  }
0x16: {  	s3 =	sld [smem:$0x3FDB];
	s0 =	simm.s32 @p2 $0x1  }
0x17: {  	s4 =	simm.s32 $0x1BF5;
	[smem:$0x3FB5] =	sst s0  }
0x18: {  	s0 =	sld [smem:$0x3F98];
	_ =	swait.ge [sflag:s4], $0x0  }
0x19: {  	s7 =	sld [smem:$0x3F99]  }
0x1a: {  	s8 =	sadd.s32 $0xFFFFE003, lr  }
0x1b: {  	s9 =	sadd.s32 $0xFFFFFEF7, lr;
	s5 =	simm.s32 $0xFFFFFFFF;
	p2 =	slt.u32 s8, $0xFFFFF086  }
0x1c: {  	p1 =	slt.u32 s9, $0xF7A;
	s5 =	simm.s32 @!p2 $0x0  }
0x1d: {  	s5 =	simm.s32 @p1 $0x1;
	p0 =	seq.s32 s7, s2  }
0x1e: {  	s7 =	smul.u32 @!p0 $0xF7A, s2;
	p2 =	seq.s32 @!p0 s5, $0x0  }
0x1f: {  	s9 =	smul.u32 $0xF7A, s1;
	s8 =	simm.s32 @!p0 $0x1BF5;
	p2 =	por !p2, p0  }
0x20: {  	[sflag:s8] =	ssyncset.s32 @!p0 $0xFFFFF086;
	s6 =	sadd.s32 @!p0 s3, s7;
	s7 =	simm.s32 @!p0 $0x108  }
0x21: {  	s3 =	sadd.s32 s3, s9;
	s6 =	sadd.s32 @!p0 $0x88, s6;
	s7 =	simm.s32 @p2 $0x1082  }
0x22: {  	[simem:s7], [sflag:s8] =	dma.local @!p0 [hbm:s6], $0xF7A  }
0x23: {  	s9 =	sor.u32 $0xD0000000, s2;
	s6 =	simm.s32 $0x108;
	_ =	swait.ge @!p0 [sflag:s8], $0x0  }
0x24: {  	s3 =	sadd.s32 $0x88, s3;
	s6 =	simm.s32 @!p1 $0x1082;
	[sflag:s4] =	ssyncset.s32 $0xFFFFF086  }
0x25: {  	[simem:s6], [sflag:s4] =	dma.local [hbm:s3], $0xF7A  }
0x26: {  	[smem:$0x3F99] =	sst s1;
	(tag) =	ssettag s2;
	_ =	strace s9  }
0x27: {  	s1 =	sld [smem:$0x3FA9]  }
0x28: {  	s2 =	sld [smem:$0x3FAA]  }
0x29: {  	s4 =	sld [smem:$0x3FAC]  }
0x2a: {  	p0 =	seq.s32 s5, $0x0;
	s5 =	sld [smem:$0x3FAD]  }
0x2b: {  	s6 =	sld [smem:$0x3FAE]  }
0x2c: {  	s7 =	sld [smem:$0x3FAF]  }
0x2d: {  	s3 =	simm.s32 $0x108;
	s8 =	sld [smem:$0x3FB0]  }
0x2e: {  	s3 =	simm.s32 @!p0 $0x1082;
	s9 =	sld [smem:$0x3FB1]  }
0x2f: {  	lr =	sadd.s32 s0, s3;
	s0 =	sld [smem:$0x3FA8]  }
0x30: {  	s3 =	sld [smem:$0x3FAB]  }
0x31: {  	[smem:$0x3FB4] =	sst s10  }
0x32: {  	s10 =	sld [smem:$0x3FB2];
	_ =	sdelay $0x3  }
0x33: {  	p0 =	seq.s32 s10, $0x1;
	s10 =	sld [smem:$0x3FB4];
	_ =	sdelay $0x3  }
0x34: {  	[smem:$0x3FB4] =	sst s10  }
0x35: {  	s10 =	sld [smem:$0x3FB3];
	_ =	sdelay $0x3  }
0x36: {  	p1 =	seq.s32 s10, $0x1;
	s10 =	sld [smem:$0x3FB4];
	_ =	sdelay $0x3  }
0x37: {  	[smem:$0x3FB4] =	sst s10  }
0x38: {  	s10 =	sld [smem:$0x3FB5]  }
0x39: {  	_ = 	snop;
	(pc) =	sbr.ind lr, $3  }
0x3a: {  	_ = 	snop  }
0x3b: {  	_ = 	snop  }
0x3c: {  	p2 =	seq.s32 s10, $0x1;
	s10 =	sld [smem:$0x3FB4]  }
0x3d: {  	_ =	shalt  }
0x3e: {  	_ =	shalt  }
0x3f: {  	_ =	shalt  }
0x40: {  	_ =	shalt  }
0x41: {  	_ =	shalt  }
0x42: {  	_ =	shalt  }
0x43: {  	_ =	shalt  }
0x44: {  	_ =	shalt  }
0x45: {  	_ =	shalt  }
0x46: {  	_ =	shalt  }
0x47: {  	_ =	shalt  }
0x48: {  	_ =	shalt  }
0x49: {  	_ =	shalt  }
0x4a: {  	_ =	shalt  }
0x4b: {  	_ =	shalt  }
0x4c: {  	_ =	shalt  }
0x4d: {  	_ =	shalt  }
0x4e: {  	_ =	shalt  }
0x4f: {  	_ =	shalt  }
0x50: {  	_ =	shalt  }
0x51: {  	_ =	shalt  }
0x52: {  	_ =	shalt  }
0x53: {  	_ =	shalt  }
0x54: {  	_ =	shalt  }
0x55: {  	_ =	shalt  }
0x56: {  	_ =	shalt  }
0x57: {  	_ =	shalt  }
0x58: {  	_ =	shalt  }
0x59: {  	_ =	shalt  }
0x5a: {  	_ =	shalt  }
0x5b: {  	_ =	shalt  }
0x5c: {  	_ =	shalt  }
0x5d: {  	_ =	shalt  }
0x5e: {  	_ =	shalt  }
0x5f: {  	_ =	shalt  }
0x60: {  	_ =	shalt  }
0x61: {  	_ =	shalt  }
0x62: {  	_ =	shalt  }
0x63: {  	_ =	shalt  }
0x64: {  	_ =	shalt  }
0x65: {  	_ =	shalt  }
0x66: {  	_ =	shalt  }
0x67: {  	_ =	shalt  }
0x68: {  	_ =	shalt  }
0x69: {  	_ =	shalt  }
0x6a: {  	_ =	shalt  }
0x6b: {  	_ =	shalt  }
0x6c: {  	_ =	shalt  }
0x6d: {  	_ =	shalt  }
0x6e: {  	_ =	shalt  }
0x6f: {  	_ =	shalt  }
0x70: {  	_ =	shalt  }
0x71: {  	_ =	shalt  }
0x72: {  	_ =	shalt  }
0x73: {  	_ =	shalt  }
0x74: {  	_ =	shalt  }
0x75: {  	_ =	shalt  }
0x76: {  	_ =	shalt  }
0x77: {  	_ =	shalt  }
0x78: {  	_ =	shalt  }
0x79: {  	_ =	shalt  }
0x7a: {  	_ =	shalt  }
0x7b: {  	_ =	shalt  }
0x7c: {  	_ =	shalt  }
0x7d: {  	_ =	shalt  }
0x7e: {  	_ =	shalt  }
0x7f: {  	_ =	shalt  }
0x80: {  	_ =	shalt  }
0x81: {  	_ =	shalt  }
0x82: {  	_ =	shalt  }
0x83: {  	_ =	shalt  }
0x84: {  	_ =	shalt  }
0x85: {  	_ =	shalt  }
0x86: {  	_ =	shalt  }
0x87: {  	_ =	shalt  }
.Lfunc_end0:
.L_simem_size_0:
called_computation.1_lowered:
.L_overlay_start_0:
0x88: {  	s2 =	sld [smem:$0x3FD9]  }
0x89: {  	s3 =	sld [smem:$0x3FFE];
	_ =	sdelay $0x1  }
0x8a: {  	s1 =	srdreg.scid  }
0x8b: {  	s0 =	sand.u32 $0x1, s1  }
0x8c: {  	s17 =	sshll.u32 s0, $0xA;
	s2 =	sadd.s32 s3, s2  }
0x8d: {  	s2 =	sadd.s32 s2, s17  }
0x8e: {  	[smem:$0x3FC0] =	sst s2  }
0x8f: {  	_ = 	snop  }
0x90: {  	s18 =	sld [smem:$0x3FD0];
	(tm) =	ssettm $0x1  }
0x91: {  	s19 =	sld [smem:$0x3FFB];
	_ =	sdelay $0x3  }
0x92: {  	_ =	strace s19  }
0x93: {  	s2 =	sld [smem:$0x3FFC];
	_ =	sdelay $0x3  }
0x94: {  	_ =	strace s2  }
0x95: {  	s2 =	sld [smem:$0x3FFD];
	_ =	sdelay $0x3  }
0x96: {  	_ =	strace s2  }
0x97: {  	_ =	strace $0x8FFFFFFF  }
0x98: {  	s20 =	sld [smem:$0x3FDB];
	_ =	sdelay $0x1  }
0x99: {  	s4 =	simm.s32 $_scs_section_size  }
0x9a: {  	s5 =	simm.s32 $_size__tile_overlayer_lowered;
	s6 =	simm.s32 $_tile_overlayer_lowered  }
0x9b: {  	s7 =	simm.s32 $0x1BFF;
	s21 =	sshll.u32 s6, $0x1;
	s4 =	sadd.s32 s4, s20  }
0x9c: {  	s22 =	simm.s32 $0x0;
	s5 =	sshll.u32 s5, $0x1;
	s6 =	sadd.s32 s21, s4  }
0x9d: {  	[timem:s22], [sflag:s7] =	dma.local [hbm:s6], s5  }
0x9e: {  	_ =	swait.ge [sflag:s7], s5  }
0x9f: {  	s5 =	ssub.s32 $0x0, s5;
	[sflag:s7] =	ssyncset.done $0x0  }
0xa0: {  	[sflag:s7] =	ssyncadd.s32 s5;
	_ =	sdelay $0x1  }
0xa1: {  	s23 =	simm.s32 $0x1B8B  }
0xa2: {  	_ =	swait.ge [sflag:s23], $0x1  }
0xa3: {  	[sflag:s23] =	ssyncset.done $0x0  }
0xa4: {  	[sflag:s23] =	ssyncadd.s32 $0xFFFFFFFF  }
0xa5: {  	s5 =	sld [smem:$0x0]  }
0xa6: {  	s6 =	sand.u32 $0xFFFFFFFE, s1  }
0xa7: {  	p0 =	sne.s32 s1, s6  }
0xa8: {  	s6 =	sshll.u32 @p0 s6, $0xE  }
0xa9: {  	s6 =	sadd.s32 @p0 $0x11B8D, s6;
	s7 =	sshll.u32 @p0 s5, $0x11  }
0xaa: {  	s6 =	sor.u32 @p0 s7, s6  }
0xab: {  	[sflag:s6] =	ssyncadd.remote.s32 @p0 $0x1;
	_ =	sdelay $0x1  }
0xac: {  	s6 =	simm.s32 @p0 $0x1B8D  }
0xad: {  	_ =	swait.eq @p0 [sflag:s6], $0x1  }
0xae: {  	[sflag:s6] =	ssyncadd.s32 @p0 $0xFFFFFFFF  }
0xaf: {  	s7 =	sshll.u32 @!p0 s1, $0xE  }
0xb0: {  	s7 =	sor.u32 @!p0 $0x4000, s7;
	s6 =	simm.s32 @!p0 $0x1B8D  }
0xb1: {  	s5 =	sshll.u32 @!p0 s5, $0x11;
	s7 =	sadd.s32 @!p0 $0x11B8D, s7;
	_ =	swait.eq @!p0 [sflag:s6], $0x1  }
0xb2: {  	s5 =	sor.u32 @!p0 s5, s7;
	[sflag:s6] =	ssyncadd.s32 @!p0 $0xFFFFFFFF  }
0xb3: {  	s25 =	simm.s32 $0x1B8E;
	s24 =	sld [smem:$0x3FFE];
	[sflag:s5] =	ssyncadd.remote.s32 @!p0 $0x1  }
0xb4: {  	s26 =	simm.s32 $execute0_lowered;
	[smem:$0x3FD2] =	sst s25  }
0xb5: {  	s6 =	sshll.u32 s26, $0x1;
	_ =	strace $0x80000049;
	[dreg:$0x1] =	wrdreg $0xFFFFFFFF  }
0xb6: {  	s28 =	simm.s32 $_size_execute0_lowered;
	s4 =	sadd.s32 s4, s6;
	[dreg:$0x0] =	wrdreg $0x0  }
0xb7: {  	s6 =	sshll.u32 s28, $0x1;
	[dreg:$0x2] =	wrdreg s4  }
0xb8: {  	[dreg:$0x3] =	wrdreg s6  }
0xb9: {  	[dreg:$0x4] =	wrdreg $0xC0  }
0xba: {  	_ =	task [dreg:s22], $0x5FFFF  }
0xbb: {  	[dreg:$0x1] =	wrdreg $0xFFFFFFFF  }
0xbc: {  	[dreg:$0x0] =	wrdreg $0x60  }
0xbd: {  	[dreg:$0x2] =	wrdreg s18  }
0xbe: {  	[dreg:$0x3] =	wrdreg s24  }
0xbf: {  	[dreg:$0x4] =	wrdreg $0xA  }
0xc0: {  	_ =	task.clear_ibuf [dreg:s22], $0x5FFFF;
	_ =	strace $0x90000049  }
0xc1: {  	s29 =	simm.s32 $0xA;
	_ =	strace $0x8000004B  }
0xc2: {  	_ =	swait.ge [sflag:s29], $0x1  }
0xc3: {  	[sflag:s29] =	ssyncadd.s32 $0xFFFFFFFF  }
0xc4: {  	_ =	strace $0x9000004B  }
0xc5: {  	_ =	sfence  }
0xc6: {  	s30 =	sld [smem:$0x0];
	_ =	sdelay $0x2  }
0xc7: {  	s31 =	sshll.u32 s1, $0xD;
	s1 =	sshrl.u32 s1, $0x2  }
0xc8: {  	s4 =	sand.u32 $0x4000, s31;
	s1 =	sadd.s32 s1, s30  }
0xc9: {  	s0 =	sor.u32 s4, s0;
	s1 =	sshll.u32 s1, $0x11  }
0xca: {  	s0 =	sor.u32 s1, s0  }
0xcb: {  	s0 =	sadd.s32 $0x8F2B, s0  }
0xcc: {  	[sflag:s0] =	ssyncadd.remote.s32 $0x1  }
0xcd: {  	_ =	sfence.sel $0xFFFF  }
0xce: {  	[dreg:$0x0] =	wrdreg $0xFFFFFFFF;
	(pc) =	sbr.abs _section_cstart, $3  }
0xcf: {  	[dreg:$0x1] =	wrdreg $0xFFFFFFFF  }
0xd0: {  	_ =	task.clear_ibuf [dreg:s22], $0x2FFFF;
	_ =	strace $0x9FFFFFFF  }
0xd1: {  	(tm) =	ssettm $0x7FFFFFFF  }
tec
execute0_lowered:
.L_overlay_start_1:
0x0: {  	(tag) =	ssettag $0x1  }
0x1: {  	s1 =	srdreg.scid  }
0x2: {  	s0 =	stileid.u32;
	s3 =	rddreg [dreg:$0x0]  }
0x3: {  	s5 =	rddreg [dreg:$0x1];
	s2 =	simm.s32 $0x0;
	s14 =	simm.s32 $0x1  }
0x4: {  	s15 =	simm.s32 $0xC400;
	s4 =	sand.u32 $0x1, s1;
	s31 =	sshll.u32 s0, $0x1  }
0x5: {  	s16 =	simm.s32 $0x18C00;
	s1 =	rddreg [dreg:$0x2];
	s6 =	sor.u32 s4, s31  }
0x6: {  	s17 =	simm.s32 $0x0;
	[smem:$0x7FF] =	sst s2;
	s7 =	smul.u32 $0xC35, s6  }
0x7: {  	s4 =	ssub.s32 $0x2, s4;
	s8 =	smul.u32 $0xC800, s6;
	s6 =	sshll.u32 s6, $0x4  }
0x8: {  	_ =	strace $0x8000004A;
	s10 =	sshrl.u32 s4, $0x1;
	s12 =	sadd.s32 s6, s5  }
0x9: {  	s13 =	ssub.s32 s4, s10;
	s9 =	sadd.s32 s7, s5;
	s8 =	sshrl.u32 s8, $0x3  }
0xa: {  	v0 =	vlaneseq.u32;
	s3 =	sadd.s32 s3, s7;
	s10 =	sadd.s32 $0x113800, s12;
	s13 =	smax.u32 s13, $0x1  }
0xb: {  	v1 =	vmul.u32 $0xFFFFFFFF, v0;
	s11 =	sadd.s32 s8, s5;
	s5 =	sadd.s32 $0x113400, s12;
	s8 =	sadd.s32 $0x113600, s12  }
0xc: {  	s4 =	sadd.s32 $0x1E00, s9;
	s12 =	sadd.s32 $0x113A00, s12;
	s6 =	sadd.s32 $0x4B400, s11  }
0xd: {  	v2 =	vimm.s32 $0x0;
	v3 =	vimm.s32 $0x30E8;
	v1 =	vadd.s32 $0x61A8, v1;
	s7 =	sadd.s32 $0x7D400, s11;
	s9 =	sadd.s32 $0xAF400, s11;
	s11 =	sadd.s32 $0xE1400, s11  }
.LBB2_1:
0xe: {  	[tilespmem:s2], [sflag:$0x1] =	stream.linear.gather [hbm4b:s3+s2], $0x61A8, $0x38;
	[tilespmem:$0x18C80] =	vst v63  }
0xf: {  	_ =	swait.ge [sflag:s14], $0x61A8  }
0x10: {  	[sflag:s14] =	ssyncset.done $0x0  }
0x11: {  	s18 =	simm.s32 $0x6200;
	[sflag:s14] =	ssyncadd.s32 $0xFFFF9E58  }
0x12: {  	[tilespmem:s18], [sflag:$0x1] =	stream.linear.gather [hbm4b:s4+s2], $0x61A8, $0x38;
	[tilespmem:$0x18C80] =	vst v63  }
0x13: {  	_ =	swait.ge [sflag:s14], $0x61A8  }
0x14: {  	[sflag:s14] =	ssyncset.done $0x0  }
0x15: {  	[sflag:s14] =	ssyncadd.s32 $0xFFFF9E58  }
0x16: {  	v4 =	vld [tilespmem:s18+$0x0];
	_ =	sdelay $0x3  }
0x17: {  	v5 =	vmov s2  }
0x18: {  	vm0 =	vlt.u32 v5, v1;
	vm1 =	vlt.u32 v4, $0x30D8  }
0x19: {  	vm0 =	vmand vm0, vm1  }
0x1a: {  	v5 =	vsel vm0, $0x1, v2  }
0x1b: {  	(xrf0) =	vadd.scan.msk.s32 $0xffff, v5;
	_ =	sdelay $0x2  }
0x1c: {  	v5 =	vmov s2  }
0x1d: {  	v5 =	vadd.s32 $0xFFFFFFFF, v5  }
0x1e: {  	v5 =	vbroadcast v5, $0x0  }
0x1f: {  	v6, _, _ =	vpop (xrf0)  }
0x20: {  	v5 =	vadd.s32 v6, v5  }
0x21: {  	v6 =	vxor.u32 $0x80000000, v6;
	v7 =	vshll.u32 v5, $0x1  }
0x22: {  	v5 =	vand.u32 $0x7F, v5;
	(xrf0) =	vmax.scan.msk.u32 $0xffff, v6;
	v7 =	vand.u32 $0xFFFFFF00, v7  }
0x23: {  	v6 =	vld [tilespmem:s2+$0x0];
	v5 =	vor.u32 v5, v7;
	_ =	sdelay $0x4  }
0x24: {  	v7 =	vor.u32 $0x80, v5;
	[tilespmem:v5+s15+$0x0] =	vst.idx.msk vm0, v6;
	v5, _, _ =	vpop (xrf0)  }
0x25: {  	(v2sf) =	vpush v5, $0xF;
	_ =	sdelay $0x3  }
0x26: {  	s20 =	simm.s32 $0x10;
	s21 =	simm.s32 $0x6210;
	[tilespmem:v7+s15+$0x0] =	vst.idx.msk vm0, v4  }
0x27: {  	s22 =	simm.s32 $0x20;
	s19 =	simm.s32 $0x0;
	s18 =	simm.s32 $0x0;
	v4 =	vld [tilespmem:s21+$0x0]  }
.LBB2_2:
0x28: {  	p0 =	sne.s32 s22, $0x61A0;
	_ =	sdelay $0x2  }
0x29: {  	v5 =	vmov s20;
	s20 =	smov.u32 s22  }
0x2a: {  	vm0 =	vlt.u32 v5, v1;
	vm1 =	vlt.u32 v4, $0x30D8  }
0x2b: {  	vm0 =	vmand vm0, vm1  }
0x2c: {  	v5 =	vsel vm0, $0x1, v2  }
0x2d: {  	(xrf0) =	vadd.scan.msk.s32 $0xffff, v5;
	_ =	sdelay $0x1  }
0x2e: {  	s23 =	spop (v2sf)  }
0x2f: {  	s19 =	sadd.s32 s23, s19  }
0x30: {  	s19 =	sadd.s32 $0x80000000, s19  }
0x31: {  	v5 =	vmov s19  }
0x32: {  	v5 =	vadd.s32 $0xFFFFFFFF, v5;
	v6, _, _ =	vpop (xrf0)  }
0x33: {  	v5 =	vbroadcast v5, $0x0;
	v7 =	vxor.u32 $0x80000000, v6  }
0x34: {  	(xrf0) =	vmax.scan.msk.u32 $0xffff, v7  }
0x35: {  	v5 =	vadd.s32 v6, v5  }
0x36: {  	v6 =	vshll.u32 v5, $0x1;
	v5 =	vand.u32 $0x7F, v5  }
0x37: {  	s18 =	sadd.s32 $0x10, s18;
	v6 =	vand.u32 $0xFFFFFF00, v6  }
0x38: {  	v7 =	vld [tilespmem:s18+$0x0];
	v5 =	vor.u32 v5, v6  }
0x39: {  	v6 =	vor.u32 $0x80, v5  }
0x3a: {  	v8, _, _ =	vpop (xrf0)  }
0x3b: {  	(v2sf) =	vpush v8, $0xF  }
.Ltmp0:
0x3c: {  	(pc) =	sbr.rel @p0 .LBB2_2-.Ltmp0, $4  }
0x3d: {  	[tilespmem:v5+s15+$0x0] =	vst.idx.msk vm0, v7  }
0x3e: {  	[tilespmem:v6+s15+$0x0] =	vst.idx.msk vm0, v4  }
0x3f: {  	s21 =	sadd.s32 $0x10, s21  }
0x40: {  	s22 =	sadd.s32 $0x10, s22;
	v4 =	vld [tilespmem:s21+$0x0]  }
0x41: {  	_ =	sdelay $0x2  }
0x42: {  	v5 =	vmov s20  }
0x43: {  	vm0 =	vlt.u32 v5, v1;
	vm1 =	vlt.u32 v4, $0x30D8  }
0x44: {  	vm0 =	vmand vm0, vm1  }
0x45: {  	v5 =	vsel vm0, $0x1, v2  }
0x46: {  	(xrf0) =	vadd.scan.msk.s32 $0xffff, v5;
	_ =	sdelay $0x5  }
0x47: {  	v5, _, _ =	vpop (xrf0)  }
0x48: {  	v6 =	vxor.u32 $0x80000000, v5  }
0x49: {  	(xrf0) =	vmax.scan.msk.u32 $0xffff, v6;
	_ =	sdelay $0x5  }
0x4a: {  	v6, _, _ =	vpop (xrf0)  }
0x4b: {  	(v2sf) =	vpush v6, $0xF;
	_ =	sdelay $0x6  }
0x4c: {  	s30 =	spop (v2sf)  }
0x4d: {  	s19 =	sadd.s32 s30, s19  }
0x4e: {  	s19 =	sadd.s32 $0x80000000, s19  }
0x4f: {  	v6 =	vmov s19  }
0x50: {  	v6 =	vadd.s32 $0xFFFFFFFF, v6  }
0x51: {  	v6 =	vbroadcast v6, $0x0;
	_ =	sdelay $0x1  }
0x52: {  	v5 =	vadd.s32 v5, v6  }
0x53: {  	v6 =	vshll.u32 v5, $0x1;
	s31 =	spop (v2sf)  }
0x54: {  	s18 =	sadd.s32 $0x10, s18;
	v5 =	vand.u32 $0x7F, v5;
	v6 =	vand.u32 $0xFFFFFF00, v6;
	s21 =	sadd.s32 s19, s31  }
0x55: {  	v7 =	vld [tilespmem:s18+$0x0];
	v5 =	vor.u32 v5, v6;
	s18 =	sadd.s32 $0x80000000, s21  }
0x56: {  	v6 =	vor.u32 $0x80, v5;
	s21 =	sadd.s32 $0x0, s18  }
0x57: {  	v8 =	vadd.s32 s21, v0  }
0x58: {  	v9 =	vshll.u32 v8, $0x1  }
0x59: {  	v8 =	vand.u32 $0x7F, v8;
	v9 =	vand.u32 $0xFFFFFF00, v9  }
0x5a: {  	[tilespmem:v5+s15+$0x0] =	vst.idx.msk vm0, v7;
	s19 =	sadd.s32 s31, s19;
	v5 =	vor.u32 v8, v9  }
0x5b: {  	s20 =	simm.s32 $0x10;
	[tilespmem:v6+s15+$0x0] =	vst.idx.msk vm0, v4;
	s19 =	sadd.s32 $0x80000000, s19;
	v4 =	vor.u32 $0x80, v5  }
.LBB2_4:
0x5c: {  	s21 =	sadd.s32 s20, s18;
	p0 =	sne.s32 s20, $0x70;
	s20 =	sadd.s32 $0x10, s20  }
.Ltmp1:
0x5d: {  	v6 =	vadd.s32 s21, v0;
	(pc) =	sbr.rel @p0 .LBB2_4-.Ltmp1, $4  }
0x5e: {  	v7 =	vshll.u32 v6, $0x1  }
0x5f: {  	v6 =	vand.u32 $0x7F, v6;
	v7 =	vand.u32 $0xFFFFFF00, v7;
	[tilespmem:v5+s15+$0x0] =	vst.idx.msk $0xffff, v2  }
0x60: {  	v5 =	vor.u32 v6, v7;
	[tilespmem:v4+s15+$0x0] =	vst.idx.msk $0xffff, v3  }
0x61: {  	v4 =	vor.u32 $0x80, v5  }
0x62: {  	s18 =	sadd.s32 $0x7F, s19  }
0x63: {  	s19 =	sand.u32 $0x7F, s18  }
0x64: {  	s20 =	sshra.s32 s18, $0x1F;
	p0 =	slt.s32 s18, $0x1;
	p1 =	sne.s32 s19, $0x0  }
0x65: {  	s30 =	sshrl.u32 s20, $0x19;
	p0 =	por !p0, !p1  }
0x66: {  	s19 =	simm.s32 $0x1;
	s18 =	sadd.s32 s30, s18;
	p0 =	por !p0, !p0  }
0x67: {  	s18 =	sshra.s32 s18, $0x7;
	s19 =	simm.s32 @!p0 $0x0  }
0x68: {  	[tilespmem:v5+s15+$0x0] =	vst.idx.msk $0xffff, v2;
	s18 =	ssub.s32 s18, s19  }
0x69: {  	[tilespmem:v4+s15+$0x0] =	vst.idx.msk $0xffff, v3;
	v4 =	vmov s18  }
0x6a: {  	[tilespmem:$0x18C00] =	vst v4  }
0x6b: {  	[tilespmem:$0x18C10] =	vst v4  }
0x6c: {  	[tilespmem:$0x18C20] =	vst v4  }
0x6d: {  	[tilespmem:$0x18C30] =	vst v4  }
0x6e: {  	[tilespmem:$0x18C40] =	vst v4  }
0x6f: {  	[tilespmem:$0x18C50] =	vst v4  }
0x70: {  	[tilespmem:$0x18C60] =	vst v4  }
0x71: {  	s18 =	simm.s32 $0x0;
	[tilespmem:$0x18C70] =	vst v4  }
0x72: {  	[hbm4b:s6+s18] =	stream.linear.scatter [tilespmem:s15], [sflag:$0x1], $0xC800, $0x38;
	[tilespmem:$0x18C80] =	vst v63  }
0x73: {  	_ =	swait.ge [sflag:s14], $0xC800  }
0x74: {  	[sflag:s14] =	ssyncset.done $0x0  }
0x75: {  	[sflag:s14] =	ssyncadd.s32 $0xFFFF3800  }
0x76: {  	[hbm4b:s5+s18] =	stream.linear.scatter [tilespmem:s16], [sflag:$0x1], $0x80, $0x38;
	[tilespmem:$0x18C80] =	vst v63  }
0x77: {  	_ =	swait.ge [sflag:s14], $0x80  }
0x78: {  	[sflag:s14] =	ssyncset.done $0x0  }
0x79: {  	s31 =	simm.s32 $0x6200;
	[sflag:s14] =	ssyncadd.s32 $0xFFFFFF80  }
0x7a: {  	v4 =	vld [tilespmem:s31+$0x0];
	_ =	sdelay $0x4  }
0x7b: {  	v5 =	vmov s18;
	v4 =	vadd.s32 $0xFFFFCF28, v4  }
0x7c: {  	vm0 =	vlt.u32 v5, v1;
	vm1 =	vlt.u32 v4, $0x30D8  }
0x7d: {  	vm0 =	vmand vm0, vm1  }
0x7e: {  	v5 =	vsel vm0, $0x1, v2  }
0x7f: {  	(xrf0) =	vadd.scan.msk.s32 $0xffff, v5;
	_ =	sdelay $0x2  }
0x80: {  	v5 =	vmov s18  }
0x81: {  	v5 =	vadd.s32 $0xFFFFFFFF, v5  }
0x82: {  	v5 =	vbroadcast v5, $0x0  }
0x83: {  	v6, _, _ =	vpop (xrf0)  }
0x84: {  	v5 =	vadd.s32 v6, v5  }
0x85: {  	v6 =	vxor.u32 $0x80000000, v6;
	v7 =	vshll.u32 v5, $0x1  }
0x86: {  	v5 =	vand.u32 $0x7F, v5;
	(xrf0) =	vmax.scan.msk.u32 $0xffff, v6;
	v7 =	vand.u32 $0xFFFFFF00, v7  }
0x87: {  	v6 =	vld [tilespmem:s18+$0x0];
	v5 =	vor.u32 v5, v7;
	_ =	sdelay $0x3  }
0x88: {  	v7 =	vor.u32 $0x80, v5  }
0x89: {  	[tilespmem:v5+s15+$0x0] =	vst.idx.msk vm0, v6;
	v5, _, _ =	vpop (xrf0)  }
0x8a: {  	(v2sf) =	vpush v5, $0xF;
	_ =	sdelay $0x2  }
0x8b: {  	s20 =	simm.s32 $0x6210;
	[tilespmem:v7+s15+$0x0] =	vst.idx.msk vm0, v4  }
0x8c: {  	s21 =	simm.s32 $0x10;
	s22 =	simm.s32 $0x20;
	s19 =	simm.s32 $0x0;
	v4 =	vld [tilespmem:s20+$0x0]  }
.LBB2_6:
0x8d: {  	p0 =	sne.s32 s22, $0x61A0;
	_ =	sdelay $0x3  }
0x8e: {  	v5 =	vmov s21;
	s21 =	smov.u32 s22;
	v4 =	vadd.s32 $0xFFFFCF28, v4  }
0x8f: {  	vm0 =	vlt.u32 v5, v1;
	vm1 =	vlt.u32 v4, $0x30D8  }
0x90: {  	vm0 =	vmand vm0, vm1  }
0x91: {  	v5 =	vsel vm0, $0x1, v2  }
0x92: {  	(xrf0) =	vadd.scan.msk.s32 $0xffff, v5;
	_ =	sdelay $0x1  }
0x93: {  	s23 =	spop (v2sf)  }
0x94: {  	s18 =	sadd.s32 s23, s18  }
0x95: {  	s18 =	sadd.s32 $0x80000000, s18  }
0x96: {  	v5 =	vmov s18  }
0x97: {  	v5 =	vadd.s32 $0xFFFFFFFF, v5;
	v6, _, _ =	vpop (xrf0)  }
0x98: {  	v5 =	vbroadcast v5, $0x0;
	v7 =	vxor.u32 $0x80000000, v6  }
0x99: {  	(xrf0) =	vmax.scan.msk.u32 $0xffff, v7  }
0x9a: {  	v5 =	vadd.s32 v6, v5  }
0x9b: {  	v6 =	vshll.u32 v5, $0x1;
	v5 =	vand.u32 $0x7F, v5  }
0x9c: {  	s19 =	sadd.s32 $0x10, s19;
	v6 =	vand.u32 $0xFFFFFF00, v6  }
0x9d: {  	v7 =	vld [tilespmem:s19+$0x0];
	v5 =	vor.u32 v5, v6  }
0x9e: {  	v6 =	vor.u32 $0x80, v5  }
0x9f: {  	v8, _, _ =	vpop (xrf0)  }
.Ltmp2:
0xa0: {  	(v2sf) =	vpush v8, $0xF;
	(pc) =	sbr.rel @p0 .LBB2_6-.Ltmp2, $4  }
0xa1: {  	_ = 	snop  }
0xa2: {  	[tilespmem:v5+s15+$0x0] =	vst.idx.msk vm0, v7  }
0xa3: {  	s20 =	sadd.s32 $0x10, s20;
	[tilespmem:v6+s15+$0x0] =	vst.idx.msk vm0, v4  }
0xa4: {  	s22 =	sadd.s32 $0x10, s22;
	v4 =	vld [tilespmem:s20+$0x0]  }
0xa5: {  	_ =	sdelay $0x3  }
0xa6: {  	v5 =	vmov s21;
	v6 =	vadd.s32 $0xFFFFCF28, v4  }
0xa7: {  	vm0 =	vlt.u32 v5, v1;
	vm1 =	vlt.u32 v6, $0x30D8  }
0xa8: {  	vm0 =	vmand vm0, vm1  }
0xa9: {  	v4 =	vsel vm0, $0x1, v2  }
0xaa: {  	(xrf0) =	vadd.scan.msk.s32 $0xffff, v4;
	_ =	sdelay $0x5  }
0xab: {  	v4, _, _ =	vpop (xrf0)  }
0xac: {  	v5 =	vxor.u32 $0x80000000, v4  }
0xad: {  	(xrf0) =	vmax.scan.msk.u32 $0xffff, v5;
	_ =	sdelay $0x5  }
0xae: {  	v5, _, _ =	vpop (xrf0)  }
0xaf: {  	(v2sf) =	vpush v5, $0xF;
	_ =	sdelay $0x6  }
0xb0: {  	s20 =	spop (v2sf)  }
0xb1: {  	s18 =	sadd.s32 s20, s18  }
0xb2: {  	s20 =	sadd.s32 $0x80000000, s18  }
0xb3: {  	v5 =	vmov s20  }
0xb4: {  	v5 =	vadd.s32 $0xFFFFFFFF, v5  }
0xb5: {  	v5 =	vbroadcast v5, $0x0;
	_ =	sdelay $0x1  }
0xb6: {  	v4 =	vadd.s32 v4, v5  }
0xb7: {  	v5 =	vshll.u32 v4, $0x1;
	s28 =	spop (v2sf)  }
0xb8: {  	s29 =	sadd.s32 $0x10, s19;
	v4 =	vand.u32 $0x7F, v4;
	v5 =	vand.u32 $0xFFFFFF00, v5;
	s30 =	sadd.s32 s20, s28  }
0xb9: {  	v7 =	vld [tilespmem:s29+$0x0];
	v4 =	vor.u32 v4, v5;
	s18 =	sadd.s32 $0x80000000, s30  }
0xba: {  	v5 =	vor.u32 $0x80, v4;
	s19 =	sadd.s32 $0x0, s18  }
0xbb: {  	v8 =	vadd.s32 s19, v0  }
0xbc: {  	v9 =	vshll.u32 v8, $0x1  }
0xbd: {  	v8 =	vand.u32 $0x7F, v8;
	v9 =	vand.u32 $0xFFFFFF00, v9  }
0xbe: {  	[tilespmem:v4+s15+$0x0] =	vst.idx.msk vm0, v7;
	s31 =	sadd.s32 s28, s20;
	v4 =	vor.u32 v8, v9  }
0xbf: {  	[tilespmem:v5+s15+$0x0] =	vst.idx.msk vm0, v6;
	s20 =	simm.s32 $0x10;
	s19 =	sadd.s32 $0x80000000, s31;
	v5 =	vor.u32 $0x80, v4  }
.LBB2_8:
0xc0: {  	s21 =	sadd.s32 s20, s18;
	p0 =	sne.s32 s20, $0x70;
	s20 =	sadd.s32 $0x10, s20  }
.Ltmp3:
0xc1: {  	v6 =	vadd.s32 s21, v0;
	(pc) =	sbr.rel @p0 .LBB2_8-.Ltmp3, $4  }
0xc2: {  	v7 =	vshll.u32 v6, $0x1  }
0xc3: {  	v6 =	vand.u32 $0x7F, v6;
	v7 =	vand.u32 $0xFFFFFF00, v7;
	[tilespmem:v4+s15+$0x0] =	vst.idx.msk $0xffff, v2  }
0xc4: {  	v4 =	vor.u32 v6, v7;
	[tilespmem:v5+s15+$0x0] =	vst.idx.msk $0xffff, v3  }
0xc5: {  	v5 =	vor.u32 $0x80, v4  }
0xc6: {  	s18 =	sadd.s32 $0x7F, s19  }
0xc7: {  	s19 =	sand.u32 $0x7F, s18  }
0xc8: {  	s20 =	sshra.s32 s18, $0x1F;
	p0 =	slt.s32 s18, $0x1;
	p1 =	sne.s32 s19, $0x0  }
0xc9: {  	s30 =	sshrl.u32 s20, $0x19;
	p0 =	por !p0, !p1  }
0xca: {  	s19 =	simm.s32 $0x1;
	s18 =	sadd.s32 s30, s18;
	p0 =	por !p0, !p0  }
0xcb: {  	s18 =	sshra.s32 s18, $0x7;
	s19 =	simm.s32 @!p0 $0x0  }
0xcc: {  	[tilespmem:v4+s15+$0x0] =	vst.idx.msk $0xffff, v2;
	s18 =	ssub.s32 s18, s19  }
0xcd: {  	[tilespmem:v5+s15+$0x0] =	vst.idx.msk $0xffff, v3;
	v4 =	vmov s18  }
0xce: {  	[tilespmem:$0x18C00] =	vst v4  }
0xcf: {  	[tilespmem:$0x18C10] =	vst v4  }
0xd0: {  	[tilespmem:$0x18C20] =	vst v4  }
0xd1: {  	[tilespmem:$0x18C30] =	vst v4  }
0xd2: {  	[tilespmem:$0x18C40] =	vst v4  }
0xd3: {  	[tilespmem:$0x18C50] =	vst v4  }
0xd4: {  	[tilespmem:$0x18C60] =	vst v4  }
0xd5: {  	s18 =	simm.s32 $0x0;
	[tilespmem:$0x18C70] =	vst v4  }
0xd6: {  	[hbm4b:s7+s18] =	stream.linear.scatter [tilespmem:s15], [sflag:$0x1], $0xC800, $0x38;
	[tilespmem:$0x18C80] =	vst v63  }
0xd7: {  	_ =	swait.ge [sflag:s14], $0xC800  }
0xd8: {  	[sflag:s14] =	ssyncset.done $0x0  }
0xd9: {  	[sflag:s14] =	ssyncadd.s32 $0xFFFF3800  }
0xda: {  	[hbm4b:s8+s18] =	stream.linear.scatter [tilespmem:s16], [sflag:$0x1], $0x80, $0x38;
	[tilespmem:$0x18C80] =	vst v63  }
0xdb: {  	_ =	swait.ge [sflag:s14], $0x80  }
0xdc: {  	[sflag:s14] =	ssyncset.done $0x0  }
0xdd: {  	s31 =	simm.s32 $0x6200;
	[sflag:s14] =	ssyncadd.s32 $0xFFFFFF80  }
0xde: {  	v4 =	vld [tilespmem:s31+$0x0];
	_ =	sdelay $0x4  }
0xdf: {  	v5 =	vmov s18;
	v4 =	vadd.s32 $0xFFFF9E50, v4  }
0xe0: {  	vm0 =	vlt.u32 v5, v1;
	vm1 =	vlt.u32 v4, $0x30D8  }
0xe1: {  	vm0 =	vmand vm0, vm1  }
0xe2: {  	v5 =	vsel vm0, $0x1, v2  }
0xe3: {  	(xrf0) =	vadd.scan.msk.s32 $0xffff, v5;
	_ =	sdelay $0x2  }
0xe4: {  	v5 =	vmov s18  }
0xe5: {  	v5 =	vadd.s32 $0xFFFFFFFF, v5  }
0xe6: {  	v5 =	vbroadcast v5, $0x0  }
0xe7: {  	v6, _, _ =	vpop (xrf0)  }
0xe8: {  	v5 =	vadd.s32 v6, v5  }
0xe9: {  	v6 =	vxor.u32 $0x80000000, v6;
	v7 =	vshll.u32 v5, $0x1  }
0xea: {  	v5 =	vand.u32 $0x7F, v5;
	(xrf0) =	vmax.scan.msk.u32 $0xffff, v6;
	v7 =	vand.u32 $0xFFFFFF00, v7  }
0xeb: {  	v6 =	vld [tilespmem:s18+$0x0];
	v5 =	vor.u32 v5, v7;
	_ =	sdelay $0x3  }
0xec: {  	v7 =	vor.u32 $0x80, v5  }
0xed: {  	[tilespmem:v5+s15+$0x0] =	vst.idx.msk vm0, v6;
	v5, _, _ =	vpop (xrf0)  }
0xee: {  	(v2sf) =	vpush v5, $0xF;
	_ =	sdelay $0x2  }
0xef: {  	s20 =	simm.s32 $0x6210;
	[tilespmem:v7+s15+$0x0] =	vst.idx.msk vm0, v4  }
0xf0: {  	s21 =	simm.s32 $0x10;
	s22 =	simm.s32 $0x20;
	s19 =	simm.s32 $0x0;
	v4 =	vld [tilespmem:s20+$0x0]  }
.LBB2_10:
0xf1: {  	p0 =	sne.s32 s22, $0x61A0;
	_ =	sdelay $0x3  }
0xf2: {  	v5 =	vmov s21;
	s21 =	smov.u32 s22;
	v4 =	vadd.s32 $0xFFFF9E50, v4  }
0xf3: {  	vm0 =	vlt.u32 v5, v1;
	vm1 =	vlt.u32 v4, $0x30D8  }
0xf4: {  	vm0 =	vmand vm0, vm1  }
0xf5: {  	v5 =	vsel vm0, $0x1, v2  }
0xf6: {  	(xrf0) =	vadd.scan.msk.s32 $0xffff, v5;
	_ =	sdelay $0x1  }
0xf7: {  	s23 =	spop (v2sf)  }
0xf8: {  	s18 =	sadd.s32 s23, s18  }
0xf9: {  	s18 =	sadd.s32 $0x80000000, s18  }
0xfa: {  	v5 =	vmov s18  }
0xfb: {  	v5 =	vadd.s32 $0xFFFFFFFF, v5;
	v6, _, _ =	vpop (xrf0)  }
0xfc: {  	v5 =	vbroadcast v5, $0x0;
	v7 =	vxor.u32 $0x80000000, v6  }
0xfd: {  	(xrf0) =	vmax.scan.msk.u32 $0xffff, v7  }
0xfe: {  	v5 =	vadd.s32 v6, v5  }
0xff: {  	v6 =	vshll.u32 v5, $0x1;
	v5 =	vand.u32 $0x7F, v5  }
0x100: {  	s19 =	sadd.s32 $0x10, s19;
	v6 =	vand.u32 $0xFFFFFF00, v6  }
0x101: {  	v7 =	vld [tilespmem:s19+$0x0];
	v5 =	vor.u32 v5, v6  }
0x102: {  	v6 =	vor.u32 $0x80, v5  }
0x103: {  	v8, _, _ =	vpop (xrf0)  }
.Ltmp4:
0x104: {  	(v2sf) =	vpush v8, $0xF;
	(pc) =	sbr.rel @p0 .LBB2_10-.Ltmp4, $4  }
0x105: {  	_ = 	snop  }
0x106: {  	[tilespmem:v5+s15+$0x0] =	vst.idx.msk vm0, v7  }
0x107: {  	s20 =	sadd.s32 $0x10, s20;
	[tilespmem:v6+s15+$0x0] =	vst.idx.msk vm0, v4  }
0x108: {  	s22 =	sadd.s32 $0x10, s22;
	v4 =	vld [tilespmem:s20+$0x0]  }
0x109: {  	_ =	sdelay $0x3  }
0x10a: {  	v5 =	vmov s21;
	v6 =	vadd.s32 $0xFFFF9E50, v4  }
0x10b: {  	vm0 =	vlt.u32 v5, v1;
	vm1 =	vlt.u32 v6, $0x30D8  }
0x10c: {  	vm0 =	vmand vm0, vm1  }
0x10d: {  	v4 =	vsel vm0, $0x1, v2  }
0x10e: {  	(xrf0) =	vadd.scan.msk.s32 $0xffff, v4;
	_ =	sdelay $0x5  }
0x10f: {  	v4, _, _ =	vpop (xrf0)  }
0x110: {  	v5 =	vxor.u32 $0x80000000, v4  }
0x111: {  	(xrf0) =	vmax.scan.msk.u32 $0xffff, v5;
	_ =	sdelay $0x5  }
0x112: {  	v5, _, _ =	vpop (xrf0)  }
0x113: {  	(v2sf) =	vpush v5, $0xF;
	_ =	sdelay $0x6  }
0x114: {  	s20 =	spop (v2sf)  }
0x115: {  	s18 =	sadd.s32 s20, s18  }
0x116: {  	s20 =	sadd.s32 $0x80000000, s18  }
0x117: {  	v5 =	vmov s20  }
0x118: {  	v5 =	vadd.s32 $0xFFFFFFFF, v5  }
0x119: {  	v5 =	vbroadcast v5, $0x0;
	_ =	sdelay $0x1  }
0x11a: {  	v4 =	vadd.s32 v4, v5  }
0x11b: {  	v5 =	vshll.u32 v4, $0x1;
	s28 =	spop (v2sf)  }
0x11c: {  	s29 =	sadd.s32 $0x10, s19;
	v4 =	vand.u32 $0x7F, v4;
	v5 =	vand.u32 $0xFFFFFF00, v5;
	s30 =	sadd.s32 s20, s28  }
0x11d: {  	v7 =	vld [tilespmem:s29+$0x0];
	v4 =	vor.u32 v4, v5;
	s18 =	sadd.s32 $0x80000000, s30  }
0x11e: {  	v5 =	vor.u32 $0x80, v4;
	s19 =	sadd.s32 $0x0, s18  }
0x11f: {  	v8 =	vadd.s32 s19, v0  }
0x120: {  	v9 =	vshll.u32 v8, $0x1  }
0x121: {  	v8 =	vand.u32 $0x7F, v8;
	v9 =	vand.u32 $0xFFFFFF00, v9  }
0x122: {  	[tilespmem:v4+s15+$0x0] =	vst.idx.msk vm0, v7;
	s31 =	sadd.s32 s28, s20;
	v4 =	vor.u32 v8, v9  }
0x123: {  	[tilespmem:v5+s15+$0x0] =	vst.idx.msk vm0, v6;
	s20 =	simm.s32 $0x10;
	s19 =	sadd.s32 $0x80000000, s31;
	v5 =	vor.u32 $0x80, v4  }
.LBB2_12:
0x124: {  	s21 =	sadd.s32 s20, s18;
	p0 =	sne.s32 s20, $0x70;
	s20 =	sadd.s32 $0x10, s20  }
.Ltmp5:
0x125: {  	v6 =	vadd.s32 s21, v0;
	(pc) =	sbr.rel @p0 .LBB2_12-.Ltmp5, $4  }
0x126: {  	v7 =	vshll.u32 v6, $0x1  }
0x127: {  	v6 =	vand.u32 $0x7F, v6;
	v7 =	vand.u32 $0xFFFFFF00, v7;
	[tilespmem:v4+s15+$0x0] =	vst.idx.msk $0xffff, v2  }
0x128: {  	v4 =	vor.u32 v6, v7;
	[tilespmem:v5+s15+$0x0] =	vst.idx.msk $0xffff, v3  }
0x129: {  	v5 =	vor.u32 $0x80, v4  }
0x12a: {  	s18 =	sadd.s32 $0x7F, s19  }
0x12b: {  	s19 =	sand.u32 $0x7F, s18  }
0x12c: {  	s20 =	sshra.s32 s18, $0x1F;
	p0 =	slt.s32 s18, $0x1;
	p1 =	sne.s32 s19, $0x0  }
0x12d: {  	s30 =	sshrl.u32 s20, $0x19;
	p0 =	por !p0, !p1  }
0x12e: {  	s19 =	simm.s32 $0x1;
	s18 =	sadd.s32 s30, s18;
	p0 =	por !p0, !p0  }
0x12f: {  	s18 =	sshra.s32 s18, $0x7;
	s19 =	simm.s32 @!p0 $0x0  }
0x130: {  	[tilespmem:v4+s15+$0x0] =	vst.idx.msk $0xffff, v2;
	s18 =	ssub.s32 s18, s19  }
0x131: {  	[tilespmem:v5+s15+$0x0] =	vst.idx.msk $0xffff, v3;
	v4 =	vmov s18  }
0x132: {  	[tilespmem:$0x18C00] =	vst v4  }
0x133: {  	[tilespmem:$0x18C10] =	vst v4  }
0x134: {  	[tilespmem:$0x18C20] =	vst v4  }
0x135: {  	[tilespmem:$0x18C30] =	vst v4  }
0x136: {  	[tilespmem:$0x18C40] =	vst v4  }
0x137: {  	[tilespmem:$0x18C50] =	vst v4  }
0x138: {  	[tilespmem:$0x18C60] =	vst v4  }
0x139: {  	s18 =	simm.s32 $0x0;
	[tilespmem:$0x18C70] =	vst v4  }
0x13a: {  	[hbm4b:s9+s18] =	stream.linear.scatter [tilespmem:s15], [sflag:$0x1], $0xC800, $0x38;
	[tilespmem:$0x18C80] =	vst v63  }
0x13b: {  	_ =	swait.ge [sflag:s14], $0xC800  }
0x13c: {  	[sflag:s14] =	ssyncset.done $0x0  }
0x13d: {  	[sflag:s14] =	ssyncadd.s32 $0xFFFF3800  }
0x13e: {  	[hbm4b:s10+s18] =	stream.linear.scatter [tilespmem:s16], [sflag:$0x1], $0x80, $0x38;
	[tilespmem:$0x18C80] =	vst v63  }
0x13f: {  	_ =	swait.ge [sflag:s14], $0x80  }
0x140: {  	[sflag:s14] =	ssyncset.done $0x0  }
0x141: {  	s31 =	simm.s32 $0x6200;
	[sflag:s14] =	ssyncadd.s32 $0xFFFFFF80  }
0x142: {  	v4 =	vld [tilespmem:s31+$0x0];
	_ =	sdelay $0x4  }
0x143: {  	v5 =	vmov s18;
	v4 =	vadd.s32 $0xFFFF6D78, v4  }
0x144: {  	vm0 =	vlt.u32 v5, v1;
	vm1 =	vlt.u32 v4, $0x30D8  }
0x145: {  	vm0 =	vmand vm0, vm1  }
0x146: {  	v5 =	vsel vm0, $0x1, v2  }
0x147: {  	(xrf0) =	vadd.scan.msk.s32 $0xffff, v5;
	_ =	sdelay $0x2  }
0x148: {  	v5 =	vmov s18  }
0x149: {  	v5 =	vadd.s32 $0xFFFFFFFF, v5  }
0x14a: {  	v5 =	vbroadcast v5, $0x0  }
0x14b: {  	v6, _, _ =	vpop (xrf0)  }
0x14c: {  	v5 =	vadd.s32 v6, v5  }
0x14d: {  	v6 =	vxor.u32 $0x80000000, v6;
	v7 =	vshll.u32 v5, $0x1  }
0x14e: {  	v5 =	vand.u32 $0x7F, v5;
	(xrf0) =	vmax.scan.msk.u32 $0xffff, v6;
	v7 =	vand.u32 $0xFFFFFF00, v7  }
0x14f: {  	v6 =	vld [tilespmem:s18+$0x0];
	v5 =	vor.u32 v5, v7;
	_ =	sdelay $0x3  }
0x150: {  	v7 =	vor.u32 $0x80, v5  }
0x151: {  	[tilespmem:v5+s15+$0x0] =	vst.idx.msk vm0, v6;
	v5, _, _ =	vpop (xrf0)  }
0x152: {  	(v2sf) =	vpush v5, $0xF;
	_ =	sdelay $0x2  }
0x153: {  	s20 =	simm.s32 $0x6210;
	[tilespmem:v7+s15+$0x0] =	vst.idx.msk vm0, v4  }
0x154: {  	s21 =	simm.s32 $0x10;
	s22 =	simm.s32 $0x20;
	s19 =	simm.s32 $0x0;
	v4 =	vld [tilespmem:s20+$0x0]  }
.LBB2_14:
0x155: {  	p0 =	sne.s32 s22, $0x61A0;
	_ =	sdelay $0x3  }
0x156: {  	v5 =	vmov s21;
	s21 =	smov.u32 s22;
	v4 =	vadd.s32 $0xFFFF6D78, v4  }
0x157: {  	vm0 =	vlt.u32 v5, v1;
	vm1 =	vlt.u32 v4, $0x30D8  }
0x158: {  	vm0 =	vmand vm0, vm1  }
0x159: {  	v5 =	vsel vm0, $0x1, v2  }
0x15a: {  	(xrf0) =	vadd.scan.msk.s32 $0xffff, v5;
	_ =	sdelay $0x1  }
0x15b: {  	s23 =	spop (v2sf)  }
0x15c: {  	s18 =	sadd.s32 s23, s18  }
0x15d: {  	s18 =	sadd.s32 $0x80000000, s18  }
0x15e: {  	v5 =	vmov s18  }
0x15f: {  	v5 =	vadd.s32 $0xFFFFFFFF, v5;
	v6, _, _ =	vpop (xrf0)  }
0x160: {  	v5 =	vbroadcast v5, $0x0;
	v7 =	vxor.u32 $0x80000000, v6  }
0x161: {  	(xrf0) =	vmax.scan.msk.u32 $0xffff, v7  }
0x162: {  	v5 =	vadd.s32 v6, v5  }
0x163: {  	v6 =	vshll.u32 v5, $0x1;
	v5 =	vand.u32 $0x7F, v5  }
0x164: {  	s19 =	sadd.s32 $0x10, s19;
	v6 =	vand.u32 $0xFFFFFF00, v6  }
0x165: {  	v7 =	vld [tilespmem:s19+$0x0];
	v5 =	vor.u32 v5, v6  }
0x166: {  	v6 =	vor.u32 $0x80, v5  }
0x167: {  	v8, _, _ =	vpop (xrf0)  }
.Ltmp6:
0x168: {  	(v2sf) =	vpush v8, $0xF;
	(pc) =	sbr.rel @p0 .LBB2_14-.Ltmp6, $4  }
0x169: {  	_ = 	snop  }
0x16a: {  	[tilespmem:v5+s15+$0x0] =	vst.idx.msk vm0, v7  }
0x16b: {  	s20 =	sadd.s32 $0x10, s20;
	[tilespmem:v6+s15+$0x0] =	vst.idx.msk vm0, v4  }
0x16c: {  	s22 =	sadd.s32 $0x10, s22;
	v4 =	vld [tilespmem:s20+$0x0]  }
0x16d: {  	_ =	sdelay $0x3  }
0x16e: {  	v5 =	vmov s21;
	v6 =	vadd.s32 $0xFFFF6D78, v4  }
0x16f: {  	vm0 =	vlt.u32 v5, v1;
	vm1 =	vlt.u32 v6, $0x30D8  }
0x170: {  	vm0 =	vmand vm0, vm1  }
0x171: {  	v4 =	vsel vm0, $0x1, v2  }
0x172: {  	(xrf0) =	vadd.scan.msk.s32 $0xffff, v4;
	_ =	sdelay $0x5  }
0x173: {  	v4, _, _ =	vpop (xrf0)  }
0x174: {  	v5 =	vxor.u32 $0x80000000, v4  }
0x175: {  	(xrf0) =	vmax.scan.msk.u32 $0xffff, v5;
	_ =	sdelay $0x5  }
0x176: {  	v5, _, _ =	vpop (xrf0)  }
0x177: {  	(v2sf) =	vpush v5, $0xF;
	_ =	sdelay $0x6  }
0x178: {  	s20 =	spop (v2sf)  }
0x179: {  	s18 =	sadd.s32 s20, s18  }
0x17a: {  	s20 =	sadd.s32 $0x80000000, s18  }
0x17b: {  	v5 =	vmov s20  }
0x17c: {  	v5 =	vadd.s32 $0xFFFFFFFF, v5  }
0x17d: {  	v5 =	vbroadcast v5, $0x0;
	_ =	sdelay $0x1  }
0x17e: {  	v4 =	vadd.s32 v4, v5  }
0x17f: {  	v5 =	vshll.u32 v4, $0x1;
	s28 =	spop (v2sf)  }
0x180: {  	s29 =	sadd.s32 $0x10, s19;
	v4 =	vand.u32 $0x7F, v4;
	v5 =	vand.u32 $0xFFFFFF00, v5;
	s30 =	sadd.s32 s20, s28  }
0x181: {  	v7 =	vld [tilespmem:s29+$0x0];
	v4 =	vor.u32 v4, v5;
	s18 =	sadd.s32 $0x80000000, s30  }
0x182: {  	v5 =	vor.u32 $0x80, v4;
	s19 =	sadd.s32 $0x0, s18  }
0x183: {  	v8 =	vadd.s32 s19, v0  }
0x184: {  	v9 =	vshll.u32 v8, $0x1  }
0x185: {  	v8 =	vand.u32 $0x7F, v8;
	v9 =	vand.u32 $0xFFFFFF00, v9  }
0x186: {  	[tilespmem:v4+s15+$0x0] =	vst.idx.msk vm0, v7;
	s31 =	sadd.s32 s28, s20;
	v4 =	vor.u32 v8, v9  }
0x187: {  	[tilespmem:v5+s15+$0x0] =	vst.idx.msk vm0, v6;
	s20 =	simm.s32 $0x10;
	s19 =	sadd.s32 $0x80000000, s31;
	v5 =	vor.u32 $0x80, v4  }
.LBB2_16:
0x188: {  	s21 =	sadd.s32 s20, s18;
	p0 =	sne.s32 s20, $0x70;
	s20 =	sadd.s32 $0x10, s20  }
.Ltmp7:
0x189: {  	v6 =	vadd.s32 s21, v0;
	(pc) =	sbr.rel @p0 .LBB2_16-.Ltmp7, $4  }
0x18a: {  	v7 =	vshll.u32 v6, $0x1  }
0x18b: {  	v6 =	vand.u32 $0x7F, v6;
	v7 =	vand.u32 $0xFFFFFF00, v7;
	[tilespmem:v4+s15+$0x0] =	vst.idx.msk $0xffff, v2  }
0x18c: {  	v4 =	vor.u32 v6, v7;
	[tilespmem:v5+s15+$0x0] =	vst.idx.msk $0xffff, v3  }
0x18d: {  	v5 =	vor.u32 $0x80, v4  }
0x18e: {  	s18 =	sadd.s32 $0x7F, s19  }
0x18f: {  	s19 =	sand.u32 $0x7F, s18  }
0x190: {  	s31 =	sshra.s32 s18, $0x1F;
	p1 =	slt.s32 s18, $0x1;
	p0 =	sne.s32 s19, $0x0  }
0x191: {  	s19 =	sshrl.u32 s31, $0x19;
	p0 =	por !p1, !p0  }
0x192: {  	s18 =	sadd.s32 s19, s18;
	s19 =	simm.s32 $0x1;
	p0 =	por !p0, !p0  }
0x193: {  	s18 =	sshra.s32 s18, $0x7;
	s19 =	simm.s32 @!p0 $0x0  }
0x194: {  	[tilespmem:v4+s15+$0x0] =	vst.idx.msk $0xffff, v2;
	s18 =	ssub.s32 s18, s19  }
0x195: {  	[tilespmem:v5+s15+$0x0] =	vst.idx.msk $0xffff, v3;
	v4 =	vmov s18  }
0x196: {  	[tilespmem:$0x18C00] =	vst v4  }
0x197: {  	[tilespmem:$0x18C10] =	vst v4  }
0x198: {  	[tilespmem:$0x18C20] =	vst v4  }
0x199: {  	[tilespmem:$0x18C30] =	vst v4  }
0x19a: {  	[tilespmem:$0x18C40] =	vst v4  }
0x19b: {  	[tilespmem:$0x18C50] =	vst v4  }
0x19c: {  	[tilespmem:$0x18C60] =	vst v4  }
0x19d: {  	[tilespmem:$0x18C70] =	vst v4  }
0x19e: {  	[hbm4b:s11+s2] =	stream.linear.scatter [tilespmem:s15], [sflag:$0x1], $0xC800, $0x38;
	[tilespmem:$0x18C80] =	vst v63  }
0x19f: {  	s17 =	sadd.s32 $0x1, s17;
	_ =	swait.ge [sflag:s14], $0xC800  }
0x1a0: {  	p0 =	sne.s32 s17, s13;
	[sflag:s14] =	ssyncset.done $0x0  }
.Ltmp8:
0x1a1: {  	[sflag:s14] =	ssyncadd.s32 $0xFFFF3800;
	(pc) =	sbr.rel @p0 .LBB2_1-.Ltmp8, $4  }
0x1a2: {  	[hbm4b:s12+s2] =	stream.linear.scatter [tilespmem:s16], [sflag:$0x1], $0x80, $0x38;
	[tilespmem:$0x18C80] =	vst v63  }
0x1a3: {  	_ =	swait.ge [sflag:s14], $0x80  }
0x1a4: {  	[sflag:s14] =	ssyncset.done $0x0  }
0x1a5: {  	[sflag:s14] =	ssyncadd.s32 $0xFFFFFF80  }
0x1a6: {  	_ =	sfence.sel $0x180000  }
0x1a7: {  	[bflag:$0x0] =	sbarrier.arrive $0xFFFF  }
0x1a8: {  	p0 =	sne.s32 s0, $0x0;
	_ =	strace $0x9000004A  }
0x1a9: {  	s0 =	sadd.s32 @!p0 $0x100000, s1;
	[bflag:$0x2] =	sbarrier.arrive $0xFFFF  }
0x1aa: {  	[sflag:s0] =	ssyncadd.tile.s32 @!p0 $0x1;
	_ =	shalt  }
.Lfunc_end2:
_tile_overlayer_lowered:
.L_overlay_start_2:
0x1ab: {  	(tag) =	ssettag $0x2  }
0x1ac: {  	s0 =	rddreg [dreg:$0x0];
	s2 =	stileid.u32  }
0x1ad: {  	s1 =	rddreg [dreg:$0x1];
	p0 =	sne.s32 s2, $0x0  }
0x1ae: {  	s3 =	rddreg [dreg:$0x2];
	[bflag:$0x3] =	sbarrier.arrive $0xFFFF;
	s2 =	simm.s32 @!p0 $0x1C01  }
0x1af: {  	[timem:s3], [sflag:s2] =	dma.local @!p0 [hbm:s0], s1  }
0x1b0: {  	s0 =	simm.s32 @!p0 $0x1  }
0x1b1: {  	_ =	swait.ge @!p0 [sflag:s0], s1  }
0x1b2: {  	s1 =	ssub.s32 @!p0 $0x0, s1;
	[sflag:s0] =	ssyncset.done @!p0 $0x0  }
0x1b3: {  	[sflag:s0] =	ssyncadd.s32 @!p0 s1  }
0x1b4: {  	[bflag:$0x3] =	sbarrier.arrive $0xFFFF  }
0x1b5: {  	_ =	shalt  }

// kernel: kernel.17.cloned.1.call-start
scs
__scs_entry_jumppad:
0x0: {  	(pc) =	sbr.rel $0x88, $3  }
0x1: {  	(tag) =	ssettag $0x0;
	lr =	simm.s32 $0x1  }
0x2: {  	[smem:$0x3F99] =	sst lr;
	_ =	strace $0xD0000000  }
0x3: {  	_ = 	snop  }
0x4: {  	_ = 	snop  }
0x5: {  	_ = 	snop  }
0x6: {  	_ = 	snop  }
0x7: {  	_ = 	snop  }
__scs_overlays_trampoline_lowered:
0x8: {  	[smem:$0x3FA8] =	sst s0  }
0x9: {  	[smem:$0x3FA9] =	sst s1  }
0xa: {  	[smem:$0x3FAA] =	sst s2  }
0xb: {  	[smem:$0x3FAB] =	sst s3  }
0xc: {  	[smem:$0x3FAC] =	sst s4  }
0xd: {  	[smem:$0x3FAD] =	sst s5  }
0xe: {  	[smem:$0x3FAE] =	sst s6  }
0xf: {  	[smem:$0x3FAF] =	sst s7  }
0x10: {  	[smem:$0x3FB0] =	sst s8  }
0x11: {  	[smem:$0x3FB1] =	sst s9;
	s0 =	simm.s32 @!p0 $0x0  }
0x12: {  	s1 =	sld [smem:$0x3F97];
	s0 =	simm.s32 @p0 $0x1  }
0x13: {  	[smem:$0x3FB2] =	sst s0;
	s0 =	simm.s32 @!p1 $0x0  }
0x14: {  	s2 =	sld [smem:$0x3F96];
	s0 =	simm.s32 @p1 $0x1  }
0x15: {  	[smem:$0x3FB3] =	sst s0;
	s0 =	simm.s32 @!p2 $0x0  }
0x16: {  	s3 =	sld [smem:$0x3FDB];
	s0 =	simm.s32 @p2 $0x1  }
0x17: {  	s4 =	simm.s32 $0x1BF5;
	[smem:$0x3FB5] =	sst s0  }
0x18: {  	s0 =	sld [smem:$0x3F98];
	_ =	swait.ge [sflag:s4], $0x0  }
0x19: {  	s7 =	sld [smem:$0x3F99]  }
0x1a: {  	s8 =	sadd.s32 $0xFFFFE003, lr  }
0x1b: {  	s9 =	sadd.s32 $0xFFFFFEF7, lr;
	s5 =	simm.s32 $0xFFFFFFFF;
	p2 =	slt.u32 s8, $0xFFFFF086  }
0x1c: {  	p1 =	slt.u32 s9, $0xF7A;
	s5 =	simm.s32 @!p2 $0x0  }
0x1d: {  	s5 =	simm.s32 @p1 $0x1;
	p0 =	seq.s32 s7, s2  }
0x1e: {  	s7 =	smul.u32 @!p0 $0xF7A, s2;
	p2 =	seq.s32 @!p0 s5, $0x0  }
0x1f: {  	s9 =	smul.u32 $0xF7A, s1;
	s8 =	simm.s32 @!p0 $0x1BF5;
	p2 =	por !p2, p0  }
0x20: {  	[sflag:s8] =	ssyncset.s32 @!p0 $0xFFFFF086;
	s6 =	sadd.s32 @!p0 s3, s7;
	s7 =	simm.s32 @!p0 $0x108  }
0x21: {  	s3 =	sadd.s32 s3, s9;
	s6 =	sadd.s32 @!p0 $0x88, s6;
	s7 =	simm.s32 @p2 $0x1082  }
0x22: {  	[simem:s7], [sflag:s8] =	dma.local @!p0 [hbm:s6], $0xF7A  }
0x23: {  	s9 =	sor.u32 $0xD0000000, s2;
	s6 =	simm.s32 $0x108;
	_ =	swait.ge @!p0 [sflag:s8], $0x0  }
0x24: {  	s3 =	sadd.s32 $0x88, s3;
	s6 =	simm.s32 @!p1 $0x1082;
	[sflag:s4] =	ssyncset.s32 $0xFFFFF086  }
0x25: {  	[simem:s6], [sflag:s4] =	dma.local [hbm:s3], $0xF7A  }
0x26: {  	[smem:$0x3F99] =	sst s1;
	(tag) =	ssettag s2;
	_ =	strace s9  }
0x27: {  	s1 =	sld [smem:$0x3FA9]  }
0x28: {  	s2 =	sld [smem:$0x3FAA]  }
0x29: {  	s4 =	sld [smem:$0x3FAC]  }
0x2a: {  	p0 =	seq.s32 s5, $0x0;
	s5 =	sld [smem:$0x3FAD]  }
0x2b: {  	s6 =	sld [smem:$0x3FAE]  }
0x2c: {  	s7 =	sld [smem:$0x3FAF]  }
0x2d: {  	s3 =	simm.s32 $0x108;
	s8 =	sld [smem:$0x3FB0]  }
0x2e: {  	s3 =	simm.s32 @!p0 $0x1082;
	s9 =	sld [smem:$0x3FB1]  }
0x2f: {  	lr =	sadd.s32 s0, s3;
	s0 =	sld [smem:$0x3FA8]  }
0x30: {  	s3 =	sld [smem:$0x3FAB]  }
0x31: {  	[smem:$0x3FB4] =	sst s10  }
0x32: {  	s10 =	sld [smem:$0x3FB2];
	_ =	sdelay $0x3  }
0x33: {  	p0 =	seq.s32 s10, $0x1;
	s10 =	sld [smem:$0x3FB4];
	_ =	sdelay $0x3  }
0x34: {  	[smem:$0x3FB4] =	sst s10  }
0x35: {  	s10 =	sld [smem:$0x3FB3];
	_ =	sdelay $0x3  }
0x36: {  	p1 =	seq.s32 s10, $0x1;
	s10 =	sld [smem:$0x3FB4];
	_ =	sdelay $0x3  }
0x37: {  	[smem:$0x3FB4] =	sst s10  }
0x38: {  	s10 =	sld [smem:$0x3FB5]  }
0x39: {  	_ = 	snop;
	(pc) =	sbr.ind lr, $3  }
0x3a: {  	_ = 	snop  }
0x3b: {  	_ = 	snop  }
0x3c: {  	p2 =	seq.s32 s10, $0x1;
	s10 =	sld [smem:$0x3FB4]  }
0x3d: {  	_ =	shalt  }
0x3e: {  	_ =	shalt  }
0x3f: {  	_ =	shalt  }
0x40: {  	_ =	shalt  }
0x41: {  	_ =	shalt  }
0x42: {  	_ =	shalt  }
0x43: {  	_ =	shalt  }
0x44: {  	_ =	shalt  }
0x45: {  	_ =	shalt  }
0x46: {  	_ =	shalt  }
0x47: {  	_ =	shalt  }
0x48: {  	_ =	shalt  }
0x49: {  	_ =	shalt  }
0x4a: {  	_ =	shalt  }
0x4b: {  	_ =	shalt  }
0x4c: {  	_ =	shalt  }
0x4d: {  	_ =	shalt  }
0x4e: {  	_ =	shalt  }
0x4f: {  	_ =	shalt  }
0x50: {  	_ =	shalt  }
0x51: {  	_ =	shalt  }
0x52: {  	_ =	shalt  }
0x53: {  	_ =	shalt  }
0x54: {  	_ =	shalt  }
0x55: {  	_ =	shalt  }
0x56: {  	_ =	shalt  }
0x57: {  	_ =	shalt  }
0x58: {  	_ =	shalt  }
0x59: {  	_ =	shalt  }
0x5a: {  	_ =	shalt  }
0x5b: {  	_ =	shalt  }
0x5c: {  	_ =	shalt  }
0x5d: {  	_ =	shalt  }
0x5e: {  	_ =	shalt  }
0x5f: {  	_ =	shalt  }
0x60: {  	_ =	shalt  }
0x61: {  	_ =	shalt  }
0x62: {  	_ =	shalt  }
0x63: {  	_ =	shalt  }
0x64: {  	_ =	shalt  }
0x65: {  	_ =	shalt  }
0x66: {  	_ =	shalt  }
0x67: {  	_ =	shalt  }
0x68: {  	_ =	shalt  }
0x69: {  	_ =	shalt  }
0x6a: {  	_ =	shalt  }
0x6b: {  	_ =	shalt  }
0x6c: {  	_ =	shalt  }
0x6d: {  	_ =	shalt  }
0x6e: {  	_ =	shalt  }
0x6f: {  	_ =	shalt  }
0x70: {  	_ =	shalt  }
0x71: {  	_ =	shalt  }
0x72: {  	_ =	shalt  }
0x73: {  	_ =	shalt  }
0x74: {  	_ =	shalt  }
0x75: {  	_ =	shalt  }
0x76: {  	_ =	shalt  }
0x77: {  	_ =	shalt  }
0x78: {  	_ =	shalt  }
0x79: {  	_ =	shalt  }
0x7a: {  	_ =	shalt  }
0x7b: {  	_ =	shalt  }
0x7c: {  	_ =	shalt  }
0x7d: {  	_ =	shalt  }
0x7e: {  	_ =	shalt  }
0x7f: {  	_ =	shalt  }
0x80: {  	_ =	shalt  }
0x81: {  	_ =	shalt  }
0x82: {  	_ =	shalt  }
0x83: {  	_ =	shalt  }
0x84: {  	_ =	shalt  }
0x85: {  	_ =	shalt  }
0x86: {  	_ =	shalt  }
0x87: {  	_ =	shalt  }
.Lfunc_end0:
.L_simem_size_0:
called_computation.2_lowered:
.L_overlay_start_0:
0x88: {  	s2 =	sld [smem:$0x3FD9]  }
0x89: {  	s3 =	sld [smem:$0x3FFE];
	_ =	sdelay $0x1  }
0x8a: {  	s1 =	srdreg.scid  }
0x8b: {  	s0 =	sand.u32 $0x1, s1  }
0x8c: {  	s17 =	sshll.u32 s0, $0xA;
	s2 =	sadd.s32 s3, s2  }
0x8d: {  	s2 =	sadd.s32 s2, s17  }
0x8e: {  	[smem:$0x3FC0] =	sst s2  }
0x8f: {  	_ = 	snop  }
0x90: {  	s2 =	sld [smem:$0x3FD0];
	(tm) =	ssettm $0x1  }
0x91: {  	s18 =	sld [smem:$0x3FFB];
	_ =	sdelay $0x3  }
0x92: {  	_ =	strace s18  }
0x93: {  	s3 =	sld [smem:$0x3FFC];
	_ =	sdelay $0x3  }
0x94: {  	_ =	strace s3  }
0x95: {  	s3 =	sld [smem:$0x3FFD];
	_ =	sdelay $0x3  }
0x96: {  	_ =	strace s3  }
0x97: {  	_ =	strace $0x8FFFFFFF  }
0x98: {  	s19 =	sld [smem:$0x3FDB];
	_ =	sdelay $0x1  }
0x99: {  	s4 =	simm.s32 $_scs_section_size  }
0x9a: {  	s5 =	simm.s32 $_size__tile_overlayer_lowered;
	s6 =	simm.s32 $_tile_overlayer_lowered  }
0x9b: {  	s22 =	simm.s32 $0x1BFF;
	s21 =	sshll.u32 s6, $0x1;
	s3 =	sadd.s32 s4, s19  }
0x9c: {  	s7 =	simm.s32 $0x0;
	s20 =	sshll.u32 s5, $0x1;
	s5 =	sadd.s32 s21, s3  }
0x9d: {  	[timem:s7], [sflag:s22] =	dma.local [hbm:s5], s20  }
0x9e: {  	_ =	swait.ge [sflag:s22], s20  }
0x9f: {  	s4 =	ssub.s32 $0x0, s20;
	[sflag:s22] =	ssyncset.done $0x0  }
0xa0: {  	[sflag:s22] =	ssyncadd.s32 s4;
	_ =	sdelay $0x1  }
0xa1: {  	s23 =	simm.s32 $0x1B8B  }
0xa2: {  	_ =	swait.ge [sflag:s23], $0x1  }
0xa3: {  	[sflag:s23] =	ssyncset.done $0x0  }
0xa4: {  	s25 =	simm.s32 $0x1B8E;
	s24 =	sld [smem:$0x3FFE];
	[sflag:s23] =	ssyncadd.s32 $0xFFFFFFFF  }
0xa5: {  	s26 =	simm.s32 $execute0_lowered;
	[smem:$0x3FD2] =	sst s25  }
0xa6: {  	s5 =	sshll.u32 s26, $0x1;
	_ =	strace $0x8000004C;
	[dreg:$0x1] =	wrdreg $0xFFFFFFFF  }
0xa7: {  	s28 =	simm.s32 $_size_execute0_lowered;
	s3 =	sadd.s32 s3, s5;
	[dreg:$0x0] =	wrdreg $0x0  }
0xa8: {  	s5 =	sshll.u32 s28, $0x1;
	[dreg:$0x2] =	wrdreg s3  }
0xa9: {  	[dreg:$0x3] =	wrdreg s5  }
0xaa: {  	[dreg:$0x4] =	wrdreg $0xC0  }
0xab: {  	_ =	task [dreg:s7], $0x5FFFF  }
0xac: {  	[dreg:$0x1] =	wrdreg $0xFFFFFFFF  }
0xad: {  	[dreg:$0x0] =	wrdreg $0x60  }
0xae: {  	[dreg:$0x2] =	wrdreg s24  }
0xaf: {  	[dreg:$0x3] =	wrdreg s2  }
0xb0: {  	[dreg:$0x4] =	wrdreg $0x0  }
0xb1: {  	[dreg:$0x5] =	wrdreg $0x9  }
0xb2: {  	_ =	task.clear_ibuf [dreg:s7], $0x6FFFF;
	_ =	strace $0x9000004C  }
0xb3: {  	s29 =	simm.s32 $0x9;
	_ =	strace $0x8000004E  }
0xb4: {  	_ =	swait.ge [sflag:s29], $0x1  }
0xb5: {  	[sflag:s29] =	ssyncadd.s32 $0xFFFFFFFF  }
0xb6: {  	_ =	strace $0x9000004E  }
0xb7: {  	_ =	sfence  }
0xb8: {  	s30 =	sld [smem:$0x0];
	_ =	sdelay $0x2  }
0xb9: {  	s31 =	sshll.u32 s1, $0xD;
	s1 =	sshrl.u32 s1, $0x2  }
0xba: {  	s3 =	sand.u32 $0x4000, s31;
	s1 =	sadd.s32 s1, s30  }
0xbb: {  	s0 =	sor.u32 s3, s0;
	s1 =	sshll.u32 s1, $0x11  }
0xbc: {  	s0 =	sor.u32 s1, s0  }
0xbd: {  	s0 =	sadd.s32 $0x8F2B, s0  }
0xbe: {  	[sflag:s0] =	ssyncadd.remote.s32 $0x1  }
0xbf: {  	_ =	sfence.sel $0xFFFF  }
0xc0: {  	[dreg:$0x0] =	wrdreg $0xFFFFFFFF;
	(pc) =	sbr.abs _section_cstart, $3  }
0xc1: {  	[dreg:$0x1] =	wrdreg $0xFFFFFFFF  }
0xc2: {  	_ =	task.clear_ibuf [dreg:s7], $0x2FFFF;
	_ =	strace $0x9FFFFFFF  }
0xc3: {  	(tm) =	ssettm $0x7FFFFFFF  }
tec
execute0_lowered:
.L_overlay_start_1:
0x0: {  	(tag) =	ssettag $0x1  }
0x1: {  	s0 =	rddreg [dreg:$0x0]  }
0x2: {  	s2 =	rddreg [dreg:$0x2];
	s4 =	simm.s32 $0x0  }
0x3: {  	s1 =	srdreg.scid;
	s24 =	stileid.u32;
	s28 =	simm.s32 $0x18980  }
0x4: {  	s29 =	simm.s32 $0x18880;
	s30 =	simm.s32 $0x0;
	[smem:$0x7FF] =	sst s4  }
0x5: {  	s5 =	sadd.s32 $0x1D7200, s0;
	s7 =	smul.u32 $0x62000, s24;
	s6 =	sadd.s32 $0x4B400, s0  }
0x6: {  	s1 =	sand.u32 $0x1, s1;
	s14 =	sadd.s32 $0x113400, s0;
	s15 =	sadd.s32 $0x113C00, s0  }
0x7: {  	s13 =	smul.u32 $0x310, s24;
	s20 =	sshll.u32 s24, $0x6;
	s16 =	sshll.u32 s24, $0x8  }
0x8: {  	s19 =	smul.u32 $0x19000, s24;
	p0 =	seq.s32 s24, $0xF;
	s24 =	simm.s32 $0x18900  }
0x9: {  	_ =	strace $0x8000004D;
	s3 =	ssub.s32 $0x2, s1;
	s18 =	smul.u32 $0x320000, s1  }
0xa: {  	s9 =	sshll.u32 s1, $0xD;
	s17 =	sor.u32 $0x80, s16;
	s12 =	smul.u32 $0x61B0, s1  }
0xb: {  	s23 =	sshllo.u32 s1, $0x1;
	p2 =	seq.s32 s1, $0x1;
	p1 =	sne.s32 @p0 s1, $0x0  }
0xc: {  	s8 =	sshrl.u32 s3, $0x1;
	s7 =	sshrl.u32 s7, $0x2;
	s10 =	sor.u32 s16, s9  }
0xd: {  	s11 =	sor.u32 s9, s17;
	p1 =	por p1, !p0;
	p2 =	por !p2, !p0  }
0xe: {  	s3 =	ssub.s32 s3, s8;
	s7 =	sadd.s32 s7, s2;
	s8 =	sor.u32 $0x1C01, s20  }
0xf: {  	s10 =	sshrl.u32 s10, $0x3;
	s21 =	sshrl.u32 s11, $0x3;
	s22 =	sadd.s32 s13, s12  }
0x10: {  	s20 =	sshll.u32 s23, $0xC;
	s12 =	sadd.s32 $0x16F800, s2;
	s18 =	sadd.s32 s19, s18  }
0x11: {  	s9 =	sadd.s32 s14, s10;
	s10 =	sadd.s32 s14, s21;
	s11 =	sshll.u32 s22, $0x4  }
0x12: {  	s21 =	smul.u32 $0x30D8, s23;
	s16 =	sor.u32 s16, s20;
	s17 =	sor.u32 s17, s20  }
0x13: {  	s19 =	smax.u32 s3, $0x1;
	s20 =	sadd.s32 $0xC800, s18;
	s22 =	sadd.s32 $0x19C800, s18  }
.Ltmp0:
0x14: {  	s23 =	simm.s32 $0x1;
	s11 =	sadd.s32 s15, s11;
	(pc) =	sbr.rel .LBB2_1-.Ltmp0, $4  }
0x15: {  	s16 =	sshrl.u32 s16, $0x3;
	s26 =	sshrl.u32 s17, $0x3;
	s17 =	sadd.s32 $0x1D4380, s0  }
0x16: {  	s25 =	sadd.s32 s13, s21;
	s13 =	sadd.s32 s14, s16;
	s14 =	sadd.s32 s14, s26  }
0x17: {  	s16 =	sadd.s32 $0x172880, s0;
	s21 =	sadd.s32 $0x190000, s18;
	s31 =	sshll.u32 s25, $0x4  }
0x18: {  	s26 =	simm.s32 $0x80;
	s25 =	simm.s32 $0x18800;
	s15 =	sadd.s32 s15, s31  }
.LBB2_20:
0x19: {  	s0 =	sadd.s32 s6, s1;
	[sflag:s23] =	ssyncadd.s32 @p3 $0xFFFFC000  }
0x1a: {  	[tilespmem:s25], [sflag:$0x1] =	stream.linear.gather [hbm4b:s0+s4], $0x100, $0x38;
	[tilespmem:$0x1C980] =	vst v63  }
0x1b: {  	_ =	swait.ge [sflag:s23], $0x100  }
0x1c: {  	[sflag:s23] =	ssyncset.done $0x0  }
0x1d: {  	[sflag:s23] =	ssyncadd.s32 $0xFFFFFF00  }
0x1e: {  	[tilespmem:s28], [sflag:$0x1] =	stream.indirect.gather [hbm4b:s5+s26], $0x80, s25, s26, $0xb8;
	[tilespmem:$0x1C980] =	vst v63  }
0x1f: {  	_ =	swait.ge [sflag:s23], $0x4000  }
0x20: {  	[sflag:s23] =	ssyncset.done $0x0  }
0x21: {  	[sflag:s23] =	ssyncadd.s32 $0xFFFFC000  }
0x22: {  	[spmem:s2] =	stream.indirect.scatter.add.f32 [tilespmem:s28], [sflag:$0x1], $0x80, s29, s26, $0xb8;
	[tilespmem:$0x1C980] =	vst v63  }
0x23: {  	_ =	swait.ge [sflag:s23], $0x4000  }
0x24: {  	[sflag:s23] =	ssyncset.done $0x0  }
0x25: {  	[sflag:s23] =	ssyncadd.s32 $0xFFFFC000  }
.LBB2_21:
0x26: {  	[bflag:$0x0] =	sbarrier.arrive $0xFFFF;
	s0 =	sshrl.u32 @!p1 s12, $0x3  }
0x27: {  	[hbm:s16], [sflag:s8] =	dma.local @!p1 [spmem:s0], $0x2E80  }
0x28: {  	s0 =	simm.s32 @!p1 $0x1  }
0x29: {  	_ =	swait.ge @!p1 [sflag:s0], $0x2E80  }
0x2a: {  	[sflag:s0] =	ssyncset.done @!p1 $0x0  }
0x2b: {  	[sflag:s0] =	ssyncadd.s32 @!p1 $0xFFFFD180;
	s0 =	sshrl.u32 @!p2 s12, $0x3  }
0x2c: {  	[hbm:s17], [sflag:s8] =	dma.local @!p2 [spmem:s0], $0x2D80  }
0x2d: {  	s0 =	simm.s32 @!p2 $0x1  }
0x2e: {  	_ =	swait.ge @!p2 [sflag:s0], $0x2D80  }
0x2f: {  	s30 =	sadd.s32 $0x1, s30;
	[sflag:s0] =	ssyncset.done @!p2 $0x0  }
0x30: {  	p3 =	sne.s32 s30, s19;
	[sflag:s0] =	ssyncadd.s32 @!p2 $0xFFFFD280;
	s0 =	simm.s32 @!p0 $0x1  }
0x31: {  	[hbm:s15], [sflag:s8] =	dma.local @!p0 [spmem:s31], $0x3100  }
.Ltmp1:
0x32: {  	_ =	swait.ge @!p0 [sflag:s0], $0x3100;
	(pc) =	sbr.rel @!p3 .LBB2_22-.Ltmp1, $3  }
0x33: {  	[sflag:s0] =	ssyncset.done @!p0 $0x0  }
0x34: {  	[sflag:s0] =	ssyncadd.s32 @!p0 $0xFFFFCF00  }
0x35: {  	[bflag:$0x0] =	sbarrier.arrive $0xFFFF;
	_ =	sdelay $0x1  }
.LBB2_1:
0x36: {  	s0 =	sshrl.u32 s7, $0x3;
	s1 =	rddreg [dreg:$0x1]  }
0x37: {  	[spmem:s0], [sflag:s8] =	dma.local [hbm:s1], $0x3100  }
0x38: {  	_ =	swait.ge [sflag:s23], $0x3100  }
0x39: {  	[sflag:s23] =	ssyncset.done $0x0  }
0x3a: {  	[sflag:s23] =	ssyncadd.s32 $0xFFFFCF00  }
0x3b: {  	[bflag:$0x0] =	sbarrier.arrive $0xFFFF  }
0x3c: {  	[tilespmem:s24], [sflag:$0x1] =	stream.linear.gather [hbm4b:s9+s4], $0x80, $0x38;
	[tilespmem:$0x1C980] =	vst v63  }
0x3d: {  	_ =	swait.ge [sflag:s23], $0x80  }
0x3e: {  	[sflag:s23] =	ssyncset.done $0x0  }
0x3f: {  	[sflag:s23] =	ssyncadd.s32 $0xFFFFFF80  }
0x40: {  	v0 =	vld [tilespmem:$0x18900];
	_ =	sdelay $0x4  }
0x41: {  	v0 =	vxor.u32 $0x80000000, v0  }
0x42: {  	(xrf0) =	vmax.scan.msk.u32 $0xffff, v0;
	_ =	sdelay $0x5  }
0x43: {  	v0, _, _ =	vpop (xrf0)  }
0x44: {  	(v2sf) =	vpush v0, $0xF;
	_ =	sdelay $0xe  }
0x45: {  	s31 =	spop (v2sf)  }
0x46: {  	s1 =	sxor.u32 $0x80000000, s31  }
0x47: {  	p3 =	slt.s32 s1, $0x1  }
.Ltmp2:
0x48: {  	_ = 	snop;
	(pc) =	sbr.rel @p3 .LBB2_6-.Ltmp2, $1  }
0x49: {  	_ =	sdelay $0x3  }
0x4a: {  	p4 =	sne.s32 s1, $0x1  }
.Ltmp3:
0x4b: {  	_ = 	snop;
	(pc) =	sbr.rel @!p4 .LBB2_5-.Ltmp3, $2  }
0x4c: {  	_ =	sdelay $0x2  }
0x4d: {  	s3 =	sadd.s32 $0xFFFFFFFF, s1;
	s1 =	sshrl.u32 s18, $0x3;
	p3 =	por $0x0, $0x0  }
0x4e: {  	s1 =	sadd.s32 s6, s1  }
0x4f: {  	[tilespmem:s25], [sflag:$0x1] =	stream.linear.gather [hbm4b:s1+s4], $0x100, $0x38;
	[tilespmem:$0x1C980] =	vst v63  }
0x50: {  	_ =	swait.ge [sflag:s23], $0x100  }
0x51: {  	[sflag:s23] =	ssyncset.done $0x0  }
0x52: {  	[sflag:s23] =	ssyncadd.s32 $0xFFFFFF00  }
0x53: {  	[tilespmem:s28], [sflag:$0x1] =	stream.indirect.gather [hbm4b:s5+s26], $0x80, s25, s26, $0xb8;
	[tilespmem:$0x1C980] =	vst v63  }
0x54: {  	p4 =	sne.s32 s3, $0x1;
	_ =	swait.ge [sflag:s23], $0x4000  }
.Ltmp4:
0x55: {  	[sflag:s23] =	ssyncset.done $0x0;
	(pc) =	sbr.rel @!p4 .LBB2_5-.Ltmp4, $4  }
0x56: {  	[sflag:s23] =	ssyncadd.s32 $0xFFFFC000  }
0x57: {  	[spmem:s2] =	stream.indirect.scatter.add.f32 [tilespmem:s28], [sflag:$0x1], $0x80, s29, s26, $0xb8;
	[tilespmem:$0x1C980] =	vst v63  }
0x58: {  	s31 =	sadd.s32 $0xFFFFFFFF, s3;
	s3 =	sadd.s32 $0x100, s18;
	_ =	swait.ge [sflag:s23], $0x4000  }
0x59: {  	p3 =	por $0x1, $0x1;
	s1 =	sshrl.u32 s3, $0x3;
	[sflag:s23] =	ssyncset.done $0x0  }
.LBB2_4:
0x5a: {  	p4 =	sne.s32 s31, $0x1;
	s1 =	sadd.s32 s6, s1;
	[sflag:s23] =	ssyncadd.s32 $0xFFFFC000  }
0x5b: {  	[tilespmem:s25], [sflag:$0x1] =	stream.linear.gather [hbm4b:s1+s4], $0x100, $0x38;
	[tilespmem:$0x1C980] =	vst v63  }
0x5c: {  	s31 =	sadd.s32 $0xFFFFFFFF, s31;
	_ =	swait.ge [sflag:s23], $0x100  }
0x5d: {  	[sflag:s23] =	ssyncset.done $0x0  }
0x5e: {  	[sflag:s23] =	ssyncadd.s32 $0xFFFFFF00  }
0x5f: {  	[tilespmem:s28], [sflag:$0x1] =	stream.indirect.gather [hbm4b:s5+s26], $0x80, s25, s26, $0xb8;
	[tilespmem:$0x1C980] =	vst v63  }
0x60: {  	_ =	swait.ge [sflag:s23], $0x4000  }
.Ltmp5:
0x61: {  	[sflag:s23] =	ssyncset.done $0x0;
	(pc) =	sbr.rel @p4 .LBB2_4-.Ltmp5, $4  }
0x62: {  	[sflag:s23] =	ssyncadd.s32 $0xFFFFC000  }
0x63: {  	[spmem:s2] =	stream.indirect.scatter.add.f32 [tilespmem:s28], [sflag:$0x1], $0x80, s29, s26, $0xb8;
	[tilespmem:$0x1C980] =	vst v63  }
0x64: {  	s3 =	sadd.s32 $0x100, s3;
	_ =	swait.ge [sflag:s23], $0x4000  }
0x65: {  	s1 =	sshrl.u32 s3, $0x3;
	[sflag:s23] =	ssyncset.done $0x0  }
.LBB2_5:
0x66: {  	s1 =	sadd.s32 s6, s1;
	[sflag:s23] =	ssyncadd.s32 @p3 $0xFFFFC000  }
0x67: {  	[tilespmem:s25], [sflag:$0x1] =	stream.linear.gather [hbm4b:s1+s4], $0x100, $0x38;
	[tilespmem:$0x1C980] =	vst v63  }
0x68: {  	_ =	swait.ge [sflag:s23], $0x100  }
0x69: {  	[sflag:s23] =	ssyncset.done $0x0  }
0x6a: {  	[sflag:s23] =	ssyncadd.s32 $0xFFFFFF00  }
0x6b: {  	[tilespmem:s28], [sflag:$0x1] =	stream.indirect.gather [hbm4b:s5+s26], $0x80, s25, s26, $0xb8;
	[tilespmem:$0x1C980] =	vst v63  }
0x6c: {  	_ =	swait.ge [sflag:s23], $0x4000  }
0x6d: {  	[sflag:s23] =	ssyncset.done $0x0  }
0x6e: {  	[sflag:s23] =	ssyncadd.s32 $0xFFFFC000  }
0x6f: {  	[spmem:s2] =	stream.indirect.scatter.add.f32 [tilespmem:s28], [sflag:$0x1], $0x80, s29, s26, $0xb8;
	[tilespmem:$0x1C980] =	vst v63  }
0x70: {  	_ =	swait.ge [sflag:s23], $0x4000  }
0x71: {  	[sflag:s23] =	ssyncset.done $0x0  }
0x72: {  	[sflag:s23] =	ssyncadd.s32 $0xFFFFC000  }
.LBB2_6:
0x73: {  	[tilespmem:s24], [sflag:$0x1] =	stream.linear.gather [hbm4b:s10+s4], $0x80, $0x38;
	[tilespmem:$0x1C980] =	vst v63  }
0x74: {  	_ =	swait.ge [sflag:s23], $0x80  }
0x75: {  	[sflag:s23] =	ssyncset.done $0x0  }
0x76: {  	[sflag:s23] =	ssyncadd.s32 $0xFFFFFF80  }
0x77: {  	v0 =	vld [tilespmem:$0x18900];
	_ =	sdelay $0x4  }
0x78: {  	v0 =	vxor.u32 $0x80000000, v0  }
0x79: {  	(xrf0) =	vmax.scan.msk.u32 $0xffff, v0;
	_ =	sdelay $0x5  }
0x7a: {  	v0, _, _ =	vpop (xrf0)  }
0x7b: {  	(v2sf) =	vpush v0, $0xF;
	_ =	sdelay $0xe  }
0x7c: {  	s1 =	spop (v2sf)  }
0x7d: {  	s1 =	sxor.u32 $0x80000000, s1  }
0x7e: {  	p3 =	slt.s32 s1, $0x1  }
.Ltmp6:
0x7f: {  	_ = 	snop;
	(pc) =	sbr.rel @p3 .LBB2_11-.Ltmp6, $1  }
0x80: {  	_ =	sdelay $0x3  }
0x81: {  	p4 =	sne.s32 s1, $0x1  }
.Ltmp7:
0x82: {  	_ = 	snop;
	(pc) =	sbr.rel @!p4 .LBB2_10-.Ltmp7, $2  }
0x83: {  	_ =	sdelay $0x2  }
0x84: {  	s3 =	sadd.s32 $0xFFFFFFFF, s1;
	s1 =	sshrl.u32 s20, $0x3;
	p3 =	por $0x0, $0x0  }
0x85: {  	s1 =	sadd.s32 s6, s1  }
0x86: {  	[tilespmem:s25], [sflag:$0x1] =	stream.linear.gather [hbm4b:s1+s4], $0x100, $0x38;
	[tilespmem:$0x1C980] =	vst v63  }
0x87: {  	_ =	swait.ge [sflag:s23], $0x100  }
0x88: {  	[sflag:s23] =	ssyncset.done $0x0  }
0x89: {  	[sflag:s23] =	ssyncadd.s32 $0xFFFFFF00  }
0x8a: {  	[tilespmem:s28], [sflag:$0x1] =	stream.indirect.gather [hbm4b:s5+s26], $0x80, s25, s26, $0xb8;
	[tilespmem:$0x1C980] =	vst v63  }
0x8b: {  	p4 =	sne.s32 s3, $0x1;
	_ =	swait.ge [sflag:s23], $0x4000  }
.Ltmp8:
0x8c: {  	[sflag:s23] =	ssyncset.done $0x0;
	(pc) =	sbr.rel @!p4 .LBB2_10-.Ltmp8, $4  }
0x8d: {  	[sflag:s23] =	ssyncadd.s32 $0xFFFFC000  }
0x8e: {  	[spmem:s2] =	stream.indirect.scatter.add.f32 [tilespmem:s28], [sflag:$0x1], $0x80, s29, s26, $0xb8;
	[tilespmem:$0x1C980] =	vst v63  }
0x8f: {  	s31 =	sadd.s32 $0xFFFFFFFF, s3;
	s3 =	sadd.s32 $0x100, s20;
	_ =	swait.ge [sflag:s23], $0x4000  }
0x90: {  	p3 =	por $0x1, $0x1;
	s1 =	sshrl.u32 s3, $0x3;
	[sflag:s23] =	ssyncset.done $0x0  }
.LBB2_9:
0x91: {  	p4 =	sne.s32 s31, $0x1;
	s1 =	sadd.s32 s6, s1;
	[sflag:s23] =	ssyncadd.s32 $0xFFFFC000  }
0x92: {  	[tilespmem:s25], [sflag:$0x1] =	stream.linear.gather [hbm4b:s1+s4], $0x100, $0x38;
	[tilespmem:$0x1C980] =	vst v63  }
0x93: {  	s31 =	sadd.s32 $0xFFFFFFFF, s31;
	_ =	swait.ge [sflag:s23], $0x100  }
0x94: {  	[sflag:s23] =	ssyncset.done $0x0  }
0x95: {  	[sflag:s23] =	ssyncadd.s32 $0xFFFFFF00  }
0x96: {  	[tilespmem:s28], [sflag:$0x1] =	stream.indirect.gather [hbm4b:s5+s26], $0x80, s25, s26, $0xb8;
	[tilespmem:$0x1C980] =	vst v63  }
0x97: {  	_ =	swait.ge [sflag:s23], $0x4000  }
.Ltmp9:
0x98: {  	[sflag:s23] =	ssyncset.done $0x0;
	(pc) =	sbr.rel @p4 .LBB2_9-.Ltmp9, $4  }
0x99: {  	[sflag:s23] =	ssyncadd.s32 $0xFFFFC000  }
0x9a: {  	[spmem:s2] =	stream.indirect.scatter.add.f32 [tilespmem:s28], [sflag:$0x1], $0x80, s29, s26, $0xb8;
	[tilespmem:$0x1C980] =	vst v63  }
0x9b: {  	s3 =	sadd.s32 $0x100, s3;
	_ =	swait.ge [sflag:s23], $0x4000  }
0x9c: {  	s1 =	sshrl.u32 s3, $0x3;
	[sflag:s23] =	ssyncset.done $0x0  }
.LBB2_10:
0x9d: {  	s1 =	sadd.s32 s6, s1;
	[sflag:s23] =	ssyncadd.s32 @p3 $0xFFFFC000  }
0x9e: {  	[tilespmem:s25], [sflag:$0x1] =	stream.linear.gather [hbm4b:s1+s4], $0x100, $0x38;
	[tilespmem:$0x1C980] =	vst v63  }
0x9f: {  	_ =	swait.ge [sflag:s23], $0x100  }
0xa0: {  	[sflag:s23] =	ssyncset.done $0x0  }
0xa1: {  	[sflag:s23] =	ssyncadd.s32 $0xFFFFFF00  }
0xa2: {  	[tilespmem:s28], [sflag:$0x1] =	stream.indirect.gather [hbm4b:s5+s26], $0x80, s25, s26, $0xb8;
	[tilespmem:$0x1C980] =	vst v63  }
0xa3: {  	_ =	swait.ge [sflag:s23], $0x4000  }
0xa4: {  	[sflag:s23] =	ssyncset.done $0x0  }
0xa5: {  	[sflag:s23] =	ssyncadd.s32 $0xFFFFC000  }
0xa6: {  	[spmem:s2] =	stream.indirect.scatter.add.f32 [tilespmem:s28], [sflag:$0x1], $0x80, s29, s26, $0xb8;
	[tilespmem:$0x1C980] =	vst v63  }
0xa7: {  	_ =	swait.ge [sflag:s23], $0x4000  }
0xa8: {  	[sflag:s23] =	ssyncset.done $0x0  }
0xa9: {  	[sflag:s23] =	ssyncadd.s32 $0xFFFFC000  }
.LBB2_11:
0xaa: {  	[bflag:$0x0] =	sbarrier.arrive $0xFFFF;
	s1 =	sshrl.u32 @p0 s12, $0x3  }
0xab: {  	[hbm:s11], [sflag:s8] =	dma.local @p0 [spmem:s1], $0x2E80  }
0xac: {  	s1 =	simm.s32 @p0 $0x1  }
0xad: {  	_ =	swait.ge @p0 [sflag:s1], $0x2E80  }
0xae: {  	[sflag:s1] =	ssyncset.done @p0 $0x0  }
0xaf: {  	s31 =	sshrl.u32 @!p0 s7, $0x3;
	[sflag:s1] =	ssyncadd.s32 @p0 $0xFFFFD180;
	s1 =	simm.s32 @!p0 $0x1  }
0xb0: {  	[hbm:s11], [sflag:s8] =	dma.local @!p0 [spmem:s31], $0x3100  }
0xb1: {  	_ =	swait.ge @!p0 [sflag:s1], $0x3100  }
0xb2: {  	[sflag:s1] =	ssyncset.done @!p0 $0x0  }
0xb3: {  	[sflag:s1] =	ssyncadd.s32 @!p0 $0xFFFFCF00  }
0xb4: {  	[bflag:$0x0] =	sbarrier.arrive $0xFFFF  }
0xb5: {  	s3 =	rddreg [dreg:$0x1]  }
0xb6: {  	[spmem:s0], [sflag:s8] =	dma.local [hbm:s3], $0x3100  }
0xb7: {  	_ =	swait.ge [sflag:s23], $0x3100  }
0xb8: {  	[sflag:s23] =	ssyncset.done $0x0  }
0xb9: {  	[sflag:s23] =	ssyncadd.s32 $0xFFFFCF00  }
0xba: {  	[bflag:$0x0] =	sbarrier.arrive $0xFFFF  }
0xbb: {  	[tilespmem:s24], [sflag:$0x1] =	stream.linear.gather [hbm4b:s13+s4], $0x80, $0x38;
	[tilespmem:$0x1C980] =	vst v63  }
0xbc: {  	_ =	swait.ge [sflag:s23], $0x80  }
0xbd: {  	[sflag:s23] =	ssyncset.done $0x0  }
0xbe: {  	[sflag:s23] =	ssyncadd.s32 $0xFFFFFF80  }
0xbf: {  	v0 =	vld [tilespmem:$0x18900];
	_ =	sdelay $0x4  }
0xc0: {  	v0 =	vxor.u32 $0x80000000, v0  }
0xc1: {  	(xrf0) =	vmax.scan.msk.u32 $0xffff, v0;
	_ =	sdelay $0x5  }
0xc2: {  	v0, _, _ =	vpop (xrf0)  }
0xc3: {  	(v2sf) =	vpush v0, $0xF;
	_ =	sdelay $0xe  }
0xc4: {  	s3 =	spop (v2sf)  }
0xc5: {  	s0 =	sxor.u32 $0x80000000, s3  }
0xc6: {  	p3 =	slt.s32 s0, $0x1  }
.Ltmp10:
0xc7: {  	_ = 	snop;
	(pc) =	sbr.rel @p3 .LBB2_16-.Ltmp10, $1  }
0xc8: {  	_ =	sdelay $0x3  }
0xc9: {  	p4 =	sne.s32 s0, $0x1  }
.Ltmp11:
0xca: {  	_ = 	snop;
	(pc) =	sbr.rel @!p4 .LBB2_15-.Ltmp11, $2  }
0xcb: {  	_ =	sdelay $0x2  }
0xcc: {  	s0 =	sadd.s32 $0xFFFFFFFF, s0;
	s1 =	sshrl.u32 s21, $0x3;
	p3 =	por $0x0, $0x0  }
0xcd: {  	s1 =	sadd.s32 s6, s1  }
0xce: {  	[tilespmem:s25], [sflag:$0x1] =	stream.linear.gather [hbm4b:s1+s4], $0x100, $0x38;
	[tilespmem:$0x1C980] =	vst v63  }
0xcf: {  	_ =	swait.ge [sflag:s23], $0x100  }
0xd0: {  	[sflag:s23] =	ssyncset.done $0x0  }
0xd1: {  	[sflag:s23] =	ssyncadd.s32 $0xFFFFFF00  }
0xd2: {  	[tilespmem:s28], [sflag:$0x1] =	stream.indirect.gather [hbm4b:s5+s26], $0x80, s25, s26, $0xb8;
	[tilespmem:$0x1C980] =	vst v63  }
0xd3: {  	p4 =	sne.s32 s0, $0x1;
	_ =	swait.ge [sflag:s23], $0x4000  }
.Ltmp12:
0xd4: {  	[sflag:s23] =	ssyncset.done $0x0;
	(pc) =	sbr.rel @!p4 .LBB2_15-.Ltmp12, $4  }
0xd5: {  	[sflag:s23] =	ssyncadd.s32 $0xFFFFC000  }
0xd6: {  	[spmem:s2] =	stream.indirect.scatter.add.f32 [tilespmem:s28], [sflag:$0x1], $0x80, s29, s26, $0xb8;
	[tilespmem:$0x1C980] =	vst v63  }
0xd7: {  	s0 =	sadd.s32 $0xFFFFFFFF, s0;
	s3 =	sadd.s32 $0x100, s21;
	_ =	swait.ge [sflag:s23], $0x4000  }
0xd8: {  	p3 =	por $0x1, $0x1;
	s1 =	sshrl.u32 s3, $0x3;
	[sflag:s23] =	ssyncset.done $0x0  }
.LBB2_14:
0xd9: {  	p4 =	sne.s32 s0, $0x1;
	s1 =	sadd.s32 s6, s1;
	[sflag:s23] =	ssyncadd.s32 $0xFFFFC000  }
0xda: {  	[tilespmem:s25], [sflag:$0x1] =	stream.linear.gather [hbm4b:s1+s4], $0x100, $0x38;
	[tilespmem:$0x1C980] =	vst v63  }
0xdb: {  	s0 =	sadd.s32 $0xFFFFFFFF, s0;
	_ =	swait.ge [sflag:s23], $0x100  }
0xdc: {  	[sflag:s23] =	ssyncset.done $0x0  }
0xdd: {  	[sflag:s23] =	ssyncadd.s32 $0xFFFFFF00  }
0xde: {  	[tilespmem:s28], [sflag:$0x1] =	stream.indirect.gather [hbm4b:s5+s26], $0x80, s25, s26, $0xb8;
	[tilespmem:$0x1C980] =	vst v63  }
0xdf: {  	_ =	swait.ge [sflag:s23], $0x4000  }
.Ltmp13:
0xe0: {  	[sflag:s23] =	ssyncset.done $0x0;
	(pc) =	sbr.rel @p4 .LBB2_14-.Ltmp13, $4  }
0xe1: {  	[sflag:s23] =	ssyncadd.s32 $0xFFFFC000  }
0xe2: {  	[spmem:s2] =	stream.indirect.scatter.add.f32 [tilespmem:s28], [sflag:$0x1], $0x80, s29, s26, $0xb8;
	[tilespmem:$0x1C980] =	vst v63  }
0xe3: {  	s3 =	sadd.s32 $0x100, s3;
	_ =	swait.ge [sflag:s23], $0x4000  }
0xe4: {  	s1 =	sshrl.u32 s3, $0x3;
	[sflag:s23] =	ssyncset.done $0x0  }
.LBB2_15:
0xe5: {  	s0 =	sadd.s32 s6, s1;
	[sflag:s23] =	ssyncadd.s32 @p3 $0xFFFFC000  }
0xe6: {  	[tilespmem:s25], [sflag:$0x1] =	stream.linear.gather [hbm4b:s0+s4], $0x100, $0x38;
	[tilespmem:$0x1C980] =	vst v63  }
0xe7: {  	_ =	swait.ge [sflag:s23], $0x100  }
0xe8: {  	[sflag:s23] =	ssyncset.done $0x0  }
0xe9: {  	[sflag:s23] =	ssyncadd.s32 $0xFFFFFF00  }
0xea: {  	[tilespmem:s28], [sflag:$0x1] =	stream.indirect.gather [hbm4b:s5+s26], $0x80, s25, s26, $0xb8;
	[tilespmem:$0x1C980] =	vst v63  }
0xeb: {  	_ =	swait.ge [sflag:s23], $0x4000  }
0xec: {  	[sflag:s23] =	ssyncset.done $0x0  }
0xed: {  	[sflag:s23] =	ssyncadd.s32 $0xFFFFC000  }
0xee: {  	[spmem:s2] =	stream.indirect.scatter.add.f32 [tilespmem:s28], [sflag:$0x1], $0x80, s29, s26, $0xb8;
	[tilespmem:$0x1C980] =	vst v63  }
0xef: {  	_ =	swait.ge [sflag:s23], $0x4000  }
0xf0: {  	[sflag:s23] =	ssyncset.done $0x0  }
0xf1: {  	[sflag:s23] =	ssyncadd.s32 $0xFFFFC000  }
.LBB2_16:
0xf2: {  	[tilespmem:s24], [sflag:$0x1] =	stream.linear.gather [hbm4b:s14+s4], $0x80, $0x38;
	[tilespmem:$0x1C980] =	vst v63  }
0xf3: {  	_ =	swait.ge [sflag:s23], $0x80  }
0xf4: {  	[sflag:s23] =	ssyncset.done $0x0  }
0xf5: {  	[sflag:s23] =	ssyncadd.s32 $0xFFFFFF80  }
0xf6: {  	v0 =	vld [tilespmem:$0x18900];
	_ =	sdelay $0x4  }
0xf7: {  	v0 =	vxor.u32 $0x80000000, v0  }
0xf8: {  	(xrf0) =	vmax.scan.msk.u32 $0xffff, v0;
	_ =	sdelay $0x5  }
0xf9: {  	v0, _, _ =	vpop (xrf0)  }
0xfa: {  	(v2sf) =	vpush v0, $0xF;
	_ =	sdelay $0xe  }
0xfb: {  	s0 =	spop (v2sf)  }
0xfc: {  	s0 =	sxor.u32 $0x80000000, s0  }
0xfd: {  	p3 =	slt.s32 s0, $0x1  }
.Ltmp14:
0xfe: {  	_ = 	snop;
	(pc) =	sbr.rel @p3 .LBB2_21-.Ltmp14, $1  }
0xff: {  	_ =	sdelay $0x3  }
0x100: {  	p4 =	sne.s32 s0, $0x1  }
.Ltmp15:
0x101: {  	_ = 	snop;
	(pc) =	sbr.rel @!p4 .LBB2_20-.Ltmp15, $2  }
0x102: {  	_ =	sdelay $0x2  }
0x103: {  	s0 =	sadd.s32 $0xFFFFFFFF, s0;
	s1 =	sshrl.u32 s22, $0x3;
	p3 =	por $0x0, $0x0  }
0x104: {  	s1 =	sadd.s32 s6, s1  }
0x105: {  	[tilespmem:s25], [sflag:$0x1] =	stream.linear.gather [hbm4b:s1+s4], $0x100, $0x38;
	[tilespmem:$0x1C980] =	vst v63  }
0x106: {  	_ =	swait.ge [sflag:s23], $0x100  }
0x107: {  	[sflag:s23] =	ssyncset.done $0x0  }
0x108: {  	[sflag:s23] =	ssyncadd.s32 $0xFFFFFF00  }
0x109: {  	[tilespmem:s28], [sflag:$0x1] =	stream.indirect.gather [hbm4b:s5+s26], $0x80, s25, s26, $0xb8;
	[tilespmem:$0x1C980] =	vst v63  }
0x10a: {  	p4 =	sne.s32 s0, $0x1;
	_ =	swait.ge [sflag:s23], $0x4000  }
.Ltmp16:
0x10b: {  	[sflag:s23] =	ssyncset.done $0x0;
	(pc) =	sbr.rel @!p4 .LBB2_20-.Ltmp16, $4  }
0x10c: {  	[sflag:s23] =	ssyncadd.s32 $0xFFFFC000  }
0x10d: {  	[spmem:s2] =	stream.indirect.scatter.add.f32 [tilespmem:s28], [sflag:$0x1], $0x80, s29, s26, $0xb8;
	[tilespmem:$0x1C980] =	vst v63  }
0x10e: {  	s0 =	sadd.s32 $0xFFFFFFFF, s0;
	s3 =	sadd.s32 $0x100, s22;
	_ =	swait.ge [sflag:s23], $0x4000  }
0x10f: {  	p3 =	por $0x1, $0x1;
	s1 =	sshrl.u32 s3, $0x3;
	[sflag:s23] =	ssyncset.done $0x0  }
.LBB2_19:
0x110: {  	p4 =	sne.s32 s0, $0x1;
	s1 =	sadd.s32 s6, s1;
	[sflag:s23] =	ssyncadd.s32 $0xFFFFC000  }
0x111: {  	[tilespmem:s25], [sflag:$0x1] =	stream.linear.gather [hbm4b:s1+s4], $0x100, $0x38;
	[tilespmem:$0x1C980] =	vst v63  }
0x112: {  	s0 =	sadd.s32 $0xFFFFFFFF, s0;
	_ =	swait.ge [sflag:s23], $0x100  }
0x113: {  	[sflag:s23] =	ssyncset.done $0x0  }
0x114: {  	[sflag:s23] =	ssyncadd.s32 $0xFFFFFF00  }
0x115: {  	[tilespmem:s28], [sflag:$0x1] =	stream.indirect.gather [hbm4b:s5+s26], $0x80, s25, s26, $0xb8;
	[tilespmem:$0x1C980] =	vst v63  }
0x116: {  	_ =	swait.ge [sflag:s23], $0x4000  }
.Ltmp17:
0x117: {  	[sflag:s23] =	ssyncset.done $0x0;
	(pc) =	sbr.rel @p4 .LBB2_19-.Ltmp17, $4  }
0x118: {  	[sflag:s23] =	ssyncadd.s32 $0xFFFFC000  }
0x119: {  	[spmem:s2] =	stream.indirect.scatter.add.f32 [tilespmem:s28], [sflag:$0x1], $0x80, s29, s26, $0xb8;
	[tilespmem:$0x1C980] =	vst v63  }
0x11a: {  	s3 =	sadd.s32 $0x100, s3;
	_ =	swait.ge [sflag:s23], $0x4000  }
0x11b: {  	s1 =	sshrl.u32 s3, $0x3;
	[sflag:s23] =	ssyncset.done $0x0  }
.Ltmp18:
0x11c: {  	_ = 	snop;
	(pc) =	sbr.rel .LBB2_20-.Ltmp18, $1  }
0x11d: {  	_ =	sdelay $0x3  }
.LBB2_22:
0x11e: {  	_ =	sfence.sel $0x180000  }
0x11f: {  	[bflag:$0x0] =	sbarrier.arrive $0xFFFF  }
0x120: {  	_ =	strace $0x9000004D  }
0x121: {  	s0 =	stileid.u32;
	[bflag:$0x2] =	sbarrier.arrive $0xFFFF  }
0x122: {  	p0 =	sne.s32 s0, $0x0;
	s0 =	rddreg [dreg:$0x3]  }
0x123: {  	s0 =	sadd.s32 @!p0 $0x100000, s0  }
0x124: {  	[sflag:s0] =	ssyncadd.tile.s32 @!p0 $0x1;
	_ =	shalt  }
.Lfunc_end2:
_tile_overlayer_lowered:
.L_overlay_start_2:
0x125: {  	(tag) =	ssettag $0x2  }
0x126: {  	s0 =	rddreg [dreg:$0x0];
	s2 =	stileid.u32  }
0x127: {  	s1 =	rddreg [dreg:$0x1];
	p0 =	sne.s32 s2, $0x0  }
0x128: {  	s3 =	rddreg [dreg:$0x2];
	[bflag:$0x3] =	sbarrier.arrive $0xFFFF;
	s2 =	simm.s32 @!p0 $0x1C01  }
0x129: {  	[timem:s3], [sflag:s2] =	dma.local @!p0 [hbm:s0], s1  }
0x12a: {  	s0 =	simm.s32 @!p0 $0x1  }
0x12b: {  	_ =	swait.ge @!p0 [sflag:s0], s1  }
0x12c: {  	s1 =	ssub.s32 @!p0 $0x0, s1;
	[sflag:s0] =	ssyncset.done @!p0 $0x0  }
0x12d: {  	[sflag:s0] =	ssyncadd.s32 @!p0 s1  }
0x12e: {  	[bflag:$0x3] =	sbarrier.arrive $0xFFFF  }
0x12f: {  	_ =	shalt  }

// kernel: kernel.20.cloned.1.call-start
scs
__scs_entry_jumppad:
0x0: {  	(pc) =	sbr.rel $0x88, $3  }
0x1: {  	(tag) =	ssettag $0x0;
	lr =	simm.s32 $0x1  }
0x2: {  	[smem:$0x3F99] =	sst lr;
	_ =	strace $0xD0000000  }
0x3: {  	_ = 	snop  }
0x4: {  	_ = 	snop  }
0x5: {  	_ = 	snop  }
0x6: {  	_ = 	snop  }
0x7: {  	_ = 	snop  }
__scs_overlays_trampoline_lowered:
0x8: {  	[smem:$0x3FA8] =	sst s0  }
0x9: {  	[smem:$0x3FA9] =	sst s1  }
0xa: {  	[smem:$0x3FAA] =	sst s2  }
0xb: {  	[smem:$0x3FAB] =	sst s3  }
0xc: {  	[smem:$0x3FAC] =	sst s4  }
0xd: {  	[smem:$0x3FAD] =	sst s5  }
0xe: {  	[smem:$0x3FAE] =	sst s6  }
0xf: {  	[smem:$0x3FAF] =	sst s7  }
0x10: {  	[smem:$0x3FB0] =	sst s8  }
0x11: {  	[smem:$0x3FB1] =	sst s9;
	s0 =	simm.s32 @!p0 $0x0  }
0x12: {  	s1 =	sld [smem:$0x3F97];
	s0 =	simm.s32 @p0 $0x1  }
0x13: {  	[smem:$0x3FB2] =	sst s0;
	s0 =	simm.s32 @!p1 $0x0  }
0x14: {  	s2 =	sld [smem:$0x3F96];
	s0 =	simm.s32 @p1 $0x1  }
0x15: {  	[smem:$0x3FB3] =	sst s0;
	s0 =	simm.s32 @!p2 $0x0  }
0x16: {  	s3 =	sld [smem:$0x3FDB];
	s0 =	simm.s32 @p2 $0x1  }
0x17: {  	s4 =	simm.s32 $0x1BF5;
	[smem:$0x3FB5] =	sst s0  }
0x18: {  	s0 =	sld [smem:$0x3F98];
	_ =	swait.ge [sflag:s4], $0x0  }
0x19: {  	s7 =	sld [smem:$0x3F99]  }
0x1a: {  	s8 =	sadd.s32 $0xFFFFE003, lr  }
0x1b: {  	s9 =	sadd.s32 $0xFFFFFEF7, lr;
	s5 =	simm.s32 $0xFFFFFFFF;
	p2 =	slt.u32 s8, $0xFFFFF086  }
0x1c: {  	p1 =	slt.u32 s9, $0xF7A;
	s5 =	simm.s32 @!p2 $0x0  }
0x1d: {  	s5 =	simm.s32 @p1 $0x1;
	p0 =	seq.s32 s7, s2  }
0x1e: {  	s7 =	smul.u32 @!p0 $0xF7A, s2;
	p2 =	seq.s32 @!p0 s5, $0x0  }
0x1f: {  	s9 =	smul.u32 $0xF7A, s1;
	s8 =	simm.s32 @!p0 $0x1BF5;
	p2 =	por !p2, p0  }
0x20: {  	[sflag:s8] =	ssyncset.s32 @!p0 $0xFFFFF086;
	s6 =	sadd.s32 @!p0 s3, s7;
	s7 =	simm.s32 @!p0 $0x108  }
0x21: {  	s3 =	sadd.s32 s3, s9;
	s6 =	sadd.s32 @!p0 $0x88, s6;
	s7 =	simm.s32 @p2 $0x1082  }
0x22: {  	[simem:s7], [sflag:s8] =	dma.local @!p0 [hbm:s6], $0xF7A  }
0x23: {  	s9 =	sor.u32 $0xD0000000, s2;
	s6 =	simm.s32 $0x108;
	_ =	swait.ge @!p0 [sflag:s8], $0x0  }
0x24: {  	s3 =	sadd.s32 $0x88, s3;
	s6 =	simm.s32 @!p1 $0x1082;
	[sflag:s4] =	ssyncset.s32 $0xFFFFF086  }
0x25: {  	[simem:s6], [sflag:s4] =	dma.local [hbm:s3], $0xF7A  }
0x26: {  	[smem:$0x3F99] =	sst s1;
	(tag) =	ssettag s2;
	_ =	strace s9  }
0x27: {  	s1 =	sld [smem:$0x3FA9]  }
0x28: {  	s2 =	sld [smem:$0x3FAA]  }
0x29: {  	s4 =	sld [smem:$0x3FAC]  }
0x2a: {  	p0 =	seq.s32 s5, $0x0;
	s5 =	sld [smem:$0x3FAD]  }
0x2b: {  	s6 =	sld [smem:$0x3FAE]  }
0x2c: {  	s7 =	sld [smem:$0x3FAF]  }
0x2d: {  	s3 =	simm.s32 $0x108;
	s8 =	sld [smem:$0x3FB0]  }
0x2e: {  	s3 =	simm.s32 @!p0 $0x1082;
	s9 =	sld [smem:$0x3FB1]  }
0x2f: {  	lr =	sadd.s32 s0, s3;
	s0 =	sld [smem:$0x3FA8]  }
0x30: {  	s3 =	sld [smem:$0x3FAB]  }
0x31: {  	[smem:$0x3FB4] =	sst s10  }
0x32: {  	s10 =	sld [smem:$0x3FB2];
	_ =	sdelay $0x3  }
0x33: {  	p0 =	seq.s32 s10, $0x1;
	s10 =	sld [smem:$0x3FB4];
	_ =	sdelay $0x3  }
0x34: {  	[smem:$0x3FB4] =	sst s10  }
0x35: {  	s10 =	sld [smem:$0x3FB3];
	_ =	sdelay $0x3  }
0x36: {  	p1 =	seq.s32 s10, $0x1;
	s10 =	sld [smem:$0x3FB4];
	_ =	sdelay $0x3  }
0x37: {  	[smem:$0x3FB4] =	sst s10  }
0x38: {  	s10 =	sld [smem:$0x3FB5]  }
0x39: {  	_ = 	snop;
	(pc) =	sbr.ind lr, $3  }
0x3a: {  	_ = 	snop  }
0x3b: {  	_ = 	snop  }
0x3c: {  	p2 =	seq.s32 s10, $0x1;
	s10 =	sld [smem:$0x3FB4]  }
0x3d: {  	_ =	shalt  }
0x3e: {  	_ =	shalt  }
0x3f: {  	_ =	shalt  }
0x40: {  	_ =	shalt  }
0x41: {  	_ =	shalt  }
0x42: {  	_ =	shalt  }
0x43: {  	_ =	shalt  }
0x44: {  	_ =	shalt  }
0x45: {  	_ =	shalt  }
0x46: {  	_ =	shalt  }
0x47: {  	_ =	shalt  }
0x48: {  	_ =	shalt  }
0x49: {  	_ =	shalt  }
0x4a: {  	_ =	shalt  }
0x4b: {  	_ =	shalt  }
0x4c: {  	_ =	shalt  }
0x4d: {  	_ =	shalt  }
0x4e: {  	_ =	shalt  }
0x4f: {  	_ =	shalt  }
0x50: {  	_ =	shalt  }
0x51: {  	_ =	shalt  }
0x52: {  	_ =	shalt  }
0x53: {  	_ =	shalt  }
0x54: {  	_ =	shalt  }
0x55: {  	_ =	shalt  }
0x56: {  	_ =	shalt  }
0x57: {  	_ =	shalt  }
0x58: {  	_ =	shalt  }
0x59: {  	_ =	shalt  }
0x5a: {  	_ =	shalt  }
0x5b: {  	_ =	shalt  }
0x5c: {  	_ =	shalt  }
0x5d: {  	_ =	shalt  }
0x5e: {  	_ =	shalt  }
0x5f: {  	_ =	shalt  }
0x60: {  	_ =	shalt  }
0x61: {  	_ =	shalt  }
0x62: {  	_ =	shalt  }
0x63: {  	_ =	shalt  }
0x64: {  	_ =	shalt  }
0x65: {  	_ =	shalt  }
0x66: {  	_ =	shalt  }
0x67: {  	_ =	shalt  }
0x68: {  	_ =	shalt  }
0x69: {  	_ =	shalt  }
0x6a: {  	_ =	shalt  }
0x6b: {  	_ =	shalt  }
0x6c: {  	_ =	shalt  }
0x6d: {  	_ =	shalt  }
0x6e: {  	_ =	shalt  }
0x6f: {  	_ =	shalt  }
0x70: {  	_ =	shalt  }
0x71: {  	_ =	shalt  }
0x72: {  	_ =	shalt  }
0x73: {  	_ =	shalt  }
0x74: {  	_ =	shalt  }
0x75: {  	_ =	shalt  }
0x76: {  	_ =	shalt  }
0x77: {  	_ =	shalt  }
0x78: {  	_ =	shalt  }
0x79: {  	_ =	shalt  }
0x7a: {  	_ =	shalt  }
0x7b: {  	_ =	shalt  }
0x7c: {  	_ =	shalt  }
0x7d: {  	_ =	shalt  }
0x7e: {  	_ =	shalt  }
0x7f: {  	_ =	shalt  }
0x80: {  	_ =	shalt  }
0x81: {  	_ =	shalt  }
0x82: {  	_ =	shalt  }
0x83: {  	_ =	shalt  }
0x84: {  	_ =	shalt  }
0x85: {  	_ =	shalt  }
0x86: {  	_ =	shalt  }
0x87: {  	_ =	shalt  }
.Lfunc_end0:
.L_simem_size_0:
called_computation.3_lowered:
.L_overlay_start_0:
0x88: {  	s2 =	sld [smem:$0x3FD9]  }
0x89: {  	s3 =	sld [smem:$0x3FFE];
	_ =	sdelay $0x1  }
0x8a: {  	s1 =	srdreg.scid  }
0x8b: {  	s0 =	sand.u32 $0x1, s1  }
0x8c: {  	s17 =	sshll.u32 s0, $0xA;
	s2 =	sadd.s32 s3, s2  }
0x8d: {  	s2 =	sadd.s32 s2, s17  }
0x8e: {  	[smem:$0x3FC0] =	sst s2  }
0x8f: {  	_ = 	snop  }
0x90: {  	s2 =	sld [smem:$0x3FD0];
	(tm) =	ssettm $0x1  }
0x91: {  	s18 =	sld [smem:$0x3FFB];
	_ =	sdelay $0x3  }
0x92: {  	_ =	strace s18  }
0x93: {  	s3 =	sld [smem:$0x3FFC];
	_ =	sdelay $0x3  }
0x94: {  	_ =	strace s3  }
0x95: {  	s3 =	sld [smem:$0x3FFD];
	_ =	sdelay $0x3  }
0x96: {  	_ =	strace s3  }
0x97: {  	_ =	strace $0x8FFFFFFF  }
0x98: {  	s19 =	sld [smem:$0x3FDB];
	_ =	sdelay $0x1  }
0x99: {  	s4 =	simm.s32 $_scs_section_size  }
0x9a: {  	s5 =	simm.s32 $_size__tile_overlayer_lowered;
	s6 =	simm.s32 $_tile_overlayer_lowered  }
0x9b: {  	s22 =	simm.s32 $0x1BFF;
	s21 =	sshll.u32 s6, $0x1;
	s3 =	sadd.s32 s4, s19  }
0x9c: {  	s7 =	simm.s32 $0x0;
	s20 =	sshll.u32 s5, $0x1;
	s5 =	sadd.s32 s21, s3  }
0x9d: {  	[timem:s7], [sflag:s22] =	dma.local [hbm:s5], s20  }
0x9e: {  	_ =	swait.ge [sflag:s22], s20  }
0x9f: {  	s4 =	ssub.s32 $0x0, s20;
	[sflag:s22] =	ssyncset.done $0x0  }
0xa0: {  	[sflag:s22] =	ssyncadd.s32 s4;
	_ =	sdelay $0x1  }
0xa1: {  	s23 =	simm.s32 $0x1B8B  }
0xa2: {  	_ =	swait.ge [sflag:s23], $0x1  }
0xa3: {  	[sflag:s23] =	ssyncset.done $0x0  }
0xa4: {  	s25 =	simm.s32 $0x1B8E;
	s24 =	sld [smem:$0x3FFE];
	[sflag:s23] =	ssyncadd.s32 $0xFFFFFFFF  }
0xa5: {  	s26 =	simm.s32 $execute0_lowered;
	[smem:$0x3FD2] =	sst s25  }
0xa6: {  	s5 =	sshll.u32 s26, $0x1;
	_ =	strace $0x8000004F;
	[dreg:$0x1] =	wrdreg $0xFFFFFFFF  }
0xa7: {  	s28 =	simm.s32 $_size_execute0_lowered;
	s3 =	sadd.s32 s3, s5;
	[dreg:$0x0] =	wrdreg $0x0  }
0xa8: {  	s5 =	sshll.u32 s28, $0x1;
	[dreg:$0x2] =	wrdreg s3  }
0xa9: {  	[dreg:$0x3] =	wrdreg s5  }
0xaa: {  	[dreg:$0x4] =	wrdreg $0xC0  }
0xab: {  	_ =	task [dreg:s7], $0x5FFFF  }
0xac: {  	[dreg:$0x1] =	wrdreg $0xFFFFFFFF  }
0xad: {  	[dreg:$0x0] =	wrdreg $0x60  }
0xae: {  	[dreg:$0x2] =	wrdreg s24  }
0xaf: {  	[dreg:$0x3] =	wrdreg s2  }
0xb0: {  	[dreg:$0x4] =	wrdreg $0x0  }
0xb1: {  	[dreg:$0x5] =	wrdreg $0x9  }
0xb2: {  	_ =	task.clear_ibuf [dreg:s7], $0x6FFFF;
	_ =	strace $0x9000004F  }
0xb3: {  	s29 =	simm.s32 $0x9;
	_ =	strace $0x80000051  }
0xb4: {  	_ =	swait.ge [sflag:s29], $0x1  }
0xb5: {  	[sflag:s29] =	ssyncadd.s32 $0xFFFFFFFF  }
0xb6: {  	_ =	strace $0x90000051  }
0xb7: {  	_ =	sfence  }
0xb8: {  	s30 =	sld [smem:$0x0];
	_ =	sdelay $0x2  }
0xb9: {  	s31 =	sshll.u32 s1, $0xD;
	s1 =	sshrl.u32 s1, $0x2  }
0xba: {  	s3 =	sand.u32 $0x4000, s31;
	s1 =	sadd.s32 s1, s30  }
0xbb: {  	s0 =	sor.u32 s3, s0;
	s1 =	sshll.u32 s1, $0x11  }
0xbc: {  	s0 =	sor.u32 s1, s0  }
0xbd: {  	s0 =	sadd.s32 $0x8F2B, s0  }
0xbe: {  	[sflag:s0] =	ssyncadd.remote.s32 $0x1  }
0xbf: {  	_ =	sfence.sel $0xFFFF  }
0xc0: {  	[dreg:$0x0] =	wrdreg $0xFFFFFFFF;
	(pc) =	sbr.abs _section_cstart, $3  }
0xc1: {  	[dreg:$0x1] =	wrdreg $0xFFFFFFFF  }
0xc2: {  	_ =	task.clear_ibuf [dreg:s7], $0x2FFFF;
	_ =	strace $0x9FFFFFFF  }
0xc3: {  	(tm) =	ssettm $0x7FFFFFFF  }
tec
execute0_lowered:
.L_overlay_start_1:
0x0: {  	(tag) =	ssettag $0x1  }
0x1: {  	s0 =	rddreg [dreg:$0x0]  }
0x2: {  	s2 =	rddreg [dreg:$0x2];
	s4 =	simm.s32 $0x0  }
0x3: {  	s1 =	srdreg.scid;
	s24 =	stileid.u32;
	s28 =	simm.s32 $0x18980  }
0x4: {  	s29 =	simm.s32 $0x18880;
	s30 =	simm.s32 $0x0;
	[smem:$0x7FF] =	sst s4  }
0x5: {  	s5 =	sadd.s32 $0x35DE00, s0;
	s7 =	smul.u32 $0x62000, s24;
	s6 =	sadd.s32 $0x4B400, s0  }
0x6: {  	s1 =	sand.u32 $0x1, s1;
	s14 =	sadd.s32 $0x113400, s0;
	s15 =	sadd.s32 $0x113C00, s0  }
0x7: {  	s13 =	smul.u32 $0x310, s24;
	s20 =	sshll.u32 s24, $0x6;
	s16 =	sshll.u32 s24, $0x8  }
0x8: {  	s19 =	smul.u32 $0x19000, s24;
	p0 =	seq.s32 s24, $0xF;
	s24 =	simm.s32 $0x18900  }
0x9: {  	_ =	strace $0x80000050;
	s3 =	ssub.s32 $0x2, s1;
	s18 =	smul.u32 $0x320000, s1  }
0xa: {  	s9 =	sshll.u32 s1, $0xD;
	s17 =	sor.u32 $0x80, s16;
	s12 =	smul.u32 $0x61B0, s1  }
0xb: {  	s23 =	sshllo.u32 s1, $0x1;
	p2 =	seq.s32 s1, $0x1;
	p1 =	sne.s32 @p0 s1, $0x0  }
0xc: {  	s8 =	sshrl.u32 s3, $0x1;
	s7 =	sshrl.u32 s7, $0x2;
	s10 =	sor.u32 s16, s9  }
0xd: {  	s11 =	sor.u32 s9, s17;
	p1 =	por p1, !p0;
	p2 =	por !p2, !p0  }
0xe: {  	s3 =	ssub.s32 s3, s8;
	s7 =	sadd.s32 s7, s2;
	s8 =	sor.u32 $0x1C01, s20  }
0xf: {  	s10 =	sshrl.u32 s10, $0x3;
	s21 =	sshrl.u32 s11, $0x3;
	s22 =	sadd.s32 s13, s12  }
0x10: {  	s20 =	sshll.u32 s23, $0xC;
	s12 =	sadd.s32 $0x16F800, s2;
	s18 =	sadd.s32 s19, s18  }
0x11: {  	s9 =	sadd.s32 s14, s10;
	s10 =	sadd.s32 s14, s21;
	s11 =	sshll.u32 s22, $0x4  }
0x12: {  	s21 =	smul.u32 $0x30D8, s23;
	s16 =	sor.u32 s16, s20;
	s17 =	sor.u32 s17, s20  }
0x13: {  	s19 =	smax.u32 s3, $0x1;
	s20 =	sadd.s32 $0xC800, s18;
	s22 =	sadd.s32 $0x19C800, s18  }
.Ltmp0:
0x14: {  	s23 =	simm.s32 $0x1;
	s11 =	sadd.s32 s15, s11;
	(pc) =	sbr.rel .LBB2_1-.Ltmp0, $4  }
0x15: {  	s16 =	sshrl.u32 s16, $0x3;
	s26 =	sshrl.u32 s17, $0x3;
	s17 =	sadd.s32 $0x1D4380, s0  }
0x16: {  	s25 =	sadd.s32 s13, s21;
	s13 =	sadd.s32 s14, s16;
	s14 =	sadd.s32 s14, s26  }
0x17: {  	s16 =	sadd.s32 $0x172880, s0;
	s21 =	sadd.s32 $0x190000, s18;
	s31 =	sshll.u32 s25, $0x4  }
0x18: {  	s26 =	simm.s32 $0x80;
	s25 =	simm.s32 $0x18800;
	s15 =	sadd.s32 s15, s31  }
.LBB2_20:
0x19: {  	s0 =	sadd.s32 s6, s1;
	[sflag:s23] =	ssyncadd.s32 @p3 $0xFFFFC000  }
0x1a: {  	[tilespmem:s25], [sflag:$0x1] =	stream.linear.gather [hbm4b:s0+s4], $0x100, $0x38;
	[tilespmem:$0x1C980] =	vst v63  }
0x1b: {  	_ =	swait.ge [sflag:s23], $0x100  }
0x1c: {  	[sflag:s23] =	ssyncset.done $0x0  }
0x1d: {  	[sflag:s23] =	ssyncadd.s32 $0xFFFFFF00  }
0x1e: {  	[tilespmem:s28], [sflag:$0x1] =	stream.indirect.gather [hbm4b:s5+s26], $0x80, s25, s26, $0xb8;
	[tilespmem:$0x1C980] =	vst v63  }
0x1f: {  	_ =	swait.ge [sflag:s23], $0x4000  }
0x20: {  	[sflag:s23] =	ssyncset.done $0x0  }
0x21: {  	[sflag:s23] =	ssyncadd.s32 $0xFFFFC000  }
0x22: {  	[spmem:s2] =	stream.indirect.scatter.add.f32 [tilespmem:s28], [sflag:$0x1], $0x80, s29, s26, $0xb8;
	[tilespmem:$0x1C980] =	vst v63  }
0x23: {  	_ =	swait.ge [sflag:s23], $0x4000  }
0x24: {  	[sflag:s23] =	ssyncset.done $0x0  }
0x25: {  	[sflag:s23] =	ssyncadd.s32 $0xFFFFC000  }
.LBB2_21:
0x26: {  	[bflag:$0x0] =	sbarrier.arrive $0xFFFF;
	s0 =	sshrl.u32 @!p1 s12, $0x3  }
0x27: {  	[hbm:s16], [sflag:s8] =	dma.local @!p1 [spmem:s0], $0x2E80  }
0x28: {  	s0 =	simm.s32 @!p1 $0x1  }
0x29: {  	_ =	swait.ge @!p1 [sflag:s0], $0x2E80  }
0x2a: {  	[sflag:s0] =	ssyncset.done @!p1 $0x0  }
0x2b: {  	[sflag:s0] =	ssyncadd.s32 @!p1 $0xFFFFD180;
	s0 =	sshrl.u32 @!p2 s12, $0x3  }
0x2c: {  	[hbm:s17], [sflag:s8] =	dma.local @!p2 [spmem:s0], $0x2D80  }
0x2d: {  	s0 =	simm.s32 @!p2 $0x1  }
0x2e: {  	_ =	swait.ge @!p2 [sflag:s0], $0x2D80  }
0x2f: {  	s30 =	sadd.s32 $0x1, s30;
	[sflag:s0] =	ssyncset.done @!p2 $0x0  }
0x30: {  	p3 =	sne.s32 s30, s19;
	[sflag:s0] =	ssyncadd.s32 @!p2 $0xFFFFD280;
	s0 =	simm.s32 @!p0 $0x1  }
0x31: {  	[hbm:s15], [sflag:s8] =	dma.local @!p0 [spmem:s31], $0x3100  }
.Ltmp1:
0x32: {  	_ =	swait.ge @!p0 [sflag:s0], $0x3100;
	(pc) =	sbr.rel @!p3 .LBB2_22-.Ltmp1, $3  }
0x33: {  	[sflag:s0] =	ssyncset.done @!p0 $0x0  }
0x34: {  	[sflag:s0] =	ssyncadd.s32 @!p0 $0xFFFFCF00  }
0x35: {  	[bflag:$0x0] =	sbarrier.arrive $0xFFFF;
	_ =	sdelay $0x1  }
.LBB2_1:
0x36: {  	s0 =	sshrl.u32 s7, $0x3;
	s1 =	rddreg [dreg:$0x1]  }
0x37: {  	[spmem:s0], [sflag:s8] =	dma.local [hbm:s1], $0x3100  }
0x38: {  	_ =	swait.ge [sflag:s23], $0x3100  }
0x39: {  	[sflag:s23] =	ssyncset.done $0x0  }
0x3a: {  	[sflag:s23] =	ssyncadd.s32 $0xFFFFCF00  }
0x3b: {  	[bflag:$0x0] =	sbarrier.arrive $0xFFFF  }
0x3c: {  	[tilespmem:s24], [sflag:$0x1] =	stream.linear.gather [hbm4b:s9+s4], $0x80, $0x38;
	[tilespmem:$0x1C980] =	vst v63  }
0x3d: {  	_ =	swait.ge [sflag:s23], $0x80  }
0x3e: {  	[sflag:s23] =	ssyncset.done $0x0  }
0x3f: {  	[sflag:s23] =	ssyncadd.s32 $0xFFFFFF80  }
0x40: {  	v0 =	vld [tilespmem:$0x18900];
	_ =	sdelay $0x4  }
0x41: {  	v0 =	vxor.u32 $0x80000000, v0  }
0x42: {  	(xrf0) =	vmax.scan.msk.u32 $0xffff, v0;
	_ =	sdelay $0x5  }
0x43: {  	v0, _, _ =	vpop (xrf0)  }
0x44: {  	(v2sf) =	vpush v0, $0xF;
	_ =	sdelay $0xe  }
0x45: {  	s31 =	spop (v2sf)  }
0x46: {  	s1 =	sxor.u32 $0x80000000, s31  }
0x47: {  	p3 =	slt.s32 s1, $0x1  }
.Ltmp2:
0x48: {  	_ = 	snop;
	(pc) =	sbr.rel @p3 .LBB2_6-.Ltmp2, $1  }
0x49: {  	_ =	sdelay $0x3  }
0x4a: {  	p4 =	sne.s32 s1, $0x1  }
.Ltmp3:
0x4b: {  	_ = 	snop;
	(pc) =	sbr.rel @!p4 .LBB2_5-.Ltmp3, $2  }
0x4c: {  	_ =	sdelay $0x2  }
0x4d: {  	s3 =	sadd.s32 $0xFFFFFFFF, s1;
	s1 =	sshrl.u32 s18, $0x3;
	p3 =	por $0x0, $0x0  }
0x4e: {  	s1 =	sadd.s32 s6, s1  }
0x4f: {  	[tilespmem:s25], [sflag:$0x1] =	stream.linear.gather [hbm4b:s1+s4], $0x100, $0x38;
	[tilespmem:$0x1C980] =	vst v63  }
0x50: {  	_ =	swait.ge [sflag:s23], $0x100  }
0x51: {  	[sflag:s23] =	ssyncset.done $0x0  }
0x52: {  	[sflag:s23] =	ssyncadd.s32 $0xFFFFFF00  }
0x53: {  	[tilespmem:s28], [sflag:$0x1] =	stream.indirect.gather [hbm4b:s5+s26], $0x80, s25, s26, $0xb8;
	[tilespmem:$0x1C980] =	vst v63  }
0x54: {  	p4 =	sne.s32 s3, $0x1;
	_ =	swait.ge [sflag:s23], $0x4000  }
.Ltmp4:
0x55: {  	[sflag:s23] =	ssyncset.done $0x0;
	(pc) =	sbr.rel @!p4 .LBB2_5-.Ltmp4, $4  }
0x56: {  	[sflag:s23] =	ssyncadd.s32 $0xFFFFC000  }
0x57: {  	[spmem:s2] =	stream.indirect.scatter.add.f32 [tilespmem:s28], [sflag:$0x1], $0x80, s29, s26, $0xb8;
	[tilespmem:$0x1C980] =	vst v63  }
0x58: {  	s31 =	sadd.s32 $0xFFFFFFFF, s3;
	s3 =	sadd.s32 $0x100, s18;
	_ =	swait.ge [sflag:s23], $0x4000  }
0x59: {  	p3 =	por $0x1, $0x1;
	s1 =	sshrl.u32 s3, $0x3;
	[sflag:s23] =	ssyncset.done $0x0  }
.LBB2_4:
0x5a: {  	p4 =	sne.s32 s31, $0x1;
	s1 =	sadd.s32 s6, s1;
	[sflag:s23] =	ssyncadd.s32 $0xFFFFC000  }
0x5b: {  	[tilespmem:s25], [sflag:$0x1] =	stream.linear.gather [hbm4b:s1+s4], $0x100, $0x38;
	[tilespmem:$0x1C980] =	vst v63  }
0x5c: {  	s31 =	sadd.s32 $0xFFFFFFFF, s31;
	_ =	swait.ge [sflag:s23], $0x100  }
0x5d: {  	[sflag:s23] =	ssyncset.done $0x0  }
0x5e: {  	[sflag:s23] =	ssyncadd.s32 $0xFFFFFF00  }
0x5f: {  	[tilespmem:s28], [sflag:$0x1] =	stream.indirect.gather [hbm4b:s5+s26], $0x80, s25, s26, $0xb8;
	[tilespmem:$0x1C980] =	vst v63  }
0x60: {  	_ =	swait.ge [sflag:s23], $0x4000  }
.Ltmp5:
0x61: {  	[sflag:s23] =	ssyncset.done $0x0;
	(pc) =	sbr.rel @p4 .LBB2_4-.Ltmp5, $4  }
0x62: {  	[sflag:s23] =	ssyncadd.s32 $0xFFFFC000  }
0x63: {  	[spmem:s2] =	stream.indirect.scatter.add.f32 [tilespmem:s28], [sflag:$0x1], $0x80, s29, s26, $0xb8;
	[tilespmem:$0x1C980] =	vst v63  }
0x64: {  	s3 =	sadd.s32 $0x100, s3;
	_ =	swait.ge [sflag:s23], $0x4000  }
0x65: {  	s1 =	sshrl.u32 s3, $0x3;
	[sflag:s23] =	ssyncset.done $0x0  }
.LBB2_5:
0x66: {  	s1 =	sadd.s32 s6, s1;
	[sflag:s23] =	ssyncadd.s32 @p3 $0xFFFFC000  }
0x67: {  	[tilespmem:s25], [sflag:$0x1] =	stream.linear.gather [hbm4b:s1+s4], $0x100, $0x38;
	[tilespmem:$0x1C980] =	vst v63  }
0x68: {  	_ =	swait.ge [sflag:s23], $0x100  }
0x69: {  	[sflag:s23] =	ssyncset.done $0x0  }
0x6a: {  	[sflag:s23] =	ssyncadd.s32 $0xFFFFFF00  }
0x6b: {  	[tilespmem:s28], [sflag:$0x1] =	stream.indirect.gather [hbm4b:s5+s26], $0x80, s25, s26, $0xb8;
	[tilespmem:$0x1C980] =	vst v63  }
0x6c: {  	_ =	swait.ge [sflag:s23], $0x4000  }
0x6d: {  	[sflag:s23] =	ssyncset.done $0x0  }
0x6e: {  	[sflag:s23] =	ssyncadd.s32 $0xFFFFC000  }
0x6f: {  	[spmem:s2] =	stream.indirect.scatter.add.f32 [tilespmem:s28], [sflag:$0x1], $0x80, s29, s26, $0xb8;
	[tilespmem:$0x1C980] =	vst v63  }
0x70: {  	_ =	swait.ge [sflag:s23], $0x4000  }
0x71: {  	[sflag:s23] =	ssyncset.done $0x0  }
0x72: {  	[sflag:s23] =	ssyncadd.s32 $0xFFFFC000  }
.LBB2_6:
0x73: {  	[tilespmem:s24], [sflag:$0x1] =	stream.linear.gather [hbm4b:s10+s4], $0x80, $0x38;
	[tilespmem:$0x1C980] =	vst v63  }
0x74: {  	_ =	swait.ge [sflag:s23], $0x80  }
0x75: {  	[sflag:s23] =	ssyncset.done $0x0  }
0x76: {  	[sflag:s23] =	ssyncadd.s32 $0xFFFFFF80  }
0x77: {  	v0 =	vld [tilespmem:$0x18900];
	_ =	sdelay $0x4  }
0x78: {  	v0 =	vxor.u32 $0x80000000, v0  }
0x79: {  	(xrf0) =	vmax.scan.msk.u32 $0xffff, v0;
	_ =	sdelay $0x5  }
0x7a: {  	v0, _, _ =	vpop (xrf0)  }
0x7b: {  	(v2sf) =	vpush v0, $0xF;
	_ =	sdelay $0xe  }
0x7c: {  	s1 =	spop (v2sf)  }
0x7d: {  	s1 =	sxor.u32 $0x80000000, s1  }
0x7e: {  	p3 =	slt.s32 s1, $0x1  }
.Ltmp6:
0x7f: {  	_ = 	snop;
	(pc) =	sbr.rel @p3 .LBB2_11-.Ltmp6, $1  }
0x80: {  	_ =	sdelay $0x3  }
0x81: {  	p4 =	sne.s32 s1, $0x1  }
.Ltmp7:
0x82: {  	_ = 	snop;
	(pc) =	sbr.rel @!p4 .LBB2_10-.Ltmp7, $2  }
0x83: {  	_ =	sdelay $0x2  }
0x84: {  	s3 =	sadd.s32 $0xFFFFFFFF, s1;
	s1 =	sshrl.u32 s20, $0x3;
	p3 =	por $0x0, $0x0  }
0x85: {  	s1 =	sadd.s32 s6, s1  }
0x86: {  	[tilespmem:s25], [sflag:$0x1] =	stream.linear.gather [hbm4b:s1+s4], $0x100, $0x38;
	[tilespmem:$0x1C980] =	vst v63  }
0x87: {  	_ =	swait.ge [sflag:s23], $0x100  }
0x88: {  	[sflag:s23] =	ssyncset.done $0x0  }
0x89: {  	[sflag:s23] =	ssyncadd.s32 $0xFFFFFF00  }
0x8a: {  	[tilespmem:s28], [sflag:$0x1] =	stream.indirect.gather [hbm4b:s5+s26], $0x80, s25, s26, $0xb8;
	[tilespmem:$0x1C980] =	vst v63  }
0x8b: {  	p4 =	sne.s32 s3, $0x1;
	_ =	swait.ge [sflag:s23], $0x4000  }
.Ltmp8:
0x8c: {  	[sflag:s23] =	ssyncset.done $0x0;
	(pc) =	sbr.rel @!p4 .LBB2_10-.Ltmp8, $4  }
0x8d: {  	[sflag:s23] =	ssyncadd.s32 $0xFFFFC000  }
0x8e: {  	[spmem:s2] =	stream.indirect.scatter.add.f32 [tilespmem:s28], [sflag:$0x1], $0x80, s29, s26, $0xb8;
	[tilespmem:$0x1C980] =	vst v63  }
0x8f: {  	s31 =	sadd.s32 $0xFFFFFFFF, s3;
	s3 =	sadd.s32 $0x100, s20;
	_ =	swait.ge [sflag:s23], $0x4000  }
0x90: {  	p3 =	por $0x1, $0x1;
	s1 =	sshrl.u32 s3, $0x3;
	[sflag:s23] =	ssyncset.done $0x0  }
.LBB2_9:
0x91: {  	p4 =	sne.s32 s31, $0x1;
	s1 =	sadd.s32 s6, s1;
	[sflag:s23] =	ssyncadd.s32 $0xFFFFC000  }
0x92: {  	[tilespmem:s25], [sflag:$0x1] =	stream.linear.gather [hbm4b:s1+s4], $0x100, $0x38;
	[tilespmem:$0x1C980] =	vst v63  }
0x93: {  	s31 =	sadd.s32 $0xFFFFFFFF, s31;
	_ =	swait.ge [sflag:s23], $0x100  }
0x94: {  	[sflag:s23] =	ssyncset.done $0x0  }
0x95: {  	[sflag:s23] =	ssyncadd.s32 $0xFFFFFF00  }
0x96: {  	[tilespmem:s28], [sflag:$0x1] =	stream.indirect.gather [hbm4b:s5+s26], $0x80, s25, s26, $0xb8;
	[tilespmem:$0x1C980] =	vst v63  }
0x97: {  	_ =	swait.ge [sflag:s23], $0x4000  }
.Ltmp9:
0x98: {  	[sflag:s23] =	ssyncset.done $0x0;
	(pc) =	sbr.rel @p4 .LBB2_9-.Ltmp9, $4  }
0x99: {  	[sflag:s23] =	ssyncadd.s32 $0xFFFFC000  }
0x9a: {  	[spmem:s2] =	stream.indirect.scatter.add.f32 [tilespmem:s28], [sflag:$0x1], $0x80, s29, s26, $0xb8;
	[tilespmem:$0x1C980] =	vst v63  }
0x9b: {  	s3 =	sadd.s32 $0x100, s3;
	_ =	swait.ge [sflag:s23], $0x4000  }
0x9c: {  	s1 =	sshrl.u32 s3, $0x3;
	[sflag:s23] =	ssyncset.done $0x0  }
.LBB2_10:
0x9d: {  	s1 =	sadd.s32 s6, s1;
	[sflag:s23] =	ssyncadd.s32 @p3 $0xFFFFC000  }
0x9e: {  	[tilespmem:s25], [sflag:$0x1] =	stream.linear.gather [hbm4b:s1+s4], $0x100, $0x38;
	[tilespmem:$0x1C980] =	vst v63  }
0x9f: {  	_ =	swait.ge [sflag:s23], $0x100  }
0xa0: {  	[sflag:s23] =	ssyncset.done $0x0  }
0xa1: {  	[sflag:s23] =	ssyncadd.s32 $0xFFFFFF00  }
0xa2: {  	[tilespmem:s28], [sflag:$0x1] =	stream.indirect.gather [hbm4b:s5+s26], $0x80, s25, s26, $0xb8;
	[tilespmem:$0x1C980] =	vst v63  }
0xa3: {  	_ =	swait.ge [sflag:s23], $0x4000  }
0xa4: {  	[sflag:s23] =	ssyncset.done $0x0  }
0xa5: {  	[sflag:s23] =	ssyncadd.s32 $0xFFFFC000  }
0xa6: {  	[spmem:s2] =	stream.indirect.scatter.add.f32 [tilespmem:s28], [sflag:$0x1], $0x80, s29, s26, $0xb8;
	[tilespmem:$0x1C980] =	vst v63  }
0xa7: {  	_ =	swait.ge [sflag:s23], $0x4000  }
0xa8: {  	[sflag:s23] =	ssyncset.done $0x0  }
0xa9: {  	[sflag:s23] =	ssyncadd.s32 $0xFFFFC000  }
.LBB2_11:
0xaa: {  	[bflag:$0x0] =	sbarrier.arrive $0xFFFF;
	s1 =	sshrl.u32 @p0 s12, $0x3  }
0xab: {  	[hbm:s11], [sflag:s8] =	dma.local @p0 [spmem:s1], $0x2E80  }
0xac: {  	s1 =	simm.s32 @p0 $0x1  }
0xad: {  	_ =	swait.ge @p0 [sflag:s1], $0x2E80  }
0xae: {  	[sflag:s1] =	ssyncset.done @p0 $0x0  }
0xaf: {  	s31 =	sshrl.u32 @!p0 s7, $0x3;
	[sflag:s1] =	ssyncadd.s32 @p0 $0xFFFFD180;
	s1 =	simm.s32 @!p0 $0x1  }
0xb0: {  	[hbm:s11], [sflag:s8] =	dma.local @!p0 [spmem:s31], $0x3100  }
0xb1: {  	_ =	swait.ge @!p0 [sflag:s1], $0x3100  }
0xb2: {  	[sflag:s1] =	ssyncset.done @!p0 $0x0  }
0xb3: {  	[sflag:s1] =	ssyncadd.s32 @!p0 $0xFFFFCF00  }
0xb4: {  	[bflag:$0x0] =	sbarrier.arrive $0xFFFF  }
0xb5: {  	s3 =	rddreg [dreg:$0x1]  }
0xb6: {  	[spmem:s0], [sflag:s8] =	dma.local [hbm:s3], $0x3100  }
0xb7: {  	_ =	swait.ge [sflag:s23], $0x3100  }
0xb8: {  	[sflag:s23] =	ssyncset.done $0x0  }
0xb9: {  	[sflag:s23] =	ssyncadd.s32 $0xFFFFCF00  }
0xba: {  	[bflag:$0x0] =	sbarrier.arrive $0xFFFF  }
0xbb: {  	[tilespmem:s24], [sflag:$0x1] =	stream.linear.gather [hbm4b:s13+s4], $0x80, $0x38;
	[tilespmem:$0x1C980] =	vst v63  }
0xbc: {  	_ =	swait.ge [sflag:s23], $0x80  }
0xbd: {  	[sflag:s23] =	ssyncset.done $0x0  }
0xbe: {  	[sflag:s23] =	ssyncadd.s32 $0xFFFFFF80  }
0xbf: {  	v0 =	vld [tilespmem:$0x18900];
	_ =	sdelay $0x4  }
0xc0: {  	v0 =	vxor.u32 $0x80000000, v0  }
0xc1: {  	(xrf0) =	vmax.scan.msk.u32 $0xffff, v0;
	_ =	sdelay $0x5  }
0xc2: {  	v0, _, _ =	vpop (xrf0)  }
0xc3: {  	(v2sf) =	vpush v0, $0xF;
	_ =	sdelay $0xe  }
0xc4: {  	s3 =	spop (v2sf)  }
0xc5: {  	s0 =	sxor.u32 $0x80000000, s3  }
0xc6: {  	p3 =	slt.s32 s0, $0x1  }
.Ltmp10:
0xc7: {  	_ = 	snop;
	(pc) =	sbr.rel @p3 .LBB2_16-.Ltmp10, $1  }
0xc8: {  	_ =	sdelay $0x3  }
0xc9: {  	p4 =	sne.s32 s0, $0x1  }
.Ltmp11:
0xca: {  	_ = 	snop;
	(pc) =	sbr.rel @!p4 .LBB2_15-.Ltmp11, $2  }
0xcb: {  	_ =	sdelay $0x2  }
0xcc: {  	s0 =	sadd.s32 $0xFFFFFFFF, s0;
	s1 =	sshrl.u32 s21, $0x3;
	p3 =	por $0x0, $0x0  }
0xcd: {  	s1 =	sadd.s32 s6, s1  }
0xce: {  	[tilespmem:s25], [sflag:$0x1] =	stream.linear.gather [hbm4b:s1+s4], $0x100, $0x38;
	[tilespmem:$0x1C980] =	vst v63  }
0xcf: {  	_ =	swait.ge [sflag:s23], $0x100  }
0xd0: {  	[sflag:s23] =	ssyncset.done $0x0  }
0xd1: {  	[sflag:s23] =	ssyncadd.s32 $0xFFFFFF00  }
0xd2: {  	[tilespmem:s28], [sflag:$0x1] =	stream.indirect.gather [hbm4b:s5+s26], $0x80, s25, s26, $0xb8;
	[tilespmem:$0x1C980] =	vst v63  }
0xd3: {  	p4 =	sne.s32 s0, $0x1;
	_ =	swait.ge [sflag:s23], $0x4000  }
.Ltmp12:
0xd4: {  	[sflag:s23] =	ssyncset.done $0x0;
	(pc) =	sbr.rel @!p4 .LBB2_15-.Ltmp12, $4  }
0xd5: {  	[sflag:s23] =	ssyncadd.s32 $0xFFFFC000  }
0xd6: {  	[spmem:s2] =	stream.indirect.scatter.add.f32 [tilespmem:s28], [sflag:$0x1], $0x80, s29, s26, $0xb8;
	[tilespmem:$0x1C980] =	vst v63  }
0xd7: {  	s0 =	sadd.s32 $0xFFFFFFFF, s0;
	s3 =	sadd.s32 $0x100, s21;
	_ =	swait.ge [sflag:s23], $0x4000  }
0xd8: {  	p3 =	por $0x1, $0x1;
	s1 =	sshrl.u32 s3, $0x3;
	[sflag:s23] =	ssyncset.done $0x0  }
.LBB2_14:
0xd9: {  	p4 =	sne.s32 s0, $0x1;
	s1 =	sadd.s32 s6, s1;
	[sflag:s23] =	ssyncadd.s32 $0xFFFFC000  }
0xda: {  	[tilespmem:s25], [sflag:$0x1] =	stream.linear.gather [hbm4b:s1+s4], $0x100, $0x38;
	[tilespmem:$0x1C980] =	vst v63  }
0xdb: {  	s0 =	sadd.s32 $0xFFFFFFFF, s0;
	_ =	swait.ge [sflag:s23], $0x100  }
0xdc: {  	[sflag:s23] =	ssyncset.done $0x0  }
0xdd: {  	[sflag:s23] =	ssyncadd.s32 $0xFFFFFF00  }
0xde: {  	[tilespmem:s28], [sflag:$0x1] =	stream.indirect.gather [hbm4b:s5+s26], $0x80, s25, s26, $0xb8;
	[tilespmem:$0x1C980] =	vst v63  }
0xdf: {  	_ =	swait.ge [sflag:s23], $0x4000  }
.Ltmp13:
0xe0: {  	[sflag:s23] =	ssyncset.done $0x0;
	(pc) =	sbr.rel @p4 .LBB2_14-.Ltmp13, $4  }
0xe1: {  	[sflag:s23] =	ssyncadd.s32 $0xFFFFC000  }
0xe2: {  	[spmem:s2] =	stream.indirect.scatter.add.f32 [tilespmem:s28], [sflag:$0x1], $0x80, s29, s26, $0xb8;
	[tilespmem:$0x1C980] =	vst v63  }
0xe3: {  	s3 =	sadd.s32 $0x100, s3;
	_ =	swait.ge [sflag:s23], $0x4000  }
0xe4: {  	s1 =	sshrl.u32 s3, $0x3;
	[sflag:s23] =	ssyncset.done $0x0  }
.LBB2_15:
0xe5: {  	s0 =	sadd.s32 s6, s1;
	[sflag:s23] =	ssyncadd.s32 @p3 $0xFFFFC000  }
0xe6: {  	[tilespmem:s25], [sflag:$0x1] =	stream.linear.gather [hbm4b:s0+s4], $0x100, $0x38;
	[tilespmem:$0x1C980] =	vst v63  }
0xe7: {  	_ =	swait.ge [sflag:s23], $0x100  }
0xe8: {  	[sflag:s23] =	ssyncset.done $0x0  }
0xe9: {  	[sflag:s23] =	ssyncadd.s32 $0xFFFFFF00  }
0xea: {  	[tilespmem:s28], [sflag:$0x1] =	stream.indirect.gather [hbm4b:s5+s26], $0x80, s25, s26, $0xb8;
	[tilespmem:$0x1C980] =	vst v63  }
0xeb: {  	_ =	swait.ge [sflag:s23], $0x4000  }
0xec: {  	[sflag:s23] =	ssyncset.done $0x0  }
0xed: {  	[sflag:s23] =	ssyncadd.s32 $0xFFFFC000  }
0xee: {  	[spmem:s2] =	stream.indirect.scatter.add.f32 [tilespmem:s28], [sflag:$0x1], $0x80, s29, s26, $0xb8;
	[tilespmem:$0x1C980] =	vst v63  }
0xef: {  	_ =	swait.ge [sflag:s23], $0x4000  }
0xf0: {  	[sflag:s23] =	ssyncset.done $0x0  }
0xf1: {  	[sflag:s23] =	ssyncadd.s32 $0xFFFFC000  }
.LBB2_16:
0xf2: {  	[tilespmem:s24], [sflag:$0x1] =	stream.linear.gather [hbm4b:s14+s4], $0x80, $0x38;
	[tilespmem:$0x1C980] =	vst v63  }
0xf3: {  	_ =	swait.ge [sflag:s23], $0x80  }
0xf4: {  	[sflag:s23] =	ssyncset.done $0x0  }
0xf5: {  	[sflag:s23] =	ssyncadd.s32 $0xFFFFFF80  }
0xf6: {  	v0 =	vld [tilespmem:$0x18900];
	_ =	sdelay $0x4  }
0xf7: {  	v0 =	vxor.u32 $0x80000000, v0  }
0xf8: {  	(xrf0) =	vmax.scan.msk.u32 $0xffff, v0;
	_ =	sdelay $0x5  }
0xf9: {  	v0, _, _ =	vpop (xrf0)  }
0xfa: {  	(v2sf) =	vpush v0, $0xF;
	_ =	sdelay $0xe  }
0xfb: {  	s0 =	spop (v2sf)  }
0xfc: {  	s0 =	sxor.u32 $0x80000000, s0  }
0xfd: {  	p3 =	slt.s32 s0, $0x1  }
.Ltmp14:
0xfe: {  	_ = 	snop;
	(pc) =	sbr.rel @p3 .LBB2_21-.Ltmp14, $1  }
0xff: {  	_ =	sdelay $0x3  }
0x100: {  	p4 =	sne.s32 s0, $0x1  }
.Ltmp15:
0x101: {  	_ = 	snop;
	(pc) =	sbr.rel @!p4 .LBB2_20-.Ltmp15, $2  }
0x102: {  	_ =	sdelay $0x2  }
0x103: {  	s0 =	sadd.s32 $0xFFFFFFFF, s0;
	s1 =	sshrl.u32 s22, $0x3;
	p3 =	por $0x0, $0x0  }
0x104: {  	s1 =	sadd.s32 s6, s1  }
0x105: {  	[tilespmem:s25], [sflag:$0x1] =	stream.linear.gather [hbm4b:s1+s4], $0x100, $0x38;
	[tilespmem:$0x1C980] =	vst v63  }
0x106: {  	_ =	swait.ge [sflag:s23], $0x100  }
0x107: {  	[sflag:s23] =	ssyncset.done $0x0  }
0x108: {  	[sflag:s23] =	ssyncadd.s32 $0xFFFFFF00  }
0x109: {  	[tilespmem:s28], [sflag:$0x1] =	stream.indirect.gather [hbm4b:s5+s26], $0x80, s25, s26, $0xb8;
	[tilespmem:$0x1C980] =	vst v63  }
0x10a: {  	p4 =	sne.s32 s0, $0x1;
	_ =	swait.ge [sflag:s23], $0x4000  }
.Ltmp16:
0x10b: {  	[sflag:s23] =	ssyncset.done $0x0;
	(pc) =	sbr.rel @!p4 .LBB2_20-.Ltmp16, $4  }
0x10c: {  	[sflag:s23] =	ssyncadd.s32 $0xFFFFC000  }
0x10d: {  	[spmem:s2] =	stream.indirect.scatter.add.f32 [tilespmem:s28], [sflag:$0x1], $0x80, s29, s26, $0xb8;
	[tilespmem:$0x1C980] =	vst v63  }
0x10e: {  	s0 =	sadd.s32 $0xFFFFFFFF, s0;
	s3 =	sadd.s32 $0x100, s22;
	_ =	swait.ge [sflag:s23], $0x4000  }
0x10f: {  	p3 =	por $0x1, $0x1;
	s1 =	sshrl.u32 s3, $0x3;
	[sflag:s23] =	ssyncset.done $0x0  }
.LBB2_19:
0x110: {  	p4 =	sne.s32 s0, $0x1;
	s1 =	sadd.s32 s6, s1;
	[sflag:s23] =	ssyncadd.s32 $0xFFFFC000  }
0x111: {  	[tilespmem:s25], [sflag:$0x1] =	stream.linear.gather [hbm4b:s1+s4], $0x100, $0x38;
	[tilespmem:$0x1C980] =	vst v63  }
0x112: {  	s0 =	sadd.s32 $0xFFFFFFFF, s0;
	_ =	swait.ge [sflag:s23], $0x100  }
0x113: {  	[sflag:s23] =	ssyncset.done $0x0  }
0x114: {  	[sflag:s23] =	ssyncadd.s32 $0xFFFFFF00  }
0x115: {  	[tilespmem:s28], [sflag:$0x1] =	stream.indirect.gather [hbm4b:s5+s26], $0x80, s25, s26, $0xb8;
	[tilespmem:$0x1C980] =	vst v63  }
0x116: {  	_ =	swait.ge [sflag:s23], $0x4000  }
.Ltmp17:
0x117: {  	[sflag:s23] =	ssyncset.done $0x0;
	(pc) =	sbr.rel @p4 .LBB2_19-.Ltmp17, $4  }
0x118: {  	[sflag:s23] =	ssyncadd.s32 $0xFFFFC000  }
0x119: {  	[spmem:s2] =	stream.indirect.scatter.add.f32 [tilespmem:s28], [sflag:$0x1], $0x80, s29, s26, $0xb8;
	[tilespmem:$0x1C980] =	vst v63  }
0x11a: {  	s3 =	sadd.s32 $0x100, s3;
	_ =	swait.ge [sflag:s23], $0x4000  }
0x11b: {  	s1 =	sshrl.u32 s3, $0x3;
	[sflag:s23] =	ssyncset.done $0x0  }
.Ltmp18:
0x11c: {  	_ = 	snop;
	(pc) =	sbr.rel .LBB2_20-.Ltmp18, $1  }
0x11d: {  	_ =	sdelay $0x3  }
.LBB2_22:
0x11e: {  	_ =	sfence.sel $0x180000  }
0x11f: {  	[bflag:$0x0] =	sbarrier.arrive $0xFFFF  }
0x120: {  	_ =	strace $0x90000050  }
0x121: {  	s0 =	stileid.u32;
	[bflag:$0x2] =	sbarrier.arrive $0xFFFF  }
0x122: {  	p0 =	sne.s32 s0, $0x0;
	s0 =	rddreg [dreg:$0x3]  }
0x123: {  	s0 =	sadd.s32 @!p0 $0x100000, s0  }
0x124: {  	[sflag:s0] =	ssyncadd.tile.s32 @!p0 $0x1;
	_ =	shalt  }
.Lfunc_end2:
_tile_overlayer_lowered:
.L_overlay_start_2:
0x125: {  	(tag) =	ssettag $0x2  }
0x126: {  	s0 =	rddreg [dreg:$0x0];
	s2 =	stileid.u32  }
0x127: {  	s1 =	rddreg [dreg:$0x1];
	p0 =	sne.s32 s2, $0x0  }
0x128: {  	s3 =	rddreg [dreg:$0x2];
	[bflag:$0x3] =	sbarrier.arrive $0xFFFF;
	s2 =	simm.s32 @!p0 $0x1C01  }
0x129: {  	[timem:s3], [sflag:s2] =	dma.local @!p0 [hbm:s0], s1  }
0x12a: {  	s0 =	simm.s32 @!p0 $0x1  }
0x12b: {  	_ =	swait.ge @!p0 [sflag:s0], s1  }
0x12c: {  	s1 =	ssub.s32 @!p0 $0x0, s1;
	[sflag:s0] =	ssyncset.done @!p0 $0x0  }
0x12d: {  	[sflag:s0] =	ssyncadd.s32 @!p0 s1  }
0x12e: {  	[bflag:$0x3] =	sbarrier.arrive $0xFFFF  }
0x12f: {  	_ =	shalt  }

// kernel: kernel.23.cloned.1.call-start
scs
__scs_entry_jumppad:
0x0: {  	(pc) =	sbr.rel $0x88, $3  }
0x1: {  	(tag) =	ssettag $0x0;
	lr =	simm.s32 $0x1  }
0x2: {  	[smem:$0x3F99] =	sst lr;
	_ =	strace $0xD0000000  }
0x3: {  	_ = 	snop  }
0x4: {  	_ = 	snop  }
0x5: {  	_ = 	snop  }
0x6: {  	_ = 	snop  }
0x7: {  	_ = 	snop  }
__scs_overlays_trampoline_lowered:
0x8: {  	[smem:$0x3FA8] =	sst s0  }
0x9: {  	[smem:$0x3FA9] =	sst s1  }
0xa: {  	[smem:$0x3FAA] =	sst s2  }
0xb: {  	[smem:$0x3FAB] =	sst s3  }
0xc: {  	[smem:$0x3FAC] =	sst s4  }
0xd: {  	[smem:$0x3FAD] =	sst s5  }
0xe: {  	[smem:$0x3FAE] =	sst s6  }
0xf: {  	[smem:$0x3FAF] =	sst s7  }
0x10: {  	[smem:$0x3FB0] =	sst s8  }
0x11: {  	[smem:$0x3FB1] =	sst s9;
	s0 =	simm.s32 @!p0 $0x0  }
0x12: {  	s1 =	sld [smem:$0x3F97];
	s0 =	simm.s32 @p0 $0x1  }
0x13: {  	[smem:$0x3FB2] =	sst s0;
	s0 =	simm.s32 @!p1 $0x0  }
0x14: {  	s2 =	sld [smem:$0x3F96];
	s0 =	simm.s32 @p1 $0x1  }
0x15: {  	[smem:$0x3FB3] =	sst s0;
	s0 =	simm.s32 @!p2 $0x0  }
0x16: {  	s3 =	sld [smem:$0x3FDB];
	s0 =	simm.s32 @p2 $0x1  }
0x17: {  	s4 =	simm.s32 $0x1BF5;
	[smem:$0x3FB5] =	sst s0  }
0x18: {  	s0 =	sld [smem:$0x3F98];
	_ =	swait.ge [sflag:s4], $0x0  }
0x19: {  	s7 =	sld [smem:$0x3F99]  }
0x1a: {  	s8 =	sadd.s32 $0xFFFFE003, lr  }
0x1b: {  	s9 =	sadd.s32 $0xFFFFFEF7, lr;
	s5 =	simm.s32 $0xFFFFFFFF;
	p2 =	slt.u32 s8, $0xFFFFF086  }
0x1c: {  	p1 =	slt.u32 s9, $0xF7A;
	s5 =	simm.s32 @!p2 $0x0  }
0x1d: {  	s5 =	simm.s32 @p1 $0x1;
	p0 =	seq.s32 s7, s2  }
0x1e: {  	s7 =	smul.u32 @!p0 $0xF7A, s2;
	p2 =	seq.s32 @!p0 s5, $0x0  }
0x1f: {  	s9 =	smul.u32 $0xF7A, s1;
	s8 =	simm.s32 @!p0 $0x1BF5;
	p2 =	por !p2, p0  }
0x20: {  	[sflag:s8] =	ssyncset.s32 @!p0 $0xFFFFF086;
	s6 =	sadd.s32 @!p0 s3, s7;
	s7 =	simm.s32 @!p0 $0x108  }
0x21: {  	s3 =	sadd.s32 s3, s9;
	s6 =	sadd.s32 @!p0 $0x88, s6;
	s7 =	simm.s32 @p2 $0x1082  }
0x22: {  	[simem:s7], [sflag:s8] =	dma.local @!p0 [hbm:s6], $0xF7A  }
0x23: {  	s9 =	sor.u32 $0xD0000000, s2;
	s6 =	simm.s32 $0x108;
	_ =	swait.ge @!p0 [sflag:s8], $0x0  }
0x24: {  	s3 =	sadd.s32 $0x88, s3;
	s6 =	simm.s32 @!p1 $0x1082;
	[sflag:s4] =	ssyncset.s32 $0xFFFFF086  }
0x25: {  	[simem:s6], [sflag:s4] =	dma.local [hbm:s3], $0xF7A  }
0x26: {  	[smem:$0x3F99] =	sst s1;
	(tag) =	ssettag s2;
	_ =	strace s9  }
0x27: {  	s1 =	sld [smem:$0x3FA9]  }
0x28: {  	s2 =	sld [smem:$0x3FAA]  }
0x29: {  	s4 =	sld [smem:$0x3FAC]  }
0x2a: {  	p0 =	seq.s32 s5, $0x0;
	s5 =	sld [smem:$0x3FAD]  }
0x2b: {  	s6 =	sld [smem:$0x3FAE]  }
0x2c: {  	s7 =	sld [smem:$0x3FAF]  }
0x2d: {  	s3 =	simm.s32 $0x108;
	s8 =	sld [smem:$0x3FB0]  }
0x2e: {  	s3 =	simm.s32 @!p0 $0x1082;
	s9 =	sld [smem:$0x3FB1]  }
0x2f: {  	lr =	sadd.s32 s0, s3;
	s0 =	sld [smem:$0x3FA8]  }
0x30: {  	s3 =	sld [smem:$0x3FAB]  }
0x31: {  	[smem:$0x3FB4] =	sst s10  }
0x32: {  	s10 =	sld [smem:$0x3FB2];
	_ =	sdelay $0x3  }
0x33: {  	p0 =	seq.s32 s10, $0x1;
	s10 =	sld [smem:$0x3FB4];
	_ =	sdelay $0x3  }
0x34: {  	[smem:$0x3FB4] =	sst s10  }
0x35: {  	s10 =	sld [smem:$0x3FB3];
	_ =	sdelay $0x3  }
0x36: {  	p1 =	seq.s32 s10, $0x1;
	s10 =	sld [smem:$0x3FB4];
	_ =	sdelay $0x3  }
0x37: {  	[smem:$0x3FB4] =	sst s10  }
0x38: {  	s10 =	sld [smem:$0x3FB5]  }
0x39: {  	_ = 	snop;
	(pc) =	sbr.ind lr, $3  }
0x3a: {  	_ = 	snop  }
0x3b: {  	_ = 	snop  }
0x3c: {  	p2 =	seq.s32 s10, $0x1;
	s10 =	sld [smem:$0x3FB4]  }
0x3d: {  	_ =	shalt  }
0x3e: {  	_ =	shalt  }
0x3f: {  	_ =	shalt  }
0x40: {  	_ =	shalt  }
0x41: {  	_ =	shalt  }
0x42: {  	_ =	shalt  }
0x43: {  	_ =	shalt  }
0x44: {  	_ =	shalt  }
0x45: {  	_ =	shalt  }
0x46: {  	_ =	shalt  }
0x47: {  	_ =	shalt  }
0x48: {  	_ =	shalt  }
0x49: {  	_ =	shalt  }
0x4a: {  	_ =	shalt  }
0x4b: {  	_ =	shalt  }
0x4c: {  	_ =	shalt  }
0x4d: {  	_ =	shalt  }
0x4e: {  	_ =	shalt  }
0x4f: {  	_ =	shalt  }
0x50: {  	_ =	shalt  }
0x51: {  	_ =	shalt  }
0x52: {  	_ =	shalt  }
0x53: {  	_ =	shalt  }
0x54: {  	_ =	shalt  }
0x55: {  	_ =	shalt  }
0x56: {  	_ =	shalt  }
0x57: {  	_ =	shalt  }
0x58: {  	_ =	shalt  }
0x59: {  	_ =	shalt  }
0x5a: {  	_ =	shalt  }
0x5b: {  	_ =	shalt  }
0x5c: {  	_ =	shalt  }
0x5d: {  	_ =	shalt  }
0x5e: {  	_ =	shalt  }
0x5f: {  	_ =	shalt  }
0x60: {  	_ =	shalt  }
0x61: {  	_ =	shalt  }
0x62: {  	_ =	shalt  }
0x63: {  	_ =	shalt  }
0x64: {  	_ =	shalt  }
0x65: {  	_ =	shalt  }
0x66: {  	_ =	shalt  }
0x67: {  	_ =	shalt  }
0x68: {  	_ =	shalt  }
0x69: {  	_ =	shalt  }
0x6a: {  	_ =	shalt  }
0x6b: {  	_ =	shalt  }
0x6c: {  	_ =	shalt  }
0x6d: {  	_ =	shalt  }
0x6e: {  	_ =	shalt  }
0x6f: {  	_ =	shalt  }
0x70: {  	_ =	shalt  }
0x71: {  	_ =	shalt  }
0x72: {  	_ =	shalt  }
0x73: {  	_ =	shalt  }
0x74: {  	_ =	shalt  }
0x75: {  	_ =	shalt  }
0x76: {  	_ =	shalt  }
0x77: {  	_ =	shalt  }
0x78: {  	_ =	shalt  }
0x79: {  	_ =	shalt  }
0x7a: {  	_ =	shalt  }
0x7b: {  	_ =	shalt  }
0x7c: {  	_ =	shalt  }
0x7d: {  	_ =	shalt  }
0x7e: {  	_ =	shalt  }
0x7f: {  	_ =	shalt  }
0x80: {  	_ =	shalt  }
0x81: {  	_ =	shalt  }
0x82: {  	_ =	shalt  }
0x83: {  	_ =	shalt  }
0x84: {  	_ =	shalt  }
0x85: {  	_ =	shalt  }
0x86: {  	_ =	shalt  }
0x87: {  	_ =	shalt  }
.Lfunc_end0:
.L_simem_size_0:
called_computation.4_lowered:
.L_overlay_start_0:
0x88: {  	s2 =	sld [smem:$0x3FD9]  }
0x89: {  	s3 =	sld [smem:$0x3FFE];
	_ =	sdelay $0x1  }
0x8a: {  	s1 =	srdreg.scid  }
0x8b: {  	s0 =	sand.u32 $0x1, s1  }
0x8c: {  	s17 =	sshll.u32 s0, $0xA;
	s2 =	sadd.s32 s3, s2  }
0x8d: {  	s2 =	sadd.s32 s2, s17  }
0x8e: {  	[smem:$0x3FC0] =	sst s2  }
0x8f: {  	_ = 	snop  }
0x90: {  	s2 =	sld [smem:$0x3FD0];
	(tm) =	ssettm $0x1  }
0x91: {  	s18 =	sld [smem:$0x3FFB];
	_ =	sdelay $0x3  }
0x92: {  	_ =	strace s18  }
0x93: {  	s3 =	sld [smem:$0x3FFC];
	_ =	sdelay $0x3  }
0x94: {  	_ =	strace s3  }
0x95: {  	s3 =	sld [smem:$0x3FFD];
	_ =	sdelay $0x3  }
0x96: {  	_ =	strace s3  }
0x97: {  	_ =	strace $0x8FFFFFFF  }
0x98: {  	s19 =	sld [smem:$0x3FDB];
	_ =	sdelay $0x1  }
0x99: {  	s4 =	simm.s32 $_scs_section_size  }
0x9a: {  	s5 =	simm.s32 $_size__tile_overlayer_lowered;
	s6 =	simm.s32 $_tile_overlayer_lowered  }
0x9b: {  	s22 =	simm.s32 $0x1BFF;
	s21 =	sshll.u32 s6, $0x1;
	s3 =	sadd.s32 s4, s19  }
0x9c: {  	s7 =	simm.s32 $0x0;
	s20 =	sshll.u32 s5, $0x1;
	s5 =	sadd.s32 s21, s3  }
0x9d: {  	[timem:s7], [sflag:s22] =	dma.local [hbm:s5], s20  }
0x9e: {  	_ =	swait.ge [sflag:s22], s20  }
0x9f: {  	s4 =	ssub.s32 $0x0, s20;
	[sflag:s22] =	ssyncset.done $0x0  }
0xa0: {  	[sflag:s22] =	ssyncadd.s32 s4;
	_ =	sdelay $0x1  }
0xa1: {  	s23 =	simm.s32 $0x1B8B  }
0xa2: {  	_ =	swait.ge [sflag:s23], $0x1  }
0xa3: {  	[sflag:s23] =	ssyncset.done $0x0  }
0xa4: {  	s25 =	simm.s32 $0x1B8E;
	s24 =	sld [smem:$0x3FFE];
	[sflag:s23] =	ssyncadd.s32 $0xFFFFFFFF  }
0xa5: {  	s26 =	simm.s32 $execute0_lowered;
	[smem:$0x3FD2] =	sst s25  }
0xa6: {  	s5 =	sshll.u32 s26, $0x1;
	_ =	strace $0x80000052;
	[dreg:$0x1] =	wrdreg $0xFFFFFFFF  }
0xa7: {  	s28 =	simm.s32 $_size_execute0_lowered;
	s3 =	sadd.s32 s3, s5;
	[dreg:$0x0] =	wrdreg $0x0  }
0xa8: {  	s5 =	sshll.u32 s28, $0x1;
	[dreg:$0x2] =	wrdreg s3  }
0xa9: {  	[dreg:$0x3] =	wrdreg s5  }
0xaa: {  	[dreg:$0x4] =	wrdreg $0xC0  }
0xab: {  	_ =	task [dreg:s7], $0x5FFFF  }
0xac: {  	[dreg:$0x1] =	wrdreg $0xFFFFFFFF  }
0xad: {  	[dreg:$0x0] =	wrdreg $0x60  }
0xae: {  	[dreg:$0x2] =	wrdreg s24  }
0xaf: {  	[dreg:$0x3] =	wrdreg s2  }
0xb0: {  	[dreg:$0x4] =	wrdreg $0x0  }
0xb1: {  	[dreg:$0x5] =	wrdreg $0x9  }
0xb2: {  	_ =	task.clear_ibuf [dreg:s7], $0x6FFFF;
	_ =	strace $0x90000052  }
0xb3: {  	s29 =	simm.s32 $0x9;
	_ =	strace $0x80000054  }
0xb4: {  	_ =	swait.ge [sflag:s29], $0x1  }
0xb5: {  	[sflag:s29] =	ssyncadd.s32 $0xFFFFFFFF  }
0xb6: {  	_ =	strace $0x90000054  }
0xb7: {  	_ =	sfence  }
0xb8: {  	s30 =	sld [smem:$0x0];
	_ =	sdelay $0x2  }
0xb9: {  	s31 =	sshll.u32 s1, $0xD;
	s1 =	sshrl.u32 s1, $0x2  }
0xba: {  	s3 =	sand.u32 $0x4000, s31;
	s1 =	sadd.s32 s1, s30  }
0xbb: {  	s0 =	sor.u32 s3, s0;
	s1 =	sshll.u32 s1, $0x11  }
0xbc: {  	s0 =	sor.u32 s1, s0  }
0xbd: {  	s0 =	sadd.s32 $0x8F2B, s0  }
0xbe: {  	[sflag:s0] =	ssyncadd.remote.s32 $0x1  }
0xbf: {  	_ =	sfence.sel $0xFFFF  }
0xc0: {  	[dreg:$0x0] =	wrdreg $0xFFFFFFFF;
	(pc) =	sbr.abs _section_cstart, $3  }
0xc1: {  	[dreg:$0x1] =	wrdreg $0xFFFFFFFF  }
0xc2: {  	_ =	task.clear_ibuf [dreg:s7], $0x2FFFF;
	_ =	strace $0x9FFFFFFF  }
0xc3: {  	(tm) =	ssettm $0x7FFFFFFF  }
tec
execute0_lowered:
.L_overlay_start_1:
0x0: {  	(tag) =	ssettag $0x1  }
0x1: {  	s0 =	rddreg [dreg:$0x0]  }
0x2: {  	s2 =	rddreg [dreg:$0x2];
	s4 =	simm.s32 $0x0  }
0x3: {  	s1 =	srdreg.scid;
	s24 =	stileid.u32;
	s28 =	simm.s32 $0x18980  }
0x4: {  	s29 =	simm.s32 $0x18880;
	s30 =	simm.s32 $0x0;
	[smem:$0x7FF] =	sst s4  }
0x5: {  	s5 =	sadd.s32 $0x1D7200, s0;
	s7 =	smul.u32 $0x62000, s24;
	s6 =	sadd.s32 $0x4B400, s0  }
0x6: {  	s1 =	sand.u32 $0x1, s1;
	s14 =	sadd.s32 $0x113400, s0;
	s15 =	sadd.s32 $0x113C00, s0  }
0x7: {  	s13 =	smul.u32 $0x310, s24;
	s20 =	sshll.u32 s24, $0x6;
	s16 =	sshll.u32 s24, $0x8  }
0x8: {  	s19 =	smul.u32 $0x19000, s24;
	p0 =	seq.s32 s24, $0xF;
	s24 =	simm.s32 $0x18900  }
0x9: {  	_ =	strace $0x80000053;
	s3 =	ssub.s32 $0x2, s1;
	s18 =	smul.u32 $0x320000, s1  }
0xa: {  	s9 =	sshll.u32 s1, $0xD;
	s17 =	sor.u32 $0x80, s16;
	s12 =	smul.u32 $0x61B0, s1  }
0xb: {  	s23 =	sshllo.u32 s1, $0x1;
	p2 =	seq.s32 s1, $0x1;
	p1 =	sne.s32 @p0 s1, $0x0  }
0xc: {  	s8 =	sshrl.u32 s3, $0x1;
	s7 =	sshrl.u32 s7, $0x2;
	s10 =	sor.u32 s16, s9  }
0xd: {  	s11 =	sor.u32 s9, s17;
	p1 =	por p1, !p0;
	p2 =	por !p2, !p0  }
0xe: {  	s3 =	ssub.s32 s3, s8;
	s7 =	sadd.s32 s7, s2;
	s8 =	sor.u32 $0x1C01, s20  }
0xf: {  	s10 =	sshrl.u32 s10, $0x3;
	s21 =	sshrl.u32 s11, $0x3;
	s22 =	sadd.s32 s13, s12  }
0x10: {  	s20 =	sshll.u32 s23, $0xC;
	s12 =	sadd.s32 $0x16F800, s2;
	s18 =	sadd.s32 s19, s18  }
0x11: {  	s9 =	sadd.s32 s14, s10;
	s10 =	sadd.s32 s14, s21;
	s11 =	sshll.u32 s22, $0x4  }
0x12: {  	s21 =	smul.u32 $0x30D8, s23;
	s16 =	sor.u32 s16, s20;
	s17 =	sor.u32 s17, s20  }
0x13: {  	s19 =	smax.u32 s3, $0x1;
	s20 =	sadd.s32 $0xC800, s18;
	s22 =	sadd.s32 $0x19C800, s18  }
.Ltmp0:
0x14: {  	s23 =	simm.s32 $0x1;
	s11 =	sadd.s32 s15, s11;
	(pc) =	sbr.rel .LBB2_1-.Ltmp0, $4  }
0x15: {  	s16 =	sshrl.u32 s16, $0x3;
	s26 =	sshrl.u32 s17, $0x3;
	s17 =	sadd.s32 $0x1D4380, s0  }
0x16: {  	s25 =	sadd.s32 s13, s21;
	s13 =	sadd.s32 s14, s16;
	s14 =	sadd.s32 s14, s26  }
0x17: {  	s16 =	sadd.s32 $0x172880, s0;
	s21 =	sadd.s32 $0x190000, s18;
	s31 =	sshll.u32 s25, $0x4  }
0x18: {  	s26 =	simm.s32 $0x80;
	s25 =	simm.s32 $0x18800;
	s15 =	sadd.s32 s15, s31  }
.LBB2_20:
0x19: {  	s0 =	sadd.s32 s6, s1;
	[sflag:s23] =	ssyncadd.s32 @p3 $0xFFFFC000  }
0x1a: {  	[tilespmem:s25], [sflag:$0x1] =	stream.linear.gather [hbm4b:s0+s4], $0x100, $0x38;
	[tilespmem:$0x1C980] =	vst v63  }
0x1b: {  	_ =	swait.ge [sflag:s23], $0x100  }
0x1c: {  	[sflag:s23] =	ssyncset.done $0x0  }
0x1d: {  	[sflag:s23] =	ssyncadd.s32 $0xFFFFFF00  }
0x1e: {  	[tilespmem:s28], [sflag:$0x1] =	stream.indirect.gather [hbm4b:s5+s26], $0x80, s25, s26, $0xb8;
	[tilespmem:$0x1C980] =	vst v63  }
0x1f: {  	_ =	swait.ge [sflag:s23], $0x4000  }
0x20: {  	[sflag:s23] =	ssyncset.done $0x0  }
0x21: {  	[sflag:s23] =	ssyncadd.s32 $0xFFFFC000  }
0x22: {  	[spmem:s2] =	stream.indirect.scatter.add.f32 [tilespmem:s28], [sflag:$0x1], $0x80, s29, s26, $0xb8;
	[tilespmem:$0x1C980] =	vst v63  }
0x23: {  	_ =	swait.ge [sflag:s23], $0x4000  }
0x24: {  	[sflag:s23] =	ssyncset.done $0x0  }
0x25: {  	[sflag:s23] =	ssyncadd.s32 $0xFFFFC000  }
.LBB2_21:
0x26: {  	[bflag:$0x0] =	sbarrier.arrive $0xFFFF;
	s0 =	sshrl.u32 @!p1 s12, $0x3  }
0x27: {  	[hbm:s16], [sflag:s8] =	dma.local @!p1 [spmem:s0], $0x2E80  }
0x28: {  	s0 =	simm.s32 @!p1 $0x1  }
0x29: {  	_ =	swait.ge @!p1 [sflag:s0], $0x2E80  }
0x2a: {  	[sflag:s0] =	ssyncset.done @!p1 $0x0  }
0x2b: {  	[sflag:s0] =	ssyncadd.s32 @!p1 $0xFFFFD180;
	s0 =	sshrl.u32 @!p2 s12, $0x3  }
0x2c: {  	[hbm:s17], [sflag:s8] =	dma.local @!p2 [spmem:s0], $0x2D80  }
0x2d: {  	s0 =	simm.s32 @!p2 $0x1  }
0x2e: {  	_ =	swait.ge @!p2 [sflag:s0], $0x2D80  }
0x2f: {  	s30 =	sadd.s32 $0x1, s30;
	[sflag:s0] =	ssyncset.done @!p2 $0x0  }
0x30: {  	p3 =	sne.s32 s30, s19;
	[sflag:s0] =	ssyncadd.s32 @!p2 $0xFFFFD280;
	s0 =	simm.s32 @!p0 $0x1  }
0x31: {  	[hbm:s15], [sflag:s8] =	dma.local @!p0 [spmem:s31], $0x3100  }
.Ltmp1:
0x32: {  	_ =	swait.ge @!p0 [sflag:s0], $0x3100;
	(pc) =	sbr.rel @!p3 .LBB2_22-.Ltmp1, $3  }
0x33: {  	[sflag:s0] =	ssyncset.done @!p0 $0x0  }
0x34: {  	[sflag:s0] =	ssyncadd.s32 @!p0 $0xFFFFCF00  }
0x35: {  	[bflag:$0x0] =	sbarrier.arrive $0xFFFF;
	_ =	sdelay $0x1  }
.LBB2_1:
0x36: {  	s0 =	sshrl.u32 s7, $0x3;
	s1 =	rddreg [dreg:$0x1]  }
0x37: {  	[spmem:s0], [sflag:s8] =	dma.local [hbm:s1], $0x3100  }
0x38: {  	_ =	swait.ge [sflag:s23], $0x3100  }
0x39: {  	[sflag:s23] =	ssyncset.done $0x0  }
0x3a: {  	[sflag:s23] =	ssyncadd.s32 $0xFFFFCF00  }
0x3b: {  	[bflag:$0x0] =	sbarrier.arrive $0xFFFF  }
0x3c: {  	[tilespmem:s24], [sflag:$0x1] =	stream.linear.gather [hbm4b:s9+s4], $0x80, $0x38;
	[tilespmem:$0x1C980] =	vst v63  }
0x3d: {  	_ =	swait.ge [sflag:s23], $0x80  }
0x3e: {  	[sflag:s23] =	ssyncset.done $0x0  }
0x3f: {  	[sflag:s23] =	ssyncadd.s32 $0xFFFFFF80  }
0x40: {  	v0 =	vld [tilespmem:$0x18900];
	_ =	sdelay $0x4  }
0x41: {  	v0 =	vxor.u32 $0x80000000, v0  }
0x42: {  	(xrf0) =	vmax.scan.msk.u32 $0xffff, v0;
	_ =	sdelay $0x5  }
0x43: {  	v0, _, _ =	vpop (xrf0)  }
0x44: {  	(v2sf) =	vpush v0, $0xF;
	_ =	sdelay $0xe  }
0x45: {  	s31 =	spop (v2sf)  }
0x46: {  	s1 =	sxor.u32 $0x80000000, s31  }
0x47: {  	p3 =	slt.s32 s1, $0x1  }
.Ltmp2:
0x48: {  	_ = 	snop;
	(pc) =	sbr.rel @p3 .LBB2_6-.Ltmp2, $1  }
0x49: {  	_ =	sdelay $0x3  }
0x4a: {  	p4 =	sne.s32 s1, $0x1  }
.Ltmp3:
0x4b: {  	_ = 	snop;
	(pc) =	sbr.rel @!p4 .LBB2_5-.Ltmp3, $2  }
0x4c: {  	_ =	sdelay $0x2  }
0x4d: {  	s3 =	sadd.s32 $0xFFFFFFFF, s1;
	s1 =	sshrl.u32 s18, $0x3;
	p3 =	por $0x0, $0x0  }
0x4e: {  	s1 =	sadd.s32 s6, s1  }
0x4f: {  	[tilespmem:s25], [sflag:$0x1] =	stream.linear.gather [hbm4b:s1+s4], $0x100, $0x38;
	[tilespmem:$0x1C980] =	vst v63  }
0x50: {  	_ =	swait.ge [sflag:s23], $0x100  }
0x51: {  	[sflag:s23] =	ssyncset.done $0x0  }
0x52: {  	[sflag:s23] =	ssyncadd.s32 $0xFFFFFF00  }
0x53: {  	[tilespmem:s28], [sflag:$0x1] =	stream.indirect.gather [hbm4b:s5+s26], $0x80, s25, s26, $0xb8;
	[tilespmem:$0x1C980] =	vst v63  }
0x54: {  	p4 =	sne.s32 s3, $0x1;
	_ =	swait.ge [sflag:s23], $0x4000  }
.Ltmp4:
0x55: {  	[sflag:s23] =	ssyncset.done $0x0;
	(pc) =	sbr.rel @!p4 .LBB2_5-.Ltmp4, $4  }
0x56: {  	[sflag:s23] =	ssyncadd.s32 $0xFFFFC000  }
0x57: {  	[spmem:s2] =	stream.indirect.scatter.add.f32 [tilespmem:s28], [sflag:$0x1], $0x80, s29, s26, $0xb8;
	[tilespmem:$0x1C980] =	vst v63  }
0x58: {  	s31 =	sadd.s32 $0xFFFFFFFF, s3;
	s3 =	sadd.s32 $0x100, s18;
	_ =	swait.ge [sflag:s23], $0x4000  }
0x59: {  	p3 =	por $0x1, $0x1;
	s1 =	sshrl.u32 s3, $0x3;
	[sflag:s23] =	ssyncset.done $0x0  }
.LBB2_4:
0x5a: {  	p4 =	sne.s32 s31, $0x1;
	s1 =	sadd.s32 s6, s1;
	[sflag:s23] =	ssyncadd.s32 $0xFFFFC000  }
0x5b: {  	[tilespmem:s25], [sflag:$0x1] =	stream.linear.gather [hbm4b:s1+s4], $0x100, $0x38;
	[tilespmem:$0x1C980] =	vst v63  }
0x5c: {  	s31 =	sadd.s32 $0xFFFFFFFF, s31;
	_ =	swait.ge [sflag:s23], $0x100  }
0x5d: {  	[sflag:s23] =	ssyncset.done $0x0  }
0x5e: {  	[sflag:s23] =	ssyncadd.s32 $0xFFFFFF00  }
0x5f: {  	[tilespmem:s28], [sflag:$0x1] =	stream.indirect.gather [hbm4b:s5+s26], $0x80, s25, s26, $0xb8;
	[tilespmem:$0x1C980] =	vst v63  }
0x60: {  	_ =	swait.ge [sflag:s23], $0x4000  }
.Ltmp5:
0x61: {  	[sflag:s23] =	ssyncset.done $0x0;
	(pc) =	sbr.rel @p4 .LBB2_4-.Ltmp5, $4  }
0x62: {  	[sflag:s23] =	ssyncadd.s32 $0xFFFFC000  }
0x63: {  	[spmem:s2] =	stream.indirect.scatter.add.f32 [tilespmem:s28], [sflag:$0x1], $0x80, s29, s26, $0xb8;
	[tilespmem:$0x1C980] =	vst v63  }
0x64: {  	s3 =	sadd.s32 $0x100, s3;
	_ =	swait.ge [sflag:s23], $0x4000  }
0x65: {  	s1 =	sshrl.u32 s3, $0x3;
	[sflag:s23] =	ssyncset.done $0x0  }
.LBB2_5:
0x66: {  	s1 =	sadd.s32 s6, s1;
	[sflag:s23] =	ssyncadd.s32 @p3 $0xFFFFC000  }
0x67: {  	[tilespmem:s25], [sflag:$0x1] =	stream.linear.gather [hbm4b:s1+s4], $0x100, $0x38;
	[tilespmem:$0x1C980] =	vst v63  }
0x68: {  	_ =	swait.ge [sflag:s23], $0x100  }
0x69: {  	[sflag:s23] =	ssyncset.done $0x0  }
0x6a: {  	[sflag:s23] =	ssyncadd.s32 $0xFFFFFF00  }
0x6b: {  	[tilespmem:s28], [sflag:$0x1] =	stream.indirect.gather [hbm4b:s5+s26], $0x80, s25, s26, $0xb8;
	[tilespmem:$0x1C980] =	vst v63  }
0x6c: {  	_ =	swait.ge [sflag:s23], $0x4000  }
0x6d: {  	[sflag:s23] =	ssyncset.done $0x0  }
0x6e: {  	[sflag:s23] =	ssyncadd.s32 $0xFFFFC000  }
0x6f: {  	[spmem:s2] =	stream.indirect.scatter.add.f32 [tilespmem:s28], [sflag:$0x1], $0x80, s29, s26, $0xb8;
	[tilespmem:$0x1C980] =	vst v63  }
0x70: {  	_ =	swait.ge [sflag:s23], $0x4000  }
0x71: {  	[sflag:s23] =	ssyncset.done $0x0  }
0x72: {  	[sflag:s23] =	ssyncadd.s32 $0xFFFFC000  }
.LBB2_6:
0x73: {  	[tilespmem:s24], [sflag:$0x1] =	stream.linear.gather [hbm4b:s10+s4], $0x80, $0x38;
	[tilespmem:$0x1C980] =	vst v63  }
0x74: {  	_ =	swait.ge [sflag:s23], $0x80  }
0x75: {  	[sflag:s23] =	ssyncset.done $0x0  }
0x76: {  	[sflag:s23] =	ssyncadd.s32 $0xFFFFFF80  }
0x77: {  	v0 =	vld [tilespmem:$0x18900];
	_ =	sdelay $0x4  }
0x78: {  	v0 =	vxor.u32 $0x80000000, v0  }
0x79: {  	(xrf0) =	vmax.scan.msk.u32 $0xffff, v0;
	_ =	sdelay $0x5  }
0x7a: {  	v0, _, _ =	vpop (xrf0)  }
0x7b: {  	(v2sf) =	vpush v0, $0xF;
	_ =	sdelay $0xe  }
0x7c: {  	s1 =	spop (v2sf)  }
0x7d: {  	s1 =	sxor.u32 $0x80000000, s1  }
0x7e: {  	p3 =	slt.s32 s1, $0x1  }
.Ltmp6:
0x7f: {  	_ = 	snop;
	(pc) =	sbr.rel @p3 .LBB2_11-.Ltmp6, $1  }
0x80: {  	_ =	sdelay $0x3  }
0x81: {  	p4 =	sne.s32 s1, $0x1  }
.Ltmp7:
0x82: {  	_ = 	snop;
	(pc) =	sbr.rel @!p4 .LBB2_10-.Ltmp7, $2  }
0x83: {  	_ =	sdelay $0x2  }
0x84: {  	s3 =	sadd.s32 $0xFFFFFFFF, s1;
	s1 =	sshrl.u32 s20, $0x3;
	p3 =	por $0x0, $0x0  }
0x85: {  	s1 =	sadd.s32 s6, s1  }
0x86: {  	[tilespmem:s25], [sflag:$0x1] =	stream.linear.gather [hbm4b:s1+s4], $0x100, $0x38;
	[tilespmem:$0x1C980] =	vst v63  }
0x87: {  	_ =	swait.ge [sflag:s23], $0x100  }
0x88: {  	[sflag:s23] =	ssyncset.done $0x0  }
0x89: {  	[sflag:s23] =	ssyncadd.s32 $0xFFFFFF00  }
0x8a: {  	[tilespmem:s28], [sflag:$0x1] =	stream.indirect.gather [hbm4b:s5+s26], $0x80, s25, s26, $0xb8;
	[tilespmem:$0x1C980] =	vst v63  }
0x8b: {  	p4 =	sne.s32 s3, $0x1;
	_ =	swait.ge [sflag:s23], $0x4000  }
.Ltmp8:
0x8c: {  	[sflag:s23] =	ssyncset.done $0x0;
	(pc) =	sbr.rel @!p4 .LBB2_10-.Ltmp8, $4  }
0x8d: {  	[sflag:s23] =	ssyncadd.s32 $0xFFFFC000  }
0x8e: {  	[spmem:s2] =	stream.indirect.scatter.add.f32 [tilespmem:s28], [sflag:$0x1], $0x80, s29, s26, $0xb8;
	[tilespmem:$0x1C980] =	vst v63  }
0x8f: {  	s31 =	sadd.s32 $0xFFFFFFFF, s3;
	s3 =	sadd.s32 $0x100, s20;
	_ =	swait.ge [sflag:s23], $0x4000  }
0x90: {  	p3 =	por $0x1, $0x1;
	s1 =	sshrl.u32 s3, $0x3;
	[sflag:s23] =	ssyncset.done $0x0  }
.LBB2_9:
0x91: {  	p4 =	sne.s32 s31, $0x1;
	s1 =	sadd.s32 s6, s1;
	[sflag:s23] =	ssyncadd.s32 $0xFFFFC000  }
0x92: {  	[tilespmem:s25], [sflag:$0x1] =	stream.linear.gather [hbm4b:s1+s4], $0x100, $0x38;
	[tilespmem:$0x1C980] =	vst v63  }
0x93: {  	s31 =	sadd.s32 $0xFFFFFFFF, s31;
	_ =	swait.ge [sflag:s23], $0x100  }
0x94: {  	[sflag:s23] =	ssyncset.done $0x0  }
0x95: {  	[sflag:s23] =	ssyncadd.s32 $0xFFFFFF00  }
0x96: {  	[tilespmem:s28], [sflag:$0x1] =	stream.indirect.gather [hbm4b:s5+s26], $0x80, s25, s26, $0xb8;
	[tilespmem:$0x1C980] =	vst v63  }
0x97: {  	_ =	swait.ge [sflag:s23], $0x4000  }
.Ltmp9:
0x98: {  	[sflag:s23] =	ssyncset.done $0x0;
	(pc) =	sbr.rel @p4 .LBB2_9-.Ltmp9, $4  }
0x99: {  	[sflag:s23] =	ssyncadd.s32 $0xFFFFC000  }
0x9a: {  	[spmem:s2] =	stream.indirect.scatter.add.f32 [tilespmem:s28], [sflag:$0x1], $0x80, s29, s26, $0xb8;
	[tilespmem:$0x1C980] =	vst v63  }
0x9b: {  	s3 =	sadd.s32 $0x100, s3;
	_ =	swait.ge [sflag:s23], $0x4000  }
0x9c: {  	s1 =	sshrl.u32 s3, $0x3;
	[sflag:s23] =	ssyncset.done $0x0  }
.LBB2_10:
0x9d: {  	s1 =	sadd.s32 s6, s1;
	[sflag:s23] =	ssyncadd.s32 @p3 $0xFFFFC000  }
0x9e: {  	[tilespmem:s25], [sflag:$0x1] =	stream.linear.gather [hbm4b:s1+s4], $0x100, $0x38;
	[tilespmem:$0x1C980] =	vst v63  }
0x9f: {  	_ =	swait.ge [sflag:s23], $0x100  }
0xa0: {  	[sflag:s23] =	ssyncset.done $0x0  }
0xa1: {  	[sflag:s23] =	ssyncadd.s32 $0xFFFFFF00  }
0xa2: {  	[tilespmem:s28], [sflag:$0x1] =	stream.indirect.gather [hbm4b:s5+s26], $0x80, s25, s26, $0xb8;
	[tilespmem:$0x1C980] =	vst v63  }
0xa3: {  	_ =	swait.ge [sflag:s23], $0x4000  }
0xa4: {  	[sflag:s23] =	ssyncset.done $0x0  }
0xa5: {  	[sflag:s23] =	ssyncadd.s32 $0xFFFFC000  }
0xa6: {  	[spmem:s2] =	stream.indirect.scatter.add.f32 [tilespmem:s28], [sflag:$0x1], $0x80, s29, s26, $0xb8;
	[tilespmem:$0x1C980] =	vst v63  }
0xa7: {  	_ =	swait.ge [sflag:s23], $0x4000  }
0xa8: {  	[sflag:s23] =	ssyncset.done $0x0  }
0xa9: {  	[sflag:s23] =	ssyncadd.s32 $0xFFFFC000  }
.LBB2_11:
0xaa: {  	[bflag:$0x0] =	sbarrier.arrive $0xFFFF;
	s1 =	sshrl.u32 @p0 s12, $0x3  }
0xab: {  	[hbm:s11], [sflag:s8] =	dma.local @p0 [spmem:s1], $0x2E80  }
0xac: {  	s1 =	simm.s32 @p0 $0x1  }
0xad: {  	_ =	swait.ge @p0 [sflag:s1], $0x2E80  }
0xae: {  	[sflag:s1] =	ssyncset.done @p0 $0x0  }
0xaf: {  	s31 =	sshrl.u32 @!p0 s7, $0x3;
	[sflag:s1] =	ssyncadd.s32 @p0 $0xFFFFD180;
	s1 =	simm.s32 @!p0 $0x1  }
0xb0: {  	[hbm:s11], [sflag:s8] =	dma.local @!p0 [spmem:s31], $0x3100  }
0xb1: {  	_ =	swait.ge @!p0 [sflag:s1], $0x3100  }
0xb2: {  	[sflag:s1] =	ssyncset.done @!p0 $0x0  }
0xb3: {  	[sflag:s1] =	ssyncadd.s32 @!p0 $0xFFFFCF00  }
0xb4: {  	[bflag:$0x0] =	sbarrier.arrive $0xFFFF  }
0xb5: {  	s3 =	rddreg [dreg:$0x1]  }
0xb6: {  	[spmem:s0], [sflag:s8] =	dma.local [hbm:s3], $0x3100  }
0xb7: {  	_ =	swait.ge [sflag:s23], $0x3100  }
0xb8: {  	[sflag:s23] =	ssyncset.done $0x0  }
0xb9: {  	[sflag:s23] =	ssyncadd.s32 $0xFFFFCF00  }
0xba: {  	[bflag:$0x0] =	sbarrier.arrive $0xFFFF  }
0xbb: {  	[tilespmem:s24], [sflag:$0x1] =	stream.linear.gather [hbm4b:s13+s4], $0x80, $0x38;
	[tilespmem:$0x1C980] =	vst v63  }
0xbc: {  	_ =	swait.ge [sflag:s23], $0x80  }
0xbd: {  	[sflag:s23] =	ssyncset.done $0x0  }
0xbe: {  	[sflag:s23] =	ssyncadd.s32 $0xFFFFFF80  }
0xbf: {  	v0 =	vld [tilespmem:$0x18900];
	_ =	sdelay $0x4  }
0xc0: {  	v0 =	vxor.u32 $0x80000000, v0  }
0xc1: {  	(xrf0) =	vmax.scan.msk.u32 $0xffff, v0;
	_ =	sdelay $0x5  }
0xc2: {  	v0, _, _ =	vpop (xrf0)  }
0xc3: {  	(v2sf) =	vpush v0, $0xF;
	_ =	sdelay $0xe  }
0xc4: {  	s3 =	spop (v2sf)  }
0xc5: {  	s0 =	sxor.u32 $0x80000000, s3  }
0xc6: {  	p3 =	slt.s32 s0, $0x1  }
.Ltmp10:
0xc7: {  	_ = 	snop;
	(pc) =	sbr.rel @p3 .LBB2_16-.Ltmp10, $1  }
0xc8: {  	_ =	sdelay $0x3  }
0xc9: {  	p4 =	sne.s32 s0, $0x1  }
.Ltmp11:
0xca: {  	_ = 	snop;
	(pc) =	sbr.rel @!p4 .LBB2_15-.Ltmp11, $2  }
0xcb: {  	_ =	sdelay $0x2  }
0xcc: {  	s0 =	sadd.s32 $0xFFFFFFFF, s0;
	s1 =	sshrl.u32 s21, $0x3;
	p3 =	por $0x0, $0x0  }
0xcd: {  	s1 =	sadd.s32 s6, s1  }
0xce: {  	[tilespmem:s25], [sflag:$0x1] =	stream.linear.gather [hbm4b:s1+s4], $0x100, $0x38;
	[tilespmem:$0x1C980] =	vst v63  }
0xcf: {  	_ =	swait.ge [sflag:s23], $0x100  }
0xd0: {  	[sflag:s23] =	ssyncset.done $0x0  }
0xd1: {  	[sflag:s23] =	ssyncadd.s32 $0xFFFFFF00  }
0xd2: {  	[tilespmem:s28], [sflag:$0x1] =	stream.indirect.gather [hbm4b:s5+s26], $0x80, s25, s26, $0xb8;
	[tilespmem:$0x1C980] =	vst v63  }
0xd3: {  	p4 =	sne.s32 s0, $0x1;
	_ =	swait.ge [sflag:s23], $0x4000  }
.Ltmp12:
0xd4: {  	[sflag:s23] =	ssyncset.done $0x0;
	(pc) =	sbr.rel @!p4 .LBB2_15-.Ltmp12, $4  }
0xd5: {  	[sflag:s23] =	ssyncadd.s32 $0xFFFFC000  }
0xd6: {  	[spmem:s2] =	stream.indirect.scatter.add.f32 [tilespmem:s28], [sflag:$0x1], $0x80, s29, s26, $0xb8;
	[tilespmem:$0x1C980] =	vst v63  }
0xd7: {  	s0 =	sadd.s32 $0xFFFFFFFF, s0;
	s3 =	sadd.s32 $0x100, s21;
	_ =	swait.ge [sflag:s23], $0x4000  }
0xd8: {  	p3 =	por $0x1, $0x1;
	s1 =	sshrl.u32 s3, $0x3;
	[sflag:s23] =	ssyncset.done $0x0  }
.LBB2_14:
0xd9: {  	p4 =	sne.s32 s0, $0x1;
	s1 =	sadd.s32 s6, s1;
	[sflag:s23] =	ssyncadd.s32 $0xFFFFC000  }
0xda: {  	[tilespmem:s25], [sflag:$0x1] =	stream.linear.gather [hbm4b:s1+s4], $0x100, $0x38;
	[tilespmem:$0x1C980] =	vst v63  }
0xdb: {  	s0 =	sadd.s32 $0xFFFFFFFF, s0;
	_ =	swait.ge [sflag:s23], $0x100  }
0xdc: {  	[sflag:s23] =	ssyncset.done $0x0  }
0xdd: {  	[sflag:s23] =	ssyncadd.s32 $0xFFFFFF00  }
0xde: {  	[tilespmem:s28], [sflag:$0x1] =	stream.indirect.gather [hbm4b:s5+s26], $0x80, s25, s26, $0xb8;
	[tilespmem:$0x1C980] =	vst v63  }
0xdf: {  	_ =	swait.ge [sflag:s23], $0x4000  }
.Ltmp13:
0xe0: {  	[sflag:s23] =	ssyncset.done $0x0;
	(pc) =	sbr.rel @p4 .LBB2_14-.Ltmp13, $4  }
0xe1: {  	[sflag:s23] =	ssyncadd.s32 $0xFFFFC000  }
0xe2: {  	[spmem:s2] =	stream.indirect.scatter.add.f32 [tilespmem:s28], [sflag:$0x1], $0x80, s29, s26, $0xb8;
	[tilespmem:$0x1C980] =	vst v63  }
0xe3: {  	s3 =	sadd.s32 $0x100, s3;
	_ =	swait.ge [sflag:s23], $0x4000  }
0xe4: {  	s1 =	sshrl.u32 s3, $0x3;
	[sflag:s23] =	ssyncset.done $0x0  }
.LBB2_15:
0xe5: {  	s0 =	sadd.s32 s6, s1;
	[sflag:s23] =	ssyncadd.s32 @p3 $0xFFFFC000  }
0xe6: {  	[tilespmem:s25], [sflag:$0x1] =	stream.linear.gather [hbm4b:s0+s4], $0x100, $0x38;
	[tilespmem:$0x1C980] =	vst v63  }
0xe7: {  	_ =	swait.ge [sflag:s23], $0x100  }
0xe8: {  	[sflag:s23] =	ssyncset.done $0x0  }
0xe9: {  	[sflag:s23] =	ssyncadd.s32 $0xFFFFFF00  }
0xea: {  	[tilespmem:s28], [sflag:$0x1] =	stream.indirect.gather [hbm4b:s5+s26], $0x80, s25, s26, $0xb8;
	[tilespmem:$0x1C980] =	vst v63  }
0xeb: {  	_ =	swait.ge [sflag:s23], $0x4000  }
0xec: {  	[sflag:s23] =	ssyncset.done $0x0  }
0xed: {  	[sflag:s23] =	ssyncadd.s32 $0xFFFFC000  }
0xee: {  	[spmem:s2] =	stream.indirect.scatter.add.f32 [tilespmem:s28], [sflag:$0x1], $0x80, s29, s26, $0xb8;
	[tilespmem:$0x1C980] =	vst v63  }
0xef: {  	_ =	swait.ge [sflag:s23], $0x4000  }
0xf0: {  	[sflag:s23] =	ssyncset.done $0x0  }
0xf1: {  	[sflag:s23] =	ssyncadd.s32 $0xFFFFC000  }
.LBB2_16:
0xf2: {  	[tilespmem:s24], [sflag:$0x1] =	stream.linear.gather [hbm4b:s14+s4], $0x80, $0x38;
	[tilespmem:$0x1C980] =	vst v63  }
0xf3: {  	_ =	swait.ge [sflag:s23], $0x80  }
0xf4: {  	[sflag:s23] =	ssyncset.done $0x0  }
0xf5: {  	[sflag:s23] =	ssyncadd.s32 $0xFFFFFF80  }
0xf6: {  	v0 =	vld [tilespmem:$0x18900];
	_ =	sdelay $0x4  }
0xf7: {  	v0 =	vxor.u32 $0x80000000, v0  }
0xf8: {  	(xrf0) =	vmax.scan.msk.u32 $0xffff, v0;
	_ =	sdelay $0x5  }
0xf9: {  	v0, _, _ =	vpop (xrf0)  }
0xfa: {  	(v2sf) =	vpush v0, $0xF;
	_ =	sdelay $0xe  }
0xfb: {  	s0 =	spop (v2sf)  }
0xfc: {  	s0 =	sxor.u32 $0x80000000, s0  }
0xfd: {  	p3 =	slt.s32 s0, $0x1  }
.Ltmp14:
0xfe: {  	_ = 	snop;
	(pc) =	sbr.rel @p3 .LBB2_21-.Ltmp14, $1  }
0xff: {  	_ =	sdelay $0x3  }
0x100: {  	p4 =	sne.s32 s0, $0x1  }
.Ltmp15:
0x101: {  	_ = 	snop;
	(pc) =	sbr.rel @!p4 .LBB2_20-.Ltmp15, $2  }
0x102: {  	_ =	sdelay $0x2  }
0x103: {  	s0 =	sadd.s32 $0xFFFFFFFF, s0;
	s1 =	sshrl.u32 s22, $0x3;
	p3 =	por $0x0, $0x0  }
0x104: {  	s1 =	sadd.s32 s6, s1  }
0x105: {  	[tilespmem:s25], [sflag:$0x1] =	stream.linear.gather [hbm4b:s1+s4], $0x100, $0x38;
	[tilespmem:$0x1C980] =	vst v63  }
0x106: {  	_ =	swait.ge [sflag:s23], $0x100  }
0x107: {  	[sflag:s23] =	ssyncset.done $0x0  }
0x108: {  	[sflag:s23] =	ssyncadd.s32 $0xFFFFFF00  }
0x109: {  	[tilespmem:s28], [sflag:$0x1] =	stream.indirect.gather [hbm4b:s5+s26], $0x80, s25, s26, $0xb8;
	[tilespmem:$0x1C980] =	vst v63  }
0x10a: {  	p4 =	sne.s32 s0, $0x1;
	_ =	swait.ge [sflag:s23], $0x4000  }
.Ltmp16:
0x10b: {  	[sflag:s23] =	ssyncset.done $0x0;
	(pc) =	sbr.rel @!p4 .LBB2_20-.Ltmp16, $4  }
0x10c: {  	[sflag:s23] =	ssyncadd.s32 $0xFFFFC000  }
0x10d: {  	[spmem:s2] =	stream.indirect.scatter.add.f32 [tilespmem:s28], [sflag:$0x1], $0x80, s29, s26, $0xb8;
	[tilespmem:$0x1C980] =	vst v63  }
0x10e: {  	s0 =	sadd.s32 $0xFFFFFFFF, s0;
	s3 =	sadd.s32 $0x100, s22;
	_ =	swait.ge [sflag:s23], $0x4000  }
0x10f: {  	p3 =	por $0x1, $0x1;
	s1 =	sshrl.u32 s3, $0x3;
	[sflag:s23] =	ssyncset.done $0x0  }
.LBB2_19:
0x110: {  	p4 =	sne.s32 s0, $0x1;
	s1 =	sadd.s32 s6, s1;
	[sflag:s23] =	ssyncadd.s32 $0xFFFFC000  }
0x111: {  	[tilespmem:s25], [sflag:$0x1] =	stream.linear.gather [hbm4b:s1+s4], $0x100, $0x38;
	[tilespmem:$0x1C980] =	vst v63  }
0x112: {  	s0 =	sadd.s32 $0xFFFFFFFF, s0;
	_ =	swait.ge [sflag:s23], $0x100  }
0x113: {  	[sflag:s23] =	ssyncset.done $0x0  }
0x114: {  	[sflag:s23] =	ssyncadd.s32 $0xFFFFFF00  }
0x115: {  	[tilespmem:s28], [sflag:$0x1] =	stream.indirect.gather [hbm4b:s5+s26], $0x80, s25, s26, $0xb8;
	[tilespmem:$0x1C980] =	vst v63  }
0x116: {  	_ =	swait.ge [sflag:s23], $0x4000  }
.Ltmp17:
0x117: {  	[sflag:s23] =	ssyncset.done $0x0;
	(pc) =	sbr.rel @p4 .LBB2_19-.Ltmp17, $4  }
0x118: {  	[sflag:s23] =	ssyncadd.s32 $0xFFFFC000  }
0x119: {  	[spmem:s2] =	stream.indirect.scatter.add.f32 [tilespmem:s28], [sflag:$0x1], $0x80, s29, s26, $0xb8;
	[tilespmem:$0x1C980] =	vst v63  }
0x11a: {  	s3 =	sadd.s32 $0x100, s3;
	_ =	swait.ge [sflag:s23], $0x4000  }
0x11b: {  	s1 =	sshrl.u32 s3, $0x3;
	[sflag:s23] =	ssyncset.done $0x0  }
.Ltmp18:
0x11c: {  	_ = 	snop;
	(pc) =	sbr.rel .LBB2_20-.Ltmp18, $1  }
0x11d: {  	_ =	sdelay $0x3  }
.LBB2_22:
0x11e: {  	_ =	sfence.sel $0x180000  }
0x11f: {  	[bflag:$0x0] =	sbarrier.arrive $0xFFFF  }
0x120: {  	_ =	strace $0x90000053  }
0x121: {  	s0 =	stileid.u32;
	[bflag:$0x2] =	sbarrier.arrive $0xFFFF  }
0x122: {  	p0 =	sne.s32 s0, $0x0;
	s0 =	rddreg [dreg:$0x3]  }
0x123: {  	s0 =	sadd.s32 @!p0 $0x100000, s0  }
0x124: {  	[sflag:s0] =	ssyncadd.tile.s32 @!p0 $0x1;
	_ =	shalt  }
.Lfunc_end2:
_tile_overlayer_lowered:
.L_overlay_start_2:
0x125: {  	(tag) =	ssettag $0x2  }
0x126: {  	s0 =	rddreg [dreg:$0x0];
	s2 =	stileid.u32  }
0x127: {  	s1 =	rddreg [dreg:$0x1];
	p0 =	sne.s32 s2, $0x0  }
0x128: {  	s3 =	rddreg [dreg:$0x2];
	[bflag:$0x3] =	sbarrier.arrive $0xFFFF;
	s2 =	simm.s32 @!p0 $0x1C01  }
0x129: {  	[timem:s3], [sflag:s2] =	dma.local @!p0 [hbm:s0], s1  }
0x12a: {  	s0 =	simm.s32 @!p0 $0x1  }
0x12b: {  	_ =	swait.ge @!p0 [sflag:s0], s1  }
0x12c: {  	s1 =	ssub.s32 @!p0 $0x0, s1;
	[sflag:s0] =	ssyncset.done @!p0 $0x0  }
0x12d: {  	[sflag:s0] =	ssyncadd.s32 @!p0 s1  }
0x12e: {  	[bflag:$0x3] =	sbarrier.arrive $0xFFFF  }
0x12f: {  	_ =	shalt  }

</sc_bundles>
